<compile_context>
chip_gen: v7x
topology: tpu7x:2x2x1
jax: 0.10.2.dev20260603
libtpu: 0.0.44.dev20260713+nightly
codegen_flags: <defaults>
</compile_context>

<pallas_src>
import jax
import jax.numpy as jnp
from jax import lax
from jax.experimental import pallas as pl
from jax.experimental.pallas import tpu as pltpu
from jax.experimental.pallas import tpu_sc as plsc

VOCAB = 1000000
EMB_DIM = 64

NC = 2
NS = 16
NW = NC * NS

BATCH = 4096
SEQ = 200
LANE = 128
SUB = 8
SEQ_T = SEQ // SUB
BATCH_T = BATCH // LANE
NBUF = 2
NROUND = SEQ // NBUF
TPITCH = LANE + 2


def _body(idx_hbm, table_hbm, out_hbm, idx_v, pbuf, gbuf, tbuf, sem_g, sem_w):
    c = lax.axis_index("c")
    s = lax.axis_index("s")
    w = s * NC + c

    pltpu.sync_copy(idx_hbm.at[:, w], idx_v)

    lanes = lax.iota(jnp.int32, 16)

    def remap_tile(si, carry):
        for sj in range(SUB):
            for k in range(LANE // 16):
                sl = pl.ds(k * 16, 16)
                pbuf[si, sj, sl] = idx_v[si, sj, sl] >> 1
        return carry

    lax.fori_loop(0, SEQ_T, remap_tile, 0)

    def gather(sq, b):
        si = sq // SUB
        sj = sq % SUB
        return pltpu.make_async_copy(
            table_hbm.at[pbuf.at[si, sj]], gbuf.at[b], sem_g.at[b]
        )

    def writeback(sq, b):
        return pltpu.make_async_copy(
            tbuf.at[b, :, :, pl.ds(0, LANE)], out_hbm.at[sq, :, w], sem_w.at[b]
        )

    def transpose(sq, b):
        si = sq // SUB
        sj = sq % SUB
        hv = [
            (idx_v[si, sj, pl.ds(k * 16, 16)] & 1) << 6
            for k in range(LANE // 16)
        ]

        def tr_group(g, carry):
            for cc in range(8):
                c = g * 8 + cc
                dvec = (c + lanes) & (EMB_DIM - 1)
                dhi = dvec >> 3
                dlo = dvec & 7
                for k in range(LANE // 16):
                    jv = k * 16 + lanes
                    vals = plsc.load_gather(gbuf.at[b], [jv, hv[k] + dvec])
                    plsc.store_scatter(tbuf.at[b], [dhi, dlo, jv], vals)
            return carry

        lax.fori_loop(0, EMB_DIM // 8, tr_group, 0)

    for b in range(NBUF):
        gather(b, b).start()

    def ring(i, carry):
        for b in range(NBUF):
            sq = i * NBUF + b
            gather(sq, b).wait()

            @pl.when(i > 0)
            def _():
                writeback(sq, b).wait()

            transpose(sq, b)

            @pl.when(i < NROUND - 1)
            def _():
                gather(sq + NBUF, b).start()

            writeback(sq, b).start()
        return carry

    lax.fori_loop(0, NROUND, ring, 0)

    for b in range(NBUF):
        writeback(0, b).wait()


@jax.jit
def _embed(idx4, table_f):
    mesh = plsc.VectorSubcoreMesh(core_axis_name="c", subcore_axis_name="s")
    run = pl.kernel(
        _body,
        out_type=jax.ShapeDtypeStruct((SEQ, SUB, BATCH_T, SUB, LANE), jnp.float32),
        mesh=mesh,
        scratch_types=[
            pltpu.VMEM((SEQ_T, SUB, LANE), jnp.int32),
            pltpu.VMEM((SEQ_T, SUB, LANE), jnp.int32),
            pltpu.VMEM((NBUF, LANE, LANE), jnp.float32),
            pltpu.VMEM((NBUF, SUB, SUB, TPITCH), jnp.float32),
            pltpu.SemaphoreType.DMA((NBUF,)),
            pltpu.SemaphoreType.DMA((NBUF,)),
        ],
        compiler_params=pltpu.CompilerParams(
            use_tc_tiling_on_sc=True, needs_layout_passes=False
        ),
    )
    return run(idx4, table_f)


def kernel(inp, emb_weight):
    idx4 = inp.T.reshape(SEQ_T, SUB, BATCH_T, LANE).transpose(0, 2, 1, 3)
    table_f = emb_weight.reshape(VOCAB // 2, 2 * EMB_DIM)
    out5 = _embed(idx4, table_f)
    return out5.transpose(2, 4, 0, 1, 3).reshape(BATCH, SEQ, EMB_DIM)

# --- scband reference (transcript-rebuilt; emitter-appended) ---
"""Pipeline reference for scband-word-embedding-46334107189509 (READ-ONLY COPY).

The authoritative reference and input builder live on the scoring server;
editing this copy changes nothing except your own understanding.
"""

import jax, jax.numpy as jnp
import numpy as np

VOCAB = 1000000
EMB_DIM = 64
PAD_IDX = 0


def setup_inputs(seed: int = 0) -> dict:
    key = jax.random.key(seed)
    k_idx, k_emb = jax.random.split(key)
    # token indices: [batch=4096, seq=200], values in [0, VOCAB)
    inp = jax.random.randint(k_idx, (4096, 200), 0, VOCAB, dtype=jnp.int32)
    # embedding table initialized with trunc_normal(std=emb_dim**-0.5), padding row zeroed
    emb_weight = jax.random.truncated_normal(k_emb, -2.0, 2.0, (VOCAB, EMB_DIM), dtype=jnp.float32) * (EMB_DIM ** -0.5)
    emb_weight = emb_weight.at[PAD_IDX].set(0.0)
    return {"inp": inp, "emb_weight": emb_weight}


def reference(inp, emb_weight):
    # WordEmbedding.forward with reverse=False: nn.Embedding lookup with padding_idx.
    # padding_idx row is functionally zero; enforce it as torch does at init/reset.
    W = emb_weight.at[PAD_IDX].set(0.0)
    out = jnp.take(W, inp, axis=0)  # [4096, 200, 64]
    return out

if __name__ == "__main__":
    import jax
    _d = setup_inputs()
    print(jax.jit(kernel)(*tuple(_d.values())))

</pallas_src>

<mosaic_0001>
#map = affine_map<(d0, d1) -> (0, 0, 0, 0)>
#map1 = affine_map<(d0, d1) -> (0, 0)>
#map2 = affine_map<(d0, d1) -> (0, 0, 0, 0, 0)>
module attributes {stable_mosaic.version = 14 : i64} {
  func.func @_body(%arg0: i32, %arg1: i32, %arg2: memref<25x32x8x128xi32, #tpu.memory_space<hbm>>, %arg3: memref<500000x128xf32, #tpu.memory_space<hbm>>, %arg4: memref<200x8x32x8x128xf32, #tpu.memory_space<hbm>>, %arg5: memref<25x8x128xi32, #tpu.memory_space<vmem>>, %arg6: memref<25x8x128xi32, #tpu.memory_space<vmem>>, %arg7: memref<2x128x128xf32, #tpu.memory_space<vmem>>, %arg8: memref<2x8x8x130xf32, #tpu.memory_space<vmem>>, %arg9: memref<2x!tpu.dma_semaphore, #tpu.memory_space<semaphore_mem>>, %arg10: memref<2x!tpu.dma_semaphore, #tpu.memory_space<semaphore_mem>>) attributes {dimension_semantics = [#tpu.dimension_semantics<core_parallel>, #tpu.dimension_semantics<subcore_parallel>], iteration_bounds = array<i64: 2, 16>, scalar_prefetch = 0 : i64, scratch_operands = 6 : i64, tpu.core_type = #tpu.core_type<sc_vector_subcore>, window_params = [{transform_indices = #map}, {transform_indices = #map1}, {transform_indices = #map2}]} {
    %mul3A = arith.constant 2 : i32
    %mul3A_0 = arith.muli %arg1, %mul3A : i32
    %add3A = arith.addi %mul3A_0, %arg0 : i32
    "tpu.region"() ({
      %run_scoped3A = tpu.sem_alloc : memref<!tpu.dma_semaphore, #tpu.memory_space<semaphore_mem>>
      %dma_start3A_92 = arith.constant 0 : i32
      %dma_start3A_93 = arith.constant 0 : i32
      %dma_start3A_94 = arith.constant 0 : i32
      %dma_start3A_95 = tpu.memref_slice %arg2[%dma_start3A_92, %add3A, %dma_start3A_93, %dma_start3A_94] : memref<25x32x8x128xi32, #tpu.memory_space<hbm>> -> memref<25x1x8x128xi32, #tpu.memory_space<hbm>>
      %dma_start3A_96 = tpu.memref_squeeze %dma_start3A_95 : memref<25x1x8x128xi32, #tpu.memory_space<hbm>> -> memref<25x8x128xi32, #tpu.memory_space<hbm>>
      %dma_start3A_97 = arith.constant 0 : i32
      %dma_start3A_98 = arith.constant 0 : i32
      %dma_start3A_99 = arith.constant 0 : i32
      %dma_start3A_100 = tpu.memref_slice %arg2[%dma_start3A_97, %add3A, %dma_start3A_98, %dma_start3A_99] : memref<25x32x8x128xi32, #tpu.memory_space<hbm>> -> memref<25x1x8x128xi32, #tpu.memory_space<hbm>>
      %dma_start3A_101 = tpu.memref_squeeze %dma_start3A_100 : memref<25x1x8x128xi32, #tpu.memory_space<hbm>> -> memref<25x8x128xi32, #tpu.memory_space<hbm>>
      tpu.enqueue_dma source(%dma_start3A_101 : memref<25x8x128xi32, #tpu.memory_space<hbm>>) target(%arg5 : memref<25x8x128xi32, #tpu.memory_space<vmem>>) target_semaphore(%run_scoped3A : memref<!tpu.dma_semaphore, #tpu.memory_space<semaphore_mem>>)
      %dma_wait3A_102 = arith.constant 0 : i32
      %dma_wait3A_103 = arith.constant 0 : i32
      %dma_wait3A_104 = arith.constant 0 : i32
      %dma_wait3A_105 = tpu.memref_slice %arg2[%dma_wait3A_102, %add3A, %dma_wait3A_103, %dma_wait3A_104] : memref<25x32x8x128xi32, #tpu.memory_space<hbm>> -> memref<25x1x8x128xi32, #tpu.memory_space<hbm>>
      %dma_wait3A_106 = tpu.memref_squeeze %dma_wait3A_105 : memref<25x1x8x128xi32, #tpu.memory_space<hbm>> -> memref<25x8x128xi32, #tpu.memory_space<hbm>>
      %dma_wait3A_107 = arith.constant 0 : i32
      %dma_wait3A_108 = arith.constant 0 : i32
      %dma_wait3A_109 = arith.constant 0 : i32
      %dma_wait3A_110 = tpu.memref_slice %arg2[%dma_wait3A_107, %add3A, %dma_wait3A_108, %dma_wait3A_109] : memref<25x32x8x128xi32, #tpu.memory_space<hbm>> -> memref<25x1x8x128xi32, #tpu.memory_space<hbm>>
      %dma_wait3A_111 = tpu.memref_squeeze %dma_wait3A_110 : memref<25x1x8x128xi32, #tpu.memory_space<hbm>> -> memref<25x8x128xi32, #tpu.memory_space<hbm>>
      tpu.wait_dma2 semaphore(%run_scoped3A : memref<!tpu.dma_semaphore, #tpu.memory_space<semaphore_mem>>) src(%dma_wait3A_111 : memref<25x8x128xi32, #tpu.memory_space<hbm>>) dst(%arg5 : memref<25x8x128xi32, #tpu.memory_space<vmem>>)
      tpu.yield
    }) : () -> ()
    %iota3A = tpu.iota {dimensions = array<i32: 0>} : vector<16xi32>
    %scan3A = arith.constant 0 : i32
    %scan3A_1 = arith.constant 0 : i32
    %scan3A_2 = arith.constant 25 : i32
    %scan3A_3 = arith.addi %scan3A_1, %scan3A_2 : i32
    %scan3A_4 = arith.constant 1 : i32
    scf.for %scan3A_92 = %scan3A_1 to %scan3A_3 step %scan3A_4  : i32 {
      %get3A = arith.constant 0 : i32
      %get3A_93 = arith.index_cast %scan3A_92 : i32 to index
      %get3A_94 = arith.index_cast %get3A : i32 to index
      %get3A_95 = arith.constant 0 : index
      %get3A_96 = tpu.vector_load %arg5[%get3A_93, %get3A_94, %get3A_95] {strides = array<i32>} : memref<25x8x128xi32, #tpu.memory_space<vmem>>, vector<16xi32>,
      %shift_right_arithmetic3A = arith.constant 1 : i32
      %shift_right_arithmetic3A_97 = vector.broadcast %shift_right_arithmetic3A : i32 to vector<16xi32>
      %shift_right_arithmetic3A_98 = arith.shrsi %get3A_96, %shift_right_arithmetic3A_97 : vector<16xi32>
      %swap3A = arith.constant 0 : i32
      %swap3A_99 = arith.index_cast %scan3A_92 : i32 to index
      %swap3A_100 = arith.index_cast %swap3A : i32 to index
      %swap3A_101 = arith.constant 0 : index
      %swap3A_102 = tpu.vector_load %arg6[%swap3A_99, %swap3A_100, %swap3A_101] {strides = array<i32>} : memref<25x8x128xi32, #tpu.memory_space<vmem>>, vector<16xi32>,
      tpu.vector_store %arg6[%swap3A_99, %swap3A_100, %swap3A_101], %shift_right_arithmetic3A_98 {strides = array<i32>} : memref<25x8x128xi32, #tpu.memory_space<vmem>>, vector<16xi32>,
      %get3A_103 = arith.constant 0 : i32
      %get3A_104 = arith.index_cast %scan3A_92 : i32 to index
      %get3A_105 = arith.index_cast %get3A_103 : i32 to index
      %get3A_106 = arith.constant 16 : index
      %get3A_107 = tpu.vector_load %arg5[%get3A_104, %get3A_105, %get3A_106] {strides = array<i32>} : memref<25x8x128xi32, #tpu.memory_space<vmem>>, vector<16xi32>,
      %shift_right_arithmetic3A_108 = arith.constant 1 : i32
      %shift_right_arithmetic3A_109 = vector.broadcast %shift_right_arithmetic3A_108 : i32 to vector<16xi32>
      %shift_right_arithmetic3A_110 = arith.shrsi %get3A_107, %shift_right_arithmetic3A_109 : vector<16xi32>
      %swap3A_111 = arith.constant 0 : i32
      %swap3A_112 = arith.index_cast %scan3A_92 : i32 to index
      %swap3A_113 = arith.index_cast %swap3A_111 : i32 to index
      %swap3A_114 = arith.constant 16 : index
      %swap3A_115 = tpu.vector_load %arg6[%swap3A_112, %swap3A_113, %swap3A_114] {strides = array<i32>} : memref<25x8x128xi32, #tpu.memory_space<vmem>>, vector<16xi32>,
      tpu.vector_store %arg6[%swap3A_112, %swap3A_113, %swap3A_114], %shift_right_arithmetic3A_110 {strides = array<i32>} : memref<25x8x128xi32, #tpu.memory_space<vmem>>, vector<16xi32>,
      %get3A_116 = arith.constant 0 : i32
      %get3A_117 = arith.index_cast %scan3A_92 : i32 to index
      %get3A_118 = arith.index_cast %get3A_116 : i32 to index
      %get3A_119 = arith.constant 32 : index
      %get3A_120 = tpu.vector_load %arg5[%get3A_117, %get3A_118, %get3A_119] {strides = array<i32>} : memref<25x8x128xi32, #tpu.memory_space<vmem>>, vector<16xi32>,
      %shift_right_arithmetic3A_121 = arith.constant 1 : i32
      %shift_right_arithmetic3A_122 = vector.broadcast %shift_right_arithmetic3A_121 : i32 to vector<16xi32>
      %shift_right_arithmetic3A_123 = arith.shrsi %get3A_120, %shift_right_arithmetic3A_122 : vector<16xi32>
      %swap3A_124 = arith.constant 0 : i32
      %swap3A_125 = arith.index_cast %scan3A_92 : i32 to index
      %swap3A_126 = arith.index_cast %swap3A_124 : i32 to index
      %swap3A_127 = arith.constant 32 : index
      %swap3A_128 = tpu.vector_load %arg6[%swap3A_125, %swap3A_126, %swap3A_127] {strides = array<i32>} : memref<25x8x128xi32, #tpu.memory_space<vmem>>, vector<16xi32>,
      tpu.vector_store %arg6[%swap3A_125, %swap3A_126, %swap3A_127], %shift_right_arithmetic3A_123 {strides = array<i32>} : memref<25x8x128xi32, #tpu.memory_space<vmem>>, vector<16xi32>,
      %get3A_129 = arith.constant 0 : i32
      %get3A_130 = arith.index_cast %scan3A_92 : i32 to index
      %get3A_131 = arith.index_cast %get3A_129 : i32 to index
      %get3A_132 = arith.constant 48 : index
      %get3A_133 = tpu.vector_load %arg5[%get3A_130, %get3A_131, %get3A_132] {strides = array<i32>} : memref<25x8x128xi32, #tpu.memory_space<vmem>>, vector<16xi32>,
      %shift_right_arithmetic3A_134 = arith.constant 1 : i32
      %shift_right_arithmetic3A_135 = vector.broadcast %shift_right_arithmetic3A_134 : i32 to vector<16xi32>
      %shift_right_arithmetic3A_136 = arith.shrsi %get3A_133, %shift_right_arithmetic3A_135 : vector<16xi32>
      %swap3A_137 = arith.constant 0 : i32
      %swap3A_138 = arith.index_cast %scan3A_92 : i32 to index
      %swap3A_139 = arith.index_cast %swap3A_137 : i32 to index
      %swap3A_140 = arith.constant 48 : index
      %swap3A_141 = tpu.vector_load %arg6[%swap3A_138, %swap3A_139, %swap3A_140] {strides = array<i32>} : memref<25x8x128xi32, #tpu.memory_space<vmem>>, vector<16xi32>,
      tpu.vector_store %arg6[%swap3A_138, %swap3A_139, %swap3A_140], %shift_right_arithmetic3A_136 {strides = array<i32>} : memref<25x8x128xi32, #tpu.memory_space<vmem>>, vector<16xi32>,
      %get3A_142 = arith.constant 0 : i32
      %get3A_143 = arith.index_cast %scan3A_92 : i32 to index
      %get3A_144 = arith.index_cast %get3A_142 : i32 to index
      %get3A_145 = arith.constant 64 : index
      %get3A_146 = tpu.vector_load %arg5[%get3A_143, %get3A_144, %get3A_145] {strides = array<i32>} : memref<25x8x128xi32, #tpu.memory_space<vmem>>, vector<16xi32>,
      %shift_right_arithmetic3A_147 = arith.constant 1 : i32
      %shift_right_arithmetic3A_148 = vector.broadcast %shift_right_arithmetic3A_147 : i32 to vector<16xi32>
      %shift_right_arithmetic3A_149 = arith.shrsi %get3A_146, %shift_right_arithmetic3A_148 : vector<16xi32>
      %swap3A_150 = arith.constant 0 : i32
      %swap3A_151 = arith.index_cast %scan3A_92 : i32 to index
      %swap3A_152 = arith.index_cast %swap3A_150 : i32 to index
      %swap3A_153 = arith.constant 64 : index
      %swap3A_154 = tpu.vector_load %arg6[%swap3A_151, %swap3A_152, %swap3A_153] {strides = array<i32>} : memref<25x8x128xi32, #tpu.memory_space<vmem>>, vector<16xi32>,
      tpu.vector_store %arg6[%swap3A_151, %swap3A_152, %swap3A_153], %shift_right_arithmetic3A_149 {strides = array<i32>} : memref<25x8x128xi32, #tpu.memory_space<vmem>>, vector<16xi32>,
      %get3A_155 = arith.constant 0 : i32
      %get3A_156 = arith.index_cast %scan3A_92 : i32 to index
      %get3A_157 = arith.index_cast %get3A_155 : i32 to index
      %get3A_158 = arith.constant 80 : index
      %get3A_159 = tpu.vector_load %arg5[%get3A_156, %get3A_157, %get3A_158] {strides = array<i32>} : memref<25x8x128xi32, #tpu.memory_space<vmem>>, vector<16xi32>,
      %shift_right_arithmetic3A_160 = arith.constant 1 : i32
      %shift_right_arithmetic3A_161 = vector.broadcast %shift_right_arithmetic3A_160 : i32 to vector<16xi32>
      %shift_right_arithmetic3A_162 = arith.shrsi %get3A_159, %shift_right_arithmetic3A_161 : vector<16xi32>
      %swap3A_163 = arith.constant 0 : i32
      %swap3A_164 = arith.index_cast %scan3A_92 : i32 to index
      %swap3A_165 = arith.index_cast %swap3A_163 : i32 to index
      %swap3A_166 = arith.constant 80 : index
      %swap3A_167 = tpu.vector_load %arg6[%swap3A_164, %swap3A_165, %swap3A_166] {strides = array<i32>} : memref<25x8x128xi32, #tpu.memory_space<vmem>>, vector<16xi32>,
      tpu.vector_store %arg6[%swap3A_164, %swap3A_165, %swap3A_166], %shift_right_arithmetic3A_162 {strides = array<i32>} : memref<25x8x128xi32, #tpu.memory_space<vmem>>, vector<16xi32>,
      %get3A_168 = arith.constant 0 : i32
      %get3A_169 = arith.index_cast %scan3A_92 : i32 to index
      %get3A_170 = arith.index_cast %get3A_168 : i32 to index
      %get3A_171 = arith.constant 96 : index
      %get3A_172 = tpu.vector_load %arg5[%get3A_169, %get3A_170, %get3A_171] {strides = array<i32>} : memref<25x8x128xi32, #tpu.memory_space<vmem>>, vector<16xi32>,
      %shift_right_arithmetic3A_173 = arith.constant 1 : i32
      %shift_right_arithmetic3A_174 = vector.broadcast %shift_right_arithmetic3A_173 : i32 to vector<16xi32>
      %shift_right_arithmetic3A_175 = arith.shrsi %get3A_172, %shift_right_arithmetic3A_174 : vector<16xi32>
      %swap3A_176 = arith.constant 0 : i32
      %swap3A_177 = arith.index_cast %scan3A_92 : i32 to index
      %swap3A_178 = arith.index_cast %swap3A_176 : i32 to index
      %swap3A_179 = arith.constant 96 : index
      %swap3A_180 = tpu.vector_load %arg6[%swap3A_177, %swap3A_178, %swap3A_179] {strides = array<i32>} : memref<25x8x128xi32, #tpu.memory_space<vmem>>, vector<16xi32>,
      tpu.vector_store %arg6[%swap3A_177, %swap3A_178, %swap3A_179], %shift_right_arithmetic3A_175 {strides = array<i32>} : memref<25x8x128xi32, #tpu.memory_space<vmem>>, vector<16xi32>,
      %get3A_181 = arith.constant 0 : i32
      %get3A_182 = arith.index_cast %scan3A_92 : i32 to index
      %get3A_183 = arith.index_cast %get3A_181 : i32 to index
      %get3A_184 = arith.constant 112 : index
      %get3A_185 = tpu.vector_load %arg5[%get3A_182, %get3A_183, %get3A_184] {strides = array<i32>} : memref<25x8x128xi32, #tpu.memory_space<vmem>>, vector<16xi32>,
      %shift_right_arithmetic3A_186 = arith.constant 1 : i32
      %shift_right_arithmetic3A_187 = vector.broadcast %shift_right_arithmetic3A_186 : i32 to vector<16xi32>
      %shift_right_arithmetic3A_188 = arith.shrsi %get3A_185, %shift_right_arithmetic3A_187 : vector<16xi32>
      %swap3A_189 = arith.constant 0 : i32
      %swap3A_190 = arith.index_cast %scan3A_92 : i32 to index
      %swap3A_191 = arith.index_cast %swap3A_189 : i32 to index
      %swap3A_192 = arith.constant 112 : index
      %swap3A_193 = tpu.vector_load %arg6[%swap3A_190, %swap3A_191, %swap3A_192] {strides = array<i32>} : memref<25x8x128xi32, #tpu.memory_space<vmem>>, vector<16xi32>,
      tpu.vector_store %arg6[%swap3A_190, %swap3A_191, %swap3A_192], %shift_right_arithmetic3A_188 {strides = array<i32>} : memref<25x8x128xi32, #tpu.memory_space<vmem>>, vector<16xi32>,
      %get3A_194 = arith.constant 1 : i32
      %get3A_195 = arith.index_cast %scan3A_92 : i32 to index
      %get3A_196 = arith.index_cast %get3A_194 : i32 to index
      %get3A_197 = arith.constant 0 : index
      %get3A_198 = tpu.vector_load %arg5[%get3A_195, %get3A_196, %get3A_197] {strides = array<i32>} : memref<25x8x128xi32, #tpu.memory_space<vmem>>, vector<16xi32>,
      %shift_right_arithmetic3A_199 = arith.constant 1 : i32
      %shift_right_arithmetic3A_200 = vector.broadcast %shift_right_arithmetic3A_199 : i32 to vector<16xi32>
      %shift_right_arithmetic3A_201 = arith.shrsi %get3A_198, %shift_right_arithmetic3A_200 : vector<16xi32>
      %swap3A_202 = arith.constant 1 : i32
      %swap3A_203 = arith.index_cast %scan3A_92 : i32 to index
      %swap3A_204 = arith.index_cast %swap3A_202 : i32 to index
      %swap3A_205 = arith.constant 0 : index
      %swap3A_206 = tpu.vector_load %arg6[%swap3A_203, %swap3A_204, %swap3A_205] {strides = array<i32>} : memref<25x8x128xi32, #tpu.memory_space<vmem>>, vector<16xi32>,
      tpu.vector_store %arg6[%swap3A_203, %swap3A_204, %swap3A_205], %shift_right_arithmetic3A_201 {strides = array<i32>} : memref<25x8x128xi32, #tpu.memory_space<vmem>>, vector<16xi32>,
      %get3A_207 = arith.constant 1 : i32
      %get3A_208 = arith.index_cast %scan3A_92 : i32 to index
      %get3A_209 = arith.index_cast %get3A_207 : i32 to index
      %get3A_210 = arith.constant 16 : index
      %get3A_211 = tpu.vector_load %arg5[%get3A_208, %get3A_209, %get3A_210] {strides = array<i32>} : memref<25x8x128xi32, #tpu.memory_space<vmem>>, vector<16xi32>,
      %shift_right_arithmetic3A_212 = arith.constant 1 : i32
      %shift_right_arithmetic3A_213 = vector.broadcast %shift_right_arithmetic3A_212 : i32 to vector<16xi32>
      %shift_right_arithmetic3A_214 = arith.shrsi %get3A_211, %shift_right_arithmetic3A_213 : vector<16xi32>
      %swap3A_215 = arith.constant 1 : i32
      %swap3A_216 = arith.index_cast %scan3A_92 : i32 to index
      %swap3A_217 = arith.index_cast %swap3A_215 : i32 to index
      %swap3A_218 = arith.constant 16 : index
      %swap3A_219 = tpu.vector_load %arg6[%swap3A_216, %swap3A_217, %swap3A_218] {strides = array<i32>} : memref<25x8x128xi32, #tpu.memory_space<vmem>>, vector<16xi32>,
      tpu.vector_store %arg6[%swap3A_216, %swap3A_217, %swap3A_218], %shift_right_arithmetic3A_214 {strides = array<i32>} : memref<25x8x128xi32, #tpu.memory_space<vmem>>, vector<16xi32>,
      %get3A_220 = arith.constant 1 : i32
      %get3A_221 = arith.index_cast %scan3A_92 : i32 to index
      %get3A_222 = arith.index_cast %get3A_220 : i32 to index
      %get3A_223 = arith.constant 32 : index
      %get3A_224 = tpu.vector_load %arg5[%get3A_221, %get3A_222, %get3A_223] {strides = array<i32>} : memref<25x8x128xi32, #tpu.memory_space<vmem>>, vector<16xi32>,
      %shift_right_arithmetic3A_225 = arith.constant 1 : i32
      %shift_right_arithmetic3A_226 = vector.broadcast %shift_right_arithmetic3A_225 : i32 to vector<16xi32>
      %shift_right_arithmetic3A_227 = arith.shrsi %get3A_224, %shift_right_arithmetic3A_226 : vector<16xi32>
      %swap3A_228 = arith.constant 1 : i32
      %swap3A_229 = arith.index_cast %scan3A_92 : i32 to index
      %swap3A_230 = arith.index_cast %swap3A_228 : i32 to index
      %swap3A_231 = arith.constant 32 : index
      %swap3A_232 = tpu.vector_load %arg6[%swap3A_229, %swap3A_230, %swap3A_231] {strides = array<i32>} : memref<25x8x128xi32, #tpu.memory_space<vmem>>, vector<16xi32>,
      tpu.vector_store %arg6[%swap3A_229, %swap3A_230, %swap3A_231], %shift_right_arithmetic3A_227 {strides = array<i32>} : memref<25x8x128xi32, #tpu.memory_space<vmem>>, vector<16xi32>,
      %get3A_233 = arith.constant 1 : i32
      %get3A_234 = arith.index_cast %scan3A_92 : i32 to index
      %get3A_235 = arith.index_cast %get3A_233 : i32 to index
      %get3A_236 = arith.constant 48 : index
      %get3A_237 = tpu.vector_load %arg5[%get3A_234, %get3A_235, %get3A_236] {strides = array<i32>} : memref<25x8x128xi32, #tpu.memory_space<vmem>>, vector<16xi32>,
      %shift_right_arithmetic3A_238 = arith.constant 1 : i32
      %shift_right_arithmetic3A_239 = vector.broadcast %shift_right_arithmetic3A_238 : i32 to vector<16xi32>
      %shift_right_arithmetic3A_240 = arith.shrsi %get3A_237, %shift_right_arithmetic3A_239 : vector<16xi32>
      %swap3A_241 = arith.constant 1 : i32
      %swap3A_242 = arith.index_cast %scan3A_92 : i32 to index
      %swap3A_243 = arith.index_cast %swap3A_241 : i32 to index
      %swap3A_244 = arith.constant 48 : index
      %swap3A_245 = tpu.vector_load %arg6[%swap3A_242, %swap3A_243, %swap3A_244] {strides = array<i32>} : memref<25x8x128xi32, #tpu.memory_space<vmem>>, vector<16xi32>,
      tpu.vector_store %arg6[%swap3A_242, %swap3A_243, %swap3A_244], %shift_right_arithmetic3A_240 {strides = array<i32>} : memref<25x8x128xi32, #tpu.memory_space<vmem>>, vector<16xi32>,
      %get3A_246 = arith.constant 1 : i32
      %get3A_247 = arith.index_cast %scan3A_92 : i32 to index
      %get3A_248 = arith.index_cast %get3A_246 : i32 to index
      %get3A_249 = arith.constant 64 : index
      %get3A_250 = tpu.vector_load %arg5[%get3A_247, %get3A_248, %get3A_249] {strides = array<i32>} : memref<25x8x128xi32, #tpu.memory_space<vmem>>, vector<16xi32>,
      %shift_right_arithmetic3A_251 = arith.constant 1 : i32
      %shift_right_arithmetic3A_252 = vector.broadcast %shift_right_arithmetic3A_251 : i32 to vector<16xi32>
      %shift_right_arithmetic3A_253 = arith.shrsi %get3A_250, %shift_right_arithmetic3A_252 : vector<16xi32>
      %swap3A_254 = arith.constant 1 : i32
      %swap3A_255 = arith.index_cast %scan3A_92 : i32 to index
      %swap3A_256 = arith.index_cast %swap3A_254 : i32 to index
      %swap3A_257 = arith.constant 64 : index
      %swap3A_258 = tpu.vector_load %arg6[%swap3A_255, %swap3A_256, %swap3A_257] {strides = array<i32>} : memref<25x8x128xi32, #tpu.memory_space<vmem>>, vector<16xi32>,
      tpu.vector_store %arg6[%swap3A_255, %swap3A_256, %swap3A_257], %shift_right_arithmetic3A_253 {strides = array<i32>} : memref<25x8x128xi32, #tpu.memory_space<vmem>>, vector<16xi32>,
      %get3A_259 = arith.constant 1 : i32
      %get3A_260 = arith.index_cast %scan3A_92 : i32 to index
      %get3A_261 = arith.index_cast %get3A_259 : i32 to index
      %get3A_262 = arith.constant 80 : index
      %get3A_263 = tpu.vector_load %arg5[%get3A_260, %get3A_261, %get3A_262] {strides = array<i32>} : memref<25x8x128xi32, #tpu.memory_space<vmem>>, vector<16xi32>,
      %shift_right_arithmetic3A_264 = arith.constant 1 : i32
      %shift_right_arithmetic3A_265 = vector.broadcast %shift_right_arithmetic3A_264 : i32 to vector<16xi32>
      %shift_right_arithmetic3A_266 = arith.shrsi %get3A_263, %shift_right_arithmetic3A_265 : vector<16xi32>
      %swap3A_267 = arith.constant 1 : i32
      %swap3A_268 = arith.index_cast %scan3A_92 : i32 to index
      %swap3A_269 = arith.index_cast %swap3A_267 : i32 to index
      %swap3A_270 = arith.constant 80 : index
      %swap3A_271 = tpu.vector_load %arg6[%swap3A_268, %swap3A_269, %swap3A_270] {strides = array<i32>} : memref<25x8x128xi32, #tpu.memory_space<vmem>>, vector<16xi32>,
      tpu.vector_store %arg6[%swap3A_268, %swap3A_269, %swap3A_270], %shift_right_arithmetic3A_266 {strides = array<i32>} : memref<25x8x128xi32, #tpu.memory_space<vmem>>, vector<16xi32>,
      %get3A_272 = arith.constant 1 : i32
      %get3A_273 = arith.index_cast %scan3A_92 : i32 to index
      %get3A_274 = arith.index_cast %get3A_272 : i32 to index
      %get3A_275 = arith.constant 96 : index
      %get3A_276 = tpu.vector_load %arg5[%get3A_273, %get3A_274, %get3A_275] {strides = array<i32>} : memref<25x8x128xi32, #tpu.memory_space<vmem>>, vector<16xi32>,
      %shift_right_arithmetic3A_277 = arith.constant 1 : i32
      %shift_right_arithmetic3A_278 = vector.broadcast %shift_right_arithmetic3A_277 : i32 to vector<16xi32>
      %shift_right_arithmetic3A_279 = arith.shrsi %get3A_276, %shift_right_arithmetic3A_278 : vector<16xi32>
      %swap3A_280 = arith.constant 1 : i32
      %swap3A_281 = arith.index_cast %scan3A_92 : i32 to index
      %swap3A_282 = arith.index_cast %swap3A_280 : i32 to index
      %swap3A_283 = arith.constant 96 : index
      %swap3A_284 = tpu.vector_load %arg6[%swap3A_281, %swap3A_282, %swap3A_283] {strides = array<i32>} : memref<25x8x128xi32, #tpu.memory_space<vmem>>, vector<16xi32>,
      tpu.vector_store %arg6[%swap3A_281, %swap3A_282, %swap3A_283], %shift_right_arithmetic3A_279 {strides = array<i32>} : memref<25x8x128xi32, #tpu.memory_space<vmem>>, vector<16xi32>,
      %get3A_285 = arith.constant 1 : i32
      %get3A_286 = arith.index_cast %scan3A_92 : i32 to index
      %get3A_287 = arith.index_cast %get3A_285 : i32 to index
      %get3A_288 = arith.constant 112 : index
      %get3A_289 = tpu.vector_load %arg5[%get3A_286, %get3A_287, %get3A_288] {strides = array<i32>} : memref<25x8x128xi32, #tpu.memory_space<vmem>>, vector<16xi32>,
      %shift_right_arithmetic3A_290 = arith.constant 1 : i32
      %shift_right_arithmetic3A_291 = vector.broadcast %shift_right_arithmetic3A_290 : i32 to vector<16xi32>
      %shift_right_arithmetic3A_292 = arith.shrsi %get3A_289, %shift_right_arithmetic3A_291 : vector<16xi32>
      %swap3A_293 = arith.constant 1 : i32
      %swap3A_294 = arith.index_cast %scan3A_92 : i32 to index
      %swap3A_295 = arith.index_cast %swap3A_293 : i32 to index
      %swap3A_296 = arith.constant 112 : index
      %swap3A_297 = tpu.vector_load %arg6[%swap3A_294, %swap3A_295, %swap3A_296] {strides = array<i32>} : memref<25x8x128xi32, #tpu.memory_space<vmem>>, vector<16xi32>,
      tpu.vector_store %arg6[%swap3A_294, %swap3A_295, %swap3A_296], %shift_right_arithmetic3A_292 {strides = array<i32>} : memref<25x8x128xi32, #tpu.memory_space<vmem>>, vector<16xi32>,
      %get3A_298 = arith.constant 2 : i32
      %get3A_299 = arith.index_cast %scan3A_92 : i32 to index
      %get3A_300 = arith.index_cast %get3A_298 : i32 to index
      %get3A_301 = arith.constant 0 : index
      %get3A_302 = tpu.vector_load %arg5[%get3A_299, %get3A_300, %get3A_301] {strides = array<i32>} : memref<25x8x128xi32, #tpu.memory_space<vmem>>, vector<16xi32>,
      %shift_right_arithmetic3A_303 = arith.constant 1 : i32
      %shift_right_arithmetic3A_304 = vector.broadcast %shift_right_arithmetic3A_303 : i32 to vector<16xi32>
      %shift_right_arithmetic3A_305 = arith.shrsi %get3A_302, %shift_right_arithmetic3A_304 : vector<16xi32>
      %swap3A_306 = arith.constant 2 : i32
      %swap3A_307 = arith.index_cast %scan3A_92 : i32 to index
      %swap3A_308 = arith.index_cast %swap3A_306 : i32 to index
      %swap3A_309 = arith.constant 0 : index
      %swap3A_310 = tpu.vector_load %arg6[%swap3A_307, %swap3A_308, %swap3A_309] {strides = array<i32>} : memref<25x8x128xi32, #tpu.memory_space<vmem>>, vector<16xi32>,
      tpu.vector_store %arg6[%swap3A_307, %swap3A_308, %swap3A_309], %shift_right_arithmetic3A_305 {strides = array<i32>} : memref<25x8x128xi32, #tpu.memory_space<vmem>>, vector<16xi32>,
      %get3A_311 = arith.constant 2 : i32
      %get3A_312 = arith.index_cast %scan3A_92 : i32 to index
      %get3A_313 = arith.index_cast %get3A_311 : i32 to index
      %get3A_314 = arith.constant 16 : index
      %get3A_315 = tpu.vector_load %arg5[%get3A_312, %get3A_313, %get3A_314] {strides = array<i32>} : memref<25x8x128xi32, #tpu.memory_space<vmem>>, vector<16xi32>,
      %shift_right_arithmetic3A_316 = arith.constant 1 : i32
      %shift_right_arithmetic3A_317 = vector.broadcast %shift_right_arithmetic3A_316 : i32 to vector<16xi32>
      %shift_right_arithmetic3A_318 = arith.shrsi %get3A_315, %shift_right_arithmetic3A_317 : vector<16xi32>
      %swap3A_319 = arith.constant 2 : i32
      %swap3A_320 = arith.index_cast %scan3A_92 : i32 to index
      %swap3A_321 = arith.index_cast %swap3A_319 : i32 to index
      %swap3A_322 = arith.constant 16 : index
      %swap3A_323 = tpu.vector_load %arg6[%swap3A_320, %swap3A_321, %swap3A_322] {strides = array<i32>} : memref<25x8x128xi32, #tpu.memory_space<vmem>>, vector<16xi32>,
      tpu.vector_store %arg6[%swap3A_320, %swap3A_321, %swap3A_322], %shift_right_arithmetic3A_318 {strides = array<i32>} : memref<25x8x128xi32, #tpu.memory_space<vmem>>, vector<16xi32>,
      %get3A_324 = arith.constant 2 : i32
      %get3A_325 = arith.index_cast %scan3A_92 : i32 to index
      %get3A_326 = arith.index_cast %get3A_324 : i32 to index
      %get3A_327 = arith.constant 32 : index
      %get3A_328 = tpu.vector_load %arg5[%get3A_325, %get3A_326, %get3A_327] {strides = array<i32>} : memref<25x8x128xi32, #tpu.memory_space<vmem>>, vector<16xi32>,
      %shift_right_arithmetic3A_329 = arith.constant 1 : i32
      %shift_right_arithmetic3A_330 = vector.broadcast %shift_right_arithmetic3A_329 : i32 to vector<16xi32>
      %shift_right_arithmetic3A_331 = arith.shrsi %get3A_328, %shift_right_arithmetic3A_330 : vector<16xi32>
      %swap3A_332 = arith.constant 2 : i32
      %swap3A_333 = arith.index_cast %scan3A_92 : i32 to index
      %swap3A_334 = arith.index_cast %swap3A_332 : i32 to index
      %swap3A_335 = arith.constant 32 : index
      %swap3A_336 = tpu.vector_load %arg6[%swap3A_333, %swap3A_334, %swap3A_335] {strides = array<i32>} : memref<25x8x128xi32, #tpu.memory_space<vmem>>, vector<16xi32>,
      tpu.vector_store %arg6[%swap3A_333, %swap3A_334, %swap3A_335], %shift_right_arithmetic3A_331 {strides = array<i32>} : memref<25x8x128xi32, #tpu.memory_space<vmem>>, vector<16xi32>,
      %get3A_337 = arith.constant 2 : i32
      %get3A_338 = arith.index_cast %scan3A_92 : i32 to index
      %get3A_339 = arith.index_cast %get3A_337 : i32 to index
      %get3A_340 = arith.constant 48 : index
      %get3A_341 = tpu.vector_load %arg5[%get3A_338, %get3A_339, %get3A_340] {strides = array<i32>} : memref<25x8x128xi32, #tpu.memory_space<vmem>>, vector<16xi32>,
      %shift_right_arithmetic3A_342 = arith.constant 1 : i32
      %shift_right_arithmetic3A_343 = vector.broadcast %shift_right_arithmetic3A_342 : i32 to vector<16xi32>
      %shift_right_arithmetic3A_344 = arith.shrsi %get3A_341, %shift_right_arithmetic3A_343 : vector<16xi32>
      %swap3A_345 = arith.constant 2 : i32
      %swap3A_346 = arith.index_cast %scan3A_92 : i32 to index
      %swap3A_347 = arith.index_cast %swap3A_345 : i32 to index
      %swap3A_348 = arith.constant 48 : index
      %swap3A_349 = tpu.vector_load %arg6[%swap3A_346, %swap3A_347, %swap3A_348] {strides = array<i32>} : memref<25x8x128xi32, #tpu.memory_space<vmem>>, vector<16xi32>,
      tpu.vector_store %arg6[%swap3A_346, %swap3A_347, %swap3A_348], %shift_right_arithmetic3A_344 {strides = array<i32>} : memref<25x8x128xi32, #tpu.memory_space<vmem>>, vector<16xi32>,
      %get3A_350 = arith.constant 2 : i32
      %get3A_351 = arith.index_cast %scan3A_92 : i32 to index
      %get3A_352 = arith.index_cast %get3A_350 : i32 to index
      %get3A_353 = arith.constant 64 : index
      %get3A_354 = tpu.vector_load %arg5[%get3A_351, %get3A_352, %get3A_353] {strides = array<i32>} : memref<25x8x128xi32, #tpu.memory_space<vmem>>, vector<16xi32>,
      %shift_right_arithmetic3A_355 = arith.constant 1 : i32
      %shift_right_arithmetic3A_356 = vector.broadcast %shift_right_arithmetic3A_355 : i32 to vector<16xi32>
      %shift_right_arithmetic3A_357 = arith.shrsi %get3A_354, %shift_right_arithmetic3A_356 : vector<16xi32>
      %swap3A_358 = arith.constant 2 : i32
      %swap3A_359 = arith.index_cast %scan3A_92 : i32 to index
      %swap3A_360 = arith.index_cast %swap3A_358 : i32 to index
      %swap3A_361 = arith.constant 64 : index
      %swap3A_362 = tpu.vector_load %arg6[%swap3A_359, %swap3A_360, %swap3A_361] {strides = array<i32>} : memref<25x8x128xi32, #tpu.memory_space<vmem>>, vector<16xi32>,
      tpu.vector_store %arg6[%swap3A_359, %swap3A_360, %swap3A_361], %shift_right_arithmetic3A_357 {strides = array<i32>} : memref<25x8x128xi32, #tpu.memory_space<vmem>>, vector<16xi32>,
      %get3A_363 = arith.constant 2 : i32
      %get3A_364 = arith.index_cast %scan3A_92 : i32 to index
      %get3A_365 = arith.index_cast %get3A_363 : i32 to index
      %get3A_366 = arith.constant 80 : index
      %get3A_367 = tpu.vector_load %arg5[%get3A_364, %get3A_365, %get3A_366] {strides = array<i32>} : memref<25x8x128xi32, #tpu.memory_space<vmem>>, vector<16xi32>,
      %shift_right_arithmetic3A_368 = arith.constant 1 : i32
      %shift_right_arithmetic3A_369 = vector.broadcast %shift_right_arithmetic3A_368 : i32 to vector<16xi32>
      %shift_right_arithmetic3A_370 = arith.shrsi %get3A_367, %shift_right_arithmetic3A_369 : vector<16xi32>
      %swap3A_371 = arith.constant 2 : i32
      %swap3A_372 = arith.index_cast %scan3A_92 : i32 to index
      %swap3A_373 = arith.index_cast %swap3A_371 : i32 to index
      %swap3A_374 = arith.constant 80 : index
      %swap3A_375 = tpu.vector_load %arg6[%swap3A_372, %swap3A_373, %swap3A_374] {strides = array<i32>} : memref<25x8x128xi32, #tpu.memory_space<vmem>>, vector<16xi32>,
      tpu.vector_store %arg6[%swap3A_372, %swap3A_373, %swap3A_374], %shift_right_arithmetic3A_370 {strides = array<i32>} : memref<25x8x128xi32, #tpu.memory_space<vmem>>, vector<16xi32>,
      %get3A_376 = arith.constant 2 : i32
      %get3A_377 = arith.index_cast %scan3A_92 : i32 to index
      %get3A_378 = arith.index_cast %get3A_376 : i32 to index
      %get3A_379 = arith.constant 96 : index
      %get3A_380 = tpu.vector_load %arg5[%get3A_377, %get3A_378, %get3A_379] {strides = array<i32>} : memref<25x8x128xi32, #tpu.memory_space<vmem>>, vector<16xi32>,
      %shift_right_arithmetic3A_381 = arith.constant 1 : i32
      %shift_right_arithmetic3A_382 = vector.broadcast %shift_right_arithmetic3A_381 : i32 to vector<16xi32>
      %shift_right_arithmetic3A_383 = arith.shrsi %get3A_380, %shift_right_arithmetic3A_382 : vector<16xi32>
      %swap3A_384 = arith.constant 2 : i32
      %swap3A_385 = arith.index_cast %scan3A_92 : i32 to index
      %swap3A_386 = arith.index_cast %swap3A_384 : i32 to index
      %swap3A_387 = arith.constant 96 : index
      %swap3A_388 = tpu.vector_load %arg6[%swap3A_385, %swap3A_386, %swap3A_387] {strides = array<i32>} : memref<25x8x128xi32, #tpu.memory_space<vmem>>, vector<16xi32>,
      tpu.vector_store %arg6[%swap3A_385, %swap3A_386, %swap3A_387], %shift_right_arithmetic3A_383 {strides = array<i32>} : memref<25x8x128xi32, #tpu.memory_space<vmem>>, vector<16xi32>,
      %get3A_389 = arith.constant 2 : i32
      %get3A_390 = arith.index_cast %scan3A_92 : i32 to index
      %get3A_391 = arith.index_cast %get3A_389 : i32 to index
      %get3A_392 = arith.constant 112 : index
      %get3A_393 = tpu.vector_load %arg5[%get3A_390, %get3A_391, %get3A_392] {strides = array<i32>} : memref<25x8x128xi32, #tpu.memory_space<vmem>>, vector<16xi32>,
      %shift_right_arithmetic3A_394 = arith.constant 1 : i32
      %shift_right_arithmetic3A_395 = vector.broadcast %shift_right_arithmetic3A_394 : i32 to vector<16xi32>
      %shift_right_arithmetic3A_396 = arith.shrsi %get3A_393, %shift_right_arithmetic3A_395 : vector<16xi32>
      %swap3A_397 = arith.constant 2 : i32
      %swap3A_398 = arith.index_cast %scan3A_92 : i32 to index
      %swap3A_399 = arith.index_cast %swap3A_397 : i32 to index
      %swap3A_400 = arith.constant 112 : index
      %swap3A_401 = tpu.vector_load %arg6[%swap3A_398, %swap3A_399, %swap3A_400] {strides = array<i32>} : memref<25x8x128xi32, #tpu.memory_space<vmem>>, vector<16xi32>,
      tpu.vector_store %arg6[%swap3A_398, %swap3A_399, %swap3A_400], %shift_right_arithmetic3A_396 {strides = array<i32>} : memref<25x8x128xi32, #tpu.memory_space<vmem>>, vector<16xi32>,
      %get3A_402 = arith.constant 3 : i32
      %get3A_403 = arith.index_cast %scan3A_92 : i32 to index
      %get3A_404 = arith.index_cast %get3A_402 : i32 to index
      %get3A_405 = arith.constant 0 : index
      %get3A_406 = tpu.vector_load %arg5[%get3A_403, %get3A_404, %get3A_405] {strides = array<i32>} : memref<25x8x128xi32, #tpu.memory_space<vmem>>, vector<16xi32>,
      %shift_right_arithmetic3A_407 = arith.constant 1 : i32
      %shift_right_arithmetic3A_408 = vector.broadcast %shift_right_arithmetic3A_407 : i32 to vector<16xi32>
      %shift_right_arithmetic3A_409 = arith.shrsi %get3A_406, %shift_right_arithmetic3A_408 : vector<16xi32>
      %swap3A_410 = arith.constant 3 : i32
      %swap3A_411 = arith.index_cast %scan3A_92 : i32 to index
      %swap3A_412 = arith.index_cast %swap3A_410 : i32 to index
      %swap3A_413 = arith.constant 0 : index
      %swap3A_414 = tpu.vector_load %arg6[%swap3A_411, %swap3A_412, %swap3A_413] {strides = array<i32>} : memref<25x8x128xi32, #tpu.memory_space<vmem>>, vector<16xi32>,
      tpu.vector_store %arg6[%swap3A_411, %swap3A_412, %swap3A_413], %shift_right_arithmetic3A_409 {strides = array<i32>} : memref<25x8x128xi32, #tpu.memory_space<vmem>>, vector<16xi32>,
      %get3A_415 = arith.constant 3 : i32
      %get3A_416 = arith.index_cast %scan3A_92 : i32 to index
      %get3A_417 = arith.index_cast %get3A_415 : i32 to index
      %get3A_418 = arith.constant 16 : index
      %get3A_419 = tpu.vector_load %arg5[%get3A_416, %get3A_417, %get3A_418] {strides = array<i32>} : memref<25x8x128xi32, #tpu.memory_space<vmem>>, vector<16xi32>,
      %shift_right_arithmetic3A_420 = arith.constant 1 : i32
      %shift_right_arithmetic3A_421 = vector.broadcast %shift_right_arithmetic3A_420 : i32 to vector<16xi32>
      %shift_right_arithmetic3A_422 = arith.shrsi %get3A_419, %shift_right_arithmetic3A_421 : vector<16xi32>
      %swap3A_423 = arith.constant 3 : i32
      %swap3A_424 = arith.index_cast %scan3A_92 : i32 to index
      %swap3A_425 = arith.index_cast %swap3A_423 : i32 to index
      %swap3A_426 = arith.constant 16 : index
      %swap3A_427 = tpu.vector_load %arg6[%swap3A_424, %swap3A_425, %swap3A_426] {strides = array<i32>} : memref<25x8x128xi32, #tpu.memory_space<vmem>>, vector<16xi32>,
      tpu.vector_store %arg6[%swap3A_424, %swap3A_425, %swap3A_426], %shift_right_arithmetic3A_422 {strides = array<i32>} : memref<25x8x128xi32, #tpu.memory_space<vmem>>, vector<16xi32>,
      %get3A_428 = arith.constant 3 : i32
      %get3A_429 = arith.index_cast %scan3A_92 : i32 to index
      %get3A_430 = arith.index_cast %get3A_428 : i32 to index
      %get3A_431 = arith.constant 32 : index
      %get3A_432 = tpu.vector_load %arg5[%get3A_429, %get3A_430, %get3A_431] {strides = array<i32>} : memref<25x8x128xi32, #tpu.memory_space<vmem>>, vector<16xi32>,
      %shift_right_arithmetic3A_433 = arith.constant 1 : i32
      %shift_right_arithmetic3A_434 = vector.broadcast %shift_right_arithmetic3A_433 : i32 to vector<16xi32>
      %shift_right_arithmetic3A_435 = arith.shrsi %get3A_432, %shift_right_arithmetic3A_434 : vector<16xi32>
      %swap3A_436 = arith.constant 3 : i32
      %swap3A_437 = arith.index_cast %scan3A_92 : i32 to index
      %swap3A_438 = arith.index_cast %swap3A_436 : i32 to index
      %swap3A_439 = arith.constant 32 : index
      %swap3A_440 = tpu.vector_load %arg6[%swap3A_437, %swap3A_438, %swap3A_439] {strides = array<i32>} : memref<25x8x128xi32, #tpu.memory_space<vmem>>, vector<16xi32>,
      tpu.vector_store %arg6[%swap3A_437, %swap3A_438, %swap3A_439], %shift_right_arithmetic3A_435 {strides = array<i32>} : memref<25x8x128xi32, #tpu.memory_space<vmem>>, vector<16xi32>,
      %get3A_441 = arith.constant 3 : i32
      %get3A_442 = arith.index_cast %scan3A_92 : i32 to index
      %get3A_443 = arith.index_cast %get3A_441 : i32 to index
      %get3A_444 = arith.constant 48 : index
      %get3A_445 = tpu.vector_load %arg5[%get3A_442, %get3A_443, %get3A_444] {strides = array<i32>} : memref<25x8x128xi32, #tpu.memory_space<vmem>>, vector<16xi32>,
      %shift_right_arithmetic3A_446 = arith.constant 1 : i32
      %shift_right_arithmetic3A_447 = vector.broadcast %shift_right_arithmetic3A_446 : i32 to vector<16xi32>
      %shift_right_arithmetic3A_448 = arith.shrsi %get3A_445, %shift_right_arithmetic3A_447 : vector<16xi32>
      %swap3A_449 = arith.constant 3 : i32
      %swap3A_450 = arith.index_cast %scan3A_92 : i32 to index
      %swap3A_451 = arith.index_cast %swap3A_449 : i32 to index
      %swap3A_452 = arith.constant 48 : index
      %swap3A_453 = tpu.vector_load %arg6[%swap3A_450, %swap3A_451, %swap3A_452] {strides = array<i32>} : memref<25x8x128xi32, #tpu.memory_space<vmem>>, vector<16xi32>,
      tpu.vector_store %arg6[%swap3A_450, %swap3A_451, %swap3A_452], %shift_right_arithmetic3A_448 {strides = array<i32>} : memref<25x8x128xi32, #tpu.memory_space<vmem>>, vector<16xi32>,
      %get3A_454 = arith.constant 3 : i32
      %get3A_455 = arith.index_cast %scan3A_92 : i32 to index
      %get3A_456 = arith.index_cast %get3A_454 : i32 to index
      %get3A_457 = arith.constant 64 : index
      %get3A_458 = tpu.vector_load %arg5[%get3A_455, %get3A_456, %get3A_457] {strides = array<i32>} : memref<25x8x128xi32, #tpu.memory_space<vmem>>, vector<16xi32>,
      %shift_right_arithmetic3A_459 = arith.constant 1 : i32
      %shift_right_arithmetic3A_460 = vector.broadcast %shift_right_arithmetic3A_459 : i32 to vector<16xi32>
      %shift_right_arithmetic3A_461 = arith.shrsi %get3A_458, %shift_right_arithmetic3A_460 : vector<16xi32>
      %swap3A_462 = arith.constant 3 : i32
      %swap3A_463 = arith.index_cast %scan3A_92 : i32 to index
      %swap3A_464 = arith.index_cast %swap3A_462 : i32 to index
      %swap3A_465 = arith.constant 64 : index
      %swap3A_466 = tpu.vector_load %arg6[%swap3A_463, %swap3A_464, %swap3A_465] {strides = array<i32>} : memref<25x8x128xi32, #tpu.memory_space<vmem>>, vector<16xi32>,
      tpu.vector_store %arg6[%swap3A_463, %swap3A_464, %swap3A_465], %shift_right_arithmetic3A_461 {strides = array<i32>} : memref<25x8x128xi32, #tpu.memory_space<vmem>>, vector<16xi32>,
      %get3A_467 = arith.constant 3 : i32
      %get3A_468 = arith.index_cast %scan3A_92 : i32 to index
      %get3A_469 = arith.index_cast %get3A_467 : i32 to index
      %get3A_470 = arith.constant 80 : index
      %get3A_471 = tpu.vector_load %arg5[%get3A_468, %get3A_469, %get3A_470] {strides = array<i32>} : memref<25x8x128xi32, #tpu.memory_space<vmem>>, vector<16xi32>,
      %shift_right_arithmetic3A_472 = arith.constant 1 : i32
      %shift_right_arithmetic3A_473 = vector.broadcast %shift_right_arithmetic3A_472 : i32 to vector<16xi32>
      %shift_right_arithmetic3A_474 = arith.shrsi %get3A_471, %shift_right_arithmetic3A_473 : vector<16xi32>
      %swap3A_475 = arith.constant 3 : i32
      %swap3A_476 = arith.index_cast %scan3A_92 : i32 to index
      %swap3A_477 = arith.index_cast %swap3A_475 : i32 to index
      %swap3A_478 = arith.constant 80 : index
      %swap3A_479 = tpu.vector_load %arg6[%swap3A_476, %swap3A_477, %swap3A_478] {strides = array<i32>} : memref<25x8x128xi32, #tpu.memory_space<vmem>>, vector<16xi32>,
      tpu.vector_store %arg6[%swap3A_476, %swap3A_477, %swap3A_478], %shift_right_arithmetic3A_474 {strides = array<i32>} : memref<25x8x128xi32, #tpu.memory_space<vmem>>, vector<16xi32>,
      %get3A_480 = arith.constant 3 : i32
      %get3A_481 = arith.index_cast %scan3A_92 : i32 to index
      %get3A_482 = arith.index_cast %get3A_480 : i32 to index
      %get3A_483 = arith.constant 96 : index
      %get3A_484 = tpu.vector_load %arg5[%get3A_481, %get3A_482, %get3A_483] {strides = array<i32>} : memref<25x8x128xi32, #tpu.memory_space<vmem>>, vector<16xi32>,
      %shift_right_arithmetic3A_485 = arith.constant 1 : i32
      %shift_right_arithmetic3A_486 = vector.broadcast %shift_right_arithmetic3A_485 : i32 to vector<16xi32>
      %shift_right_arithmetic3A_487 = arith.shrsi %get3A_484, %shift_right_arithmetic3A_486 : vector<16xi32>
      %swap3A_488 = arith.constant 3 : i32
      %swap3A_489 = arith.index_cast %scan3A_92 : i32 to index
      %swap3A_490 = arith.index_cast %swap3A_488 : i32 to index
      %swap3A_491 = arith.constant 96 : index
      %swap3A_492 = tpu.vector_load %arg6[%swap3A_489, %swap3A_490, %swap3A_491] {strides = array<i32>} : memref<25x8x128xi32, #tpu.memory_space<vmem>>, vector<16xi32>,
      tpu.vector_store %arg6[%swap3A_489, %swap3A_490, %swap3A_491], %shift_right_arithmetic3A_487 {strides = array<i32>} : memref<25x8x128xi32, #tpu.memory_space<vmem>>, vector<16xi32>,
      %get3A_493 = arith.constant 3 : i32
      %get3A_494 = arith.index_cast %scan3A_92 : i32 to index
      %get3A_495 = arith.index_cast %get3A_493 : i32 to index
      %get3A_496 = arith.constant 112 : index
      %get3A_497 = tpu.vector_load %arg5[%get3A_494, %get3A_495, %get3A_496] {strides = array<i32>} : memref<25x8x128xi32, #tpu.memory_space<vmem>>, vector<16xi32>,
      %shift_right_arithmetic3A_498 = arith.constant 1 : i32
      %shift_right_arithmetic3A_499 = vector.broadcast %shift_right_arithmetic3A_498 : i32 to vector<16xi32>
      %shift_right_arithmetic3A_500 = arith.shrsi %get3A_497, %shift_right_arithmetic3A_499 : vector<16xi32>
      %swap3A_501 = arith.constant 3 : i32
      %swap3A_502 = arith.index_cast %scan3A_92 : i32 to index
      %swap3A_503 = arith.index_cast %swap3A_501 : i32 to index
      %swap3A_504 = arith.constant 112 : index
      %swap3A_505 = tpu.vector_load %arg6[%swap3A_502, %swap3A_503, %swap3A_504] {strides = array<i32>} : memref<25x8x128xi32, #tpu.memory_space<vmem>>, vector<16xi32>,
      tpu.vector_store %arg6[%swap3A_502, %swap3A_503, %swap3A_504], %shift_right_arithmetic3A_500 {strides = array<i32>} : memref<25x8x128xi32, #tpu.memory_space<vmem>>, vector<16xi32>,
      %get3A_506 = arith.constant 4 : i32
      %get3A_507 = arith.index_cast %scan3A_92 : i32 to index
      %get3A_508 = arith.index_cast %get3A_506 : i32 to index
      %get3A_509 = arith.constant 0 : index
      %get3A_510 = tpu.vector_load %arg5[%get3A_507, %get3A_508, %get3A_509] {strides = array<i32>} : memref<25x8x128xi32, #tpu.memory_space<vmem>>, vector<16xi32>,
      %shift_right_arithmetic3A_511 = arith.constant 1 : i32
      %shift_right_arithmetic3A_512 = vector.broadcast %shift_right_arithmetic3A_511 : i32 to vector<16xi32>
      %shift_right_arithmetic3A_513 = arith.shrsi %get3A_510, %shift_right_arithmetic3A_512 : vector<16xi32>
      %swap3A_514 = arith.constant 4 : i32
      %swap3A_515 = arith.index_cast %scan3A_92 : i32 to index
      %swap3A_516 = arith.index_cast %swap3A_514 : i32 to index
      %swap3A_517 = arith.constant 0 : index
      %swap3A_518 = tpu.vector_load %arg6[%swap3A_515, %swap3A_516, %swap3A_517] {strides = array<i32>} : memref<25x8x128xi32, #tpu.memory_space<vmem>>, vector<16xi32>,
      tpu.vector_store %arg6[%swap3A_515, %swap3A_516, %swap3A_517], %shift_right_arithmetic3A_513 {strides = array<i32>} : memref<25x8x128xi32, #tpu.memory_space<vmem>>, vector<16xi32>,
      %get3A_519 = arith.constant 4 : i32
      %get3A_520 = arith.index_cast %scan3A_92 : i32 to index
      %get3A_521 = arith.index_cast %get3A_519 : i32 to index
      %get3A_522 = arith.constant 16 : index
      %get3A_523 = tpu.vector_load %arg5[%get3A_520, %get3A_521, %get3A_522] {strides = array<i32>} : memref<25x8x128xi32, #tpu.memory_space<vmem>>, vector<16xi32>,
      %shift_right_arithmetic3A_524 = arith.constant 1 : i32
      %shift_right_arithmetic3A_525 = vector.broadcast %shift_right_arithmetic3A_524 : i32 to vector<16xi32>
      %shift_right_arithmetic3A_526 = arith.shrsi %get3A_523, %shift_right_arithmetic3A_525 : vector<16xi32>
      %swap3A_527 = arith.constant 4 : i32
      %swap3A_528 = arith.index_cast %scan3A_92 : i32 to index
      %swap3A_529 = arith.index_cast %swap3A_527 : i32 to index
      %swap3A_530 = arith.constant 16 : index
      %swap3A_531 = tpu.vector_load %arg6[%swap3A_528, %swap3A_529, %swap3A_530] {strides = array<i32>} : memref<25x8x128xi32, #tpu.memory_space<vmem>>, vector<16xi32>,
      tpu.vector_store %arg6[%swap3A_528, %swap3A_529, %swap3A_530], %shift_right_arithmetic3A_526 {strides = array<i32>} : memref<25x8x128xi32, #tpu.memory_space<vmem>>, vector<16xi32>,
      %get3A_532 = arith.constant 4 : i32
      %get3A_533 = arith.index_cast %scan3A_92 : i32 to index
      %get3A_534 = arith.index_cast %get3A_532 : i32 to index
      %get3A_535 = arith.constant 32 : index
      %get3A_536 = tpu.vector_load %arg5[%get3A_533, %get3A_534, %get3A_535] {strides = array<i32>} : memref<25x8x128xi32, #tpu.memory_space<vmem>>, vector<16xi32>,
      %shift_right_arithmetic3A_537 = arith.constant 1 : i32
      %shift_right_arithmetic3A_538 = vector.broadcast %shift_right_arithmetic3A_537 : i32 to vector<16xi32>
      %shift_right_arithmetic3A_539 = arith.shrsi %get3A_536, %shift_right_arithmetic3A_538 : vector<16xi32>
      %swap3A_540 = arith.constant 4 : i32
      %swap3A_541 = arith.index_cast %scan3A_92 : i32 to index
      %swap3A_542 = arith.index_cast %swap3A_540 : i32 to index
      %swap3A_543 = arith.constant 32 : index
      %swap3A_544 = tpu.vector_load %arg6[%swap3A_541, %swap3A_542, %swap3A_543] {strides = array<i32>} : memref<25x8x128xi32, #tpu.memory_space<vmem>>, vector<16xi32>,
      tpu.vector_store %arg6[%swap3A_541, %swap3A_542, %swap3A_543], %shift_right_arithmetic3A_539 {strides = array<i32>} : memref<25x8x128xi32, #tpu.memory_space<vmem>>, vector<16xi32>,
      %get3A_545 = arith.constant 4 : i32
      %get3A_546 = arith.index_cast %scan3A_92 : i32 to index
      %get3A_547 = arith.index_cast %get3A_545 : i32 to index
      %get3A_548 = arith.constant 48 : index
      %get3A_549 = tpu.vector_load %arg5[%get3A_546, %get3A_547, %get3A_548] {strides = array<i32>} : memref<25x8x128xi32, #tpu.memory_space<vmem>>, vector<16xi32>,
      %shift_right_arithmetic3A_550 = arith.constant 1 : i32
      %shift_right_arithmetic3A_551 = vector.broadcast %shift_right_arithmetic3A_550 : i32 to vector<16xi32>
      %shift_right_arithmetic3A_552 = arith.shrsi %get3A_549, %shift_right_arithmetic3A_551 : vector<16xi32>
      %swap3A_553 = arith.constant 4 : i32
      %swap3A_554 = arith.index_cast %scan3A_92 : i32 to index
      %swap3A_555 = arith.index_cast %swap3A_553 : i32 to index
      %swap3A_556 = arith.constant 48 : index
      %swap3A_557 = tpu.vector_load %arg6[%swap3A_554, %swap3A_555, %swap3A_556] {strides = array<i32>} : memref<25x8x128xi32, #tpu.memory_space<vmem>>, vector<16xi32>,
      tpu.vector_store %arg6[%swap3A_554, %swap3A_555, %swap3A_556], %shift_right_arithmetic3A_552 {strides = array<i32>} : memref<25x8x128xi32, #tpu.memory_space<vmem>>, vector<16xi32>,
      %get3A_558 = arith.constant 4 : i32
      %get3A_559 = arith.index_cast %scan3A_92 : i32 to index
      %get3A_560 = arith.index_cast %get3A_558 : i32 to index
      %get3A_561 = arith.constant 64 : index
      %get3A_562 = tpu.vector_load %arg5[%get3A_559, %get3A_560, %get3A_561] {strides = array<i32>} : memref<25x8x128xi32, #tpu.memory_space<vmem>>, vector<16xi32>,
      %shift_right_arithmetic3A_563 = arith.constant 1 : i32
      %shift_right_arithmetic3A_564 = vector.broadcast %shift_right_arithmetic3A_563 : i32 to vector<16xi32>
      %shift_right_arithmetic3A_565 = arith.shrsi %get3A_562, %shift_right_arithmetic3A_564 : vector<16xi32>
      %swap3A_566 = arith.constant 4 : i32
      %swap3A_567 = arith.index_cast %scan3A_92 : i32 to index
      %swap3A_568 = arith.index_cast %swap3A_566 : i32 to index
      %swap3A_569 = arith.constant 64 : index
      %swap3A_570 = tpu.vector_load %arg6[%swap3A_567, %swap3A_568, %swap3A_569] {strides = array<i32>} : memref<25x8x128xi32, #tpu.memory_space<vmem>>, vector<16xi32>,
      tpu.vector_store %arg6[%swap3A_567, %swap3A_568, %swap3A_569], %shift_right_arithmetic3A_565 {strides = array<i32>} : memref<25x8x128xi32, #tpu.memory_space<vmem>>, vector<16xi32>,
      %get3A_571 = arith.constant 4 : i32
      %get3A_572 = arith.index_cast %scan3A_92 : i32 to index
      %get3A_573 = arith.index_cast %get3A_571 : i32 to index
      %get3A_574 = arith.constant 80 : index
      %get3A_575 = tpu.vector_load %arg5[%get3A_572, %get3A_573, %get3A_574] {strides = array<i32>} : memref<25x8x128xi32, #tpu.memory_space<vmem>>, vector<16xi32>,
      %shift_right_arithmetic3A_576 = arith.constant 1 : i32
      %shift_right_arithmetic3A_577 = vector.broadcast %shift_right_arithmetic3A_576 : i32 to vector<16xi32>
      %shift_right_arithmetic3A_578 = arith.shrsi %get3A_575, %shift_right_arithmetic3A_577 : vector<16xi32>
      %swap3A_579 = arith.constant 4 : i32
      %swap3A_580 = arith.index_cast %scan3A_92 : i32 to index
      %swap3A_581 = arith.index_cast %swap3A_579 : i32 to index
      %swap3A_582 = arith.constant 80 : index
      %swap3A_583 = tpu.vector_load %arg6[%swap3A_580, %swap3A_581, %swap3A_582] {strides = array<i32>} : memref<25x8x128xi32, #tpu.memory_space<vmem>>, vector<16xi32>,
      tpu.vector_store %arg6[%swap3A_580, %swap3A_581, %swap3A_582], %shift_right_arithmetic3A_578 {strides = array<i32>} : memref<25x8x128xi32, #tpu.memory_space<vmem>>, vector<16xi32>,
      %get3A_584 = arith.constant 4 : i32
      %get3A_585 = arith.index_cast %scan3A_92 : i32 to index
      %get3A_586 = arith.index_cast %get3A_584 : i32 to index
      %get3A_587 = arith.constant 96 : index
      %get3A_588 = tpu.vector_load %arg5[%get3A_585, %get3A_586, %get3A_587] {strides = array<i32>} : memref<25x8x128xi32, #tpu.memory_space<vmem>>, vector<16xi32>,
      %shift_right_arithmetic3A_589 = arith.constant 1 : i32
      %shift_right_arithmetic3A_590 = vector.broadcast %shift_right_arithmetic3A_589 : i32 to vector<16xi32>
      %shift_right_arithmetic3A_591 = arith.shrsi %get3A_588, %shift_right_arithmetic3A_590 : vector<16xi32>
      %swap3A_592 = arith.constant 4 : i32
      %swap3A_593 = arith.index_cast %scan3A_92 : i32 to index
      %swap3A_594 = arith.index_cast %swap3A_592 : i32 to index
      %swap3A_595 = arith.constant 96 : index
      %swap3A_596 = tpu.vector_load %arg6[%swap3A_593, %swap3A_594, %swap3A_595] {strides = array<i32>} : memref<25x8x128xi32, #tpu.memory_space<vmem>>, vector<16xi32>,
      tpu.vector_store %arg6[%swap3A_593, %swap3A_594, %swap3A_595], %shift_right_arithmetic3A_591 {strides = array<i32>} : memref<25x8x128xi32, #tpu.memory_space<vmem>>, vector<16xi32>,
      %get3A_597 = arith.constant 4 : i32
      %get3A_598 = arith.index_cast %scan3A_92 : i32 to index
      %get3A_599 = arith.index_cast %get3A_597 : i32 to index
      %get3A_600 = arith.constant 112 : index
      %get3A_601 = tpu.vector_load %arg5[%get3A_598, %get3A_599, %get3A_600] {strides = array<i32>} : memref<25x8x128xi32, #tpu.memory_space<vmem>>, vector<16xi32>,
      %shift_right_arithmetic3A_602 = arith.constant 1 : i32
      %shift_right_arithmetic3A_603 = vector.broadcast %shift_right_arithmetic3A_602 : i32 to vector<16xi32>
      %shift_right_arithmetic3A_604 = arith.shrsi %get3A_601, %shift_right_arithmetic3A_603 : vector<16xi32>
      %swap3A_605 = arith.constant 4 : i32
      %swap3A_606 = arith.index_cast %scan3A_92 : i32 to index
      %swap3A_607 = arith.index_cast %swap3A_605 : i32 to index
      %swap3A_608 = arith.constant 112 : index
      %swap3A_609 = tpu.vector_load %arg6[%swap3A_606, %swap3A_607, %swap3A_608] {strides = array<i32>} : memref<25x8x128xi32, #tpu.memory_space<vmem>>, vector<16xi32>,
      tpu.vector_store %arg6[%swap3A_606, %swap3A_607, %swap3A_608], %shift_right_arithmetic3A_604 {strides = array<i32>} : memref<25x8x128xi32, #tpu.memory_space<vmem>>, vector<16xi32>,
      %get3A_610 = arith.constant 5 : i32
      %get3A_611 = arith.index_cast %scan3A_92 : i32 to index
      %get3A_612 = arith.index_cast %get3A_610 : i32 to index
      %get3A_613 = arith.constant 0 : index
      %get3A_614 = tpu.vector_load %arg5[%get3A_611, %get3A_612, %get3A_613] {strides = array<i32>} : memref<25x8x128xi32, #tpu.memory_space<vmem>>, vector<16xi32>,
      %shift_right_arithmetic3A_615 = arith.constant 1 : i32
      %shift_right_arithmetic3A_616 = vector.broadcast %shift_right_arithmetic3A_615 : i32 to vector<16xi32>
      %shift_right_arithmetic3A_617 = arith.shrsi %get3A_614, %shift_right_arithmetic3A_616 : vector<16xi32>
      %swap3A_618 = arith.constant 5 : i32
      %swap3A_619 = arith.index_cast %scan3A_92 : i32 to index
      %swap3A_620 = arith.index_cast %swap3A_618 : i32 to index
      %swap3A_621 = arith.constant 0 : index
      %swap3A_622 = tpu.vector_load %arg6[%swap3A_619, %swap3A_620, %swap3A_621] {strides = array<i32>} : memref<25x8x128xi32, #tpu.memory_space<vmem>>, vector<16xi32>,
      tpu.vector_store %arg6[%swap3A_619, %swap3A_620, %swap3A_621], %shift_right_arithmetic3A_617 {strides = array<i32>} : memref<25x8x128xi32, #tpu.memory_space<vmem>>, vector<16xi32>,
      %get3A_623 = arith.constant 5 : i32
      %get3A_624 = arith.index_cast %scan3A_92 : i32 to index
      %get3A_625 = arith.index_cast %get3A_623 : i32 to index
      %get3A_626 = arith.constant 16 : index
      %get3A_627 = tpu.vector_load %arg5[%get3A_624, %get3A_625, %get3A_626] {strides = array<i32>} : memref<25x8x128xi32, #tpu.memory_space<vmem>>, vector<16xi32>,
      %shift_right_arithmetic3A_628 = arith.constant 1 : i32
      %shift_right_arithmetic3A_629 = vector.broadcast %shift_right_arithmetic3A_628 : i32 to vector<16xi32>
      %shift_right_arithmetic3A_630 = arith.shrsi %get3A_627, %shift_right_arithmetic3A_629 : vector<16xi32>
      %swap3A_631 = arith.constant 5 : i32
      %swap3A_632 = arith.index_cast %scan3A_92 : i32 to index
      %swap3A_633 = arith.index_cast %swap3A_631 : i32 to index
      %swap3A_634 = arith.constant 16 : index
      %swap3A_635 = tpu.vector_load %arg6[%swap3A_632, %swap3A_633, %swap3A_634] {strides = array<i32>} : memref<25x8x128xi32, #tpu.memory_space<vmem>>, vector<16xi32>,
      tpu.vector_store %arg6[%swap3A_632, %swap3A_633, %swap3A_634], %shift_right_arithmetic3A_630 {strides = array<i32>} : memref<25x8x128xi32, #tpu.memory_space<vmem>>, vector<16xi32>,
      %get3A_636 = arith.constant 5 : i32
      %get3A_637 = arith.index_cast %scan3A_92 : i32 to index
      %get3A_638 = arith.index_cast %get3A_636 : i32 to index
      %get3A_639 = arith.constant 32 : index
      %get3A_640 = tpu.vector_load %arg5[%get3A_637, %get3A_638, %get3A_639] {strides = array<i32>} : memref<25x8x128xi32, #tpu.memory_space<vmem>>, vector<16xi32>,
      %shift_right_arithmetic3A_641 = arith.constant 1 : i32
      %shift_right_arithmetic3A_642 = vector.broadcast %shift_right_arithmetic3A_641 : i32 to vector<16xi32>
      %shift_right_arithmetic3A_643 = arith.shrsi %get3A_640, %shift_right_arithmetic3A_642 : vector<16xi32>
      %swap3A_644 = arith.constant 5 : i32
      %swap3A_645 = arith.index_cast %scan3A_92 : i32 to index
      %swap3A_646 = arith.index_cast %swap3A_644 : i32 to index
      %swap3A_647 = arith.constant 32 : index
      %swap3A_648 = tpu.vector_load %arg6[%swap3A_645, %swap3A_646, %swap3A_647] {strides = array<i32>} : memref<25x8x128xi32, #tpu.memory_space<vmem>>, vector<16xi32>,
      tpu.vector_store %arg6[%swap3A_645, %swap3A_646, %swap3A_647], %shift_right_arithmetic3A_643 {strides = array<i32>} : memref<25x8x128xi32, #tpu.memory_space<vmem>>, vector<16xi32>,
      %get3A_649 = arith.constant 5 : i32
      %get3A_650 = arith.index_cast %scan3A_92 : i32 to index
      %get3A_651 = arith.index_cast %get3A_649 : i32 to index
      %get3A_652 = arith.constant 48 : index
      %get3A_653 = tpu.vector_load %arg5[%get3A_650, %get3A_651, %get3A_652] {strides = array<i32>} : memref<25x8x128xi32, #tpu.memory_space<vmem>>, vector<16xi32>,
      %shift_right_arithmetic3A_654 = arith.constant 1 : i32
      %shift_right_arithmetic3A_655 = vector.broadcast %shift_right_arithmetic3A_654 : i32 to vector<16xi32>
      %shift_right_arithmetic3A_656 = arith.shrsi %get3A_653, %shift_right_arithmetic3A_655 : vector<16xi32>
      %swap3A_657 = arith.constant 5 : i32
      %swap3A_658 = arith.index_cast %scan3A_92 : i32 to index
      %swap3A_659 = arith.index_cast %swap3A_657 : i32 to index
      %swap3A_660 = arith.constant 48 : index
      %swap3A_661 = tpu.vector_load %arg6[%swap3A_658, %swap3A_659, %swap3A_660] {strides = array<i32>} : memref<25x8x128xi32, #tpu.memory_space<vmem>>, vector<16xi32>,
      tpu.vector_store %arg6[%swap3A_658, %swap3A_659, %swap3A_660], %shift_right_arithmetic3A_656 {strides = array<i32>} : memref<25x8x128xi32, #tpu.memory_space<vmem>>, vector<16xi32>,
      %get3A_662 = arith.constant 5 : i32
      %get3A_663 = arith.index_cast %scan3A_92 : i32 to index
      %get3A_664 = arith.index_cast %get3A_662 : i32 to index
      %get3A_665 = arith.constant 64 : index
      %get3A_666 = tpu.vector_load %arg5[%get3A_663, %get3A_664, %get3A_665] {strides = array<i32>} : memref<25x8x128xi32, #tpu.memory_space<vmem>>, vector<16xi32>,
      %shift_right_arithmetic3A_667 = arith.constant 1 : i32
      %shift_right_arithmetic3A_668 = vector.broadcast %shift_right_arithmetic3A_667 : i32 to vector<16xi32>
      %shift_right_arithmetic3A_669 = arith.shrsi %get3A_666, %shift_right_arithmetic3A_668 : vector<16xi32>
      %swap3A_670 = arith.constant 5 : i32
      %swap3A_671 = arith.index_cast %scan3A_92 : i32 to index
      %swap3A_672 = arith.index_cast %swap3A_670 : i32 to index
      %swap3A_673 = arith.constant 64 : index
      %swap3A_674 = tpu.vector_load %arg6[%swap3A_671, %swap3A_672, %swap3A_673] {strides = array<i32>} : memref<25x8x128xi32, #tpu.memory_space<vmem>>, vector<16xi32>,
      tpu.vector_store %arg6[%swap3A_671, %swap3A_672, %swap3A_673], %shift_right_arithmetic3A_669 {strides = array<i32>} : memref<25x8x128xi32, #tpu.memory_space<vmem>>, vector<16xi32>,
      %get3A_675 = arith.constant 5 : i32
      %get3A_676 = arith.index_cast %scan3A_92 : i32 to index
      %get3A_677 = arith.index_cast %get3A_675 : i32 to index
      %get3A_678 = arith.constant 80 : index
      %get3A_679 = tpu.vector_load %arg5[%get3A_676, %get3A_677, %get3A_678] {strides = array<i32>} : memref<25x8x128xi32, #tpu.memory_space<vmem>>, vector<16xi32>,
      %shift_right_arithmetic3A_680 = arith.constant 1 : i32
      %shift_right_arithmetic3A_681 = vector.broadcast %shift_right_arithmetic3A_680 : i32 to vector<16xi32>
      %shift_right_arithmetic3A_682 = arith.shrsi %get3A_679, %shift_right_arithmetic3A_681 : vector<16xi32>
      %swap3A_683 = arith.constant 5 : i32
      %swap3A_684 = arith.index_cast %scan3A_92 : i32 to index
      %swap3A_685 = arith.index_cast %swap3A_683 : i32 to index
      %swap3A_686 = arith.constant 80 : index
      %swap3A_687 = tpu.vector_load %arg6[%swap3A_684, %swap3A_685, %swap3A_686] {strides = array<i32>} : memref<25x8x128xi32, #tpu.memory_space<vmem>>, vector<16xi32>,
      tpu.vector_store %arg6[%swap3A_684, %swap3A_685, %swap3A_686], %shift_right_arithmetic3A_682 {strides = array<i32>} : memref<25x8x128xi32, #tpu.memory_space<vmem>>, vector<16xi32>,
      %get3A_688 = arith.constant 5 : i32
      %get3A_689 = arith.index_cast %scan3A_92 : i32 to index
      %get3A_690 = arith.index_cast %get3A_688 : i32 to index
      %get3A_691 = arith.constant 96 : index
      %get3A_692 = tpu.vector_load %arg5[%get3A_689, %get3A_690, %get3A_691] {strides = array<i32>} : memref<25x8x128xi32, #tpu.memory_space<vmem>>, vector<16xi32>,
      %shift_right_arithmetic3A_693 = arith.constant 1 : i32
      %shift_right_arithmetic3A_694 = vector.broadcast %shift_right_arithmetic3A_693 : i32 to vector<16xi32>
      %shift_right_arithmetic3A_695 = arith.shrsi %get3A_692, %shift_right_arithmetic3A_694 : vector<16xi32>
      %swap3A_696 = arith.constant 5 : i32
      %swap3A_697 = arith.index_cast %scan3A_92 : i32 to index
      %swap3A_698 = arith.index_cast %swap3A_696 : i32 to index
      %swap3A_699 = arith.constant 96 : index
      %swap3A_700 = tpu.vector_load %arg6[%swap3A_697, %swap3A_698, %swap3A_699] {strides = array<i32>} : memref<25x8x128xi32, #tpu.memory_space<vmem>>, vector<16xi32>,
      tpu.vector_store %arg6[%swap3A_697, %swap3A_698, %swap3A_699], %shift_right_arithmetic3A_695 {strides = array<i32>} : memref<25x8x128xi32, #tpu.memory_space<vmem>>, vector<16xi32>,
      %get3A_701 = arith.constant 5 : i32
      %get3A_702 = arith.index_cast %scan3A_92 : i32 to index
      %get3A_703 = arith.index_cast %get3A_701 : i32 to index
      %get3A_704 = arith.constant 112 : index
      %get3A_705 = tpu.vector_load %arg5[%get3A_702, %get3A_703, %get3A_704] {strides = array<i32>} : memref<25x8x128xi32, #tpu.memory_space<vmem>>, vector<16xi32>,
      %shift_right_arithmetic3A_706 = arith.constant 1 : i32
      %shift_right_arithmetic3A_707 = vector.broadcast %shift_right_arithmetic3A_706 : i32 to vector<16xi32>
      %shift_right_arithmetic3A_708 = arith.shrsi %get3A_705, %shift_right_arithmetic3A_707 : vector<16xi32>
      %swap3A_709 = arith.constant 5 : i32
      %swap3A_710 = arith.index_cast %scan3A_92 : i32 to index
      %swap3A_711 = arith.index_cast %swap3A_709 : i32 to index
      %swap3A_712 = arith.constant 112 : index
      %swap3A_713 = tpu.vector_load %arg6[%swap3A_710, %swap3A_711, %swap3A_712] {strides = array<i32>} : memref<25x8x128xi32, #tpu.memory_space<vmem>>, vector<16xi32>,
      tpu.vector_store %arg6[%swap3A_710, %swap3A_711, %swap3A_712], %shift_right_arithmetic3A_708 {strides = array<i32>} : memref<25x8x128xi32, #tpu.memory_space<vmem>>, vector<16xi32>,
      %get3A_714 = arith.constant 6 : i32
      %get3A_715 = arith.index_cast %scan3A_92 : i32 to index
      %get3A_716 = arith.index_cast %get3A_714 : i32 to index
      %get3A_717 = arith.constant 0 : index
      %get3A_718 = tpu.vector_load %arg5[%get3A_715, %get3A_716, %get3A_717] {strides = array<i32>} : memref<25x8x128xi32, #tpu.memory_space<vmem>>, vector<16xi32>,
      %shift_right_arithmetic3A_719 = arith.constant 1 : i32
      %shift_right_arithmetic3A_720 = vector.broadcast %shift_right_arithmetic3A_719 : i32 to vector<16xi32>
      %shift_right_arithmetic3A_721 = arith.shrsi %get3A_718, %shift_right_arithmetic3A_720 : vector<16xi32>
      %swap3A_722 = arith.constant 6 : i32
      %swap3A_723 = arith.index_cast %scan3A_92 : i32 to index
      %swap3A_724 = arith.index_cast %swap3A_722 : i32 to index
      %swap3A_725 = arith.constant 0 : index
      %swap3A_726 = tpu.vector_load %arg6[%swap3A_723, %swap3A_724, %swap3A_725] {strides = array<i32>} : memref<25x8x128xi32, #tpu.memory_space<vmem>>, vector<16xi32>,
      tpu.vector_store %arg6[%swap3A_723, %swap3A_724, %swap3A_725], %shift_right_arithmetic3A_721 {strides = array<i32>} : memref<25x8x128xi32, #tpu.memory_space<vmem>>, vector<16xi32>,
      %get3A_727 = arith.constant 6 : i32
      %get3A_728 = arith.index_cast %scan3A_92 : i32 to index
      %get3A_729 = arith.index_cast %get3A_727 : i32 to index
      %get3A_730 = arith.constant 16 : index
      %get3A_731 = tpu.vector_load %arg5[%get3A_728, %get3A_729, %get3A_730] {strides = array<i32>} : memref<25x8x128xi32, #tpu.memory_space<vmem>>, vector<16xi32>,
      %shift_right_arithmetic3A_732 = arith.constant 1 : i32
      %shift_right_arithmetic3A_733 = vector.broadcast %shift_right_arithmetic3A_732 : i32 to vector<16xi32>
      %shift_right_arithmetic3A_734 = arith.shrsi %get3A_731, %shift_right_arithmetic3A_733 : vector<16xi32>
      %swap3A_735 = arith.constant 6 : i32
      %swap3A_736 = arith.index_cast %scan3A_92 : i32 to index
      %swap3A_737 = arith.index_cast %swap3A_735 : i32 to index
      %swap3A_738 = arith.constant 16 : index
      %swap3A_739 = tpu.vector_load %arg6[%swap3A_736, %swap3A_737, %swap3A_738] {strides = array<i32>} : memref<25x8x128xi32, #tpu.memory_space<vmem>>, vector<16xi32>,
      tpu.vector_store %arg6[%swap3A_736, %swap3A_737, %swap3A_738], %shift_right_arithmetic3A_734 {strides = array<i32>} : memref<25x8x128xi32, #tpu.memory_space<vmem>>, vector<16xi32>,
      %get3A_740 = arith.constant 6 : i32
      %get3A_741 = arith.index_cast %scan3A_92 : i32 to index
      %get3A_742 = arith.index_cast %get3A_740 : i32 to index
      %get3A_743 = arith.constant 32 : index
      %get3A_744 = tpu.vector_load %arg5[%get3A_741, %get3A_742, %get3A_743] {strides = array<i32>} : memref<25x8x128xi32, #tpu.memory_space<vmem>>, vector<16xi32>,
      %shift_right_arithmetic3A_745 = arith.constant 1 : i32
      %shift_right_arithmetic3A_746 = vector.broadcast %shift_right_arithmetic3A_745 : i32 to vector<16xi32>
      %shift_right_arithmetic3A_747 = arith.shrsi %get3A_744, %shift_right_arithmetic3A_746 : vector<16xi32>
      %swap3A_748 = arith.constant 6 : i32
      %swap3A_749 = arith.index_cast %scan3A_92 : i32 to index
      %swap3A_750 = arith.index_cast %swap3A_748 : i32 to index
      %swap3A_751 = arith.constant 32 : index
      %swap3A_752 = tpu.vector_load %arg6[%swap3A_749, %swap3A_750, %swap3A_751] {strides = array<i32>} : memref<25x8x128xi32, #tpu.memory_space<vmem>>, vector<16xi32>,
      tpu.vector_store %arg6[%swap3A_749, %swap3A_750, %swap3A_751], %shift_right_arithmetic3A_747 {strides = array<i32>} : memref<25x8x128xi32, #tpu.memory_space<vmem>>, vector<16xi32>,
      %get3A_753 = arith.constant 6 : i32
      %get3A_754 = arith.index_cast %scan3A_92 : i32 to index
      %get3A_755 = arith.index_cast %get3A_753 : i32 to index
      %get3A_756 = arith.constant 48 : index
      %get3A_757 = tpu.vector_load %arg5[%get3A_754, %get3A_755, %get3A_756] {strides = array<i32>} : memref<25x8x128xi32, #tpu.memory_space<vmem>>, vector<16xi32>,
      %shift_right_arithmetic3A_758 = arith.constant 1 : i32
      %shift_right_arithmetic3A_759 = vector.broadcast %shift_right_arithmetic3A_758 : i32 to vector<16xi32>
      %shift_right_arithmetic3A_760 = arith.shrsi %get3A_757, %shift_right_arithmetic3A_759 : vector<16xi32>
      %swap3A_761 = arith.constant 6 : i32
      %swap3A_762 = arith.index_cast %scan3A_92 : i32 to index
      %swap3A_763 = arith.index_cast %swap3A_761 : i32 to index
      %swap3A_764 = arith.constant 48 : index
      %swap3A_765 = tpu.vector_load %arg6[%swap3A_762, %swap3A_763, %swap3A_764] {strides = array<i32>} : memref<25x8x128xi32, #tpu.memory_space<vmem>>, vector<16xi32>,
      tpu.vector_store %arg6[%swap3A_762, %swap3A_763, %swap3A_764], %shift_right_arithmetic3A_760 {strides = array<i32>} : memref<25x8x128xi32, #tpu.memory_space<vmem>>, vector<16xi32>,
      %get3A_766 = arith.constant 6 : i32
      %get3A_767 = arith.index_cast %scan3A_92 : i32 to index
      %get3A_768 = arith.index_cast %get3A_766 : i32 to index
      %get3A_769 = arith.constant 64 : index
      %get3A_770 = tpu.vector_load %arg5[%get3A_767, %get3A_768, %get3A_769] {strides = array<i32>} : memref<25x8x128xi32, #tpu.memory_space<vmem>>, vector<16xi32>,
      %shift_right_arithmetic3A_771 = arith.constant 1 : i32
      %shift_right_arithmetic3A_772 = vector.broadcast %shift_right_arithmetic3A_771 : i32 to vector<16xi32>
      %shift_right_arithmetic3A_773 = arith.shrsi %get3A_770, %shift_right_arithmetic3A_772 : vector<16xi32>
      %swap3A_774 = arith.constant 6 : i32
      %swap3A_775 = arith.index_cast %scan3A_92 : i32 to index
      %swap3A_776 = arith.index_cast %swap3A_774 : i32 to index
      %swap3A_777 = arith.constant 64 : index
      %swap3A_778 = tpu.vector_load %arg6[%swap3A_775, %swap3A_776, %swap3A_777] {strides = array<i32>} : memref<25x8x128xi32, #tpu.memory_space<vmem>>, vector<16xi32>,
      tpu.vector_store %arg6[%swap3A_775, %swap3A_776, %swap3A_777], %shift_right_arithmetic3A_773 {strides = array<i32>} : memref<25x8x128xi32, #tpu.memory_space<vmem>>, vector<16xi32>,
      %get3A_779 = arith.constant 6 : i32
      %get3A_780 = arith.index_cast %scan3A_92 : i32 to index
      %get3A_781 = arith.index_cast %get3A_779 : i32 to index
      %get3A_782 = arith.constant 80 : index
      %get3A_783 = tpu.vector_load %arg5[%get3A_780, %get3A_781, %get3A_782] {strides = array<i32>} : memref<25x8x128xi32, #tpu.memory_space<vmem>>, vector<16xi32>,
      %shift_right_arithmetic3A_784 = arith.constant 1 : i32
      %shift_right_arithmetic3A_785 = vector.broadcast %shift_right_arithmetic3A_784 : i32 to vector<16xi32>
      %shift_right_arithmetic3A_786 = arith.shrsi %get3A_783, %shift_right_arithmetic3A_785 : vector<16xi32>
      %swap3A_787 = arith.constant 6 : i32
      %swap3A_788 = arith.index_cast %scan3A_92 : i32 to index
      %swap3A_789 = arith.index_cast %swap3A_787 : i32 to index
      %swap3A_790 = arith.constant 80 : index
      %swap3A_791 = tpu.vector_load %arg6[%swap3A_788, %swap3A_789, %swap3A_790] {strides = array<i32>} : memref<25x8x128xi32, #tpu.memory_space<vmem>>, vector<16xi32>,
      tpu.vector_store %arg6[%swap3A_788, %swap3A_789, %swap3A_790], %shift_right_arithmetic3A_786 {strides = array<i32>} : memref<25x8x128xi32, #tpu.memory_space<vmem>>, vector<16xi32>,
      %get3A_792 = arith.constant 6 : i32
      %get3A_793 = arith.index_cast %scan3A_92 : i32 to index
      %get3A_794 = arith.index_cast %get3A_792 : i32 to index
      %get3A_795 = arith.constant 96 : index
      %get3A_796 = tpu.vector_load %arg5[%get3A_793, %get3A_794, %get3A_795] {strides = array<i32>} : memref<25x8x128xi32, #tpu.memory_space<vmem>>, vector<16xi32>,
      %shift_right_arithmetic3A_797 = arith.constant 1 : i32
      %shift_right_arithmetic3A_798 = vector.broadcast %shift_right_arithmetic3A_797 : i32 to vector<16xi32>
      %shift_right_arithmetic3A_799 = arith.shrsi %get3A_796, %shift_right_arithmetic3A_798 : vector<16xi32>
      %swap3A_800 = arith.constant 6 : i32
      %swap3A_801 = arith.index_cast %scan3A_92 : i32 to index
      %swap3A_802 = arith.index_cast %swap3A_800 : i32 to index
      %swap3A_803 = arith.constant 96 : index
      %swap3A_804 = tpu.vector_load %arg6[%swap3A_801, %swap3A_802, %swap3A_803] {strides = array<i32>} : memref<25x8x128xi32, #tpu.memory_space<vmem>>, vector<16xi32>,
      tpu.vector_store %arg6[%swap3A_801, %swap3A_802, %swap3A_803], %shift_right_arithmetic3A_799 {strides = array<i32>} : memref<25x8x128xi32, #tpu.memory_space<vmem>>, vector<16xi32>,
      %get3A_805 = arith.constant 6 : i32
      %get3A_806 = arith.index_cast %scan3A_92 : i32 to index
      %get3A_807 = arith.index_cast %get3A_805 : i32 to index
      %get3A_808 = arith.constant 112 : index
      %get3A_809 = tpu.vector_load %arg5[%get3A_806, %get3A_807, %get3A_808] {strides = array<i32>} : memref<25x8x128xi32, #tpu.memory_space<vmem>>, vector<16xi32>,
      %shift_right_arithmetic3A_810 = arith.constant 1 : i32
      %shift_right_arithmetic3A_811 = vector.broadcast %shift_right_arithmetic3A_810 : i32 to vector<16xi32>
      %shift_right_arithmetic3A_812 = arith.shrsi %get3A_809, %shift_right_arithmetic3A_811 : vector<16xi32>
      %swap3A_813 = arith.constant 6 : i32
      %swap3A_814 = arith.index_cast %scan3A_92 : i32 to index
      %swap3A_815 = arith.index_cast %swap3A_813 : i32 to index
      %swap3A_816 = arith.constant 112 : index
      %swap3A_817 = tpu.vector_load %arg6[%swap3A_814, %swap3A_815, %swap3A_816] {strides = array<i32>} : memref<25x8x128xi32, #tpu.memory_space<vmem>>, vector<16xi32>,
      tpu.vector_store %arg6[%swap3A_814, %swap3A_815, %swap3A_816], %shift_right_arithmetic3A_812 {strides = array<i32>} : memref<25x8x128xi32, #tpu.memory_space<vmem>>, vector<16xi32>,
      %get3A_818 = arith.constant 7 : i32
      %get3A_819 = arith.index_cast %scan3A_92 : i32 to index
      %get3A_820 = arith.index_cast %get3A_818 : i32 to index
      %get3A_821 = arith.constant 0 : index
      %get3A_822 = tpu.vector_load %arg5[%get3A_819, %get3A_820, %get3A_821] {strides = array<i32>} : memref<25x8x128xi32, #tpu.memory_space<vmem>>, vector<16xi32>,
      %shift_right_arithmetic3A_823 = arith.constant 1 : i32
      %shift_right_arithmetic3A_824 = vector.broadcast %shift_right_arithmetic3A_823 : i32 to vector<16xi32>
      %shift_right_arithmetic3A_825 = arith.shrsi %get3A_822, %shift_right_arithmetic3A_824 : vector<16xi32>
      %swap3A_826 = arith.constant 7 : i32
      %swap3A_827 = arith.index_cast %scan3A_92 : i32 to index
      %swap3A_828 = arith.index_cast %swap3A_826 : i32 to index
      %swap3A_829 = arith.constant 0 : index
      %swap3A_830 = tpu.vector_load %arg6[%swap3A_827, %swap3A_828, %swap3A_829] {strides = array<i32>} : memref<25x8x128xi32, #tpu.memory_space<vmem>>, vector<16xi32>,
      tpu.vector_store %arg6[%swap3A_827, %swap3A_828, %swap3A_829], %shift_right_arithmetic3A_825 {strides = array<i32>} : memref<25x8x128xi32, #tpu.memory_space<vmem>>, vector<16xi32>,
      %get3A_831 = arith.constant 7 : i32
      %get3A_832 = arith.index_cast %scan3A_92 : i32 to index
      %get3A_833 = arith.index_cast %get3A_831 : i32 to index
      %get3A_834 = arith.constant 16 : index
      %get3A_835 = tpu.vector_load %arg5[%get3A_832, %get3A_833, %get3A_834] {strides = array<i32>} : memref<25x8x128xi32, #tpu.memory_space<vmem>>, vector<16xi32>,
      %shift_right_arithmetic3A_836 = arith.constant 1 : i32
      %shift_right_arithmetic3A_837 = vector.broadcast %shift_right_arithmetic3A_836 : i32 to vector<16xi32>
      %shift_right_arithmetic3A_838 = arith.shrsi %get3A_835, %shift_right_arithmetic3A_837 : vector<16xi32>
      %swap3A_839 = arith.constant 7 : i32
      %swap3A_840 = arith.index_cast %scan3A_92 : i32 to index
      %swap3A_841 = arith.index_cast %swap3A_839 : i32 to index
      %swap3A_842 = arith.constant 16 : index
      %swap3A_843 = tpu.vector_load %arg6[%swap3A_840, %swap3A_841, %swap3A_842] {strides = array<i32>} : memref<25x8x128xi32, #tpu.memory_space<vmem>>, vector<16xi32>,
      tpu.vector_store %arg6[%swap3A_840, %swap3A_841, %swap3A_842], %shift_right_arithmetic3A_838 {strides = array<i32>} : memref<25x8x128xi32, #tpu.memory_space<vmem>>, vector<16xi32>,
      %get3A_844 = arith.constant 7 : i32
      %get3A_845 = arith.index_cast %scan3A_92 : i32 to index
      %get3A_846 = arith.index_cast %get3A_844 : i32 to index
      %get3A_847 = arith.constant 32 : index
      %get3A_848 = tpu.vector_load %arg5[%get3A_845, %get3A_846, %get3A_847] {strides = array<i32>} : memref<25x8x128xi32, #tpu.memory_space<vmem>>, vector<16xi32>,
      %shift_right_arithmetic3A_849 = arith.constant 1 : i32
      %shift_right_arithmetic3A_850 = vector.broadcast %shift_right_arithmetic3A_849 : i32 to vector<16xi32>
      %shift_right_arithmetic3A_851 = arith.shrsi %get3A_848, %shift_right_arithmetic3A_850 : vector<16xi32>
      %swap3A_852 = arith.constant 7 : i32
      %swap3A_853 = arith.index_cast %scan3A_92 : i32 to index
      %swap3A_854 = arith.index_cast %swap3A_852 : i32 to index
      %swap3A_855 = arith.constant 32 : index
      %swap3A_856 = tpu.vector_load %arg6[%swap3A_853, %swap3A_854, %swap3A_855] {strides = array<i32>} : memref<25x8x128xi32, #tpu.memory_space<vmem>>, vector<16xi32>,
      tpu.vector_store %arg6[%swap3A_853, %swap3A_854, %swap3A_855], %shift_right_arithmetic3A_851 {strides = array<i32>} : memref<25x8x128xi32, #tpu.memory_space<vmem>>, vector<16xi32>,
      %get3A_857 = arith.constant 7 : i32
      %get3A_858 = arith.index_cast %scan3A_92 : i32 to index
      %get3A_859 = arith.index_cast %get3A_857 : i32 to index
      %get3A_860 = arith.constant 48 : index
      %get3A_861 = tpu.vector_load %arg5[%get3A_858, %get3A_859, %get3A_860] {strides = array<i32>} : memref<25x8x128xi32, #tpu.memory_space<vmem>>, vector<16xi32>,
      %shift_right_arithmetic3A_862 = arith.constant 1 : i32
      %shift_right_arithmetic3A_863 = vector.broadcast %shift_right_arithmetic3A_862 : i32 to vector<16xi32>
      %shift_right_arithmetic3A_864 = arith.shrsi %get3A_861, %shift_right_arithmetic3A_863 : vector<16xi32>
      %swap3A_865 = arith.constant 7 : i32
      %swap3A_866 = arith.index_cast %scan3A_92 : i32 to index
      %swap3A_867 = arith.index_cast %swap3A_865 : i32 to index
      %swap3A_868 = arith.constant 48 : index
      %swap3A_869 = tpu.vector_load %arg6[%swap3A_866, %swap3A_867, %swap3A_868] {strides = array<i32>} : memref<25x8x128xi32, #tpu.memory_space<vmem>>, vector<16xi32>,
      tpu.vector_store %arg6[%swap3A_866, %swap3A_867, %swap3A_868], %shift_right_arithmetic3A_864 {strides = array<i32>} : memref<25x8x128xi32, #tpu.memory_space<vmem>>, vector<16xi32>,
      %get3A_870 = arith.constant 7 : i32
      %get3A_871 = arith.index_cast %scan3A_92 : i32 to index
      %get3A_872 = arith.index_cast %get3A_870 : i32 to index
      %get3A_873 = arith.constant 64 : index
      %get3A_874 = tpu.vector_load %arg5[%get3A_871, %get3A_872, %get3A_873] {strides = array<i32>} : memref<25x8x128xi32, #tpu.memory_space<vmem>>, vector<16xi32>,
      %shift_right_arithmetic3A_875 = arith.constant 1 : i32
      %shift_right_arithmetic3A_876 = vector.broadcast %shift_right_arithmetic3A_875 : i32 to vector<16xi32>
      %shift_right_arithmetic3A_877 = arith.shrsi %get3A_874, %shift_right_arithmetic3A_876 : vector<16xi32>
      %swap3A_878 = arith.constant 7 : i32
      %swap3A_879 = arith.index_cast %scan3A_92 : i32 to index
      %swap3A_880 = arith.index_cast %swap3A_878 : i32 to index
      %swap3A_881 = arith.constant 64 : index
      %swap3A_882 = tpu.vector_load %arg6[%swap3A_879, %swap3A_880, %swap3A_881] {strides = array<i32>} : memref<25x8x128xi32, #tpu.memory_space<vmem>>, vector<16xi32>,
      tpu.vector_store %arg6[%swap3A_879, %swap3A_880, %swap3A_881], %shift_right_arithmetic3A_877 {strides = array<i32>} : memref<25x8x128xi32, #tpu.memory_space<vmem>>, vector<16xi32>,
      %get3A_883 = arith.constant 7 : i32
      %get3A_884 = arith.index_cast %scan3A_92 : i32 to index
      %get3A_885 = arith.index_cast %get3A_883 : i32 to index
      %get3A_886 = arith.constant 80 : index
      %get3A_887 = tpu.vector_load %arg5[%get3A_884, %get3A_885, %get3A_886] {strides = array<i32>} : memref<25x8x128xi32, #tpu.memory_space<vmem>>, vector<16xi32>,
      %shift_right_arithmetic3A_888 = arith.constant 1 : i32
      %shift_right_arithmetic3A_889 = vector.broadcast %shift_right_arithmetic3A_888 : i32 to vector<16xi32>
      %shift_right_arithmetic3A_890 = arith.shrsi %get3A_887, %shift_right_arithmetic3A_889 : vector<16xi32>
      %swap3A_891 = arith.constant 7 : i32
      %swap3A_892 = arith.index_cast %scan3A_92 : i32 to index
      %swap3A_893 = arith.index_cast %swap3A_891 : i32 to index
      %swap3A_894 = arith.constant 80 : index
      %swap3A_895 = tpu.vector_load %arg6[%swap3A_892, %swap3A_893, %swap3A_894] {strides = array<i32>} : memref<25x8x128xi32, #tpu.memory_space<vmem>>, vector<16xi32>,
      tpu.vector_store %arg6[%swap3A_892, %swap3A_893, %swap3A_894], %shift_right_arithmetic3A_890 {strides = array<i32>} : memref<25x8x128xi32, #tpu.memory_space<vmem>>, vector<16xi32>,
      %get3A_896 = arith.constant 7 : i32
      %get3A_897 = arith.index_cast %scan3A_92 : i32 to index
      %get3A_898 = arith.index_cast %get3A_896 : i32 to index
      %get3A_899 = arith.constant 96 : index
      %get3A_900 = tpu.vector_load %arg5[%get3A_897, %get3A_898, %get3A_899] {strides = array<i32>} : memref<25x8x128xi32, #tpu.memory_space<vmem>>, vector<16xi32>,
      %shift_right_arithmetic3A_901 = arith.constant 1 : i32
      %shift_right_arithmetic3A_902 = vector.broadcast %shift_right_arithmetic3A_901 : i32 to vector<16xi32>
      %shift_right_arithmetic3A_903 = arith.shrsi %get3A_900, %shift_right_arithmetic3A_902 : vector<16xi32>
      %swap3A_904 = arith.constant 7 : i32
      %swap3A_905 = arith.index_cast %scan3A_92 : i32 to index
      %swap3A_906 = arith.index_cast %swap3A_904 : i32 to index
      %swap3A_907 = arith.constant 96 : index
      %swap3A_908 = tpu.vector_load %arg6[%swap3A_905, %swap3A_906, %swap3A_907] {strides = array<i32>} : memref<25x8x128xi32, #tpu.memory_space<vmem>>, vector<16xi32>,
      tpu.vector_store %arg6[%swap3A_905, %swap3A_906, %swap3A_907], %shift_right_arithmetic3A_903 {strides = array<i32>} : memref<25x8x128xi32, #tpu.memory_space<vmem>>, vector<16xi32>,
      %get3A_909 = arith.constant 7 : i32
      %get3A_910 = arith.index_cast %scan3A_92 : i32 to index
      %get3A_911 = arith.index_cast %get3A_909 : i32 to index
      %get3A_912 = arith.constant 112 : index
      %get3A_913 = tpu.vector_load %arg5[%get3A_910, %get3A_911, %get3A_912] {strides = array<i32>} : memref<25x8x128xi32, #tpu.memory_space<vmem>>, vector<16xi32>,
      %shift_right_arithmetic3A_914 = arith.constant 1 : i32
      %shift_right_arithmetic3A_915 = vector.broadcast %shift_right_arithmetic3A_914 : i32 to vector<16xi32>
      %shift_right_arithmetic3A_916 = arith.shrsi %get3A_913, %shift_right_arithmetic3A_915 : vector<16xi32>
      %swap3A_917 = arith.constant 7 : i32
      %swap3A_918 = arith.index_cast %scan3A_92 : i32 to index
      %swap3A_919 = arith.index_cast %swap3A_917 : i32 to index
      %swap3A_920 = arith.constant 112 : index
      %swap3A_921 = tpu.vector_load %arg6[%swap3A_918, %swap3A_919, %swap3A_920] {strides = array<i32>} : memref<25x8x128xi32, #tpu.memory_space<vmem>>, vector<16xi32>,
      tpu.vector_store %arg6[%swap3A_918, %swap3A_919, %swap3A_920], %shift_right_arithmetic3A_916 {strides = array<i32>} : memref<25x8x128xi32, #tpu.memory_space<vmem>>, vector<16xi32>,
    }
    %scan3A_5 = arith.constant 25 : i32
    %dma_start3A = arith.constant 0 : i32
    %dma_start3A_6 = arith.constant 0 : i32
    %dma_start3A_7 = arith.constant 0 : i32
    %dma_start3A_8 = arith.constant 0 : i32
    %dma_start3A_9 = arith.constant 0 : i32
    %dma_start3A_10 = arith.constant 0 : i32
    %dma_start3A_11 = tpu.memref_slice %arg7[%dma_start3A_7, %dma_start3A_9, %dma_start3A_10] : memref<2x128x128xf32, #tpu.memory_space<vmem>> -> memref<1x128x128xf32, #tpu.memory_space<vmem>>
    %dma_start3A_12 = tpu.memref_squeeze %dma_start3A_11 : memref<1x128x128xf32, #tpu.memory_space<vmem>> -> memref<128x128xf32, #tpu.memory_space<vmem>>
    %dma_start3A_13 = arith.constant 0 : i32
    %dma_start3A_14 = tpu.memref_slice %arg6[%dma_start3A, %dma_start3A_6, %dma_start3A_13] : memref<25x8x128xi32, #tpu.memory_space<vmem>> -> memref<1x1x128xi32, #tpu.memory_space<vmem>>
    %dma_start3A_15 = tpu.memref_squeeze %dma_start3A_14 : memref<1x1x128xi32, #tpu.memory_space<vmem>> -> memref<128xi32, #tpu.memory_space<vmem>>
    %dma_start3A_16 = arith.constant 0 : i32
    %dma_start3A_17 = arith.constant 0 : i32
    %dma_start3A_18 = tpu.memref_slice %arg3[%dma_start3A_16, %dma_start3A_17] : memref<500000x128xf32, #tpu.memory_space<hbm>> -> memref<500000x128xf32, #tpu.memory_space<hbm>>
    %dma_start3A_19 = tpu.memref_slice %arg9[%dma_start3A_8] : memref<2x!tpu.dma_semaphore, #tpu.memory_space<semaphore_mem>> -> memref<1x!tpu.dma_semaphore, #tpu.memory_space<semaphore_mem>>
    %dma_start3A_20 = tpu.memref_squeeze %dma_start3A_19 : memref<1x!tpu.dma_semaphore, #tpu.memory_space<semaphore_mem>> -> memref<!tpu.dma_semaphore, #tpu.memory_space<semaphore_mem>>
    tpu.enqueue_indirect_dma source(%dma_start3A_18 : memref<500000x128xf32, #tpu.memory_space<hbm>>) target(%dma_start3A_12 : memref<128x128xf32, #tpu.memory_space<vmem>>) offsets(%dma_start3A_15 : memref<128xi32, #tpu.memory_space<vmem>>) semaphore(%dma_start3A_20 : memref<!tpu.dma_semaphore, #tpu.memory_space<semaphore_mem>>)
    %dma_start3A_21 = arith.constant 0 : i32
    %dma_start3A_22 = arith.constant 1 : i32
    %dma_start3A_23 = arith.constant 1 : i32
    %dma_start3A_24 = arith.constant 1 : i32
    %dma_start3A_25 = arith.constant 0 : i32
    %dma_start3A_26 = arith.constant 0 : i32
    %dma_start3A_27 = tpu.memref_slice %arg7[%dma_start3A_23, %dma_start3A_25, %dma_start3A_26] : memref<2x128x128xf32, #tpu.memory_space<vmem>> -> memref<1x128x128xf32, #tpu.memory_space<vmem>>
    %dma_start3A_28 = tpu.memref_squeeze %dma_start3A_27 : memref<1x128x128xf32, #tpu.memory_space<vmem>> -> memref<128x128xf32, #tpu.memory_space<vmem>>
    %dma_start3A_29 = arith.constant 0 : i32
    %dma_start3A_30 = tpu.memref_slice %arg6[%dma_start3A_21, %dma_start3A_22, %dma_start3A_29] : memref<25x8x128xi32, #tpu.memory_space<vmem>> -> memref<1x1x128xi32, #tpu.memory_space<vmem>>
    %dma_start3A_31 = tpu.memref_squeeze %dma_start3A_30 : memref<1x1x128xi32, #tpu.memory_space<vmem>> -> memref<128xi32, #tpu.memory_space<vmem>>
    %dma_start3A_32 = arith.constant 0 : i32
    %dma_start3A_33 = arith.constant 0 : i32
    %dma_start3A_34 = tpu.memref_slice %arg3[%dma_start3A_32, %dma_start3A_33] : memref<500000x128xf32, #tpu.memory_space<hbm>> -> memref<500000x128xf32, #tpu.memory_space<hbm>>
    %dma_start3A_35 = tpu.memref_slice %arg9[%dma_start3A_24] : memref<2x!tpu.dma_semaphore, #tpu.memory_space<semaphore_mem>> -> memref<1x!tpu.dma_semaphore, #tpu.memory_space<semaphore_mem>>
    %dma_start3A_36 = tpu.memref_squeeze %dma_start3A_35 : memref<1x!tpu.dma_semaphore, #tpu.memory_space<semaphore_mem>> -> memref<!tpu.dma_semaphore, #tpu.memory_space<semaphore_mem>>
    tpu.enqueue_indirect_dma source(%dma_start3A_34 : memref<500000x128xf32, #tpu.memory_space<hbm>>) target(%dma_start3A_28 : memref<128x128xf32, #tpu.memory_space<vmem>>) offsets(%dma_start3A_31 : memref<128xi32, #tpu.memory_space<vmem>>) semaphore(%dma_start3A_36 : memref<!tpu.dma_semaphore, #tpu.memory_space<semaphore_mem>>)
    %scan3A_37 = arith.constant 0 : i32
    %scan3A_38 = arith.constant 0 : i32
    %scan3A_39 = arith.constant 100 : i32
    %scan3A_40 = arith.addi %scan3A_38, %scan3A_39 : i32
    %scan3A_41 = arith.constant 1 : i32
    scf.for %scan3A_92 = %scan3A_38 to %scan3A_40 step %scan3A_41  : i32 {
      %mul3A_93 = arith.constant 2 : i32
      %mul3A_94 = arith.muli %scan3A_92, %mul3A_93 : i32
      %add3A_95 = arith.constant 0 : i32
      %add3A_96 = arith.addi %mul3A_94, %add3A_95 : i32
      %jit3A = arith.constant 8 : i32
      %div3A = arith.divsi %add3A_96, %jit3A : i32
      %sign3A = arith.constant 0 : i32
      %sign3A_97 = arith.cmpi sgt, %add3A_96, %sign3A : i32
      %sign3A_98 = arith.extui %sign3A_97 : i1 to i32
      %sign3A_99 = arith.constant 0 : i32
      %sign3A_100 = arith.cmpi slt, %add3A_96, %sign3A_99 : i32
      %sign3A_101 = arith.extui %sign3A_100 : i1 to i32
      %sign3A_102 = arith.subi %sign3A_98, %sign3A_101 : i32
      %sign3A_103 = arith.constant 0 : i32
      %sign3A_104 = arith.cmpi sgt, %jit3A, %sign3A_103 : i32
      %sign3A_105 = arith.extui %sign3A_104 : i1 to i32
      %sign3A_106 = arith.constant 0 : i32
      %sign3A_107 = arith.cmpi slt, %jit3A, %sign3A_106 : i32
      %sign3A_108 = arith.extui %sign3A_107 : i1 to i32
      %sign3A_109 = arith.subi %sign3A_105, %sign3A_108 : i32
      %ne3A = arith.cmpi ne, %sign3A_102, %sign3A_109 : i32
      %rem3A = arith.remsi %add3A_96, %jit3A : i32
      %ne3A_110 = arith.constant 0 : i32
      %ne3A_111 = arith.cmpi ne, %rem3A, %ne3A_110 : i32
      %and3A = arith.andi %ne3A, %ne3A_111 : i1
      %sub3A = arith.constant 1 : i32
      %sub3A_112 = arith.subi %div3A, %sub3A : i32
      %select_n3A = arith.select %and3A, %sub3A_112, %div3A : i32
      %jit3A_113 = arith.constant 8 : i32
      %eq3A = arith.constant 0 : i32
      %eq3A_114 = arith.cmpi eq, %jit3A_113, %eq3A : i32
      %jit3A_115 = arith.constant 1 : i32
      %select_n3A_116 = arith.select %eq3A_114, %jit3A_115, %jit3A_113 : i32
      %rem3A_117 = arith.remsi %add3A_96, %select_n3A_116 : i32
      %ne3A_118 = arith.constant 0 : i32
      %ne3A_119 = arith.cmpi ne, %rem3A_117, %ne3A_118 : i32
      %lt3A = arith.constant 0 : i32
      %lt3A_120 = arith.cmpi slt, %rem3A_117, %lt3A : i32
      %lt3A_121 = arith.constant 0 : i32
      %lt3A_122 = arith.cmpi slt, %select_n3A_116, %lt3A_121 : i32
      %ne3A_123 = arith.xori %lt3A_120, %lt3A_122 : i1
      %and3A_124 = arith.andi %ne3A_123, %ne3A_119 : i1
      %add3A_125 = arith.addi %rem3A_117, %select_n3A_116 : i32
      %select_n3A_126 = arith.select %and3A_124, %add3A_125, %rem3A_117 : i32
      %dma_wait3A_127 = arith.constant 0 : i32
      %dma_wait3A_128 = arith.constant 0 : i32
      %dma_wait3A_129 = arith.constant 0 : i32
      %dma_wait3A_130 = arith.constant 0 : i32
      %dma_wait3A_131 = tpu.memref_slice %arg7[%dma_wait3A_127, %dma_wait3A_129, %dma_wait3A_130] : memref<2x128x128xf32, #tpu.memory_space<vmem>> -> memref<1x128x128xf32, #tpu.memory_space<vmem>>
      %dma_wait3A_132 = tpu.memref_squeeze %dma_wait3A_131 : memref<1x128x128xf32, #tpu.memory_space<vmem>> -> memref<128x128xf32, #tpu.memory_space<vmem>>
      %dma_wait3A_133 = arith.constant 0 : i32
      %dma_wait3A_134 = tpu.memref_slice %arg6[%select_n3A, %select_n3A_126, %dma_wait3A_133] : memref<25x8x128xi32, #tpu.memory_space<vmem>> -> memref<1x1x128xi32, #tpu.memory_space<vmem>>
      %dma_wait3A_135 = tpu.memref_squeeze %dma_wait3A_134 : memref<1x1x128xi32, #tpu.memory_space<vmem>> -> memref<128xi32, #tpu.memory_space<vmem>>
      %dma_wait3A_136 = arith.constant 0 : i32
      %dma_wait3A_137 = arith.constant 0 : i32
      %dma_wait3A_138 = tpu.memref_slice %arg3[%dma_wait3A_136, %dma_wait3A_137] : memref<500000x128xf32, #tpu.memory_space<hbm>> -> memref<500000x128xf32, #tpu.memory_space<hbm>>
      %dma_wait3A_139 = tpu.memref_slice %arg9[%dma_wait3A_128] : memref<2x!tpu.dma_semaphore, #tpu.memory_space<semaphore_mem>> -> memref<1x!tpu.dma_semaphore, #tpu.memory_space<semaphore_mem>>
      %dma_wait3A_140 = tpu.memref_squeeze %dma_wait3A_139 : memref<1x!tpu.dma_semaphore, #tpu.memory_space<semaphore_mem>> -> memref<!tpu.dma_semaphore, #tpu.memory_space<semaphore_mem>>
      tpu.wait_indirect_dma semaphore(%dma_wait3A_140 : memref<!tpu.dma_semaphore, #tpu.memory_space<semaphore_mem>>) src(%dma_wait3A_138 : memref<500000x128xf32, #tpu.memory_space<hbm>>) dst(%dma_wait3A_132 : memref<128x128xf32, #tpu.memory_space<vmem>>)
      %gt3A = arith.constant 0 : i32
      %gt3A_141 = arith.cmpi sgt, %scan3A_92, %gt3A : i32
      %convert_element_type3A = arith.extui %gt3A_141 : i1 to i32
      %cond3A = arith.constant 0 : i32
      %cond3A_142 = arith.cmpi ne, %convert_element_type3A, %cond3A : i32
      scf.if %cond3A_142 {
        %dma_wait3A_514 = arith.constant 0 : i32
        %dma_wait3A_515 = arith.constant 0 : i32
        %dma_wait3A_516 = arith.constant 0 : i32
        %dma_wait3A_517 = arith.constant 0 : i32
        %dma_wait3A_518 = arith.constant 0 : i32
        %dma_wait3A_519 = tpu.memref_slice %arg8[%dma_wait3A_514, %dma_wait3A_516, %dma_wait3A_517, %dma_wait3A_518] : memref<2x8x8x130xf32, #tpu.memory_space<vmem>> -> memref<1x8x8x128xf32, #tpu.memory_space<vmem>>
        %dma_wait3A_520 = tpu.memref_squeeze %dma_wait3A_519 : memref<1x8x8x128xf32, #tpu.memory_space<vmem>> -> memref<8x8x128xf32, #tpu.memory_space<vmem>>
        %dma_wait3A_521 = arith.constant 0 : i32
        %dma_wait3A_522 = arith.constant 0 : i32
        %dma_wait3A_523 = arith.constant 0 : i32
        %dma_wait3A_524 = tpu.memref_slice %arg4[%add3A_96, %dma_wait3A_521, %add3A, %dma_wait3A_522, %dma_wait3A_523] : memref<200x8x32x8x128xf32, #tpu.memory_space<hbm>> -> memref<1x8x1x8x128xf32, #tpu.memory_space<hbm>>
        %dma_wait3A_525 = tpu.memref_squeeze %dma_wait3A_524 : memref<1x8x1x8x128xf32, #tpu.memory_space<hbm>> -> memref<8x8x128xf32, #tpu.memory_space<hbm>>
        %dma_wait3A_526 = tpu.memref_slice %arg10[%dma_wait3A_515] : memref<2x!tpu.dma_semaphore, #tpu.memory_space<semaphore_mem>> -> memref<1x!tpu.dma_semaphore, #tpu.memory_space<semaphore_mem>>
        %dma_wait3A_527 = tpu.memref_squeeze %dma_wait3A_526 : memref<1x!tpu.dma_semaphore, #tpu.memory_space<semaphore_mem>> -> memref<!tpu.dma_semaphore, #tpu.memory_space<semaphore_mem>>
        %dma_wait3A_528 = arith.constant 0 : i32
        %dma_wait3A_529 = arith.constant 0 : i32
        %dma_wait3A_530 = arith.constant 0 : i32
        %dma_wait3A_531 = tpu.memref_slice %arg4[%add3A_96, %dma_wait3A_528, %add3A, %dma_wait3A_529, %dma_wait3A_530] : memref<200x8x32x8x128xf32, #tpu.memory_space<hbm>> -> memref<1x8x1x8x128xf32, #tpu.memory_space<hbm>>
        %dma_wait3A_532 = tpu.memref_squeeze %dma_wait3A_531 : memref<1x8x1x8x128xf32, #tpu.memory_space<hbm>> -> memref<8x8x128xf32, #tpu.memory_space<hbm>>
        %dma_wait3A_533 = arith.constant 0 : i32
        %dma_wait3A_534 = arith.constant 0 : i32
        %dma_wait3A_535 = arith.constant 0 : i32
        %dma_wait3A_536 = tpu.memref_slice %arg8[%dma_wait3A_514, %dma_wait3A_533, %dma_wait3A_534, %dma_wait3A_535] : memref<2x8x8x130xf32, #tpu.memory_space<vmem>> -> memref<1x8x8x128xf32, #tpu.memory_space<vmem>>
        %dma_wait3A_537 = tpu.memref_squeeze %dma_wait3A_536 : memref<1x8x8x128xf32, #tpu.memory_space<vmem>> -> memref<8x8x128xf32, #tpu.memory_space<vmem>>
        tpu.wait_dma2 semaphore(%dma_wait3A_527 : memref<!tpu.dma_semaphore, #tpu.memory_space<semaphore_mem>>) src(%dma_wait3A_537 : memref<8x8x128xf32, #tpu.memory_space<vmem>>) dst(%dma_wait3A_532 : memref<8x8x128xf32, #tpu.memory_space<hbm>>)
      } else {
      }
      %jit3A_143 = arith.constant 8 : i32
      %div3A_144 = arith.divsi %add3A_96, %jit3A_143 : i32
      %sign3A_145 = arith.constant 0 : i32
      %sign3A_146 = arith.cmpi sgt, %add3A_96, %sign3A_145 : i32
      %sign3A_147 = arith.extui %sign3A_146 : i1 to i32
      %sign3A_148 = arith.constant 0 : i32
      %sign3A_149 = arith.cmpi slt, %add3A_96, %sign3A_148 : i32
      %sign3A_150 = arith.extui %sign3A_149 : i1 to i32
      %sign3A_151 = arith.subi %sign3A_147, %sign3A_150 : i32
      %sign3A_152 = arith.constant 0 : i32
      %sign3A_153 = arith.cmpi sgt, %jit3A_143, %sign3A_152 : i32
      %sign3A_154 = arith.extui %sign3A_153 : i1 to i32
      %sign3A_155 = arith.constant 0 : i32
      %sign3A_156 = arith.cmpi slt, %jit3A_143, %sign3A_155 : i32
      %sign3A_157 = arith.extui %sign3A_156 : i1 to i32
      %sign3A_158 = arith.subi %sign3A_154, %sign3A_157 : i32
      %ne3A_159 = arith.cmpi ne, %sign3A_151, %sign3A_158 : i32
      %rem3A_160 = arith.remsi %add3A_96, %jit3A_143 : i32
      %ne3A_161 = arith.constant 0 : i32
      %ne3A_162 = arith.cmpi ne, %rem3A_160, %ne3A_161 : i32
      %and3A_163 = arith.andi %ne3A_159, %ne3A_162 : i1
      %sub3A_164 = arith.constant 1 : i32
      %sub3A_165 = arith.subi %div3A_144, %sub3A_164 : i32
      %select_n3A_166 = arith.select %and3A_163, %sub3A_165, %div3A_144 : i32
      %jit3A_167 = arith.constant 8 : i32
      %eq3A_168 = arith.constant 0 : i32
      %eq3A_169 = arith.cmpi eq, %jit3A_167, %eq3A_168 : i32
      %jit3A_170 = arith.constant 1 : i32
      %select_n3A_171 = arith.select %eq3A_169, %jit3A_170, %jit3A_167 : i32
      %rem3A_172 = arith.remsi %add3A_96, %select_n3A_171 : i32
      %ne3A_173 = arith.constant 0 : i32
      %ne3A_174 = arith.cmpi ne, %rem3A_172, %ne3A_173 : i32
      %lt3A_175 = arith.constant 0 : i32
      %lt3A_176 = arith.cmpi slt, %rem3A_172, %lt3A_175 : i32
      %lt3A_177 = arith.constant 0 : i32
      %lt3A_178 = arith.cmpi slt, %select_n3A_171, %lt3A_177 : i32
      %ne3A_179 = arith.xori %lt3A_176, %lt3A_178 : i1
      %and3A_180 = arith.andi %ne3A_179, %ne3A_174 : i1
      %add3A_181 = arith.addi %rem3A_172, %select_n3A_171 : i32
      %select_n3A_182 = arith.select %and3A_180, %add3A_181, %rem3A_172 : i32
      %get3A = arith.index_cast %select_n3A_166 : i32 to index
      %get3A_183 = arith.index_cast %select_n3A_182 : i32 to index
      %get3A_184 = arith.constant 0 : index
      %get3A_185 = tpu.vector_load %arg5[%get3A, %get3A_183, %get3A_184] {strides = array<i32>} : memref<25x8x128xi32, #tpu.memory_space<vmem>>, vector<16xi32>,
      %and3A_186 = arith.constant 1 : i32
      %and3A_187 = vector.broadcast %and3A_186 : i32 to vector<16xi32>
      %and3A_188 = arith.andi %get3A_185, %and3A_187 : vector<16xi32>
      %shift_left3A = arith.constant 6 : i32
      %shift_left3A_189 = vector.broadcast %shift_left3A : i32 to vector<16xi32>
      %shift_left3A_190 = arith.shli %and3A_188, %shift_left3A_189 : vector<16xi32>
      %get3A_191 = arith.index_cast %select_n3A_166 : i32 to index
      %get3A_192 = arith.index_cast %select_n3A_182 : i32 to index
      %get3A_193 = arith.constant 16 : index
      %get3A_194 = tpu.vector_load %arg5[%get3A_191, %get3A_192, %get3A_193] {strides = array<i32>} : memref<25x8x128xi32, #tpu.memory_space<vmem>>, vector<16xi32>,
      %and3A_195 = arith.constant 1 : i32
      %and3A_196 = vector.broadcast %and3A_195 : i32 to vector<16xi32>
      %and3A_197 = arith.andi %get3A_194, %and3A_196 : vector<16xi32>
      %shift_left3A_198 = arith.constant 6 : i32
      %shift_left3A_199 = vector.broadcast %shift_left3A_198 : i32 to vector<16xi32>
      %shift_left3A_200 = arith.shli %and3A_197, %shift_left3A_199 : vector<16xi32>
      %get3A_201 = arith.index_cast %select_n3A_166 : i32 to index
      %get3A_202 = arith.index_cast %select_n3A_182 : i32 to index
      %get3A_203 = arith.constant 32 : index
      %get3A_204 = tpu.vector_load %arg5[%get3A_201, %get3A_202, %get3A_203] {strides = array<i32>} : memref<25x8x128xi32, #tpu.memory_space<vmem>>, vector<16xi32>,
      %and3A_205 = arith.constant 1 : i32
      %and3A_206 = vector.broadcast %and3A_205 : i32 to vector<16xi32>
      %and3A_207 = arith.andi %get3A_204, %and3A_206 : vector<16xi32>
      %shift_left3A_208 = arith.constant 6 : i32
      %shift_left3A_209 = vector.broadcast %shift_left3A_208 : i32 to vector<16xi32>
      %shift_left3A_210 = arith.shli %and3A_207, %shift_left3A_209 : vector<16xi32>
      %get3A_211 = arith.index_cast %select_n3A_166 : i32 to index
      %get3A_212 = arith.index_cast %select_n3A_182 : i32 to index
      %get3A_213 = arith.constant 48 : index
      %get3A_214 = tpu.vector_load %arg5[%get3A_211, %get3A_212, %get3A_213] {strides = array<i32>} : memref<25x8x128xi32, #tpu.memory_space<vmem>>, vector<16xi32>,
      %and3A_215 = arith.constant 1 : i32
      %and3A_216 = vector.broadcast %and3A_215 : i32 to vector<16xi32>
      %and3A_217 = arith.andi %get3A_214, %and3A_216 : vector<16xi32>
      %shift_left3A_218 = arith.constant 6 : i32
      %shift_left3A_219 = vector.broadcast %shift_left3A_218 : i32 to vector<16xi32>
      %shift_left3A_220 = arith.shli %and3A_217, %shift_left3A_219 : vector<16xi32>
      %get3A_221 = arith.index_cast %select_n3A_166 : i32 to index
      %get3A_222 = arith.index_cast %select_n3A_182 : i32 to index
      %get3A_223 = arith.constant 64 : index
      %get3A_224 = tpu.vector_load %arg5[%get3A_221, %get3A_222, %get3A_223] {strides = array<i32>} : memref<25x8x128xi32, #tpu.memory_space<vmem>>, vector<16xi32>,
      %and3A_225 = arith.constant 1 : i32
      %and3A_226 = vector.broadcast %and3A_225 : i32 to vector<16xi32>
      %and3A_227 = arith.andi %get3A_224, %and3A_226 : vector<16xi32>
      %shift_left3A_228 = arith.constant 6 : i32
      %shift_left3A_229 = vector.broadcast %shift_left3A_228 : i32 to vector<16xi32>
      %shift_left3A_230 = arith.shli %and3A_227, %shift_left3A_229 : vector<16xi32>
      %get3A_231 = arith.index_cast %select_n3A_166 : i32 to index
      %get3A_232 = arith.index_cast %select_n3A_182 : i32 to index
      %get3A_233 = arith.constant 80 : index
      %get3A_234 = tpu.vector_load %arg5[%get3A_231, %get3A_232, %get3A_233] {strides = array<i32>} : memref<25x8x128xi32, #tpu.memory_space<vmem>>, vector<16xi32>,
      %and3A_235 = arith.constant 1 : i32
      %and3A_236 = vector.broadcast %and3A_235 : i32 to vector<16xi32>
      %and3A_237 = arith.andi %get3A_234, %and3A_236 : vector<16xi32>
      %shift_left3A_238 = arith.constant 6 : i32
      %shift_left3A_239 = vector.broadcast %shift_left3A_238 : i32 to vector<16xi32>
      %shift_left3A_240 = arith.shli %and3A_237, %shift_left3A_239 : vector<16xi32>
      %get3A_241 = arith.index_cast %select_n3A_166 : i32 to index
      %get3A_242 = arith.index_cast %select_n3A_182 : i32 to index
      %get3A_243 = arith.constant 96 : index
      %get3A_244 = tpu.vector_load %arg5[%get3A_241, %get3A_242, %get3A_243] {strides = array<i32>} : memref<25x8x128xi32, #tpu.memory_space<vmem>>, vector<16xi32>,
      %and3A_245 = arith.constant 1 : i32
      %and3A_246 = vector.broadcast %and3A_245 : i32 to vector<16xi32>
      %and3A_247 = arith.andi %get3A_244, %and3A_246 : vector<16xi32>
      %shift_left3A_248 = arith.constant 6 : i32
      %shift_left3A_249 = vector.broadcast %shift_left3A_248 : i32 to vector<16xi32>
      %shift_left3A_250 = arith.shli %and3A_247, %shift_left3A_249 : vector<16xi32>
      %get3A_251 = arith.index_cast %select_n3A_166 : i32 to index
      %get3A_252 = arith.index_cast %select_n3A_182 : i32 to index
      %get3A_253 = arith.constant 112 : index
      %get3A_254 = tpu.vector_load %arg5[%get3A_251, %get3A_252, %get3A_253] {strides = array<i32>} : memref<25x8x128xi32, #tpu.memory_space<vmem>>, vector<16xi32>,
      %and3A_255 = arith.constant 1 : i32
      %and3A_256 = vector.broadcast %and3A_255 : i32 to vector<16xi32>
      %and3A_257 = arith.andi %get3A_254, %and3A_256 : vector<16xi32>
      %shift_left3A_258 = arith.constant 6 : i32
      %shift_left3A_259 = vector.broadcast %shift_left3A_258 : i32 to vector<16xi32>
      %shift_left3A_260 = arith.shli %and3A_257, %shift_left3A_259 : vector<16xi32>
      %scan3A_261 = arith.constant 0 : i32
      %scan3A_262 = arith.constant 0 : i32
      %scan3A_263 = arith.constant 8 : i32
      %scan3A_264 = arith.addi %scan3A_262, %scan3A_263 : i32
      %scan3A_265 = arith.constant 1 : i32
      scf.for %scan3A_514 = %scan3A_262 to %scan3A_264 step %scan3A_265  : i32 {
        %mul3A_515 = arith.constant 8 : i32
        %mul3A_516 = arith.muli %scan3A_514, %mul3A_515 : i32
        %add3A_517 = arith.constant 0 : i32
        %add3A_518 = arith.addi %mul3A_516, %add3A_517 : i32
        %add3A_519 = vector.broadcast %add3A_518 : i32 to vector<16xi32>
        %add3A_520 = arith.addi %add3A_519, %iota3A : vector<16xi32>
        %and3A_521 = arith.constant 63 : i32
        %and3A_522 = vector.broadcast %and3A_521 : i32 to vector<16xi32>
        %and3A_523 = arith.andi %add3A_520, %and3A_522 : vector<16xi32>
        %shift_right_arithmetic3A = arith.constant 3 : i32
        %shift_right_arithmetic3A_524 = vector.broadcast %shift_right_arithmetic3A : i32 to vector<16xi32>
        %shift_right_arithmetic3A_525 = arith.shrsi %and3A_523, %shift_right_arithmetic3A_524 : vector<16xi32>
        %and3A_526 = arith.constant 7 : i32
        %and3A_527 = vector.broadcast %and3A_526 : i32 to vector<16xi32>
        %and3A_528 = arith.andi %and3A_523, %and3A_527 : vector<16xi32>
        %add3A_529 = arith.constant 0 : i32
        %add3A_530 = vector.broadcast %add3A_529 : i32 to vector<16xi32>
        %add3A_531 = arith.addi %add3A_530, %iota3A : vector<16xi32>
        %add3A_532 = arith.addi %shift_left3A_190, %and3A_523 : vector<16xi32>
        %gather3A = arith.constant 0 : i32
        %gather3A_533 = arith.constant 0 : i32
        %gather3A_534 = arith.constant 0 : i32
        %gather3A_535 = tpu.memref_slice %arg7[%gather3A, %gather3A_533, %gather3A_534] : memref<2x128x128xf32, #tpu.memory_space<vmem>> -> memref<1x128x128xf32, #tpu.memory_space<vmem>>
        %gather3A_536 = tpu.memref_squeeze %gather3A_535 : memref<1x128x128xf32, #tpu.memory_space<vmem>> -> memref<128x128xf32, #tpu.memory_space<vmem>>
        %gather3A_537 = tpu.vector_load_idx %gather3A_536[%add3A_531, %add3A_532] : memref<128x128xf32, #tpu.memory_space<vmem>>[vector<16xi32>, vector<16xi32>], vector<16xf32>,
        %scatter3A = arith.constant 0 : i32
        %scatter3A_538 = arith.constant 0 : i32
        %scatter3A_539 = arith.constant 0 : i32
        %scatter3A_540 = arith.constant 0 : i32
        %scatter3A_541 = tpu.memref_slice %arg8[%scatter3A, %scatter3A_538, %scatter3A_539, %scatter3A_540] : memref<2x8x8x130xf32, #tpu.memory_space<vmem>> -> memref<1x8x8x130xf32, #tpu.memory_space<vmem>>
        %scatter3A_542 = tpu.memref_squeeze %scatter3A_541 : memref<1x8x8x130xf32, #tpu.memory_space<vmem>> -> memref<8x8x130xf32, #tpu.memory_space<vmem>>
        tpu.vector_store_idx %scatter3A_542[%shift_right_arithmetic3A_525, %and3A_528, %add3A_531], %gather3A_537 : memref<8x8x130xf32, #tpu.memory_space<vmem>>[vector<16xi32>, vector<16xi32>, vector<16xi32>], vector<16xf32>,
        %add3A_543 = arith.constant 16 : i32
        %add3A_544 = vector.broadcast %add3A_543 : i32 to vector<16xi32>
        %add3A_545 = arith.addi %add3A_544, %iota3A : vector<16xi32>
        %add3A_546 = arith.addi %shift_left3A_200, %and3A_523 : vector<16xi32>
        %gather3A_547 = arith.constant 0 : i32
        %gather3A_548 = arith.constant 0 : i32
        %gather3A_549 = arith.constant 0 : i32
        %gather3A_550 = tpu.memref_slice %arg7[%gather3A_547, %gather3A_548, %gather3A_549] : memref<2x128x128xf32, #tpu.memory_space<vmem>> -> memref<1x128x128xf32, #tpu.memory_space<vmem>>
        %gather3A_551 = tpu.memref_squeeze %gather3A_550 : memref<1x128x128xf32, #tpu.memory_space<vmem>> -> memref<128x128xf32, #tpu.memory_space<vmem>>
        %gather3A_552 = tpu.vector_load_idx %gather3A_551[%add3A_545, %add3A_546] : memref<128x128xf32, #tpu.memory_space<vmem>>[vector<16xi32>, vector<16xi32>], vector<16xf32>,
        %scatter3A_553 = arith.constant 0 : i32
        %scatter3A_554 = arith.constant 0 : i32
        %scatter3A_555 = arith.constant 0 : i32
        %scatter3A_556 = arith.constant 0 : i32
        %scatter3A_557 = tpu.memref_slice %arg8[%scatter3A_553, %scatter3A_554, %scatter3A_555, %scatter3A_556] : memref<2x8x8x130xf32, #tpu.memory_space<vmem>> -> memref<1x8x8x130xf32, #tpu.memory_space<vmem>>
        %scatter3A_558 = tpu.memref_squeeze %scatter3A_557 : memref<1x8x8x130xf32, #tpu.memory_space<vmem>> -> memref<8x8x130xf32, #tpu.memory_space<vmem>>
        tpu.vector_store_idx %scatter3A_558[%shift_right_arithmetic3A_525, %and3A_528, %add3A_545], %gather3A_552 : memref<8x8x130xf32, #tpu.memory_space<vmem>>[vector<16xi32>, vector<16xi32>, vector<16xi32>], vector<16xf32>,
        %add3A_559 = arith.constant 32 : i32
        %add3A_560 = vector.broadcast %add3A_559 : i32 to vector<16xi32>
        %add3A_561 = arith.addi %add3A_560, %iota3A : vector<16xi32>
        %add3A_562 = arith.addi %shift_left3A_210, %and3A_523 : vector<16xi32>
        %gather3A_563 = arith.constant 0 : i32
        %gather3A_564 = arith.constant 0 : i32
        %gather3A_565 = arith.constant 0 : i32
        %gather3A_566 = tpu.memref_slice %arg7[%gather3A_563, %gather3A_564, %gather3A_565] : memref<2x128x128xf32, #tpu.memory_space<vmem>> -> memref<1x128x128xf32, #tpu.memory_space<vmem>>
        %gather3A_567 = tpu.memref_squeeze %gather3A_566 : memref<1x128x128xf32, #tpu.memory_space<vmem>> -> memref<128x128xf32, #tpu.memory_space<vmem>>
        %gather3A_568 = tpu.vector_load_idx %gather3A_567[%add3A_561, %add3A_562] : memref<128x128xf32, #tpu.memory_space<vmem>>[vector<16xi32>, vector<16xi32>], vector<16xf32>,
        %scatter3A_569 = arith.constant 0 : i32
        %scatter3A_570 = arith.constant 0 : i32
        %scatter3A_571 = arith.constant 0 : i32
        %scatter3A_572 = arith.constant 0 : i32
        %scatter3A_573 = tpu.memref_slice %arg8[%scatter3A_569, %scatter3A_570, %scatter3A_571, %scatter3A_572] : memref<2x8x8x130xf32, #tpu.memory_space<vmem>> -> memref<1x8x8x130xf32, #tpu.memory_space<vmem>>
        %scatter3A_574 = tpu.memref_squeeze %scatter3A_573 : memref<1x8x8x130xf32, #tpu.memory_space<vmem>> -> memref<8x8x130xf32, #tpu.memory_space<vmem>>
        tpu.vector_store_idx %scatter3A_574[%shift_right_arithmetic3A_525, %and3A_528, %add3A_561], %gather3A_568 : memref<8x8x130xf32, #tpu.memory_space<vmem>>[vector<16xi32>, vector<16xi32>, vector<16xi32>], vector<16xf32>,
        %add3A_575 = arith.constant 48 : i32
        %add3A_576 = vector.broadcast %add3A_575 : i32 to vector<16xi32>
        %add3A_577 = arith.addi %add3A_576, %iota3A : vector<16xi32>
        %add3A_578 = arith.addi %shift_left3A_220, %and3A_523 : vector<16xi32>
        %gather3A_579 = arith.constant 0 : i32
        %gather3A_580 = arith.constant 0 : i32
        %gather3A_581 = arith.constant 0 : i32
        %gather3A_582 = tpu.memref_slice %arg7[%gather3A_579, %gather3A_580, %gather3A_581] : memref<2x128x128xf32, #tpu.memory_space<vmem>> -> memref<1x128x128xf32, #tpu.memory_space<vmem>>
        %gather3A_583 = tpu.memref_squeeze %gather3A_582 : memref<1x128x128xf32, #tpu.memory_space<vmem>> -> memref<128x128xf32, #tpu.memory_space<vmem>>
        %gather3A_584 = tpu.vector_load_idx %gather3A_583[%add3A_577, %add3A_578] : memref<128x128xf32, #tpu.memory_space<vmem>>[vector<16xi32>, vector<16xi32>], vector<16xf32>,
        %scatter3A_585 = arith.constant 0 : i32
        %scatter3A_586 = arith.constant 0 : i32
        %scatter3A_587 = arith.constant 0 : i32
        %scatter3A_588 = arith.constant 0 : i32
        %scatter3A_589 = tpu.memref_slice %arg8[%scatter3A_585, %scatter3A_586, %scatter3A_587, %scatter3A_588] : memref<2x8x8x130xf32, #tpu.memory_space<vmem>> -> memref<1x8x8x130xf32, #tpu.memory_space<vmem>>
        %scatter3A_590 = tpu.memref_squeeze %scatter3A_589 : memref<1x8x8x130xf32, #tpu.memory_space<vmem>> -> memref<8x8x130xf32, #tpu.memory_space<vmem>>
        tpu.vector_store_idx %scatter3A_590[%shift_right_arithmetic3A_525, %and3A_528, %add3A_577], %gather3A_584 : memref<8x8x130xf32, #tpu.memory_space<vmem>>[vector<16xi32>, vector<16xi32>, vector<16xi32>], vector<16xf32>,
        %add3A_591 = arith.constant 64 : i32
        %add3A_592 = vector.broadcast %add3A_591 : i32 to vector<16xi32>
        %add3A_593 = arith.addi %add3A_592, %iota3A : vector<16xi32>
        %add3A_594 = arith.addi %shift_left3A_230, %and3A_523 : vector<16xi32>
        %gather3A_595 = arith.constant 0 : i32
        %gather3A_596 = arith.constant 0 : i32
        %gather3A_597 = arith.constant 0 : i32
        %gather3A_598 = tpu.memref_slice %arg7[%gather3A_595, %gather3A_596, %gather3A_597] : memref<2x128x128xf32, #tpu.memory_space<vmem>> -> memref<1x128x128xf32, #tpu.memory_space<vmem>>
        %gather3A_599 = tpu.memref_squeeze %gather3A_598 : memref<1x128x128xf32, #tpu.memory_space<vmem>> -> memref<128x128xf32, #tpu.memory_space<vmem>>
        %gather3A_600 = tpu.vector_load_idx %gather3A_599[%add3A_593, %add3A_594] : memref<128x128xf32, #tpu.memory_space<vmem>>[vector<16xi32>, vector<16xi32>], vector<16xf32>,
        %scatter3A_601 = arith.constant 0 : i32
        %scatter3A_602 = arith.constant 0 : i32
        %scatter3A_603 = arith.constant 0 : i32
        %scatter3A_604 = arith.constant 0 : i32
        %scatter3A_605 = tpu.memref_slice %arg8[%scatter3A_601, %scatter3A_602, %scatter3A_603, %scatter3A_604] : memref<2x8x8x130xf32, #tpu.memory_space<vmem>> -> memref<1x8x8x130xf32, #tpu.memory_space<vmem>>
        %scatter3A_606 = tpu.memref_squeeze %scatter3A_605 : memref<1x8x8x130xf32, #tpu.memory_space<vmem>> -> memref<8x8x130xf32, #tpu.memory_space<vmem>>
        tpu.vector_store_idx %scatter3A_606[%shift_right_arithmetic3A_525, %and3A_528, %add3A_593], %gather3A_600 : memref<8x8x130xf32, #tpu.memory_space<vmem>>[vector<16xi32>, vector<16xi32>, vector<16xi32>], vector<16xf32>,
        %add3A_607 = arith.constant 80 : i32
        %add3A_608 = vector.broadcast %add3A_607 : i32 to vector<16xi32>
        %add3A_609 = arith.addi %add3A_608, %iota3A : vector<16xi32>
        %add3A_610 = arith.addi %shift_left3A_240, %and3A_523 : vector<16xi32>
        %gather3A_611 = arith.constant 0 : i32
        %gather3A_612 = arith.constant 0 : i32
        %gather3A_613 = arith.constant 0 : i32
        %gather3A_614 = tpu.memref_slice %arg7[%gather3A_611, %gather3A_612, %gather3A_613] : memref<2x128x128xf32, #tpu.memory_space<vmem>> -> memref<1x128x128xf32, #tpu.memory_space<vmem>>
        %gather3A_615 = tpu.memref_squeeze %gather3A_614 : memref<1x128x128xf32, #tpu.memory_space<vmem>> -> memref<128x128xf32, #tpu.memory_space<vmem>>
        %gather3A_616 = tpu.vector_load_idx %gather3A_615[%add3A_609, %add3A_610] : memref<128x128xf32, #tpu.memory_space<vmem>>[vector<16xi32>, vector<16xi32>], vector<16xf32>,
        %scatter3A_617 = arith.constant 0 : i32
        %scatter3A_618 = arith.constant 0 : i32
        %scatter3A_619 = arith.constant 0 : i32
        %scatter3A_620 = arith.constant 0 : i32
        %scatter3A_621 = tpu.memref_slice %arg8[%scatter3A_617, %scatter3A_618, %scatter3A_619, %scatter3A_620] : memref<2x8x8x130xf32, #tpu.memory_space<vmem>> -> memref<1x8x8x130xf32, #tpu.memory_space<vmem>>
        %scatter3A_622 = tpu.memref_squeeze %scatter3A_621 : memref<1x8x8x130xf32, #tpu.memory_space<vmem>> -> memref<8x8x130xf32, #tpu.memory_space<vmem>>
        tpu.vector_store_idx %scatter3A_622[%shift_right_arithmetic3A_525, %and3A_528, %add3A_609], %gather3A_616 : memref<8x8x130xf32, #tpu.memory_space<vmem>>[vector<16xi32>, vector<16xi32>, vector<16xi32>], vector<16xf32>,
        %add3A_623 = arith.constant 96 : i32
        %add3A_624 = vector.broadcast %add3A_623 : i32 to vector<16xi32>
        %add3A_625 = arith.addi %add3A_624, %iota3A : vector<16xi32>
        %add3A_626 = arith.addi %shift_left3A_250, %and3A_523 : vector<16xi32>
        %gather3A_627 = arith.constant 0 : i32
        %gather3A_628 = arith.constant 0 : i32
        %gather3A_629 = arith.constant 0 : i32
        %gather3A_630 = tpu.memref_slice %arg7[%gather3A_627, %gather3A_628, %gather3A_629] : memref<2x128x128xf32, #tpu.memory_space<vmem>> -> memref<1x128x128xf32, #tpu.memory_space<vmem>>
        %gather3A_631 = tpu.memref_squeeze %gather3A_630 : memref<1x128x128xf32, #tpu.memory_space<vmem>> -> memref<128x128xf32, #tpu.memory_space<vmem>>
        %gather3A_632 = tpu.vector_load_idx %gather3A_631[%add3A_625, %add3A_626] : memref<128x128xf32, #tpu.memory_space<vmem>>[vector<16xi32>, vector<16xi32>], vector<16xf32>,
        %scatter3A_633 = arith.constant 0 : i32
        %scatter3A_634 = arith.constant 0 : i32
        %scatter3A_635 = arith.constant 0 : i32
        %scatter3A_636 = arith.constant 0 : i32
        %scatter3A_637 = tpu.memref_slice %arg8[%scatter3A_633, %scatter3A_634, %scatter3A_635, %scatter3A_636] : memref<2x8x8x130xf32, #tpu.memory_space<vmem>> -> memref<1x8x8x130xf32, #tpu.memory_space<vmem>>
        %scatter3A_638 = tpu.memref_squeeze %scatter3A_637 : memref<1x8x8x130xf32, #tpu.memory_space<vmem>> -> memref<8x8x130xf32, #tpu.memory_space<vmem>>
        tpu.vector_store_idx %scatter3A_638[%shift_right_arithmetic3A_525, %and3A_528, %add3A_625], %gather3A_632 : memref<8x8x130xf32, #tpu.memory_space<vmem>>[vector<16xi32>, vector<16xi32>, vector<16xi32>], vector<16xf32>,
        %add3A_639 = arith.constant 112 : i32
        %add3A_640 = vector.broadcast %add3A_639 : i32 to vector<16xi32>
        %add3A_641 = arith.addi %add3A_640, %iota3A : vector<16xi32>
        %add3A_642 = arith.addi %shift_left3A_260, %and3A_523 : vector<16xi32>
        %gather3A_643 = arith.constant 0 : i32
        %gather3A_644 = arith.constant 0 : i32
        %gather3A_645 = arith.constant 0 : i32
        %gather3A_646 = tpu.memref_slice %arg7[%gather3A_643, %gather3A_644, %gather3A_645] : memref<2x128x128xf32, #tpu.memory_space<vmem>> -> memref<1x128x128xf32, #tpu.memory_space<vmem>>
        %gather3A_647 = tpu.memref_squeeze %gather3A_646 : memref<1x128x128xf32, #tpu.memory_space<vmem>> -> memref<128x128xf32, #tpu.memory_space<vmem>>
        %gather3A_648 = tpu.vector_load_idx %gather3A_647[%add3A_641, %add3A_642] : memref<128x128xf32, #tpu.memory_space<vmem>>[vector<16xi32>, vector<16xi32>], vector<16xf32>,
        %scatter3A_649 = arith.constant 0 : i32
        %scatter3A_650 = arith.constant 0 : i32
        %scatter3A_651 = arith.constant 0 : i32
        %scatter3A_652 = arith.constant 0 : i32
        %scatter3A_653 = tpu.memref_slice %arg8[%scatter3A_649, %scatter3A_650, %scatter3A_651, %scatter3A_652] : memref<2x8x8x130xf32, #tpu.memory_space<vmem>> -> memref<1x8x8x130xf32, #tpu.memory_space<vmem>>
        %scatter3A_654 = tpu.memref_squeeze %scatter3A_653 : memref<1x8x8x130xf32, #tpu.memory_space<vmem>> -> memref<8x8x130xf32, #tpu.memory_space<vmem>>
        tpu.vector_store_idx %scatter3A_654[%shift_right_arithmetic3A_525, %and3A_528, %add3A_641], %gather3A_648 : memref<8x8x130xf32, #tpu.memory_space<vmem>>[vector<16xi32>, vector<16xi32>, vector<16xi32>], vector<16xf32>,
        %mul3A_655 = arith.constant 8 : i32
        %mul3A_656 = arith.muli %scan3A_514, %mul3A_655 : i32
        %add3A_657 = arith.constant 1 : i32
        %add3A_658 = arith.addi %mul3A_656, %add3A_657 : i32
        %add3A_659 = vector.broadcast %add3A_658 : i32 to vector<16xi32>
        %add3A_660 = arith.addi %add3A_659, %iota3A : vector<16xi32>
        %and3A_661 = arith.constant 63 : i32
        %and3A_662 = vector.broadcast %and3A_661 : i32 to vector<16xi32>
        %and3A_663 = arith.andi %add3A_660, %and3A_662 : vector<16xi32>
        %shift_right_arithmetic3A_664 = arith.constant 3 : i32
        %shift_right_arithmetic3A_665 = vector.broadcast %shift_right_arithmetic3A_664 : i32 to vector<16xi32>
        %shift_right_arithmetic3A_666 = arith.shrsi %and3A_663, %shift_right_arithmetic3A_665 : vector<16xi32>
        %and3A_667 = arith.constant 7 : i32
        %and3A_668 = vector.broadcast %and3A_667 : i32 to vector<16xi32>
        %and3A_669 = arith.andi %and3A_663, %and3A_668 : vector<16xi32>
        %add3A_670 = arith.constant 0 : i32
        %add3A_671 = vector.broadcast %add3A_670 : i32 to vector<16xi32>
        %add3A_672 = arith.addi %add3A_671, %iota3A : vector<16xi32>
        %add3A_673 = arith.addi %shift_left3A_190, %and3A_663 : vector<16xi32>
        %gather3A_674 = arith.constant 0 : i32
        %gather3A_675 = arith.constant 0 : i32
        %gather3A_676 = arith.constant 0 : i32
        %gather3A_677 = tpu.memref_slice %arg7[%gather3A_674, %gather3A_675, %gather3A_676] : memref<2x128x128xf32, #tpu.memory_space<vmem>> -> memref<1x128x128xf32, #tpu.memory_space<vmem>>
        %gather3A_678 = tpu.memref_squeeze %gather3A_677 : memref<1x128x128xf32, #tpu.memory_space<vmem>> -> memref<128x128xf32, #tpu.memory_space<vmem>>
        %gather3A_679 = tpu.vector_load_idx %gather3A_678[%add3A_672, %add3A_673] : memref<128x128xf32, #tpu.memory_space<vmem>>[vector<16xi32>, vector<16xi32>], vector<16xf32>,
        %scatter3A_680 = arith.constant 0 : i32
        %scatter3A_681 = arith.constant 0 : i32
        %scatter3A_682 = arith.constant 0 : i32
        %scatter3A_683 = arith.constant 0 : i32
        %scatter3A_684 = tpu.memref_slice %arg8[%scatter3A_680, %scatter3A_681, %scatter3A_682, %scatter3A_683] : memref<2x8x8x130xf32, #tpu.memory_space<vmem>> -> memref<1x8x8x130xf32, #tpu.memory_space<vmem>>
        %scatter3A_685 = tpu.memref_squeeze %scatter3A_684 : memref<1x8x8x130xf32, #tpu.memory_space<vmem>> -> memref<8x8x130xf32, #tpu.memory_space<vmem>>
        tpu.vector_store_idx %scatter3A_685[%shift_right_arithmetic3A_666, %and3A_669, %add3A_672], %gather3A_679 : memref<8x8x130xf32, #tpu.memory_space<vmem>>[vector<16xi32>, vector<16xi32>, vector<16xi32>], vector<16xf32>,
        %add3A_686 = arith.constant 16 : i32
        %add3A_687 = vector.broadcast %add3A_686 : i32 to vector<16xi32>
        %add3A_688 = arith.addi %add3A_687, %iota3A : vector<16xi32>
        %add3A_689 = arith.addi %shift_left3A_200, %and3A_663 : vector<16xi32>
        %gather3A_690 = arith.constant 0 : i32
        %gather3A_691 = arith.constant 0 : i32
        %gather3A_692 = arith.constant 0 : i32
        %gather3A_693 = tpu.memref_slice %arg7[%gather3A_690, %gather3A_691, %gather3A_692] : memref<2x128x128xf32, #tpu.memory_space<vmem>> -> memref<1x128x128xf32, #tpu.memory_space<vmem>>
        %gather3A_694 = tpu.memref_squeeze %gather3A_693 : memref<1x128x128xf32, #tpu.memory_space<vmem>> -> memref<128x128xf32, #tpu.memory_space<vmem>>
        %gather3A_695 = tpu.vector_load_idx %gather3A_694[%add3A_688, %add3A_689] : memref<128x128xf32, #tpu.memory_space<vmem>>[vector<16xi32>, vector<16xi32>], vector<16xf32>,
        %scatter3A_696 = arith.constant 0 : i32
        %scatter3A_697 = arith.constant 0 : i32
        %scatter3A_698 = arith.constant 0 : i32
        %scatter3A_699 = arith.constant 0 : i32
        %scatter3A_700 = tpu.memref_slice %arg8[%scatter3A_696, %scatter3A_697, %scatter3A_698, %scatter3A_699] : memref<2x8x8x130xf32, #tpu.memory_space<vmem>> -> memref<1x8x8x130xf32, #tpu.memory_space<vmem>>
        %scatter3A_701 = tpu.memref_squeeze %scatter3A_700 : memref<1x8x8x130xf32, #tpu.memory_space<vmem>> -> memref<8x8x130xf32, #tpu.memory_space<vmem>>
        tpu.vector_store_idx %scatter3A_701[%shift_right_arithmetic3A_666, %and3A_669, %add3A_688], %gather3A_695 : memref<8x8x130xf32, #tpu.memory_space<vmem>>[vector<16xi32>, vector<16xi32>, vector<16xi32>], vector<16xf32>,
        %add3A_702 = arith.constant 32 : i32
        %add3A_703 = vector.broadcast %add3A_702 : i32 to vector<16xi32>
        %add3A_704 = arith.addi %add3A_703, %iota3A : vector<16xi32>
        %add3A_705 = arith.addi %shift_left3A_210, %and3A_663 : vector<16xi32>
        %gather3A_706 = arith.constant 0 : i32
        %gather3A_707 = arith.constant 0 : i32
        %gather3A_708 = arith.constant 0 : i32
        %gather3A_709 = tpu.memref_slice %arg7[%gather3A_706, %gather3A_707, %gather3A_708] : memref<2x128x128xf32, #tpu.memory_space<vmem>> -> memref<1x128x128xf32, #tpu.memory_space<vmem>>
        %gather3A_710 = tpu.memref_squeeze %gather3A_709 : memref<1x128x128xf32, #tpu.memory_space<vmem>> -> memref<128x128xf32, #tpu.memory_space<vmem>>
        %gather3A_711 = tpu.vector_load_idx %gather3A_710[%add3A_704, %add3A_705] : memref<128x128xf32, #tpu.memory_space<vmem>>[vector<16xi32>, vector<16xi32>], vector<16xf32>,
        %scatter3A_712 = arith.constant 0 : i32
        %scatter3A_713 = arith.constant 0 : i32
        %scatter3A_714 = arith.constant 0 : i32
        %scatter3A_715 = arith.constant 0 : i32
        %scatter3A_716 = tpu.memref_slice %arg8[%scatter3A_712, %scatter3A_713, %scatter3A_714, %scatter3A_715] : memref<2x8x8x130xf32, #tpu.memory_space<vmem>> -> memref<1x8x8x130xf32, #tpu.memory_space<vmem>>
        %scatter3A_717 = tpu.memref_squeeze %scatter3A_716 : memref<1x8x8x130xf32, #tpu.memory_space<vmem>> -> memref<8x8x130xf32, #tpu.memory_space<vmem>>
        tpu.vector_store_idx %scatter3A_717[%shift_right_arithmetic3A_666, %and3A_669, %add3A_704], %gather3A_711 : memref<8x8x130xf32, #tpu.memory_space<vmem>>[vector<16xi32>, vector<16xi32>, vector<16xi32>], vector<16xf32>,
        %add3A_718 = arith.constant 48 : i32
        %add3A_719 = vector.broadcast %add3A_718 : i32 to vector<16xi32>
        %add3A_720 = arith.addi %add3A_719, %iota3A : vector<16xi32>
        %add3A_721 = arith.addi %shift_left3A_220, %and3A_663 : vector<16xi32>
        %gather3A_722 = arith.constant 0 : i32
        %gather3A_723 = arith.constant 0 : i32
        %gather3A_724 = arith.constant 0 : i32
        %gather3A_725 = tpu.memref_slice %arg7[%gather3A_722, %gather3A_723, %gather3A_724] : memref<2x128x128xf32, #tpu.memory_space<vmem>> -> memref<1x128x128xf32, #tpu.memory_space<vmem>>
        %gather3A_726 = tpu.memref_squeeze %gather3A_725 : memref<1x128x128xf32, #tpu.memory_space<vmem>> -> memref<128x128xf32, #tpu.memory_space<vmem>>
        %gather3A_727 = tpu.vector_load_idx %gather3A_726[%add3A_720, %add3A_721] : memref<128x128xf32, #tpu.memory_space<vmem>>[vector<16xi32>, vector<16xi32>], vector<16xf32>,
        %scatter3A_728 = arith.constant 0 : i32
        %scatter3A_729 = arith.constant 0 : i32
        %scatter3A_730 = arith.constant 0 : i32
        %scatter3A_731 = arith.constant 0 : i32
        %scatter3A_732 = tpu.memref_slice %arg8[%scatter3A_728, %scatter3A_729, %scatter3A_730, %scatter3A_731] : memref<2x8x8x130xf32, #tpu.memory_space<vmem>> -> memref<1x8x8x130xf32, #tpu.memory_space<vmem>>
        %scatter3A_733 = tpu.memref_squeeze %scatter3A_732 : memref<1x8x8x130xf32, #tpu.memory_space<vmem>> -> memref<8x8x130xf32, #tpu.memory_space<vmem>>
        tpu.vector_store_idx %scatter3A_733[%shift_right_arithmetic3A_666, %and3A_669, %add3A_720], %gather3A_727 : memref<8x8x130xf32, #tpu.memory_space<vmem>>[vector<16xi32>, vector<16xi32>, vector<16xi32>], vector<16xf32>,
        %add3A_734 = arith.constant 64 : i32
        %add3A_735 = vector.broadcast %add3A_734 : i32 to vector<16xi32>
        %add3A_736 = arith.addi %add3A_735, %iota3A : vector<16xi32>
        %add3A_737 = arith.addi %shift_left3A_230, %and3A_663 : vector<16xi32>
        %gather3A_738 = arith.constant 0 : i32
        %gather3A_739 = arith.constant 0 : i32
        %gather3A_740 = arith.constant 0 : i32
        %gather3A_741 = tpu.memref_slice %arg7[%gather3A_738, %gather3A_739, %gather3A_740] : memref<2x128x128xf32, #tpu.memory_space<vmem>> -> memref<1x128x128xf32, #tpu.memory_space<vmem>>
        %gather3A_742 = tpu.memref_squeeze %gather3A_741 : memref<1x128x128xf32, #tpu.memory_space<vmem>> -> memref<128x128xf32, #tpu.memory_space<vmem>>
        %gather3A_743 = tpu.vector_load_idx %gather3A_742[%add3A_736, %add3A_737] : memref<128x128xf32, #tpu.memory_space<vmem>>[vector<16xi32>, vector<16xi32>], vector<16xf32>,
        %scatter3A_744 = arith.constant 0 : i32
        %scatter3A_745 = arith.constant 0 : i32
        %scatter3A_746 = arith.constant 0 : i32
        %scatter3A_747 = arith.constant 0 : i32
        %scatter3A_748 = tpu.memref_slice %arg8[%scatter3A_744, %scatter3A_745, %scatter3A_746, %scatter3A_747] : memref<2x8x8x130xf32, #tpu.memory_space<vmem>> -> memref<1x8x8x130xf32, #tpu.memory_space<vmem>>
        %scatter3A_749 = tpu.memref_squeeze %scatter3A_748 : memref<1x8x8x130xf32, #tpu.memory_space<vmem>> -> memref<8x8x130xf32, #tpu.memory_space<vmem>>
        tpu.vector_store_idx %scatter3A_749[%shift_right_arithmetic3A_666, %and3A_669, %add3A_736], %gather3A_743 : memref<8x8x130xf32, #tpu.memory_space<vmem>>[vector<16xi32>, vector<16xi32>, vector<16xi32>], vector<16xf32>,
        %add3A_750 = arith.constant 80 : i32
        %add3A_751 = vector.broadcast %add3A_750 : i32 to vector<16xi32>
        %add3A_752 = arith.addi %add3A_751, %iota3A : vector<16xi32>
        %add3A_753 = arith.addi %shift_left3A_240, %and3A_663 : vector<16xi32>
        %gather3A_754 = arith.constant 0 : i32
        %gather3A_755 = arith.constant 0 : i32
        %gather3A_756 = arith.constant 0 : i32
        %gather3A_757 = tpu.memref_slice %arg7[%gather3A_754, %gather3A_755, %gather3A_756] : memref<2x128x128xf32, #tpu.memory_space<vmem>> -> memref<1x128x128xf32, #tpu.memory_space<vmem>>
        %gather3A_758 = tpu.memref_squeeze %gather3A_757 : memref<1x128x128xf32, #tpu.memory_space<vmem>> -> memref<128x128xf32, #tpu.memory_space<vmem>>
        %gather3A_759 = tpu.vector_load_idx %gather3A_758[%add3A_752, %add3A_753] : memref<128x128xf32, #tpu.memory_space<vmem>>[vector<16xi32>, vector<16xi32>], vector<16xf32>,
        %scatter3A_760 = arith.constant 0 : i32
        %scatter3A_761 = arith.constant 0 : i32
        %scatter3A_762 = arith.constant 0 : i32
        %scatter3A_763 = arith.constant 0 : i32
        %scatter3A_764 = tpu.memref_slice %arg8[%scatter3A_760, %scatter3A_761, %scatter3A_762, %scatter3A_763] : memref<2x8x8x130xf32, #tpu.memory_space<vmem>> -> memref<1x8x8x130xf32, #tpu.memory_space<vmem>>
        %scatter3A_765 = tpu.memref_squeeze %scatter3A_764 : memref<1x8x8x130xf32, #tpu.memory_space<vmem>> -> memref<8x8x130xf32, #tpu.memory_space<vmem>>
        tpu.vector_store_idx %scatter3A_765[%shift_right_arithmetic3A_666, %and3A_669, %add3A_752], %gather3A_759 : memref<8x8x130xf32, #tpu.memory_space<vmem>>[vector<16xi32>, vector<16xi32>, vector<16xi32>], vector<16xf32>,
        %add3A_766 = arith.constant 96 : i32
        %add3A_767 = vector.broadcast %add3A_766 : i32 to vector<16xi32>
        %add3A_768 = arith.addi %add3A_767, %iota3A : vector<16xi32>
        %add3A_769 = arith.addi %shift_left3A_250, %and3A_663 : vector<16xi32>
        %gather3A_770 = arith.constant 0 : i32
        %gather3A_771 = arith.constant 0 : i32
        %gather3A_772 = arith.constant 0 : i32
        %gather3A_773 = tpu.memref_slice %arg7[%gather3A_770, %gather3A_771, %gather3A_772] : memref<2x128x128xf32, #tpu.memory_space<vmem>> -> memref<1x128x128xf32, #tpu.memory_space<vmem>>
        %gather3A_774 = tpu.memref_squeeze %gather3A_773 : memref<1x128x128xf32, #tpu.memory_space<vmem>> -> memref<128x128xf32, #tpu.memory_space<vmem>>
        %gather3A_775 = tpu.vector_load_idx %gather3A_774[%add3A_768, %add3A_769] : memref<128x128xf32, #tpu.memory_space<vmem>>[vector<16xi32>, vector<16xi32>], vector<16xf32>,
        %scatter3A_776 = arith.constant 0 : i32
        %scatter3A_777 = arith.constant 0 : i32
        %scatter3A_778 = arith.constant 0 : i32
        %scatter3A_779 = arith.constant 0 : i32
        %scatter3A_780 = tpu.memref_slice %arg8[%scatter3A_776, %scatter3A_777, %scatter3A_778, %scatter3A_779] : memref<2x8x8x130xf32, #tpu.memory_space<vmem>> -> memref<1x8x8x130xf32, #tpu.memory_space<vmem>>
        %scatter3A_781 = tpu.memref_squeeze %scatter3A_780 : memref<1x8x8x130xf32, #tpu.memory_space<vmem>> -> memref<8x8x130xf32, #tpu.memory_space<vmem>>
        tpu.vector_store_idx %scatter3A_781[%shift_right_arithmetic3A_666, %and3A_669, %add3A_768], %gather3A_775 : memref<8x8x130xf32, #tpu.memory_space<vmem>>[vector<16xi32>, vector<16xi32>, vector<16xi32>], vector<16xf32>,
        %add3A_782 = arith.constant 112 : i32
        %add3A_783 = vector.broadcast %add3A_782 : i32 to vector<16xi32>
        %add3A_784 = arith.addi %add3A_783, %iota3A : vector<16xi32>
        %add3A_785 = arith.addi %shift_left3A_260, %and3A_663 : vector<16xi32>
        %gather3A_786 = arith.constant 0 : i32
        %gather3A_787 = arith.constant 0 : i32
        %gather3A_788 = arith.constant 0 : i32
        %gather3A_789 = tpu.memref_slice %arg7[%gather3A_786, %gather3A_787, %gather3A_788] : memref<2x128x128xf32, #tpu.memory_space<vmem>> -> memref<1x128x128xf32, #tpu.memory_space<vmem>>
        %gather3A_790 = tpu.memref_squeeze %gather3A_789 : memref<1x128x128xf32, #tpu.memory_space<vmem>> -> memref<128x128xf32, #tpu.memory_space<vmem>>
        %gather3A_791 = tpu.vector_load_idx %gather3A_790[%add3A_784, %add3A_785] : memref<128x128xf32, #tpu.memory_space<vmem>>[vector<16xi32>, vector<16xi32>], vector<16xf32>,
        %scatter3A_792 = arith.constant 0 : i32
        %scatter3A_793 = arith.constant 0 : i32
        %scatter3A_794 = arith.constant 0 : i32
        %scatter3A_795 = arith.constant 0 : i32
        %scatter3A_796 = tpu.memref_slice %arg8[%scatter3A_792, %scatter3A_793, %scatter3A_794, %scatter3A_795] : memref<2x8x8x130xf32, #tpu.memory_space<vmem>> -> memref<1x8x8x130xf32, #tpu.memory_space<vmem>>
        %scatter3A_797 = tpu.memref_squeeze %scatter3A_796 : memref<1x8x8x130xf32, #tpu.memory_space<vmem>> -> memref<8x8x130xf32, #tpu.memory_space<vmem>>
        tpu.vector_store_idx %scatter3A_797[%shift_right_arithmetic3A_666, %and3A_669, %add3A_784], %gather3A_791 : memref<8x8x130xf32, #tpu.memory_space<vmem>>[vector<16xi32>, vector<16xi32>, vector<16xi32>], vector<16xf32>,
        %mul3A_798 = arith.constant 8 : i32
        %mul3A_799 = arith.muli %scan3A_514, %mul3A_798 : i32
        %add3A_800 = arith.constant 2 : i32
        %add3A_801 = arith.addi %mul3A_799, %add3A_800 : i32
        %add3A_802 = vector.broadcast %add3A_801 : i32 to vector<16xi32>
        %add3A_803 = arith.addi %add3A_802, %iota3A : vector<16xi32>
        %and3A_804 = arith.constant 63 : i32
        %and3A_805 = vector.broadcast %and3A_804 : i32 to vector<16xi32>
        %and3A_806 = arith.andi %add3A_803, %and3A_805 : vector<16xi32>
        %shift_right_arithmetic3A_807 = arith.constant 3 : i32
        %shift_right_arithmetic3A_808 = vector.broadcast %shift_right_arithmetic3A_807 : i32 to vector<16xi32>
        %shift_right_arithmetic3A_809 = arith.shrsi %and3A_806, %shift_right_arithmetic3A_808 : vector<16xi32>
        %and3A_810 = arith.constant 7 : i32
        %and3A_811 = vector.broadcast %and3A_810 : i32 to vector<16xi32>
        %and3A_812 = arith.andi %and3A_806, %and3A_811 : vector<16xi32>
        %add3A_813 = arith.constant 0 : i32
        %add3A_814 = vector.broadcast %add3A_813 : i32 to vector<16xi32>
        %add3A_815 = arith.addi %add3A_814, %iota3A : vector<16xi32>
        %add3A_816 = arith.addi %shift_left3A_190, %and3A_806 : vector<16xi32>
        %gather3A_817 = arith.constant 0 : i32
        %gather3A_818 = arith.constant 0 : i32
        %gather3A_819 = arith.constant 0 : i32
        %gather3A_820 = tpu.memref_slice %arg7[%gather3A_817, %gather3A_818, %gather3A_819] : memref<2x128x128xf32, #tpu.memory_space<vmem>> -> memref<1x128x128xf32, #tpu.memory_space<vmem>>
        %gather3A_821 = tpu.memref_squeeze %gather3A_820 : memref<1x128x128xf32, #tpu.memory_space<vmem>> -> memref<128x128xf32, #tpu.memory_space<vmem>>
        %gather3A_822 = tpu.vector_load_idx %gather3A_821[%add3A_815, %add3A_816] : memref<128x128xf32, #tpu.memory_space<vmem>>[vector<16xi32>, vector<16xi32>], vector<16xf32>,
        %scatter3A_823 = arith.constant 0 : i32
        %scatter3A_824 = arith.constant 0 : i32
        %scatter3A_825 = arith.constant 0 : i32
        %scatter3A_826 = arith.constant 0 : i32
        %scatter3A_827 = tpu.memref_slice %arg8[%scatter3A_823, %scatter3A_824, %scatter3A_825, %scatter3A_826] : memref<2x8x8x130xf32, #tpu.memory_space<vmem>> -> memref<1x8x8x130xf32, #tpu.memory_space<vmem>>
        %scatter3A_828 = tpu.memref_squeeze %scatter3A_827 : memref<1x8x8x130xf32, #tpu.memory_space<vmem>> -> memref<8x8x130xf32, #tpu.memory_space<vmem>>
        tpu.vector_store_idx %scatter3A_828[%shift_right_arithmetic3A_809, %and3A_812, %add3A_815], %gather3A_822 : memref<8x8x130xf32, #tpu.memory_space<vmem>>[vector<16xi32>, vector<16xi32>, vector<16xi32>], vector<16xf32>,
        %add3A_829 = arith.constant 16 : i32
        %add3A_830 = vector.broadcast %add3A_829 : i32 to vector<16xi32>
        %add3A_831 = arith.addi %add3A_830, %iota3A : vector<16xi32>
        %add3A_832 = arith.addi %shift_left3A_200, %and3A_806 : vector<16xi32>
        %gather3A_833 = arith.constant 0 : i32
        %gather3A_834 = arith.constant 0 : i32
        %gather3A_835 = arith.constant 0 : i32
        %gather3A_836 = tpu.memref_slice %arg7[%gather3A_833, %gather3A_834, %gather3A_835] : memref<2x128x128xf32, #tpu.memory_space<vmem>> -> memref<1x128x128xf32, #tpu.memory_space<vmem>>
        %gather3A_837 = tpu.memref_squeeze %gather3A_836 : memref<1x128x128xf32, #tpu.memory_space<vmem>> -> memref<128x128xf32, #tpu.memory_space<vmem>>
        %gather3A_838 = tpu.vector_load_idx %gather3A_837[%add3A_831, %add3A_832] : memref<128x128xf32, #tpu.memory_space<vmem>>[vector<16xi32>, vector<16xi32>], vector<16xf32>,
        %scatter3A_839 = arith.constant 0 : i32
        %scatter3A_840 = arith.constant 0 : i32
        %scatter3A_841 = arith.constant 0 : i32
        %scatter3A_842 = arith.constant 0 : i32
        %scatter3A_843 = tpu.memref_slice %arg8[%scatter3A_839, %scatter3A_840, %scatter3A_841, %scatter3A_842] : memref<2x8x8x130xf32, #tpu.memory_space<vmem>> -> memref<1x8x8x130xf32, #tpu.memory_space<vmem>>
        %scatter3A_844 = tpu.memref_squeeze %scatter3A_843 : memref<1x8x8x130xf32, #tpu.memory_space<vmem>> -> memref<8x8x130xf32, #tpu.memory_space<vmem>>
        tpu.vector_store_idx %scatter3A_844[%shift_right_arithmetic3A_809, %and3A_812, %add3A_831], %gather3A_838 : memref<8x8x130xf32, #tpu.memory_space<vmem>>[vector<16xi32>, vector<16xi32>, vector<16xi32>], vector<16xf32>,
        %add3A_845 = arith.constant 32 : i32
        %add3A_846 = vector.broadcast %add3A_845 : i32 to vector<16xi32>
        %add3A_847 = arith.addi %add3A_846, %iota3A : vector<16xi32>
        %add3A_848 = arith.addi %shift_left3A_210, %and3A_806 : vector<16xi32>
        %gather3A_849 = arith.constant 0 : i32
        %gather3A_850 = arith.constant 0 : i32
        %gather3A_851 = arith.constant 0 : i32
        %gather3A_852 = tpu.memref_slice %arg7[%gather3A_849, %gather3A_850, %gather3A_851] : memref<2x128x128xf32, #tpu.memory_space<vmem>> -> memref<1x128x128xf32, #tpu.memory_space<vmem>>
        %gather3A_853 = tpu.memref_squeeze %gather3A_852 : memref<1x128x128xf32, #tpu.memory_space<vmem>> -> memref<128x128xf32, #tpu.memory_space<vmem>>
        %gather3A_854 = tpu.vector_load_idx %gather3A_853[%add3A_847, %add3A_848] : memref<128x128xf32, #tpu.memory_space<vmem>>[vector<16xi32>, vector<16xi32>], vector<16xf32>,
        %scatter3A_855 = arith.constant 0 : i32
        %scatter3A_856 = arith.constant 0 : i32
        %scatter3A_857 = arith.constant 0 : i32
        %scatter3A_858 = arith.constant 0 : i32
        %scatter3A_859 = tpu.memref_slice %arg8[%scatter3A_855, %scatter3A_856, %scatter3A_857, %scatter3A_858] : memref<2x8x8x130xf32, #tpu.memory_space<vmem>> -> memref<1x8x8x130xf32, #tpu.memory_space<vmem>>
        %scatter3A_860 = tpu.memref_squeeze %scatter3A_859 : memref<1x8x8x130xf32, #tpu.memory_space<vmem>> -> memref<8x8x130xf32, #tpu.memory_space<vmem>>
        tpu.vector_store_idx %scatter3A_860[%shift_right_arithmetic3A_809, %and3A_812, %add3A_847], %gather3A_854 : memref<8x8x130xf32, #tpu.memory_space<vmem>>[vector<16xi32>, vector<16xi32>, vector<16xi32>], vector<16xf32>,
        %add3A_861 = arith.constant 48 : i32
        %add3A_862 = vector.broadcast %add3A_861 : i32 to vector<16xi32>
        %add3A_863 = arith.addi %add3A_862, %iota3A : vector<16xi32>
        %add3A_864 = arith.addi %shift_left3A_220, %and3A_806 : vector<16xi32>
        %gather3A_865 = arith.constant 0 : i32
        %gather3A_866 = arith.constant 0 : i32
        %gather3A_867 = arith.constant 0 : i32
        %gather3A_868 = tpu.memref_slice %arg7[%gather3A_865, %gather3A_866, %gather3A_867] : memref<2x128x128xf32, #tpu.memory_space<vmem>> -> memref<1x128x128xf32, #tpu.memory_space<vmem>>
        %gather3A_869 = tpu.memref_squeeze %gather3A_868 : memref<1x128x128xf32, #tpu.memory_space<vmem>> -> memref<128x128xf32, #tpu.memory_space<vmem>>
        %gather3A_870 = tpu.vector_load_idx %gather3A_869[%add3A_863, %add3A_864] : memref<128x128xf32, #tpu.memory_space<vmem>>[vector<16xi32>, vector<16xi32>], vector<16xf32>,
        %scatter3A_871 = arith.constant 0 : i32
        %scatter3A_872 = arith.constant 0 : i32
        %scatter3A_873 = arith.constant 0 : i32
        %scatter3A_874 = arith.constant 0 : i32
        %scatter3A_875 = tpu.memref_slice %arg8[%scatter3A_871, %scatter3A_872, %scatter3A_873, %scatter3A_874] : memref<2x8x8x130xf32, #tpu.memory_space<vmem>> -> memref<1x8x8x130xf32, #tpu.memory_space<vmem>>
        %scatter3A_876 = tpu.memref_squeeze %scatter3A_875 : memref<1x8x8x130xf32, #tpu.memory_space<vmem>> -> memref<8x8x130xf32, #tpu.memory_space<vmem>>
        tpu.vector_store_idx %scatter3A_876[%shift_right_arithmetic3A_809, %and3A_812, %add3A_863], %gather3A_870 : memref<8x8x130xf32, #tpu.memory_space<vmem>>[vector<16xi32>, vector<16xi32>, vector<16xi32>], vector<16xf32>,
        %add3A_877 = arith.constant 64 : i32
        %add3A_878 = vector.broadcast %add3A_877 : i32 to vector<16xi32>
        %add3A_879 = arith.addi %add3A_878, %iota3A : vector<16xi32>
        %add3A_880 = arith.addi %shift_left3A_230, %and3A_806 : vector<16xi32>
        %gather3A_881 = arith.constant 0 : i32
        %gather3A_882 = arith.constant 0 : i32
        %gather3A_883 = arith.constant 0 : i32
        %gather3A_884 = tpu.memref_slice %arg7[%gather3A_881, %gather3A_882, %gather3A_883] : memref<2x128x128xf32, #tpu.memory_space<vmem>> -> memref<1x128x128xf32, #tpu.memory_space<vmem>>
        %gather3A_885 = tpu.memref_squeeze %gather3A_884 : memref<1x128x128xf32, #tpu.memory_space<vmem>> -> memref<128x128xf32, #tpu.memory_space<vmem>>
        %gather3A_886 = tpu.vector_load_idx %gather3A_885[%add3A_879, %add3A_880] : memref<128x128xf32, #tpu.memory_space<vmem>>[vector<16xi32>, vector<16xi32>], vector<16xf32>,
        %scatter3A_887 = arith.constant 0 : i32
        %scatter3A_888 = arith.constant 0 : i32
        %scatter3A_889 = arith.constant 0 : i32
        %scatter3A_890 = arith.constant 0 : i32
        %scatter3A_891 = tpu.memref_slice %arg8[%scatter3A_887, %scatter3A_888, %scatter3A_889, %scatter3A_890] : memref<2x8x8x130xf32, #tpu.memory_space<vmem>> -> memref<1x8x8x130xf32, #tpu.memory_space<vmem>>
        %scatter3A_892 = tpu.memref_squeeze %scatter3A_891 : memref<1x8x8x130xf32, #tpu.memory_space<vmem>> -> memref<8x8x130xf32, #tpu.memory_space<vmem>>
        tpu.vector_store_idx %scatter3A_892[%shift_right_arithmetic3A_809, %and3A_812, %add3A_879], %gather3A_886 : memref<8x8x130xf32, #tpu.memory_space<vmem>>[vector<16xi32>, vector<16xi32>, vector<16xi32>], vector<16xf32>,
        %add3A_893 = arith.constant 80 : i32
        %add3A_894 = vector.broadcast %add3A_893 : i32 to vector<16xi32>
        %add3A_895 = arith.addi %add3A_894, %iota3A : vector<16xi32>
        %add3A_896 = arith.addi %shift_left3A_240, %and3A_806 : vector<16xi32>
        %gather3A_897 = arith.constant 0 : i32
        %gather3A_898 = arith.constant 0 : i32
        %gather3A_899 = arith.constant 0 : i32
        %gather3A_900 = tpu.memref_slice %arg7[%gather3A_897, %gather3A_898, %gather3A_899] : memref<2x128x128xf32, #tpu.memory_space<vmem>> -> memref<1x128x128xf32, #tpu.memory_space<vmem>>
        %gather3A_901 = tpu.memref_squeeze %gather3A_900 : memref<1x128x128xf32, #tpu.memory_space<vmem>> -> memref<128x128xf32, #tpu.memory_space<vmem>>
        %gather3A_902 = tpu.vector_load_idx %gather3A_901[%add3A_895, %add3A_896] : memref<128x128xf32, #tpu.memory_space<vmem>>[vector<16xi32>, vector<16xi32>], vector<16xf32>,
        %scatter3A_903 = arith.constant 0 : i32
        %scatter3A_904 = arith.constant 0 : i32
        %scatter3A_905 = arith.constant 0 : i32
        %scatter3A_906 = arith.constant 0 : i32
        %scatter3A_907 = tpu.memref_slice %arg8[%scatter3A_903, %scatter3A_904, %scatter3A_905, %scatter3A_906] : memref<2x8x8x130xf32, #tpu.memory_space<vmem>> -> memref<1x8x8x130xf32, #tpu.memory_space<vmem>>
        %scatter3A_908 = tpu.memref_squeeze %scatter3A_907 : memref<1x8x8x130xf32, #tpu.memory_space<vmem>> -> memref<8x8x130xf32, #tpu.memory_space<vmem>>
        tpu.vector_store_idx %scatter3A_908[%shift_right_arithmetic3A_809, %and3A_812, %add3A_895], %gather3A_902 : memref<8x8x130xf32, #tpu.memory_space<vmem>>[vector<16xi32>, vector<16xi32>, vector<16xi32>], vector<16xf32>,
        %add3A_909 = arith.constant 96 : i32
        %add3A_910 = vector.broadcast %add3A_909 : i32 to vector<16xi32>
        %add3A_911 = arith.addi %add3A_910, %iota3A : vector<16xi32>
        %add3A_912 = arith.addi %shift_left3A_250, %and3A_806 : vector<16xi32>
        %gather3A_913 = arith.constant 0 : i32
        %gather3A_914 = arith.constant 0 : i32
        %gather3A_915 = arith.constant 0 : i32
        %gather3A_916 = tpu.memref_slice %arg7[%gather3A_913, %gather3A_914, %gather3A_915] : memref<2x128x128xf32, #tpu.memory_space<vmem>> -> memref<1x128x128xf32, #tpu.memory_space<vmem>>
        %gather3A_917 = tpu.memref_squeeze %gather3A_916 : memref<1x128x128xf32, #tpu.memory_space<vmem>> -> memref<128x128xf32, #tpu.memory_space<vmem>>
        %gather3A_918 = tpu.vector_load_idx %gather3A_917[%add3A_911, %add3A_912] : memref<128x128xf32, #tpu.memory_space<vmem>>[vector<16xi32>, vector<16xi32>], vector<16xf32>,
        %scatter3A_919 = arith.constant 0 : i32
        %scatter3A_920 = arith.constant 0 : i32
        %scatter3A_921 = arith.constant 0 : i32
        %scatter3A_922 = arith.constant 0 : i32
        %scatter3A_923 = tpu.memref_slice %arg8[%scatter3A_919, %scatter3A_920, %scatter3A_921, %scatter3A_922] : memref<2x8x8x130xf32, #tpu.memory_space<vmem>> -> memref<1x8x8x130xf32, #tpu.memory_space<vmem>>
        %scatter3A_924 = tpu.memref_squeeze %scatter3A_923 : memref<1x8x8x130xf32, #tpu.memory_space<vmem>> -> memref<8x8x130xf32, #tpu.memory_space<vmem>>
        tpu.vector_store_idx %scatter3A_924[%shift_right_arithmetic3A_809, %and3A_812, %add3A_911], %gather3A_918 : memref<8x8x130xf32, #tpu.memory_space<vmem>>[vector<16xi32>, vector<16xi32>, vector<16xi32>], vector<16xf32>,
        %add3A_925 = arith.constant 112 : i32
        %add3A_926 = vector.broadcast %add3A_925 : i32 to vector<16xi32>
        %add3A_927 = arith.addi %add3A_926, %iota3A : vector<16xi32>
        %add3A_928 = arith.addi %shift_left3A_260, %and3A_806 : vector<16xi32>
        %gather3A_929 = arith.constant 0 : i32
        %gather3A_930 = arith.constant 0 : i32
        %gather3A_931 = arith.constant 0 : i32
        %gather3A_932 = tpu.memref_slice %arg7[%gather3A_929, %gather3A_930, %gather3A_931] : memref<2x128x128xf32, #tpu.memory_space<vmem>> -> memref<1x128x128xf32, #tpu.memory_space<vmem>>
        %gather3A_933 = tpu.memref_squeeze %gather3A_932 : memref<1x128x128xf32, #tpu.memory_space<vmem>> -> memref<128x128xf32, #tpu.memory_space<vmem>>
        %gather3A_934 = tpu.vector_load_idx %gather3A_933[%add3A_927, %add3A_928] : memref<128x128xf32, #tpu.memory_space<vmem>>[vector<16xi32>, vector<16xi32>], vector<16xf32>,
        %scatter3A_935 = arith.constant 0 : i32
        %scatter3A_936 = arith.constant 0 : i32
        %scatter3A_937 = arith.constant 0 : i32
        %scatter3A_938 = arith.constant 0 : i32
        %scatter3A_939 = tpu.memref_slice %arg8[%scatter3A_935, %scatter3A_936, %scatter3A_937, %scatter3A_938] : memref<2x8x8x130xf32, #tpu.memory_space<vmem>> -> memref<1x8x8x130xf32, #tpu.memory_space<vmem>>
        %scatter3A_940 = tpu.memref_squeeze %scatter3A_939 : memref<1x8x8x130xf32, #tpu.memory_space<vmem>> -> memref<8x8x130xf32, #tpu.memory_space<vmem>>
        tpu.vector_store_idx %scatter3A_940[%shift_right_arithmetic3A_809, %and3A_812, %add3A_927], %gather3A_934 : memref<8x8x130xf32, #tpu.memory_space<vmem>>[vector<16xi32>, vector<16xi32>, vector<16xi32>], vector<16xf32>,
        %mul3A_941 = arith.constant 8 : i32
        %mul3A_942 = arith.muli %scan3A_514, %mul3A_941 : i32
        %add3A_943 = arith.constant 3 : i32
        %add3A_944 = arith.addi %mul3A_942, %add3A_943 : i32
        %add3A_945 = vector.broadcast %add3A_944 : i32 to vector<16xi32>
        %add3A_946 = arith.addi %add3A_945, %iota3A : vector<16xi32>
        %and3A_947 = arith.constant 63 : i32
        %and3A_948 = vector.broadcast %and3A_947 : i32 to vector<16xi32>
        %and3A_949 = arith.andi %add3A_946, %and3A_948 : vector<16xi32>
        %shift_right_arithmetic3A_950 = arith.constant 3 : i32
        %shift_right_arithmetic3A_951 = vector.broadcast %shift_right_arithmetic3A_950 : i32 to vector<16xi32>
        %shift_right_arithmetic3A_952 = arith.shrsi %and3A_949, %shift_right_arithmetic3A_951 : vector<16xi32>
        %and3A_953 = arith.constant 7 : i32
        %and3A_954 = vector.broadcast %and3A_953 : i32 to vector<16xi32>
        %and3A_955 = arith.andi %and3A_949, %and3A_954 : vector<16xi32>
        %add3A_956 = arith.constant 0 : i32
        %add3A_957 = vector.broadcast %add3A_956 : i32 to vector<16xi32>
        %add3A_958 = arith.addi %add3A_957, %iota3A : vector<16xi32>
        %add3A_959 = arith.addi %shift_left3A_190, %and3A_949 : vector<16xi32>
        %gather3A_960 = arith.constant 0 : i32
        %gather3A_961 = arith.constant 0 : i32
        %gather3A_962 = arith.constant 0 : i32
        %gather3A_963 = tpu.memref_slice %arg7[%gather3A_960, %gather3A_961, %gather3A_962] : memref<2x128x128xf32, #tpu.memory_space<vmem>> -> memref<1x128x128xf32, #tpu.memory_space<vmem>>
        %gather3A_964 = tpu.memref_squeeze %gather3A_963 : memref<1x128x128xf32, #tpu.memory_space<vmem>> -> memref<128x128xf32, #tpu.memory_space<vmem>>
        %gather3A_965 = tpu.vector_load_idx %gather3A_964[%add3A_958, %add3A_959] : memref<128x128xf32, #tpu.memory_space<vmem>>[vector<16xi32>, vector<16xi32>], vector<16xf32>,
        %scatter3A_966 = arith.constant 0 : i32
        %scatter3A_967 = arith.constant 0 : i32
        %scatter3A_968 = arith.constant 0 : i32
        %scatter3A_969 = arith.constant 0 : i32
        %scatter3A_970 = tpu.memref_slice %arg8[%scatter3A_966, %scatter3A_967, %scatter3A_968, %scatter3A_969] : memref<2x8x8x130xf32, #tpu.memory_space<vmem>> -> memref<1x8x8x130xf32, #tpu.memory_space<vmem>>
        %scatter3A_971 = tpu.memref_squeeze %scatter3A_970 : memref<1x8x8x130xf32, #tpu.memory_space<vmem>> -> memref<8x8x130xf32, #tpu.memory_space<vmem>>
        tpu.vector_store_idx %scatter3A_971[%shift_right_arithmetic3A_952, %and3A_955, %add3A_958], %gather3A_965 : memref<8x8x130xf32, #tpu.memory_space<vmem>>[vector<16xi32>, vector<16xi32>, vector<16xi32>], vector<16xf32>,
        %add3A_972 = arith.constant 16 : i32
        %add3A_973 = vector.broadcast %add3A_972 : i32 to vector<16xi32>
        %add3A_974 = arith.addi %add3A_973, %iota3A : vector<16xi32>
        %add3A_975 = arith.addi %shift_left3A_200, %and3A_949 : vector<16xi32>
        %gather3A_976 = arith.constant 0 : i32
        %gather3A_977 = arith.constant 0 : i32
        %gather3A_978 = arith.constant 0 : i32
        %gather3A_979 = tpu.memref_slice %arg7[%gather3A_976, %gather3A_977, %gather3A_978] : memref<2x128x128xf32, #tpu.memory_space<vmem>> -> memref<1x128x128xf32, #tpu.memory_space<vmem>>
        %gather3A_980 = tpu.memref_squeeze %gather3A_979 : memref<1x128x128xf32, #tpu.memory_space<vmem>> -> memref<128x128xf32, #tpu.memory_space<vmem>>
        %gather3A_981 = tpu.vector_load_idx %gather3A_980[%add3A_974, %add3A_975] : memref<128x128xf32, #tpu.memory_space<vmem>>[vector<16xi32>, vector<16xi32>], vector<16xf32>,
        %scatter3A_982 = arith.constant 0 : i32
        %scatter3A_983 = arith.constant 0 : i32
        %scatter3A_984 = arith.constant 0 : i32
        %scatter3A_985 = arith.constant 0 : i32
        %scatter3A_986 = tpu.memref_slice %arg8[%scatter3A_982, %scatter3A_983, %scatter3A_984, %scatter3A_985] : memref<2x8x8x130xf32, #tpu.memory_space<vmem>> -> memref<1x8x8x130xf32, #tpu.memory_space<vmem>>
        %scatter3A_987 = tpu.memref_squeeze %scatter3A_986 : memref<1x8x8x130xf32, #tpu.memory_space<vmem>> -> memref<8x8x130xf32, #tpu.memory_space<vmem>>
        tpu.vector_store_idx %scatter3A_987[%shift_right_arithmetic3A_952, %and3A_955, %add3A_974], %gather3A_981 : memref<8x8x130xf32, #tpu.memory_space<vmem>>[vector<16xi32>, vector<16xi32>, vector<16xi32>], vector<16xf32>,
        %add3A_988 = arith.constant 32 : i32
        %add3A_989 = vector.broadcast %add3A_988 : i32 to vector<16xi32>
        %add3A_990 = arith.addi %add3A_989, %iota3A : vector<16xi32>
        %add3A_991 = arith.addi %shift_left3A_210, %and3A_949 : vector<16xi32>
        %gather3A_992 = arith.constant 0 : i32
        %gather3A_993 = arith.constant 0 : i32
        %gather3A_994 = arith.constant 0 : i32
        %gather3A_995 = tpu.memref_slice %arg7[%gather3A_992, %gather3A_993, %gather3A_994] : memref<2x128x128xf32, #tpu.memory_space<vmem>> -> memref<1x128x128xf32, #tpu.memory_space<vmem>>
        %gather3A_996 = tpu.memref_squeeze %gather3A_995 : memref<1x128x128xf32, #tpu.memory_space<vmem>> -> memref<128x128xf32, #tpu.memory_space<vmem>>
        %gather3A_997 = tpu.vector_load_idx %gather3A_996[%add3A_990, %add3A_991] : memref<128x128xf32, #tpu.memory_space<vmem>>[vector<16xi32>, vector<16xi32>], vector<16xf32>,
        %scatter3A_998 = arith.constant 0 : i32
        %scatter3A_999 = arith.constant 0 : i32
        %scatter3A_1000 = arith.constant 0 : i32
        %scatter3A_1001 = arith.constant 0 : i32
        %scatter3A_1002 = tpu.memref_slice %arg8[%scatter3A_998, %scatter3A_999, %scatter3A_1000, %scatter3A_1001] : memref<2x8x8x130xf32, #tpu.memory_space<vmem>> -> memref<1x8x8x130xf32, #tpu.memory_space<vmem>>
        %scatter3A_1003 = tpu.memref_squeeze %scatter3A_1002 : memref<1x8x8x130xf32, #tpu.memory_space<vmem>> -> memref<8x8x130xf32, #tpu.memory_space<vmem>>
        tpu.vector_store_idx %scatter3A_1003[%shift_right_arithmetic3A_952, %and3A_955, %add3A_990], %gather3A_997 : memref<8x8x130xf32, #tpu.memory_space<vmem>>[vector<16xi32>, vector<16xi32>, vector<16xi32>], vector<16xf32>,
        %add3A_1004 = arith.constant 48 : i32
        %add3A_1005 = vector.broadcast %add3A_1004 : i32 to vector<16xi32>
        %add3A_1006 = arith.addi %add3A_1005, %iota3A : vector<16xi32>
        %add3A_1007 = arith.addi %shift_left3A_220, %and3A_949 : vector<16xi32>
        %gather3A_1008 = arith.constant 0 : i32
        %gather3A_1009 = arith.constant 0 : i32
        %gather3A_1010 = arith.constant 0 : i32
        %gather3A_1011 = tpu.memref_slice %arg7[%gather3A_1008, %gather3A_1009, %gather3A_1010] : memref<2x128x128xf32, #tpu.memory_space<vmem>> -> memref<1x128x128xf32, #tpu.memory_space<vmem>>
        %gather3A_1012 = tpu.memref_squeeze %gather3A_1011 : memref<1x128x128xf32, #tpu.memory_space<vmem>> -> memref<128x128xf32, #tpu.memory_space<vmem>>
        %gather3A_1013 = tpu.vector_load_idx %gather3A_1012[%add3A_1006, %add3A_1007] : memref<128x128xf32, #tpu.memory_space<vmem>>[vector<16xi32>, vector<16xi32>], vector<16xf32>,
        %scatter3A_1014 = arith.constant 0 : i32
        %scatter3A_1015 = arith.constant 0 : i32
        %scatter3A_1016 = arith.constant 0 : i32
        %scatter3A_1017 = arith.constant 0 : i32
        %scatter3A_1018 = tpu.memref_slice %arg8[%scatter3A_1014, %scatter3A_1015, %scatter3A_1016, %scatter3A_1017] : memref<2x8x8x130xf32, #tpu.memory_space<vmem>> -> memref<1x8x8x130xf32, #tpu.memory_space<vmem>>
        %scatter3A_1019 = tpu.memref_squeeze %scatter3A_1018 : memref<1x8x8x130xf32, #tpu.memory_space<vmem>> -> memref<8x8x130xf32, #tpu.memory_space<vmem>>
        tpu.vector_store_idx %scatter3A_1019[%shift_right_arithmetic3A_952, %and3A_955, %add3A_1006], %gather3A_1013 : memref<8x8x130xf32, #tpu.memory_space<vmem>>[vector<16xi32>, vector<16xi32>, vector<16xi32>], vector<16xf32>,
        %add3A_1020 = arith.constant 64 : i32
        %add3A_1021 = vector.broadcast %add3A_1020 : i32 to vector<16xi32>
        %add3A_1022 = arith.addi %add3A_1021, %iota3A : vector<16xi32>
        %add3A_1023 = arith.addi %shift_left3A_230, %and3A_949 : vector<16xi32>
        %gather3A_1024 = arith.constant 0 : i32
        %gather3A_1025 = arith.constant 0 : i32
        %gather3A_1026 = arith.constant 0 : i32
        %gather3A_1027 = tpu.memref_slice %arg7[%gather3A_1024, %gather3A_1025, %gather3A_1026] : memref<2x128x128xf32, #tpu.memory_space<vmem>> -> memref<1x128x128xf32, #tpu.memory_space<vmem>>
        %gather3A_1028 = tpu.memref_squeeze %gather3A_1027 : memref<1x128x128xf32, #tpu.memory_space<vmem>> -> memref<128x128xf32, #tpu.memory_space<vmem>>
        %gather3A_1029 = tpu.vector_load_idx %gather3A_1028[%add3A_1022, %add3A_1023] : memref<128x128xf32, #tpu.memory_space<vmem>>[vector<16xi32>, vector<16xi32>], vector<16xf32>,
        %scatter3A_1030 = arith.constant 0 : i32
        %scatter3A_1031 = arith.constant 0 : i32
        %scatter3A_1032 = arith.constant 0 : i32
        %scatter3A_1033 = arith.constant 0 : i32
        %scatter3A_1034 = tpu.memref_slice %arg8[%scatter3A_1030, %scatter3A_1031, %scatter3A_1032, %scatter3A_1033] : memref<2x8x8x130xf32, #tpu.memory_space<vmem>> -> memref<1x8x8x130xf32, #tpu.memory_space<vmem>>
        %scatter3A_1035 = tpu.memref_squeeze %scatter3A_1034 : memref<1x8x8x130xf32, #tpu.memory_space<vmem>> -> memref<8x8x130xf32, #tpu.memory_space<vmem>>
        tpu.vector_store_idx %scatter3A_1035[%shift_right_arithmetic3A_952, %and3A_955, %add3A_1022], %gather3A_1029 : memref<8x8x130xf32, #tpu.memory_space<vmem>>[vector<16xi32>, vector<16xi32>, vector<16xi32>], vector<16xf32>,
        %add3A_1036 = arith.constant 80 : i32
        %add3A_1037 = vector.broadcast %add3A_1036 : i32 to vector<16xi32>
        %add3A_1038 = arith.addi %add3A_1037, %iota3A : vector<16xi32>
        %add3A_1039 = arith.addi %shift_left3A_240, %and3A_949 : vector<16xi32>
        %gather3A_1040 = arith.constant 0 : i32
        %gather3A_1041 = arith.constant 0 : i32
        %gather3A_1042 = arith.constant 0 : i32
        %gather3A_1043 = tpu.memref_slice %arg7[%gather3A_1040, %gather3A_1041, %gather3A_1042] : memref<2x128x128xf32, #tpu.memory_space<vmem>> -> memref<1x128x128xf32, #tpu.memory_space<vmem>>
        %gather3A_1044 = tpu.memref_squeeze %gather3A_1043 : memref<1x128x128xf32, #tpu.memory_space<vmem>> -> memref<128x128xf32, #tpu.memory_space<vmem>>
        %gather3A_1045 = tpu.vector_load_idx %gather3A_1044[%add3A_1038, %add3A_1039] : memref<128x128xf32, #tpu.memory_space<vmem>>[vector<16xi32>, vector<16xi32>], vector<16xf32>,
        %scatter3A_1046 = arith.constant 0 : i32
        %scatter3A_1047 = arith.constant 0 : i32
        %scatter3A_1048 = arith.constant 0 : i32
        %scatter3A_1049 = arith.constant 0 : i32
        %scatter3A_1050 = tpu.memref_slice %arg8[%scatter3A_1046, %scatter3A_1047, %scatter3A_1048, %scatter3A_1049] : memref<2x8x8x130xf32, #tpu.memory_space<vmem>> -> memref<1x8x8x130xf32, #tpu.memory_space<vmem>>
        %scatter3A_1051 = tpu.memref_squeeze %scatter3A_1050 : memref<1x8x8x130xf32, #tpu.memory_space<vmem>> -> memref<8x8x130xf32, #tpu.memory_space<vmem>>
        tpu.vector_store_idx %scatter3A_1051[%shift_right_arithmetic3A_952, %and3A_955, %add3A_1038], %gather3A_1045 : memref<8x8x130xf32, #tpu.memory_space<vmem>>[vector<16xi32>, vector<16xi32>, vector<16xi32>], vector<16xf32>,
        %add3A_1052 = arith.constant 96 : i32
        %add3A_1053 = vector.broadcast %add3A_1052 : i32 to vector<16xi32>
        %add3A_1054 = arith.addi %add3A_1053, %iota3A : vector<16xi32>
        %add3A_1055 = arith.addi %shift_left3A_250, %and3A_949 : vector<16xi32>
        %gather3A_1056 = arith.constant 0 : i32
        %gather3A_1057 = arith.constant 0 : i32
        %gather3A_1058 = arith.constant 0 : i32
        %gather3A_1059 = tpu.memref_slice %arg7[%gather3A_1056, %gather3A_1057, %gather3A_1058] : memref<2x128x128xf32, #tpu.memory_space<vmem>> -> memref<1x128x128xf32, #tpu.memory_space<vmem>>
        %gather3A_1060 = tpu.memref_squeeze %gather3A_1059 : memref<1x128x128xf32, #tpu.memory_space<vmem>> -> memref<128x128xf32, #tpu.memory_space<vmem>>
        %gather3A_1061 = tpu.vector_load_idx %gather3A_1060[%add3A_1054, %add3A_1055] : memref<128x128xf32, #tpu.memory_space<vmem>>[vector<16xi32>, vector<16xi32>], vector<16xf32>,
        %scatter3A_1062 = arith.constant 0 : i32
        %scatter3A_1063 = arith.constant 0 : i32
        %scatter3A_1064 = arith.constant 0 : i32
        %scatter3A_1065 = arith.constant 0 : i32
        %scatter3A_1066 = tpu.memref_slice %arg8[%scatter3A_1062, %scatter3A_1063, %scatter3A_1064, %scatter3A_1065] : memref<2x8x8x130xf32, #tpu.memory_space<vmem>> -> memref<1x8x8x130xf32, #tpu.memory_space<vmem>>
        %scatter3A_1067 = tpu.memref_squeeze %scatter3A_1066 : memref<1x8x8x130xf32, #tpu.memory_space<vmem>> -> memref<8x8x130xf32, #tpu.memory_space<vmem>>
        tpu.vector_store_idx %scatter3A_1067[%shift_right_arithmetic3A_952, %and3A_955, %add3A_1054], %gather3A_1061 : memref<8x8x130xf32, #tpu.memory_space<vmem>>[vector<16xi32>, vector<16xi32>, vector<16xi32>], vector<16xf32>,
        %add3A_1068 = arith.constant 112 : i32
        %add3A_1069 = vector.broadcast %add3A_1068 : i32 to vector<16xi32>
        %add3A_1070 = arith.addi %add3A_1069, %iota3A : vector<16xi32>
        %add3A_1071 = arith.addi %shift_left3A_260, %and3A_949 : vector<16xi32>
        %gather3A_1072 = arith.constant 0 : i32
        %gather3A_1073 = arith.constant 0 : i32
        %gather3A_1074 = arith.constant 0 : i32
        %gather3A_1075 = tpu.memref_slice %arg7[%gather3A_1072, %gather3A_1073, %gather3A_1074] : memref<2x128x128xf32, #tpu.memory_space<vmem>> -> memref<1x128x128xf32, #tpu.memory_space<vmem>>
        %gather3A_1076 = tpu.memref_squeeze %gather3A_1075 : memref<1x128x128xf32, #tpu.memory_space<vmem>> -> memref<128x128xf32, #tpu.memory_space<vmem>>
        %gather3A_1077 = tpu.vector_load_idx %gather3A_1076[%add3A_1070, %add3A_1071] : memref<128x128xf32, #tpu.memory_space<vmem>>[vector<16xi32>, vector<16xi32>], vector<16xf32>,
        %scatter3A_1078 = arith.constant 0 : i32
        %scatter3A_1079 = arith.constant 0 : i32
        %scatter3A_1080 = arith.constant 0 : i32
        %scatter3A_1081 = arith.constant 0 : i32
        %scatter3A_1082 = tpu.memref_slice %arg8[%scatter3A_1078, %scatter3A_1079, %scatter3A_1080, %scatter3A_1081] : memref<2x8x8x130xf32, #tpu.memory_space<vmem>> -> memref<1x8x8x130xf32, #tpu.memory_space<vmem>>
        %scatter3A_1083 = tpu.memref_squeeze %scatter3A_1082 : memref<1x8x8x130xf32, #tpu.memory_space<vmem>> -> memref<8x8x130xf32, #tpu.memory_space<vmem>>
        tpu.vector_store_idx %scatter3A_1083[%shift_right_arithmetic3A_952, %and3A_955, %add3A_1070], %gather3A_1077 : memref<8x8x130xf32, #tpu.memory_space<vmem>>[vector<16xi32>, vector<16xi32>, vector<16xi32>], vector<16xf32>,
        %mul3A_1084 = arith.constant 8 : i32
        %mul3A_1085 = arith.muli %scan3A_514, %mul3A_1084 : i32
        %add3A_1086 = arith.constant 4 : i32
        %add3A_1087 = arith.addi %mul3A_1085, %add3A_1086 : i32
        %add3A_1088 = vector.broadcast %add3A_1087 : i32 to vector<16xi32>
        %add3A_1089 = arith.addi %add3A_1088, %iota3A : vector<16xi32>
        %and3A_1090 = arith.constant 63 : i32
        %and3A_1091 = vector.broadcast %and3A_1090 : i32 to vector<16xi32>
        %and3A_1092 = arith.andi %add3A_1089, %and3A_1091 : vector<16xi32>
        %shift_right_arithmetic3A_1093 = arith.constant 3 : i32
        %shift_right_arithmetic3A_1094 = vector.broadcast %shift_right_arithmetic3A_1093 : i32 to vector<16xi32>
        %shift_right_arithmetic3A_1095 = arith.shrsi %and3A_1092, %shift_right_arithmetic3A_1094 : vector<16xi32>
        %and3A_1096 = arith.constant 7 : i32
        %and3A_1097 = vector.broadcast %and3A_1096 : i32 to vector<16xi32>
        %and3A_1098 = arith.andi %and3A_1092, %and3A_1097 : vector<16xi32>
        %add3A_1099 = arith.constant 0 : i32
        %add3A_1100 = vector.broadcast %add3A_1099 : i32 to vector<16xi32>
        %add3A_1101 = arith.addi %add3A_1100, %iota3A : vector<16xi32>
        %add3A_1102 = arith.addi %shift_left3A_190, %and3A_1092 : vector<16xi32>
        %gather3A_1103 = arith.constant 0 : i32
        %gather3A_1104 = arith.constant 0 : i32
        %gather3A_1105 = arith.constant 0 : i32
        %gather3A_1106 = tpu.memref_slice %arg7[%gather3A_1103, %gather3A_1104, %gather3A_1105] : memref<2x128x128xf32, #tpu.memory_space<vmem>> -> memref<1x128x128xf32, #tpu.memory_space<vmem>>
        %gather3A_1107 = tpu.memref_squeeze %gather3A_1106 : memref<1x128x128xf32, #tpu.memory_space<vmem>> -> memref<128x128xf32, #tpu.memory_space<vmem>>
        %gather3A_1108 = tpu.vector_load_idx %gather3A_1107[%add3A_1101, %add3A_1102] : memref<128x128xf32, #tpu.memory_space<vmem>>[vector<16xi32>, vector<16xi32>], vector<16xf32>,
        %scatter3A_1109 = arith.constant 0 : i32
        %scatter3A_1110 = arith.constant 0 : i32
        %scatter3A_1111 = arith.constant 0 : i32
        %scatter3A_1112 = arith.constant 0 : i32
        %scatter3A_1113 = tpu.memref_slice %arg8[%scatter3A_1109, %scatter3A_1110, %scatter3A_1111, %scatter3A_1112] : memref<2x8x8x130xf32, #tpu.memory_space<vmem>> -> memref<1x8x8x130xf32, #tpu.memory_space<vmem>>
        %scatter3A_1114 = tpu.memref_squeeze %scatter3A_1113 : memref<1x8x8x130xf32, #tpu.memory_space<vmem>> -> memref<8x8x130xf32, #tpu.memory_space<vmem>>
        tpu.vector_store_idx %scatter3A_1114[%shift_right_arithmetic3A_1095, %and3A_1098, %add3A_1101], %gather3A_1108 : memref<8x8x130xf32, #tpu.memory_space<vmem>>[vector<16xi32>, vector<16xi32>, vector<16xi32>], vector<16xf32>,
        %add3A_1115 = arith.constant 16 : i32
        %add3A_1116 = vector.broadcast %add3A_1115 : i32 to vector<16xi32>
        %add3A_1117 = arith.addi %add3A_1116, %iota3A : vector<16xi32>
        %add3A_1118 = arith.addi %shift_left3A_200, %and3A_1092 : vector<16xi32>
        %gather3A_1119 = arith.constant 0 : i32
        %gather3A_1120 = arith.constant 0 : i32
        %gather3A_1121 = arith.constant 0 : i32
        %gather3A_1122 = tpu.memref_slice %arg7[%gather3A_1119, %gather3A_1120, %gather3A_1121] : memref<2x128x128xf32, #tpu.memory_space<vmem>> -> memref<1x128x128xf32, #tpu.memory_space<vmem>>
        %gather3A_1123 = tpu.memref_squeeze %gather3A_1122 : memref<1x128x128xf32, #tpu.memory_space<vmem>> -> memref<128x128xf32, #tpu.memory_space<vmem>>
        %gather3A_1124 = tpu.vector_load_idx %gather3A_1123[%add3A_1117, %add3A_1118] : memref<128x128xf32, #tpu.memory_space<vmem>>[vector<16xi32>, vector<16xi32>], vector<16xf32>,
        %scatter3A_1125 = arith.constant 0 : i32
        %scatter3A_1126 = arith.constant 0 : i32
        %scatter3A_1127 = arith.constant 0 : i32
        %scatter3A_1128 = arith.constant 0 : i32
        %scatter3A_1129 = tpu.memref_slice %arg8[%scatter3A_1125, %scatter3A_1126, %scatter3A_1127, %scatter3A_1128] : memref<2x8x8x130xf32, #tpu.memory_space<vmem>> -> memref<1x8x8x130xf32, #tpu.memory_space<vmem>>
        %scatter3A_1130 = tpu.memref_squeeze %scatter3A_1129 : memref<1x8x8x130xf32, #tpu.memory_space<vmem>> -> memref<8x8x130xf32, #tpu.memory_space<vmem>>
        tpu.vector_store_idx %scatter3A_1130[%shift_right_arithmetic3A_1095, %and3A_1098, %add3A_1117], %gather3A_1124 : memref<8x8x130xf32, #tpu.memory_space<vmem>>[vector<16xi32>, vector<16xi32>, vector<16xi32>], vector<16xf32>,
        %add3A_1131 = arith.constant 32 : i32
        %add3A_1132 = vector.broadcast %add3A_1131 : i32 to vector<16xi32>
        %add3A_1133 = arith.addi %add3A_1132, %iota3A : vector<16xi32>
        %add3A_1134 = arith.addi %shift_left3A_210, %and3A_1092 : vector<16xi32>
        %gather3A_1135 = arith.constant 0 : i32
        %gather3A_1136 = arith.constant 0 : i32
        %gather3A_1137 = arith.constant 0 : i32
        %gather3A_1138 = tpu.memref_slice %arg7[%gather3A_1135, %gather3A_1136, %gather3A_1137] : memref<2x128x128xf32, #tpu.memory_space<vmem>> -> memref<1x128x128xf32, #tpu.memory_space<vmem>>
        %gather3A_1139 = tpu.memref_squeeze %gather3A_1138 : memref<1x128x128xf32, #tpu.memory_space<vmem>> -> memref<128x128xf32, #tpu.memory_space<vmem>>
        %gather3A_1140 = tpu.vector_load_idx %gather3A_1139[%add3A_1133, %add3A_1134] : memref<128x128xf32, #tpu.memory_space<vmem>>[vector<16xi32>, vector<16xi32>], vector<16xf32>,
        %scatter3A_1141 = arith.constant 0 : i32
        %scatter3A_1142 = arith.constant 0 : i32
        %scatter3A_1143 = arith.constant 0 : i32
        %scatter3A_1144 = arith.constant 0 : i32
        %scatter3A_1145 = tpu.memref_slice %arg8[%scatter3A_1141, %scatter3A_1142, %scatter3A_1143, %scatter3A_1144] : memref<2x8x8x130xf32, #tpu.memory_space<vmem>> -> memref<1x8x8x130xf32, #tpu.memory_space<vmem>>
        %scatter3A_1146 = tpu.memref_squeeze %scatter3A_1145 : memref<1x8x8x130xf32, #tpu.memory_space<vmem>> -> memref<8x8x130xf32, #tpu.memory_space<vmem>>
        tpu.vector_store_idx %scatter3A_1146[%shift_right_arithmetic3A_1095, %and3A_1098, %add3A_1133], %gather3A_1140 : memref<8x8x130xf32, #tpu.memory_space<vmem>>[vector<16xi32>, vector<16xi32>, vector<16xi32>], vector<16xf32>,
        %add3A_1147 = arith.constant 48 : i32
        %add3A_1148 = vector.broadcast %add3A_1147 : i32 to vector<16xi32>
        %add3A_1149 = arith.addi %add3A_1148, %iota3A : vector<16xi32>
        %add3A_1150 = arith.addi %shift_left3A_220, %and3A_1092 : vector<16xi32>
        %gather3A_1151 = arith.constant 0 : i32
        %gather3A_1152 = arith.constant 0 : i32
        %gather3A_1153 = arith.constant 0 : i32
        %gather3A_1154 = tpu.memref_slice %arg7[%gather3A_1151, %gather3A_1152, %gather3A_1153] : memref<2x128x128xf32, #tpu.memory_space<vmem>> -> memref<1x128x128xf32, #tpu.memory_space<vmem>>
        %gather3A_1155 = tpu.memref_squeeze %gather3A_1154 : memref<1x128x128xf32, #tpu.memory_space<vmem>> -> memref<128x128xf32, #tpu.memory_space<vmem>>
        %gather3A_1156 = tpu.vector_load_idx %gather3A_1155[%add3A_1149, %add3A_1150] : memref<128x128xf32, #tpu.memory_space<vmem>>[vector<16xi32>, vector<16xi32>], vector<16xf32>,
        %scatter3A_1157 = arith.constant 0 : i32
        %scatter3A_1158 = arith.constant 0 : i32
        %scatter3A_1159 = arith.constant 0 : i32
        %scatter3A_1160 = arith.constant 0 : i32
        %scatter3A_1161 = tpu.memref_slice %arg8[%scatter3A_1157, %scatter3A_1158, %scatter3A_1159, %scatter3A_1160] : memref<2x8x8x130xf32, #tpu.memory_space<vmem>> -> memref<1x8x8x130xf32, #tpu.memory_space<vmem>>
        %scatter3A_1162 = tpu.memref_squeeze %scatter3A_1161 : memref<1x8x8x130xf32, #tpu.memory_space<vmem>> -> memref<8x8x130xf32, #tpu.memory_space<vmem>>
        tpu.vector_store_idx %scatter3A_1162[%shift_right_arithmetic3A_1095, %and3A_1098, %add3A_1149], %gather3A_1156 : memref<8x8x130xf32, #tpu.memory_space<vmem>>[vector<16xi32>, vector<16xi32>, vector<16xi32>], vector<16xf32>,
        %add3A_1163 = arith.constant 64 : i32
        %add3A_1164 = vector.broadcast %add3A_1163 : i32 to vector<16xi32>
        %add3A_1165 = arith.addi %add3A_1164, %iota3A : vector<16xi32>
        %add3A_1166 = arith.addi %shift_left3A_230, %and3A_1092 : vector<16xi32>
        %gather3A_1167 = arith.constant 0 : i32
        %gather3A_1168 = arith.constant 0 : i32
        %gather3A_1169 = arith.constant 0 : i32
        %gather3A_1170 = tpu.memref_slice %arg7[%gather3A_1167, %gather3A_1168, %gather3A_1169] : memref<2x128x128xf32, #tpu.memory_space<vmem>> -> memref<1x128x128xf32, #tpu.memory_space<vmem>>
        %gather3A_1171 = tpu.memref_squeeze %gather3A_1170 : memref<1x128x128xf32, #tpu.memory_space<vmem>> -> memref<128x128xf32, #tpu.memory_space<vmem>>
        %gather3A_1172 = tpu.vector_load_idx %gather3A_1171[%add3A_1165, %add3A_1166] : memref<128x128xf32, #tpu.memory_space<vmem>>[vector<16xi32>, vector<16xi32>], vector<16xf32>,
        %scatter3A_1173 = arith.constant 0 : i32
        %scatter3A_1174 = arith.constant 0 : i32
        %scatter3A_1175 = arith.constant 0 : i32
        %scatter3A_1176 = arith.constant 0 : i32
        %scatter3A_1177 = tpu.memref_slice %arg8[%scatter3A_1173, %scatter3A_1174, %scatter3A_1175, %scatter3A_1176] : memref<2x8x8x130xf32, #tpu.memory_space<vmem>> -> memref<1x8x8x130xf32, #tpu.memory_space<vmem>>
        %scatter3A_1178 = tpu.memref_squeeze %scatter3A_1177 : memref<1x8x8x130xf32, #tpu.memory_space<vmem>> -> memref<8x8x130xf32, #tpu.memory_space<vmem>>
        tpu.vector_store_idx %scatter3A_1178[%shift_right_arithmetic3A_1095, %and3A_1098, %add3A_1165], %gather3A_1172 : memref<8x8x130xf32, #tpu.memory_space<vmem>>[vector<16xi32>, vector<16xi32>, vector<16xi32>], vector<16xf32>,
        %add3A_1179 = arith.constant 80 : i32
        %add3A_1180 = vector.broadcast %add3A_1179 : i32 to vector<16xi32>
        %add3A_1181 = arith.addi %add3A_1180, %iota3A : vector<16xi32>
        %add3A_1182 = arith.addi %shift_left3A_240, %and3A_1092 : vector<16xi32>
        %gather3A_1183 = arith.constant 0 : i32
        %gather3A_1184 = arith.constant 0 : i32
        %gather3A_1185 = arith.constant 0 : i32
        %gather3A_1186 = tpu.memref_slice %arg7[%gather3A_1183, %gather3A_1184, %gather3A_1185] : memref<2x128x128xf32, #tpu.memory_space<vmem>> -> memref<1x128x128xf32, #tpu.memory_space<vmem>>
        %gather3A_1187 = tpu.memref_squeeze %gather3A_1186 : memref<1x128x128xf32, #tpu.memory_space<vmem>> -> memref<128x128xf32, #tpu.memory_space<vmem>>
        %gather3A_1188 = tpu.vector_load_idx %gather3A_1187[%add3A_1181, %add3A_1182] : memref<128x128xf32, #tpu.memory_space<vmem>>[vector<16xi32>, vector<16xi32>], vector<16xf32>,
        %scatter3A_1189 = arith.constant 0 : i32
        %scatter3A_1190 = arith.constant 0 : i32
        %scatter3A_1191 = arith.constant 0 : i32
        %scatter3A_1192 = arith.constant 0 : i32
        %scatter3A_1193 = tpu.memref_slice %arg8[%scatter3A_1189, %scatter3A_1190, %scatter3A_1191, %scatter3A_1192] : memref<2x8x8x130xf32, #tpu.memory_space<vmem>> -> memref<1x8x8x130xf32, #tpu.memory_space<vmem>>
        %scatter3A_1194 = tpu.memref_squeeze %scatter3A_1193 : memref<1x8x8x130xf32, #tpu.memory_space<vmem>> -> memref<8x8x130xf32, #tpu.memory_space<vmem>>
        tpu.vector_store_idx %scatter3A_1194[%shift_right_arithmetic3A_1095, %and3A_1098, %add3A_1181], %gather3A_1188 : memref<8x8x130xf32, #tpu.memory_space<vmem>>[vector<16xi32>, vector<16xi32>, vector<16xi32>], vector<16xf32>,
        %add3A_1195 = arith.constant 96 : i32
        %add3A_1196 = vector.broadcast %add3A_1195 : i32 to vector<16xi32>
        %add3A_1197 = arith.addi %add3A_1196, %iota3A : vector<16xi32>
        %add3A_1198 = arith.addi %shift_left3A_250, %and3A_1092 : vector<16xi32>
        %gather3A_1199 = arith.constant 0 : i32
        %gather3A_1200 = arith.constant 0 : i32
        %gather3A_1201 = arith.constant 0 : i32
        %gather3A_1202 = tpu.memref_slice %arg7[%gather3A_1199, %gather3A_1200, %gather3A_1201] : memref<2x128x128xf32, #tpu.memory_space<vmem>> -> memref<1x128x128xf32, #tpu.memory_space<vmem>>
        %gather3A_1203 = tpu.memref_squeeze %gather3A_1202 : memref<1x128x128xf32, #tpu.memory_space<vmem>> -> memref<128x128xf32, #tpu.memory_space<vmem>>
        %gather3A_1204 = tpu.vector_load_idx %gather3A_1203[%add3A_1197, %add3A_1198] : memref<128x128xf32, #tpu.memory_space<vmem>>[vector<16xi32>, vector<16xi32>], vector<16xf32>,
        %scatter3A_1205 = arith.constant 0 : i32
        %scatter3A_1206 = arith.constant 0 : i32
        %scatter3A_1207 = arith.constant 0 : i32
        %scatter3A_1208 = arith.constant 0 : i32
        %scatter3A_1209 = tpu.memref_slice %arg8[%scatter3A_1205, %scatter3A_1206, %scatter3A_1207, %scatter3A_1208] : memref<2x8x8x130xf32, #tpu.memory_space<vmem>> -> memref<1x8x8x130xf32, #tpu.memory_space<vmem>>
        %scatter3A_1210 = tpu.memref_squeeze %scatter3A_1209 : memref<1x8x8x130xf32, #tpu.memory_space<vmem>> -> memref<8x8x130xf32, #tpu.memory_space<vmem>>
        tpu.vector_store_idx %scatter3A_1210[%shift_right_arithmetic3A_1095, %and3A_1098, %add3A_1197], %gather3A_1204 : memref<8x8x130xf32, #tpu.memory_space<vmem>>[vector<16xi32>, vector<16xi32>, vector<16xi32>], vector<16xf32>,
        %add3A_1211 = arith.constant 112 : i32
        %add3A_1212 = vector.broadcast %add3A_1211 : i32 to vector<16xi32>
        %add3A_1213 = arith.addi %add3A_1212, %iota3A : vector<16xi32>
        %add3A_1214 = arith.addi %shift_left3A_260, %and3A_1092 : vector<16xi32>
        %gather3A_1215 = arith.constant 0 : i32
        %gather3A_1216 = arith.constant 0 : i32
        %gather3A_1217 = arith.constant 0 : i32
        %gather3A_1218 = tpu.memref_slice %arg7[%gather3A_1215, %gather3A_1216, %gather3A_1217] : memref<2x128x128xf32, #tpu.memory_space<vmem>> -> memref<1x128x128xf32, #tpu.memory_space<vmem>>
        %gather3A_1219 = tpu.memref_squeeze %gather3A_1218 : memref<1x128x128xf32, #tpu.memory_space<vmem>> -> memref<128x128xf32, #tpu.memory_space<vmem>>
        %gather3A_1220 = tpu.vector_load_idx %gather3A_1219[%add3A_1213, %add3A_1214] : memref<128x128xf32, #tpu.memory_space<vmem>>[vector<16xi32>, vector<16xi32>], vector<16xf32>,
        %scatter3A_1221 = arith.constant 0 : i32
        %scatter3A_1222 = arith.constant 0 : i32
        %scatter3A_1223 = arith.constant 0 : i32
        %scatter3A_1224 = arith.constant 0 : i32
        %scatter3A_1225 = tpu.memref_slice %arg8[%scatter3A_1221, %scatter3A_1222, %scatter3A_1223, %scatter3A_1224] : memref<2x8x8x130xf32, #tpu.memory_space<vmem>> -> memref<1x8x8x130xf32, #tpu.memory_space<vmem>>
        %scatter3A_1226 = tpu.memref_squeeze %scatter3A_1225 : memref<1x8x8x130xf32, #tpu.memory_space<vmem>> -> memref<8x8x130xf32, #tpu.memory_space<vmem>>
        tpu.vector_store_idx %scatter3A_1226[%shift_right_arithmetic3A_1095, %and3A_1098, %add3A_1213], %gather3A_1220 : memref<8x8x130xf32, #tpu.memory_space<vmem>>[vector<16xi32>, vector<16xi32>, vector<16xi32>], vector<16xf32>,
        %mul3A_1227 = arith.constant 8 : i32
        %mul3A_1228 = arith.muli %scan3A_514, %mul3A_1227 : i32
        %add3A_1229 = arith.constant 5 : i32
        %add3A_1230 = arith.addi %mul3A_1228, %add3A_1229 : i32
        %add3A_1231 = vector.broadcast %add3A_1230 : i32 to vector<16xi32>
        %add3A_1232 = arith.addi %add3A_1231, %iota3A : vector<16xi32>
        %and3A_1233 = arith.constant 63 : i32
        %and3A_1234 = vector.broadcast %and3A_1233 : i32 to vector<16xi32>
        %and3A_1235 = arith.andi %add3A_1232, %and3A_1234 : vector<16xi32>
        %shift_right_arithmetic3A_1236 = arith.constant 3 : i32
        %shift_right_arithmetic3A_1237 = vector.broadcast %shift_right_arithmetic3A_1236 : i32 to vector<16xi32>
        %shift_right_arithmetic3A_1238 = arith.shrsi %and3A_1235, %shift_right_arithmetic3A_1237 : vector<16xi32>
        %and3A_1239 = arith.constant 7 : i32
        %and3A_1240 = vector.broadcast %and3A_1239 : i32 to vector<16xi32>
        %and3A_1241 = arith.andi %and3A_1235, %and3A_1240 : vector<16xi32>
        %add3A_1242 = arith.constant 0 : i32
        %add3A_1243 = vector.broadcast %add3A_1242 : i32 to vector<16xi32>
        %add3A_1244 = arith.addi %add3A_1243, %iota3A : vector<16xi32>
        %add3A_1245 = arith.addi %shift_left3A_190, %and3A_1235 : vector<16xi32>
        %gather3A_1246 = arith.constant 0 : i32
        %gather3A_1247 = arith.constant 0 : i32
        %gather3A_1248 = arith.constant 0 : i32
        %gather3A_1249 = tpu.memref_slice %arg7[%gather3A_1246, %gather3A_1247, %gather3A_1248] : memref<2x128x128xf32, #tpu.memory_space<vmem>> -> memref<1x128x128xf32, #tpu.memory_space<vmem>>
        %gather3A_1250 = tpu.memref_squeeze %gather3A_1249 : memref<1x128x128xf32, #tpu.memory_space<vmem>> -> memref<128x128xf32, #tpu.memory_space<vmem>>
        %gather3A_1251 = tpu.vector_load_idx %gather3A_1250[%add3A_1244, %add3A_1245] : memref<128x128xf32, #tpu.memory_space<vmem>>[vector<16xi32>, vector<16xi32>], vector<16xf32>,
        %scatter3A_1252 = arith.constant 0 : i32
        %scatter3A_1253 = arith.constant 0 : i32
        %scatter3A_1254 = arith.constant 0 : i32
        %scatter3A_1255 = arith.constant 0 : i32
        %scatter3A_1256 = tpu.memref_slice %arg8[%scatter3A_1252, %scatter3A_1253, %scatter3A_1254, %scatter3A_1255] : memref<2x8x8x130xf32, #tpu.memory_space<vmem>> -> memref<1x8x8x130xf32, #tpu.memory_space<vmem>>
        %scatter3A_1257 = tpu.memref_squeeze %scatter3A_1256 : memref<1x8x8x130xf32, #tpu.memory_space<vmem>> -> memref<8x8x130xf32, #tpu.memory_space<vmem>>
        tpu.vector_store_idx %scatter3A_1257[%shift_right_arithmetic3A_1238, %and3A_1241, %add3A_1244], %gather3A_1251 : memref<8x8x130xf32, #tpu.memory_space<vmem>>[vector<16xi32>, vector<16xi32>, vector<16xi32>], vector<16xf32>,
        %add3A_1258 = arith.constant 16 : i32
        %add3A_1259 = vector.broadcast %add3A_1258 : i32 to vector<16xi32>
        %add3A_1260 = arith.addi %add3A_1259, %iota3A : vector<16xi32>
        %add3A_1261 = arith.addi %shift_left3A_200, %and3A_1235 : vector<16xi32>
        %gather3A_1262 = arith.constant 0 : i32
        %gather3A_1263 = arith.constant 0 : i32
        %gather3A_1264 = arith.constant 0 : i32
        %gather3A_1265 = tpu.memref_slice %arg7[%gather3A_1262, %gather3A_1263, %gather3A_1264] : memref<2x128x128xf32, #tpu.memory_space<vmem>> -> memref<1x128x128xf32, #tpu.memory_space<vmem>>
        %gather3A_1266 = tpu.memref_squeeze %gather3A_1265 : memref<1x128x128xf32, #tpu.memory_space<vmem>> -> memref<128x128xf32, #tpu.memory_space<vmem>>
        %gather3A_1267 = tpu.vector_load_idx %gather3A_1266[%add3A_1260, %add3A_1261] : memref<128x128xf32, #tpu.memory_space<vmem>>[vector<16xi32>, vector<16xi32>], vector<16xf32>,
        %scatter3A_1268 = arith.constant 0 : i32
        %scatter3A_1269 = arith.constant 0 : i32
        %scatter3A_1270 = arith.constant 0 : i32
        %scatter3A_1271 = arith.constant 0 : i32
        %scatter3A_1272 = tpu.memref_slice %arg8[%scatter3A_1268, %scatter3A_1269, %scatter3A_1270, %scatter3A_1271] : memref<2x8x8x130xf32, #tpu.memory_space<vmem>> -> memref<1x8x8x130xf32, #tpu.memory_space<vmem>>
        %scatter3A_1273 = tpu.memref_squeeze %scatter3A_1272 : memref<1x8x8x130xf32, #tpu.memory_space<vmem>> -> memref<8x8x130xf32, #tpu.memory_space<vmem>>
        tpu.vector_store_idx %scatter3A_1273[%shift_right_arithmetic3A_1238, %and3A_1241, %add3A_1260], %gather3A_1267 : memref<8x8x130xf32, #tpu.memory_space<vmem>>[vector<16xi32>, vector<16xi32>, vector<16xi32>], vector<16xf32>,
        %add3A_1274 = arith.constant 32 : i32
        %add3A_1275 = vector.broadcast %add3A_1274 : i32 to vector<16xi32>
        %add3A_1276 = arith.addi %add3A_1275, %iota3A : vector<16xi32>
        %add3A_1277 = arith.addi %shift_left3A_210, %and3A_1235 : vector<16xi32>
        %gather3A_1278 = arith.constant 0 : i32
        %gather3A_1279 = arith.constant 0 : i32
        %gather3A_1280 = arith.constant 0 : i32
        %gather3A_1281 = tpu.memref_slice %arg7[%gather3A_1278, %gather3A_1279, %gather3A_1280] : memref<2x128x128xf32, #tpu.memory_space<vmem>> -> memref<1x128x128xf32, #tpu.memory_space<vmem>>
        %gather3A_1282 = tpu.memref_squeeze %gather3A_1281 : memref<1x128x128xf32, #tpu.memory_space<vmem>> -> memref<128x128xf32, #tpu.memory_space<vmem>>
        %gather3A_1283 = tpu.vector_load_idx %gather3A_1282[%add3A_1276, %add3A_1277] : memref<128x128xf32, #tpu.memory_space<vmem>>[vector<16xi32>, vector<16xi32>], vector<16xf32>,
        %scatter3A_1284 = arith.constant 0 : i32
        %scatter3A_1285 = arith.constant 0 : i32
        %scatter3A_1286 = arith.constant 0 : i32
        %scatter3A_1287 = arith.constant 0 : i32
        %scatter3A_1288 = tpu.memref_slice %arg8[%scatter3A_1284, %scatter3A_1285, %scatter3A_1286, %scatter3A_1287] : memref<2x8x8x130xf32, #tpu.memory_space<vmem>> -> memref<1x8x8x130xf32, #tpu.memory_space<vmem>>
        %scatter3A_1289 = tpu.memref_squeeze %scatter3A_1288 : memref<1x8x8x130xf32, #tpu.memory_space<vmem>> -> memref<8x8x130xf32, #tpu.memory_space<vmem>>
        tpu.vector_store_idx %scatter3A_1289[%shift_right_arithmetic3A_1238, %and3A_1241, %add3A_1276], %gather3A_1283 : memref<8x8x130xf32, #tpu.memory_space<vmem>>[vector<16xi32>, vector<16xi32>, vector<16xi32>], vector<16xf32>,
        %add3A_1290 = arith.constant 48 : i32
        %add3A_1291 = vector.broadcast %add3A_1290 : i32 to vector<16xi32>
        %add3A_1292 = arith.addi %add3A_1291, %iota3A : vector<16xi32>
        %add3A_1293 = arith.addi %shift_left3A_220, %and3A_1235 : vector<16xi32>
        %gather3A_1294 = arith.constant 0 : i32
        %gather3A_1295 = arith.constant 0 : i32
        %gather3A_1296 = arith.constant 0 : i32
        %gather3A_1297 = tpu.memref_slice %arg7[%gather3A_1294, %gather3A_1295, %gather3A_1296] : memref<2x128x128xf32, #tpu.memory_space<vmem>> -> memref<1x128x128xf32, #tpu.memory_space<vmem>>
        %gather3A_1298 = tpu.memref_squeeze %gather3A_1297 : memref<1x128x128xf32, #tpu.memory_space<vmem>> -> memref<128x128xf32, #tpu.memory_space<vmem>>
        %gather3A_1299 = tpu.vector_load_idx %gather3A_1298[%add3A_1292, %add3A_1293] : memref<128x128xf32, #tpu.memory_space<vmem>>[vector<16xi32>, vector<16xi32>], vector<16xf32>,
        %scatter3A_1300 = arith.constant 0 : i32
        %scatter3A_1301 = arith.constant 0 : i32
        %scatter3A_1302 = arith.constant 0 : i32
        %scatter3A_1303 = arith.constant 0 : i32
        %scatter3A_1304 = tpu.memref_slice %arg8[%scatter3A_1300, %scatter3A_1301, %scatter3A_1302, %scatter3A_1303] : memref<2x8x8x130xf32, #tpu.memory_space<vmem>> -> memref<1x8x8x130xf32, #tpu.memory_space<vmem>>
        %scatter3A_1305 = tpu.memref_squeeze %scatter3A_1304 : memref<1x8x8x130xf32, #tpu.memory_space<vmem>> -> memref<8x8x130xf32, #tpu.memory_space<vmem>>
        tpu.vector_store_idx %scatter3A_1305[%shift_right_arithmetic3A_1238, %and3A_1241, %add3A_1292], %gather3A_1299 : memref<8x8x130xf32, #tpu.memory_space<vmem>>[vector<16xi32>, vector<16xi32>, vector<16xi32>], vector<16xf32>,
        %add3A_1306 = arith.constant 64 : i32
        %add3A_1307 = vector.broadcast %add3A_1306 : i32 to vector<16xi32>
        %add3A_1308 = arith.addi %add3A_1307, %iota3A : vector<16xi32>
        %add3A_1309 = arith.addi %shift_left3A_230, %and3A_1235 : vector<16xi32>
        %gather3A_1310 = arith.constant 0 : i32
        %gather3A_1311 = arith.constant 0 : i32
        %gather3A_1312 = arith.constant 0 : i32
        %gather3A_1313 = tpu.memref_slice %arg7[%gather3A_1310, %gather3A_1311, %gather3A_1312] : memref<2x128x128xf32, #tpu.memory_space<vmem>> -> memref<1x128x128xf32, #tpu.memory_space<vmem>>
        %gather3A_1314 = tpu.memref_squeeze %gather3A_1313 : memref<1x128x128xf32, #tpu.memory_space<vmem>> -> memref<128x128xf32, #tpu.memory_space<vmem>>
        %gather3A_1315 = tpu.vector_load_idx %gather3A_1314[%add3A_1308, %add3A_1309] : memref<128x128xf32, #tpu.memory_space<vmem>>[vector<16xi32>, vector<16xi32>], vector<16xf32>,
        %scatter3A_1316 = arith.constant 0 : i32
        %scatter3A_1317 = arith.constant 0 : i32
        %scatter3A_1318 = arith.constant 0 : i32
        %scatter3A_1319 = arith.constant 0 : i32
        %scatter3A_1320 = tpu.memref_slice %arg8[%scatter3A_1316, %scatter3A_1317, %scatter3A_1318, %scatter3A_1319] : memref<2x8x8x130xf32, #tpu.memory_space<vmem>> -> memref<1x8x8x130xf32, #tpu.memory_space<vmem>>
        %scatter3A_1321 = tpu.memref_squeeze %scatter3A_1320 : memref<1x8x8x130xf32, #tpu.memory_space<vmem>> -> memref<8x8x130xf32, #tpu.memory_space<vmem>>
        tpu.vector_store_idx %scatter3A_1321[%shift_right_arithmetic3A_1238, %and3A_1241, %add3A_1308], %gather3A_1315 : memref<8x8x130xf32, #tpu.memory_space<vmem>>[vector<16xi32>, vector<16xi32>, vector<16xi32>], vector<16xf32>,
        %add3A_1322 = arith.constant 80 : i32
        %add3A_1323 = vector.broadcast %add3A_1322 : i32 to vector<16xi32>
        %add3A_1324 = arith.addi %add3A_1323, %iota3A : vector<16xi32>
        %add3A_1325 = arith.addi %shift_left3A_240, %and3A_1235 : vector<16xi32>
        %gather3A_1326 = arith.constant 0 : i32
        %gather3A_1327 = arith.constant 0 : i32
        %gather3A_1328 = arith.constant 0 : i32
        %gather3A_1329 = tpu.memref_slice %arg7[%gather3A_1326, %gather3A_1327, %gather3A_1328] : memref<2x128x128xf32, #tpu.memory_space<vmem>> -> memref<1x128x128xf32, #tpu.memory_space<vmem>>
        %gather3A_1330 = tpu.memref_squeeze %gather3A_1329 : memref<1x128x128xf32, #tpu.memory_space<vmem>> -> memref<128x128xf32, #tpu.memory_space<vmem>>
        %gather3A_1331 = tpu.vector_load_idx %gather3A_1330[%add3A_1324, %add3A_1325] : memref<128x128xf32, #tpu.memory_space<vmem>>[vector<16xi32>, vector<16xi32>], vector<16xf32>,
        %scatter3A_1332 = arith.constant 0 : i32
        %scatter3A_1333 = arith.constant 0 : i32
        %scatter3A_1334 = arith.constant 0 : i32
        %scatter3A_1335 = arith.constant 0 : i32
        %scatter3A_1336 = tpu.memref_slice %arg8[%scatter3A_1332, %scatter3A_1333, %scatter3A_1334, %scatter3A_1335] : memref<2x8x8x130xf32, #tpu.memory_space<vmem>> -> memref<1x8x8x130xf32, #tpu.memory_space<vmem>>
        %scatter3A_1337 = tpu.memref_squeeze %scatter3A_1336 : memref<1x8x8x130xf32, #tpu.memory_space<vmem>> -> memref<8x8x130xf32, #tpu.memory_space<vmem>>
        tpu.vector_store_idx %scatter3A_1337[%shift_right_arithmetic3A_1238, %and3A_1241, %add3A_1324], %gather3A_1331 : memref<8x8x130xf32, #tpu.memory_space<vmem>>[vector<16xi32>, vector<16xi32>, vector<16xi32>], vector<16xf32>,
        %add3A_1338 = arith.constant 96 : i32
        %add3A_1339 = vector.broadcast %add3A_1338 : i32 to vector<16xi32>
        %add3A_1340 = arith.addi %add3A_1339, %iota3A : vector<16xi32>
        %add3A_1341 = arith.addi %shift_left3A_250, %and3A_1235 : vector<16xi32>
        %gather3A_1342 = arith.constant 0 : i32
        %gather3A_1343 = arith.constant 0 : i32
        %gather3A_1344 = arith.constant 0 : i32
        %gather3A_1345 = tpu.memref_slice %arg7[%gather3A_1342, %gather3A_1343, %gather3A_1344] : memref<2x128x128xf32, #tpu.memory_space<vmem>> -> memref<1x128x128xf32, #tpu.memory_space<vmem>>
        %gather3A_1346 = tpu.memref_squeeze %gather3A_1345 : memref<1x128x128xf32, #tpu.memory_space<vmem>> -> memref<128x128xf32, #tpu.memory_space<vmem>>
        %gather3A_1347 = tpu.vector_load_idx %gather3A_1346[%add3A_1340, %add3A_1341] : memref<128x128xf32, #tpu.memory_space<vmem>>[vector<16xi32>, vector<16xi32>], vector<16xf32>,
        %scatter3A_1348 = arith.constant 0 : i32
        %scatter3A_1349 = arith.constant 0 : i32
        %scatter3A_1350 = arith.constant 0 : i32
        %scatter3A_1351 = arith.constant 0 : i32
        %scatter3A_1352 = tpu.memref_slice %arg8[%scatter3A_1348, %scatter3A_1349, %scatter3A_1350, %scatter3A_1351] : memref<2x8x8x130xf32, #tpu.memory_space<vmem>> -> memref<1x8x8x130xf32, #tpu.memory_space<vmem>>
        %scatter3A_1353 = tpu.memref_squeeze %scatter3A_1352 : memref<1x8x8x130xf32, #tpu.memory_space<vmem>> -> memref<8x8x130xf32, #tpu.memory_space<vmem>>
        tpu.vector_store_idx %scatter3A_1353[%shift_right_arithmetic3A_1238, %and3A_1241, %add3A_1340], %gather3A_1347 : memref<8x8x130xf32, #tpu.memory_space<vmem>>[vector<16xi32>, vector<16xi32>, vector<16xi32>], vector<16xf32>,
        %add3A_1354 = arith.constant 112 : i32
        %add3A_1355 = vector.broadcast %add3A_1354 : i32 to vector<16xi32>
        %add3A_1356 = arith.addi %add3A_1355, %iota3A : vector<16xi32>
        %add3A_1357 = arith.addi %shift_left3A_260, %and3A_1235 : vector<16xi32>
        %gather3A_1358 = arith.constant 0 : i32
        %gather3A_1359 = arith.constant 0 : i32
        %gather3A_1360 = arith.constant 0 : i32
        %gather3A_1361 = tpu.memref_slice %arg7[%gather3A_1358, %gather3A_1359, %gather3A_1360] : memref<2x128x128xf32, #tpu.memory_space<vmem>> -> memref<1x128x128xf32, #tpu.memory_space<vmem>>
        %gather3A_1362 = tpu.memref_squeeze %gather3A_1361 : memref<1x128x128xf32, #tpu.memory_space<vmem>> -> memref<128x128xf32, #tpu.memory_space<vmem>>
        %gather3A_1363 = tpu.vector_load_idx %gather3A_1362[%add3A_1356, %add3A_1357] : memref<128x128xf32, #tpu.memory_space<vmem>>[vector<16xi32>, vector<16xi32>], vector<16xf32>,
        %scatter3A_1364 = arith.constant 0 : i32
        %scatter3A_1365 = arith.constant 0 : i32
        %scatter3A_1366 = arith.constant 0 : i32
        %scatter3A_1367 = arith.constant 0 : i32
        %scatter3A_1368 = tpu.memref_slice %arg8[%scatter3A_1364, %scatter3A_1365, %scatter3A_1366, %scatter3A_1367] : memref<2x8x8x130xf32, #tpu.memory_space<vmem>> -> memref<1x8x8x130xf32, #tpu.memory_space<vmem>>
        %scatter3A_1369 = tpu.memref_squeeze %scatter3A_1368 : memref<1x8x8x130xf32, #tpu.memory_space<vmem>> -> memref<8x8x130xf32, #tpu.memory_space<vmem>>
        tpu.vector_store_idx %scatter3A_1369[%shift_right_arithmetic3A_1238, %and3A_1241, %add3A_1356], %gather3A_1363 : memref<8x8x130xf32, #tpu.memory_space<vmem>>[vector<16xi32>, vector<16xi32>, vector<16xi32>], vector<16xf32>,
        %mul3A_1370 = arith.constant 8 : i32
        %mul3A_1371 = arith.muli %scan3A_514, %mul3A_1370 : i32
        %add3A_1372 = arith.constant 6 : i32
        %add3A_1373 = arith.addi %mul3A_1371, %add3A_1372 : i32
        %add3A_1374 = vector.broadcast %add3A_1373 : i32 to vector<16xi32>
        %add3A_1375 = arith.addi %add3A_1374, %iota3A : vector<16xi32>
        %and3A_1376 = arith.constant 63 : i32
        %and3A_1377 = vector.broadcast %and3A_1376 : i32 to vector<16xi32>
        %and3A_1378 = arith.andi %add3A_1375, %and3A_1377 : vector<16xi32>
        %shift_right_arithmetic3A_1379 = arith.constant 3 : i32
        %shift_right_arithmetic3A_1380 = vector.broadcast %shift_right_arithmetic3A_1379 : i32 to vector<16xi32>
        %shift_right_arithmetic3A_1381 = arith.shrsi %and3A_1378, %shift_right_arithmetic3A_1380 : vector<16xi32>
        %and3A_1382 = arith.constant 7 : i32
        %and3A_1383 = vector.broadcast %and3A_1382 : i32 to vector<16xi32>
        %and3A_1384 = arith.andi %and3A_1378, %and3A_1383 : vector<16xi32>
        %add3A_1385 = arith.constant 0 : i32
        %add3A_1386 = vector.broadcast %add3A_1385 : i32 to vector<16xi32>
        %add3A_1387 = arith.addi %add3A_1386, %iota3A : vector<16xi32>
        %add3A_1388 = arith.addi %shift_left3A_190, %and3A_1378 : vector<16xi32>
        %gather3A_1389 = arith.constant 0 : i32
        %gather3A_1390 = arith.constant 0 : i32
        %gather3A_1391 = arith.constant 0 : i32
        %gather3A_1392 = tpu.memref_slice %arg7[%gather3A_1389, %gather3A_1390, %gather3A_1391] : memref<2x128x128xf32, #tpu.memory_space<vmem>> -> memref<1x128x128xf32, #tpu.memory_space<vmem>>
        %gather3A_1393 = tpu.memref_squeeze %gather3A_1392 : memref<1x128x128xf32, #tpu.memory_space<vmem>> -> memref<128x128xf32, #tpu.memory_space<vmem>>
        %gather3A_1394 = tpu.vector_load_idx %gather3A_1393[%add3A_1387, %add3A_1388] : memref<128x128xf32, #tpu.memory_space<vmem>>[vector<16xi32>, vector<16xi32>], vector<16xf32>,
        %scatter3A_1395 = arith.constant 0 : i32
        %scatter3A_1396 = arith.constant 0 : i32
        %scatter3A_1397 = arith.constant 0 : i32
        %scatter3A_1398 = arith.constant 0 : i32
        %scatter3A_1399 = tpu.memref_slice %arg8[%scatter3A_1395, %scatter3A_1396, %scatter3A_1397, %scatter3A_1398] : memref<2x8x8x130xf32, #tpu.memory_space<vmem>> -> memref<1x8x8x130xf32, #tpu.memory_space<vmem>>
        %scatter3A_1400 = tpu.memref_squeeze %scatter3A_1399 : memref<1x8x8x130xf32, #tpu.memory_space<vmem>> -> memref<8x8x130xf32, #tpu.memory_space<vmem>>
        tpu.vector_store_idx %scatter3A_1400[%shift_right_arithmetic3A_1381, %and3A_1384, %add3A_1387], %gather3A_1394 : memref<8x8x130xf32, #tpu.memory_space<vmem>>[vector<16xi32>, vector<16xi32>, vector<16xi32>], vector<16xf32>,
        %add3A_1401 = arith.constant 16 : i32
        %add3A_1402 = vector.broadcast %add3A_1401 : i32 to vector<16xi32>
        %add3A_1403 = arith.addi %add3A_1402, %iota3A : vector<16xi32>
        %add3A_1404 = arith.addi %shift_left3A_200, %and3A_1378 : vector<16xi32>
        %gather3A_1405 = arith.constant 0 : i32
        %gather3A_1406 = arith.constant 0 : i32
        %gather3A_1407 = arith.constant 0 : i32
        %gather3A_1408 = tpu.memref_slice %arg7[%gather3A_1405, %gather3A_1406, %gather3A_1407] : memref<2x128x128xf32, #tpu.memory_space<vmem>> -> memref<1x128x128xf32, #tpu.memory_space<vmem>>
        %gather3A_1409 = tpu.memref_squeeze %gather3A_1408 : memref<1x128x128xf32, #tpu.memory_space<vmem>> -> memref<128x128xf32, #tpu.memory_space<vmem>>
        %gather3A_1410 = tpu.vector_load_idx %gather3A_1409[%add3A_1403, %add3A_1404] : memref<128x128xf32, #tpu.memory_space<vmem>>[vector<16xi32>, vector<16xi32>], vector<16xf32>,
        %scatter3A_1411 = arith.constant 0 : i32
        %scatter3A_1412 = arith.constant 0 : i32
        %scatter3A_1413 = arith.constant 0 : i32
        %scatter3A_1414 = arith.constant 0 : i32
        %scatter3A_1415 = tpu.memref_slice %arg8[%scatter3A_1411, %scatter3A_1412, %scatter3A_1413, %scatter3A_1414] : memref<2x8x8x130xf32, #tpu.memory_space<vmem>> -> memref<1x8x8x130xf32, #tpu.memory_space<vmem>>
        %scatter3A_1416 = tpu.memref_squeeze %scatter3A_1415 : memref<1x8x8x130xf32, #tpu.memory_space<vmem>> -> memref<8x8x130xf32, #tpu.memory_space<vmem>>
        tpu.vector_store_idx %scatter3A_1416[%shift_right_arithmetic3A_1381, %and3A_1384, %add3A_1403], %gather3A_1410 : memref<8x8x130xf32, #tpu.memory_space<vmem>>[vector<16xi32>, vector<16xi32>, vector<16xi32>], vector<16xf32>,
        %add3A_1417 = arith.constant 32 : i32
        %add3A_1418 = vector.broadcast %add3A_1417 : i32 to vector<16xi32>
        %add3A_1419 = arith.addi %add3A_1418, %iota3A : vector<16xi32>
        %add3A_1420 = arith.addi %shift_left3A_210, %and3A_1378 : vector<16xi32>
        %gather3A_1421 = arith.constant 0 : i32
        %gather3A_1422 = arith.constant 0 : i32
        %gather3A_1423 = arith.constant 0 : i32
        %gather3A_1424 = tpu.memref_slice %arg7[%gather3A_1421, %gather3A_1422, %gather3A_1423] : memref<2x128x128xf32, #tpu.memory_space<vmem>> -> memref<1x128x128xf32, #tpu.memory_space<vmem>>
        %gather3A_1425 = tpu.memref_squeeze %gather3A_1424 : memref<1x128x128xf32, #tpu.memory_space<vmem>> -> memref<128x128xf32, #tpu.memory_space<vmem>>
        %gather3A_1426 = tpu.vector_load_idx %gather3A_1425[%add3A_1419, %add3A_1420] : memref<128x128xf32, #tpu.memory_space<vmem>>[vector<16xi32>, vector<16xi32>], vector<16xf32>,
        %scatter3A_1427 = arith.constant 0 : i32
        %scatter3A_1428 = arith.constant 0 : i32
        %scatter3A_1429 = arith.constant 0 : i32
        %scatter3A_1430 = arith.constant 0 : i32
        %scatter3A_1431 = tpu.memref_slice %arg8[%scatter3A_1427, %scatter3A_1428, %scatter3A_1429, %scatter3A_1430] : memref<2x8x8x130xf32, #tpu.memory_space<vmem>> -> memref<1x8x8x130xf32, #tpu.memory_space<vmem>>
        %scatter3A_1432 = tpu.memref_squeeze %scatter3A_1431 : memref<1x8x8x130xf32, #tpu.memory_space<vmem>> -> memref<8x8x130xf32, #tpu.memory_space<vmem>>
        tpu.vector_store_idx %scatter3A_1432[%shift_right_arithmetic3A_1381, %and3A_1384, %add3A_1419], %gather3A_1426 : memref<8x8x130xf32, #tpu.memory_space<vmem>>[vector<16xi32>, vector<16xi32>, vector<16xi32>], vector<16xf32>,
        %add3A_1433 = arith.constant 48 : i32
        %add3A_1434 = vector.broadcast %add3A_1433 : i32 to vector<16xi32>
        %add3A_1435 = arith.addi %add3A_1434, %iota3A : vector<16xi32>
        %add3A_1436 = arith.addi %shift_left3A_220, %and3A_1378 : vector<16xi32>
        %gather3A_1437 = arith.constant 0 : i32
        %gather3A_1438 = arith.constant 0 : i32
        %gather3A_1439 = arith.constant 0 : i32
        %gather3A_1440 = tpu.memref_slice %arg7[%gather3A_1437, %gather3A_1438, %gather3A_1439] : memref<2x128x128xf32, #tpu.memory_space<vmem>> -> memref<1x128x128xf32, #tpu.memory_space<vmem>>
        %gather3A_1441 = tpu.memref_squeeze %gather3A_1440 : memref<1x128x128xf32, #tpu.memory_space<vmem>> -> memref<128x128xf32, #tpu.memory_space<vmem>>
        %gather3A_1442 = tpu.vector_load_idx %gather3A_1441[%add3A_1435, %add3A_1436] : memref<128x128xf32, #tpu.memory_space<vmem>>[vector<16xi32>, vector<16xi32>], vector<16xf32>,
        %scatter3A_1443 = arith.constant 0 : i32
        %scatter3A_1444 = arith.constant 0 : i32
        %scatter3A_1445 = arith.constant 0 : i32
        %scatter3A_1446 = arith.constant 0 : i32
        %scatter3A_1447 = tpu.memref_slice %arg8[%scatter3A_1443, %scatter3A_1444, %scatter3A_1445, %scatter3A_1446] : memref<2x8x8x130xf32, #tpu.memory_space<vmem>> -> memref<1x8x8x130xf32, #tpu.memory_space<vmem>>
        %scatter3A_1448 = tpu.memref_squeeze %scatter3A_1447 : memref<1x8x8x130xf32, #tpu.memory_space<vmem>> -> memref<8x8x130xf32, #tpu.memory_space<vmem>>
        tpu.vector_store_idx %scatter3A_1448[%shift_right_arithmetic3A_1381, %and3A_1384, %add3A_1435], %gather3A_1442 : memref<8x8x130xf32, #tpu.memory_space<vmem>>[vector<16xi32>, vector<16xi32>, vector<16xi32>], vector<16xf32>,
        %add3A_1449 = arith.constant 64 : i32
        %add3A_1450 = vector.broadcast %add3A_1449 : i32 to vector<16xi32>
        %add3A_1451 = arith.addi %add3A_1450, %iota3A : vector<16xi32>
        %add3A_1452 = arith.addi %shift_left3A_230, %and3A_1378 : vector<16xi32>
        %gather3A_1453 = arith.constant 0 : i32
        %gather3A_1454 = arith.constant 0 : i32
        %gather3A_1455 = arith.constant 0 : i32
        %gather3A_1456 = tpu.memref_slice %arg7[%gather3A_1453, %gather3A_1454, %gather3A_1455] : memref<2x128x128xf32, #tpu.memory_space<vmem>> -> memref<1x128x128xf32, #tpu.memory_space<vmem>>
        %gather3A_1457 = tpu.memref_squeeze %gather3A_1456 : memref<1x128x128xf32, #tpu.memory_space<vmem>> -> memref<128x128xf32, #tpu.memory_space<vmem>>
        %gather3A_1458 = tpu.vector_load_idx %gather3A_1457[%add3A_1451, %add3A_1452] : memref<128x128xf32, #tpu.memory_space<vmem>>[vector<16xi32>, vector<16xi32>], vector<16xf32>,
        %scatter3A_1459 = arith.constant 0 : i32
        %scatter3A_1460 = arith.constant 0 : i32
        %scatter3A_1461 = arith.constant 0 : i32
        %scatter3A_1462 = arith.constant 0 : i32
        %scatter3A_1463 = tpu.memref_slice %arg8[%scatter3A_1459, %scatter3A_1460, %scatter3A_1461, %scatter3A_1462] : memref<2x8x8x130xf32, #tpu.memory_space<vmem>> -> memref<1x8x8x130xf32, #tpu.memory_space<vmem>>
        %scatter3A_1464 = tpu.memref_squeeze %scatter3A_1463 : memref<1x8x8x130xf32, #tpu.memory_space<vmem>> -> memref<8x8x130xf32, #tpu.memory_space<vmem>>
        tpu.vector_store_idx %scatter3A_1464[%shift_right_arithmetic3A_1381, %and3A_1384, %add3A_1451], %gather3A_1458 : memref<8x8x130xf32, #tpu.memory_space<vmem>>[vector<16xi32>, vector<16xi32>, vector<16xi32>], vector<16xf32>,
        %add3A_1465 = arith.constant 80 : i32
        %add3A_1466 = vector.broadcast %add3A_1465 : i32 to vector<16xi32>
        %add3A_1467 = arith.addi %add3A_1466, %iota3A : vector<16xi32>
        %add3A_1468 = arith.addi %shift_left3A_240, %and3A_1378 : vector<16xi32>
        %gather3A_1469 = arith.constant 0 : i32
        %gather3A_1470 = arith.constant 0 : i32
        %gather3A_1471 = arith.constant 0 : i32
        %gather3A_1472 = tpu.memref_slice %arg7[%gather3A_1469, %gather3A_1470, %gather3A_1471] : memref<2x128x128xf32, #tpu.memory_space<vmem>> -> memref<1x128x128xf32, #tpu.memory_space<vmem>>
        %gather3A_1473 = tpu.memref_squeeze %gather3A_1472 : memref<1x128x128xf32, #tpu.memory_space<vmem>> -> memref<128x128xf32, #tpu.memory_space<vmem>>
        %gather3A_1474 = tpu.vector_load_idx %gather3A_1473[%add3A_1467, %add3A_1468] : memref<128x128xf32, #tpu.memory_space<vmem>>[vector<16xi32>, vector<16xi32>], vector<16xf32>,
        %scatter3A_1475 = arith.constant 0 : i32
        %scatter3A_1476 = arith.constant 0 : i32
        %scatter3A_1477 = arith.constant 0 : i32
        %scatter3A_1478 = arith.constant 0 : i32
        %scatter3A_1479 = tpu.memref_slice %arg8[%scatter3A_1475, %scatter3A_1476, %scatter3A_1477, %scatter3A_1478] : memref<2x8x8x130xf32, #tpu.memory_space<vmem>> -> memref<1x8x8x130xf32, #tpu.memory_space<vmem>>
        %scatter3A_1480 = tpu.memref_squeeze %scatter3A_1479 : memref<1x8x8x130xf32, #tpu.memory_space<vmem>> -> memref<8x8x130xf32, #tpu.memory_space<vmem>>
        tpu.vector_store_idx %scatter3A_1480[%shift_right_arithmetic3A_1381, %and3A_1384, %add3A_1467], %gather3A_1474 : memref<8x8x130xf32, #tpu.memory_space<vmem>>[vector<16xi32>, vector<16xi32>, vector<16xi32>], vector<16xf32>,
        %add3A_1481 = arith.constant 96 : i32
        %add3A_1482 = vector.broadcast %add3A_1481 : i32 to vector<16xi32>
        %add3A_1483 = arith.addi %add3A_1482, %iota3A : vector<16xi32>
        %add3A_1484 = arith.addi %shift_left3A_250, %and3A_1378 : vector<16xi32>
        %gather3A_1485 = arith.constant 0 : i32
        %gather3A_1486 = arith.constant 0 : i32
        %gather3A_1487 = arith.constant 0 : i32
        %gather3A_1488 = tpu.memref_slice %arg7[%gather3A_1485, %gather3A_1486, %gather3A_1487] : memref<2x128x128xf32, #tpu.memory_space<vmem>> -> memref<1x128x128xf32, #tpu.memory_space<vmem>>
        %gather3A_1489 = tpu.memref_squeeze %gather3A_1488 : memref<1x128x128xf32, #tpu.memory_space<vmem>> -> memref<128x128xf32, #tpu.memory_space<vmem>>
        %gather3A_1490 = tpu.vector_load_idx %gather3A_1489[%add3A_1483, %add3A_1484] : memref<128x128xf32, #tpu.memory_space<vmem>>[vector<16xi32>, vector<16xi32>], vector<16xf32>,
        %scatter3A_1491 = arith.constant 0 : i32
        %scatter3A_1492 = arith.constant 0 : i32
        %scatter3A_1493 = arith.constant 0 : i32
        %scatter3A_1494 = arith.constant 0 : i32
        %scatter3A_1495 = tpu.memref_slice %arg8[%scatter3A_1491, %scatter3A_1492, %scatter3A_1493, %scatter3A_1494] : memref<2x8x8x130xf32, #tpu.memory_space<vmem>> -> memref<1x8x8x130xf32, #tpu.memory_space<vmem>>
        %scatter3A_1496 = tpu.memref_squeeze %scatter3A_1495 : memref<1x8x8x130xf32, #tpu.memory_space<vmem>> -> memref<8x8x130xf32, #tpu.memory_space<vmem>>
        tpu.vector_store_idx %scatter3A_1496[%shift_right_arithmetic3A_1381, %and3A_1384, %add3A_1483], %gather3A_1490 : memref<8x8x130xf32, #tpu.memory_space<vmem>>[vector<16xi32>, vector<16xi32>, vector<16xi32>], vector<16xf32>,
        %add3A_1497 = arith.constant 112 : i32
        %add3A_1498 = vector.broadcast %add3A_1497 : i32 to vector<16xi32>
        %add3A_1499 = arith.addi %add3A_1498, %iota3A : vector<16xi32>
        %add3A_1500 = arith.addi %shift_left3A_260, %and3A_1378 : vector<16xi32>
        %gather3A_1501 = arith.constant 0 : i32
        %gather3A_1502 = arith.constant 0 : i32
        %gather3A_1503 = arith.constant 0 : i32
        %gather3A_1504 = tpu.memref_slice %arg7[%gather3A_1501, %gather3A_1502, %gather3A_1503] : memref<2x128x128xf32, #tpu.memory_space<vmem>> -> memref<1x128x128xf32, #tpu.memory_space<vmem>>
        %gather3A_1505 = tpu.memref_squeeze %gather3A_1504 : memref<1x128x128xf32, #tpu.memory_space<vmem>> -> memref<128x128xf32, #tpu.memory_space<vmem>>
        %gather3A_1506 = tpu.vector_load_idx %gather3A_1505[%add3A_1499, %add3A_1500] : memref<128x128xf32, #tpu.memory_space<vmem>>[vector<16xi32>, vector<16xi32>], vector<16xf32>,
        %scatter3A_1507 = arith.constant 0 : i32
        %scatter3A_1508 = arith.constant 0 : i32
        %scatter3A_1509 = arith.constant 0 : i32
        %scatter3A_1510 = arith.constant 0 : i32
        %scatter3A_1511 = tpu.memref_slice %arg8[%scatter3A_1507, %scatter3A_1508, %scatter3A_1509, %scatter3A_1510] : memref<2x8x8x130xf32, #tpu.memory_space<vmem>> -> memref<1x8x8x130xf32, #tpu.memory_space<vmem>>
        %scatter3A_1512 = tpu.memref_squeeze %scatter3A_1511 : memref<1x8x8x130xf32, #tpu.memory_space<vmem>> -> memref<8x8x130xf32, #tpu.memory_space<vmem>>
        tpu.vector_store_idx %scatter3A_1512[%shift_right_arithmetic3A_1381, %and3A_1384, %add3A_1499], %gather3A_1506 : memref<8x8x130xf32, #tpu.memory_space<vmem>>[vector<16xi32>, vector<16xi32>, vector<16xi32>], vector<16xf32>,
        %mul3A_1513 = arith.constant 8 : i32
        %mul3A_1514 = arith.muli %scan3A_514, %mul3A_1513 : i32
        %add3A_1515 = arith.constant 7 : i32
        %add3A_1516 = arith.addi %mul3A_1514, %add3A_1515 : i32
        %add3A_1517 = vector.broadcast %add3A_1516 : i32 to vector<16xi32>
        %add3A_1518 = arith.addi %add3A_1517, %iota3A : vector<16xi32>
        %and3A_1519 = arith.constant 63 : i32
        %and3A_1520 = vector.broadcast %and3A_1519 : i32 to vector<16xi32>
        %and3A_1521 = arith.andi %add3A_1518, %and3A_1520 : vector<16xi32>
        %shift_right_arithmetic3A_1522 = arith.constant 3 : i32
        %shift_right_arithmetic3A_1523 = vector.broadcast %shift_right_arithmetic3A_1522 : i32 to vector<16xi32>
        %shift_right_arithmetic3A_1524 = arith.shrsi %and3A_1521, %shift_right_arithmetic3A_1523 : vector<16xi32>
        %and3A_1525 = arith.constant 7 : i32
        %and3A_1526 = vector.broadcast %and3A_1525 : i32 to vector<16xi32>
        %and3A_1527 = arith.andi %and3A_1521, %and3A_1526 : vector<16xi32>
        %add3A_1528 = arith.constant 0 : i32
        %add3A_1529 = vector.broadcast %add3A_1528 : i32 to vector<16xi32>
        %add3A_1530 = arith.addi %add3A_1529, %iota3A : vector<16xi32>
        %add3A_1531 = arith.addi %shift_left3A_190, %and3A_1521 : vector<16xi32>
        %gather3A_1532 = arith.constant 0 : i32
        %gather3A_1533 = arith.constant 0 : i32
        %gather3A_1534 = arith.constant 0 : i32
        %gather3A_1535 = tpu.memref_slice %arg7[%gather3A_1532, %gather3A_1533, %gather3A_1534] : memref<2x128x128xf32, #tpu.memory_space<vmem>> -> memref<1x128x128xf32, #tpu.memory_space<vmem>>
        %gather3A_1536 = tpu.memref_squeeze %gather3A_1535 : memref<1x128x128xf32, #tpu.memory_space<vmem>> -> memref<128x128xf32, #tpu.memory_space<vmem>>
        %gather3A_1537 = tpu.vector_load_idx %gather3A_1536[%add3A_1530, %add3A_1531] : memref<128x128xf32, #tpu.memory_space<vmem>>[vector<16xi32>, vector<16xi32>], vector<16xf32>,
        %scatter3A_1538 = arith.constant 0 : i32
        %scatter3A_1539 = arith.constant 0 : i32
        %scatter3A_1540 = arith.constant 0 : i32
        %scatter3A_1541 = arith.constant 0 : i32
        %scatter3A_1542 = tpu.memref_slice %arg8[%scatter3A_1538, %scatter3A_1539, %scatter3A_1540, %scatter3A_1541] : memref<2x8x8x130xf32, #tpu.memory_space<vmem>> -> memref<1x8x8x130xf32, #tpu.memory_space<vmem>>
        %scatter3A_1543 = tpu.memref_squeeze %scatter3A_1542 : memref<1x8x8x130xf32, #tpu.memory_space<vmem>> -> memref<8x8x130xf32, #tpu.memory_space<vmem>>
        tpu.vector_store_idx %scatter3A_1543[%shift_right_arithmetic3A_1524, %and3A_1527, %add3A_1530], %gather3A_1537 : memref<8x8x130xf32, #tpu.memory_space<vmem>>[vector<16xi32>, vector<16xi32>, vector<16xi32>], vector<16xf32>,
        %add3A_1544 = arith.constant 16 : i32
        %add3A_1545 = vector.broadcast %add3A_1544 : i32 to vector<16xi32>
        %add3A_1546 = arith.addi %add3A_1545, %iota3A : vector<16xi32>
        %add3A_1547 = arith.addi %shift_left3A_200, %and3A_1521 : vector<16xi32>
        %gather3A_1548 = arith.constant 0 : i32
        %gather3A_1549 = arith.constant 0 : i32
        %gather3A_1550 = arith.constant 0 : i32
        %gather3A_1551 = tpu.memref_slice %arg7[%gather3A_1548, %gather3A_1549, %gather3A_1550] : memref<2x128x128xf32, #tpu.memory_space<vmem>> -> memref<1x128x128xf32, #tpu.memory_space<vmem>>
        %gather3A_1552 = tpu.memref_squeeze %gather3A_1551 : memref<1x128x128xf32, #tpu.memory_space<vmem>> -> memref<128x128xf32, #tpu.memory_space<vmem>>
        %gather3A_1553 = tpu.vector_load_idx %gather3A_1552[%add3A_1546, %add3A_1547] : memref<128x128xf32, #tpu.memory_space<vmem>>[vector<16xi32>, vector<16xi32>], vector<16xf32>,
        %scatter3A_1554 = arith.constant 0 : i32
        %scatter3A_1555 = arith.constant 0 : i32
        %scatter3A_1556 = arith.constant 0 : i32
        %scatter3A_1557 = arith.constant 0 : i32
        %scatter3A_1558 = tpu.memref_slice %arg8[%scatter3A_1554, %scatter3A_1555, %scatter3A_1556, %scatter3A_1557] : memref<2x8x8x130xf32, #tpu.memory_space<vmem>> -> memref<1x8x8x130xf32, #tpu.memory_space<vmem>>
        %scatter3A_1559 = tpu.memref_squeeze %scatter3A_1558 : memref<1x8x8x130xf32, #tpu.memory_space<vmem>> -> memref<8x8x130xf32, #tpu.memory_space<vmem>>
        tpu.vector_store_idx %scatter3A_1559[%shift_right_arithmetic3A_1524, %and3A_1527, %add3A_1546], %gather3A_1553 : memref<8x8x130xf32, #tpu.memory_space<vmem>>[vector<16xi32>, vector<16xi32>, vector<16xi32>], vector<16xf32>,
        %add3A_1560 = arith.constant 32 : i32
        %add3A_1561 = vector.broadcast %add3A_1560 : i32 to vector<16xi32>
        %add3A_1562 = arith.addi %add3A_1561, %iota3A : vector<16xi32>
        %add3A_1563 = arith.addi %shift_left3A_210, %and3A_1521 : vector<16xi32>
        %gather3A_1564 = arith.constant 0 : i32
        %gather3A_1565 = arith.constant 0 : i32
        %gather3A_1566 = arith.constant 0 : i32
        %gather3A_1567 = tpu.memref_slice %arg7[%gather3A_1564, %gather3A_1565, %gather3A_1566] : memref<2x128x128xf32, #tpu.memory_space<vmem>> -> memref<1x128x128xf32, #tpu.memory_space<vmem>>
        %gather3A_1568 = tpu.memref_squeeze %gather3A_1567 : memref<1x128x128xf32, #tpu.memory_space<vmem>> -> memref<128x128xf32, #tpu.memory_space<vmem>>
        %gather3A_1569 = tpu.vector_load_idx %gather3A_1568[%add3A_1562, %add3A_1563] : memref<128x128xf32, #tpu.memory_space<vmem>>[vector<16xi32>, vector<16xi32>], vector<16xf32>,
        %scatter3A_1570 = arith.constant 0 : i32
        %scatter3A_1571 = arith.constant 0 : i32
        %scatter3A_1572 = arith.constant 0 : i32
        %scatter3A_1573 = arith.constant 0 : i32
        %scatter3A_1574 = tpu.memref_slice %arg8[%scatter3A_1570, %scatter3A_1571, %scatter3A_1572, %scatter3A_1573] : memref<2x8x8x130xf32, #tpu.memory_space<vmem>> -> memref<1x8x8x130xf32, #tpu.memory_space<vmem>>
        %scatter3A_1575 = tpu.memref_squeeze %scatter3A_1574 : memref<1x8x8x130xf32, #tpu.memory_space<vmem>> -> memref<8x8x130xf32, #tpu.memory_space<vmem>>
        tpu.vector_store_idx %scatter3A_1575[%shift_right_arithmetic3A_1524, %and3A_1527, %add3A_1562], %gather3A_1569 : memref<8x8x130xf32, #tpu.memory_space<vmem>>[vector<16xi32>, vector<16xi32>, vector<16xi32>], vector<16xf32>,
        %add3A_1576 = arith.constant 48 : i32
        %add3A_1577 = vector.broadcast %add3A_1576 : i32 to vector<16xi32>
        %add3A_1578 = arith.addi %add3A_1577, %iota3A : vector<16xi32>
        %add3A_1579 = arith.addi %shift_left3A_220, %and3A_1521 : vector<16xi32>
        %gather3A_1580 = arith.constant 0 : i32
        %gather3A_1581 = arith.constant 0 : i32
        %gather3A_1582 = arith.constant 0 : i32
        %gather3A_1583 = tpu.memref_slice %arg7[%gather3A_1580, %gather3A_1581, %gather3A_1582] : memref<2x128x128xf32, #tpu.memory_space<vmem>> -> memref<1x128x128xf32, #tpu.memory_space<vmem>>
        %gather3A_1584 = tpu.memref_squeeze %gather3A_1583 : memref<1x128x128xf32, #tpu.memory_space<vmem>> -> memref<128x128xf32, #tpu.memory_space<vmem>>
        %gather3A_1585 = tpu.vector_load_idx %gather3A_1584[%add3A_1578, %add3A_1579] : memref<128x128xf32, #tpu.memory_space<vmem>>[vector<16xi32>, vector<16xi32>], vector<16xf32>,
        %scatter3A_1586 = arith.constant 0 : i32
        %scatter3A_1587 = arith.constant 0 : i32
        %scatter3A_1588 = arith.constant 0 : i32
        %scatter3A_1589 = arith.constant 0 : i32
        %scatter3A_1590 = tpu.memref_slice %arg8[%scatter3A_1586, %scatter3A_1587, %scatter3A_1588, %scatter3A_1589] : memref<2x8x8x130xf32, #tpu.memory_space<vmem>> -> memref<1x8x8x130xf32, #tpu.memory_space<vmem>>
        %scatter3A_1591 = tpu.memref_squeeze %scatter3A_1590 : memref<1x8x8x130xf32, #tpu.memory_space<vmem>> -> memref<8x8x130xf32, #tpu.memory_space<vmem>>
        tpu.vector_store_idx %scatter3A_1591[%shift_right_arithmetic3A_1524, %and3A_1527, %add3A_1578], %gather3A_1585 : memref<8x8x130xf32, #tpu.memory_space<vmem>>[vector<16xi32>, vector<16xi32>, vector<16xi32>], vector<16xf32>,
        %add3A_1592 = arith.constant 64 : i32
        %add3A_1593 = vector.broadcast %add3A_1592 : i32 to vector<16xi32>
        %add3A_1594 = arith.addi %add3A_1593, %iota3A : vector<16xi32>
        %add3A_1595 = arith.addi %shift_left3A_230, %and3A_1521 : vector<16xi32>
        %gather3A_1596 = arith.constant 0 : i32
        %gather3A_1597 = arith.constant 0 : i32
        %gather3A_1598 = arith.constant 0 : i32
        %gather3A_1599 = tpu.memref_slice %arg7[%gather3A_1596, %gather3A_1597, %gather3A_1598] : memref<2x128x128xf32, #tpu.memory_space<vmem>> -> memref<1x128x128xf32, #tpu.memory_space<vmem>>
        %gather3A_1600 = tpu.memref_squeeze %gather3A_1599 : memref<1x128x128xf32, #tpu.memory_space<vmem>> -> memref<128x128xf32, #tpu.memory_space<vmem>>
        %gather3A_1601 = tpu.vector_load_idx %gather3A_1600[%add3A_1594, %add3A_1595] : memref<128x128xf32, #tpu.memory_space<vmem>>[vector<16xi32>, vector<16xi32>], vector<16xf32>,
        %scatter3A_1602 = arith.constant 0 : i32
        %scatter3A_1603 = arith.constant 0 : i32
        %scatter3A_1604 = arith.constant 0 : i32
        %scatter3A_1605 = arith.constant 0 : i32
        %scatter3A_1606 = tpu.memref_slice %arg8[%scatter3A_1602, %scatter3A_1603, %scatter3A_1604, %scatter3A_1605] : memref<2x8x8x130xf32, #tpu.memory_space<vmem>> -> memref<1x8x8x130xf32, #tpu.memory_space<vmem>>
        %scatter3A_1607 = tpu.memref_squeeze %scatter3A_1606 : memref<1x8x8x130xf32, #tpu.memory_space<vmem>> -> memref<8x8x130xf32, #tpu.memory_space<vmem>>
        tpu.vector_store_idx %scatter3A_1607[%shift_right_arithmetic3A_1524, %and3A_1527, %add3A_1594], %gather3A_1601 : memref<8x8x130xf32, #tpu.memory_space<vmem>>[vector<16xi32>, vector<16xi32>, vector<16xi32>], vector<16xf32>,
        %add3A_1608 = arith.constant 80 : i32
        %add3A_1609 = vector.broadcast %add3A_1608 : i32 to vector<16xi32>
        %add3A_1610 = arith.addi %add3A_1609, %iota3A : vector<16xi32>
        %add3A_1611 = arith.addi %shift_left3A_240, %and3A_1521 : vector<16xi32>
        %gather3A_1612 = arith.constant 0 : i32
        %gather3A_1613 = arith.constant 0 : i32
        %gather3A_1614 = arith.constant 0 : i32
        %gather3A_1615 = tpu.memref_slice %arg7[%gather3A_1612, %gather3A_1613, %gather3A_1614] : memref<2x128x128xf32, #tpu.memory_space<vmem>> -> memref<1x128x128xf32, #tpu.memory_space<vmem>>
        %gather3A_1616 = tpu.memref_squeeze %gather3A_1615 : memref<1x128x128xf32, #tpu.memory_space<vmem>> -> memref<128x128xf32, #tpu.memory_space<vmem>>
        %gather3A_1617 = tpu.vector_load_idx %gather3A_1616[%add3A_1610, %add3A_1611] : memref<128x128xf32, #tpu.memory_space<vmem>>[vector<16xi32>, vector<16xi32>], vector<16xf32>,
        %scatter3A_1618 = arith.constant 0 : i32
        %scatter3A_1619 = arith.constant 0 : i32
        %scatter3A_1620 = arith.constant 0 : i32
        %scatter3A_1621 = arith.constant 0 : i32
        %scatter3A_1622 = tpu.memref_slice %arg8[%scatter3A_1618, %scatter3A_1619, %scatter3A_1620, %scatter3A_1621] : memref<2x8x8x130xf32, #tpu.memory_space<vmem>> -> memref<1x8x8x130xf32, #tpu.memory_space<vmem>>
        %scatter3A_1623 = tpu.memref_squeeze %scatter3A_1622 : memref<1x8x8x130xf32, #tpu.memory_space<vmem>> -> memref<8x8x130xf32, #tpu.memory_space<vmem>>
        tpu.vector_store_idx %scatter3A_1623[%shift_right_arithmetic3A_1524, %and3A_1527, %add3A_1610], %gather3A_1617 : memref<8x8x130xf32, #tpu.memory_space<vmem>>[vector<16xi32>, vector<16xi32>, vector<16xi32>], vector<16xf32>,
        %add3A_1624 = arith.constant 96 : i32
        %add3A_1625 = vector.broadcast %add3A_1624 : i32 to vector<16xi32>
        %add3A_1626 = arith.addi %add3A_1625, %iota3A : vector<16xi32>
        %add3A_1627 = arith.addi %shift_left3A_250, %and3A_1521 : vector<16xi32>
        %gather3A_1628 = arith.constant 0 : i32
        %gather3A_1629 = arith.constant 0 : i32
        %gather3A_1630 = arith.constant 0 : i32
        %gather3A_1631 = tpu.memref_slice %arg7[%gather3A_1628, %gather3A_1629, %gather3A_1630] : memref<2x128x128xf32, #tpu.memory_space<vmem>> -> memref<1x128x128xf32, #tpu.memory_space<vmem>>
        %gather3A_1632 = tpu.memref_squeeze %gather3A_1631 : memref<1x128x128xf32, #tpu.memory_space<vmem>> -> memref<128x128xf32, #tpu.memory_space<vmem>>
        %gather3A_1633 = tpu.vector_load_idx %gather3A_1632[%add3A_1626, %add3A_1627] : memref<128x128xf32, #tpu.memory_space<vmem>>[vector<16xi32>, vector<16xi32>], vector<16xf32>,
        %scatter3A_1634 = arith.constant 0 : i32
        %scatter3A_1635 = arith.constant 0 : i32
        %scatter3A_1636 = arith.constant 0 : i32
        %scatter3A_1637 = arith.constant 0 : i32
        %scatter3A_1638 = tpu.memref_slice %arg8[%scatter3A_1634, %scatter3A_1635, %scatter3A_1636, %scatter3A_1637] : memref<2x8x8x130xf32, #tpu.memory_space<vmem>> -> memref<1x8x8x130xf32, #tpu.memory_space<vmem>>
        %scatter3A_1639 = tpu.memref_squeeze %scatter3A_1638 : memref<1x8x8x130xf32, #tpu.memory_space<vmem>> -> memref<8x8x130xf32, #tpu.memory_space<vmem>>
        tpu.vector_store_idx %scatter3A_1639[%shift_right_arithmetic3A_1524, %and3A_1527, %add3A_1626], %gather3A_1633 : memref<8x8x130xf32, #tpu.memory_space<vmem>>[vector<16xi32>, vector<16xi32>, vector<16xi32>], vector<16xf32>,
        %add3A_1640 = arith.constant 112 : i32
        %add3A_1641 = vector.broadcast %add3A_1640 : i32 to vector<16xi32>
        %add3A_1642 = arith.addi %add3A_1641, %iota3A : vector<16xi32>
        %add3A_1643 = arith.addi %shift_left3A_260, %and3A_1521 : vector<16xi32>
        %gather3A_1644 = arith.constant 0 : i32
        %gather3A_1645 = arith.constant 0 : i32
        %gather3A_1646 = arith.constant 0 : i32
        %gather3A_1647 = tpu.memref_slice %arg7[%gather3A_1644, %gather3A_1645, %gather3A_1646] : memref<2x128x128xf32, #tpu.memory_space<vmem>> -> memref<1x128x128xf32, #tpu.memory_space<vmem>>
        %gather3A_1648 = tpu.memref_squeeze %gather3A_1647 : memref<1x128x128xf32, #tpu.memory_space<vmem>> -> memref<128x128xf32, #tpu.memory_space<vmem>>
        %gather3A_1649 = tpu.vector_load_idx %gather3A_1648[%add3A_1642, %add3A_1643] : memref<128x128xf32, #tpu.memory_space<vmem>>[vector<16xi32>, vector<16xi32>], vector<16xf32>,
        %scatter3A_1650 = arith.constant 0 : i32
        %scatter3A_1651 = arith.constant 0 : i32
        %scatter3A_1652 = arith.constant 0 : i32
        %scatter3A_1653 = arith.constant 0 : i32
        %scatter3A_1654 = tpu.memref_slice %arg8[%scatter3A_1650, %scatter3A_1651, %scatter3A_1652, %scatter3A_1653] : memref<2x8x8x130xf32, #tpu.memory_space<vmem>> -> memref<1x8x8x130xf32, #tpu.memory_space<vmem>>
        %scatter3A_1655 = tpu.memref_squeeze %scatter3A_1654 : memref<1x8x8x130xf32, #tpu.memory_space<vmem>> -> memref<8x8x130xf32, #tpu.memory_space<vmem>>
        tpu.vector_store_idx %scatter3A_1655[%shift_right_arithmetic3A_1524, %and3A_1527, %add3A_1642], %gather3A_1649 : memref<8x8x130xf32, #tpu.memory_space<vmem>>[vector<16xi32>, vector<16xi32>, vector<16xi32>], vector<16xf32>,
      }
      %scan3A_266 = arith.constant 8 : i32
      %lt3A_267 = arith.constant 99 : i32
      %lt3A_268 = arith.cmpi slt, %scan3A_92, %lt3A_267 : i32
      %convert_element_type3A_269 = arith.extui %lt3A_268 : i1 to i32
      %cond3A_270 = arith.constant 0 : i32
      %cond3A_271 = arith.cmpi ne, %convert_element_type3A_269, %cond3A_270 : i32
      scf.if %cond3A_271 {
        %add3A_514 = arith.constant 2 : i32
        %add3A_515 = arith.addi %add3A_96, %add3A_514 : i32
        %jit3A_516 = arith.constant 8 : i32
        %div3A_517 = arith.divsi %add3A_515, %jit3A_516 : i32
        %sign3A_518 = arith.constant 0 : i32
        %sign3A_519 = arith.cmpi sgt, %add3A_515, %sign3A_518 : i32
        %sign3A_520 = arith.extui %sign3A_519 : i1 to i32
        %sign3A_521 = arith.constant 0 : i32
        %sign3A_522 = arith.cmpi slt, %add3A_515, %sign3A_521 : i32
        %sign3A_523 = arith.extui %sign3A_522 : i1 to i32
        %sign3A_524 = arith.subi %sign3A_520, %sign3A_523 : i32
        %sign3A_525 = arith.constant 0 : i32
        %sign3A_526 = arith.cmpi sgt, %jit3A_516, %sign3A_525 : i32
        %sign3A_527 = arith.extui %sign3A_526 : i1 to i32
        %sign3A_528 = arith.constant 0 : i32
        %sign3A_529 = arith.cmpi slt, %jit3A_516, %sign3A_528 : i32
        %sign3A_530 = arith.extui %sign3A_529 : i1 to i32
        %sign3A_531 = arith.subi %sign3A_527, %sign3A_530 : i32
        %ne3A_532 = arith.cmpi ne, %sign3A_524, %sign3A_531 : i32
        %rem3A_533 = arith.remsi %add3A_515, %jit3A_516 : i32
        %ne3A_534 = arith.constant 0 : i32
        %ne3A_535 = arith.cmpi ne, %rem3A_533, %ne3A_534 : i32
        %and3A_536 = arith.andi %ne3A_532, %ne3A_535 : i1
        %sub3A_537 = arith.constant 1 : i32
        %sub3A_538 = arith.subi %div3A_517, %sub3A_537 : i32
        %select_n3A_539 = arith.select %and3A_536, %sub3A_538, %div3A_517 : i32
        %jit3A_540 = arith.constant 8 : i32
        %eq3A_541 = arith.constant 0 : i32
        %eq3A_542 = arith.cmpi eq, %jit3A_540, %eq3A_541 : i32
        %jit3A_543 = arith.constant 1 : i32
        %select_n3A_544 = arith.select %eq3A_542, %jit3A_543, %jit3A_540 : i32
        %rem3A_545 = arith.remsi %add3A_515, %select_n3A_544 : i32
        %ne3A_546 = arith.constant 0 : i32
        %ne3A_547 = arith.cmpi ne, %rem3A_545, %ne3A_546 : i32
        %lt3A_548 = arith.constant 0 : i32
        %lt3A_549 = arith.cmpi slt, %rem3A_545, %lt3A_548 : i32
        %lt3A_550 = arith.constant 0 : i32
        %lt3A_551 = arith.cmpi slt, %select_n3A_544, %lt3A_550 : i32
        %ne3A_552 = arith.xori %lt3A_549, %lt3A_551 : i1
        %and3A_553 = arith.andi %ne3A_552, %ne3A_547 : i1
        %add3A_554 = arith.addi %rem3A_545, %select_n3A_544 : i32
        %select_n3A_555 = arith.select %and3A_553, %add3A_554, %rem3A_545 : i32
        %dma_start3A_556 = arith.constant 0 : i32
        %dma_start3A_557 = arith.constant 0 : i32
        %dma_start3A_558 = arith.constant 0 : i32
        %dma_start3A_559 = arith.constant 0 : i32
        %dma_start3A_560 = tpu.memref_slice %arg7[%dma_start3A_556, %dma_start3A_558, %dma_start3A_559] : memref<2x128x128xf32, #tpu.memory_space<vmem>> -> memref<1x128x128xf32, #tpu.memory_space<vmem>>
        %dma_start3A_561 = tpu.memref_squeeze %dma_start3A_560 : memref<1x128x128xf32, #tpu.memory_space<vmem>> -> memref<128x128xf32, #tpu.memory_space<vmem>>
        %dma_start3A_562 = arith.constant 0 : i32
        %dma_start3A_563 = tpu.memref_slice %arg6[%select_n3A_539, %select_n3A_555, %dma_start3A_562] : memref<25x8x128xi32, #tpu.memory_space<vmem>> -> memref<1x1x128xi32, #tpu.memory_space<vmem>>
        %dma_start3A_564 = tpu.memref_squeeze %dma_start3A_563 : memref<1x1x128xi32, #tpu.memory_space<vmem>> -> memref<128xi32, #tpu.memory_space<vmem>>
        %dma_start3A_565 = arith.constant 0 : i32
        %dma_start3A_566 = arith.constant 0 : i32
        %dma_start3A_567 = tpu.memref_slice %arg3[%dma_start3A_565, %dma_start3A_566] : memref<500000x128xf32, #tpu.memory_space<hbm>> -> memref<500000x128xf32, #tpu.memory_space<hbm>>
        %dma_start3A_568 = tpu.memref_slice %arg9[%dma_start3A_557] : memref<2x!tpu.dma_semaphore, #tpu.memory_space<semaphore_mem>> -> memref<1x!tpu.dma_semaphore, #tpu.memory_space<semaphore_mem>>
        %dma_start3A_569 = tpu.memref_squeeze %dma_start3A_568 : memref<1x!tpu.dma_semaphore, #tpu.memory_space<semaphore_mem>> -> memref<!tpu.dma_semaphore, #tpu.memory_space<semaphore_mem>>
        tpu.enqueue_indirect_dma source(%dma_start3A_567 : memref<500000x128xf32, #tpu.memory_space<hbm>>) target(%dma_start3A_561 : memref<128x128xf32, #tpu.memory_space<vmem>>) offsets(%dma_start3A_564 : memref<128xi32, #tpu.memory_space<vmem>>) semaphore(%dma_start3A_569 : memref<!tpu.dma_semaphore, #tpu.memory_space<semaphore_mem>>)
      } else {
      }
      %dma_start3A_272 = arith.constant 0 : i32
      %dma_start3A_273 = arith.constant 0 : i32
      %dma_start3A_274 = arith.constant 0 : i32
      %dma_start3A_275 = arith.constant 0 : i32
      %dma_start3A_276 = arith.constant 0 : i32
      %dma_start3A_277 = tpu.memref_slice %arg8[%dma_start3A_272, %dma_start3A_274, %dma_start3A_275, %dma_start3A_276] : memref<2x8x8x130xf32, #tpu.memory_space<vmem>> -> memref<1x8x8x128xf32, #tpu.memory_space<vmem>>
      %dma_start3A_278 = tpu.memref_squeeze %dma_start3A_277 : memref<1x8x8x128xf32, #tpu.memory_space<vmem>> -> memref<8x8x128xf32, #tpu.memory_space<vmem>>
      %dma_start3A_279 = arith.constant 0 : i32
      %dma_start3A_280 = arith.constant 0 : i32
      %dma_start3A_281 = arith.constant 0 : i32
      %dma_start3A_282 = tpu.memref_slice %arg4[%add3A_96, %dma_start3A_279, %add3A, %dma_start3A_280, %dma_start3A_281] : memref<200x8x32x8x128xf32, #tpu.memory_space<hbm>> -> memref<1x8x1x8x128xf32, #tpu.memory_space<hbm>>
      %dma_start3A_283 = tpu.memref_squeeze %dma_start3A_282 : memref<1x8x1x8x128xf32, #tpu.memory_space<hbm>> -> memref<8x8x128xf32, #tpu.memory_space<hbm>>
      %dma_start3A_284 = tpu.memref_slice %arg10[%dma_start3A_273] : memref<2x!tpu.dma_semaphore, #tpu.memory_space<semaphore_mem>> -> memref<1x!tpu.dma_semaphore, #tpu.memory_space<semaphore_mem>>
      %dma_start3A_285 = tpu.memref_squeeze %dma_start3A_284 : memref<1x!tpu.dma_semaphore, #tpu.memory_space<semaphore_mem>> -> memref<!tpu.dma_semaphore, #tpu.memory_space<semaphore_mem>>
      %dma_start3A_286 = arith.constant 0 : i32
      %dma_start3A_287 = arith.constant 0 : i32
      %dma_start3A_288 = arith.constant 0 : i32
      %dma_start3A_289 = tpu.memref_slice %arg4[%add3A_96, %dma_start3A_286, %add3A, %dma_start3A_287, %dma_start3A_288] : memref<200x8x32x8x128xf32, #tpu.memory_space<hbm>> -> memref<1x8x1x8x128xf32, #tpu.memory_space<hbm>>
      %dma_start3A_290 = tpu.memref_squeeze %dma_start3A_289 : memref<1x8x1x8x128xf32, #tpu.memory_space<hbm>> -> memref<8x8x128xf32, #tpu.memory_space<hbm>>
      %dma_start3A_291 = arith.constant 0 : i32
      %dma_start3A_292 = arith.constant 0 : i32
      %dma_start3A_293 = arith.constant 0 : i32
      %dma_start3A_294 = tpu.memref_slice %arg8[%dma_start3A_272, %dma_start3A_291, %dma_start3A_292, %dma_start3A_293] : memref<2x8x8x130xf32, #tpu.memory_space<vmem>> -> memref<1x8x8x128xf32, #tpu.memory_space<vmem>>
      %dma_start3A_295 = tpu.memref_squeeze %dma_start3A_294 : memref<1x8x8x128xf32, #tpu.memory_space<vmem>> -> memref<8x8x128xf32, #tpu.memory_space<vmem>>
      tpu.enqueue_dma source(%dma_start3A_295 : memref<8x8x128xf32, #tpu.memory_space<vmem>>) target(%dma_start3A_290 : memref<8x8x128xf32, #tpu.memory_space<hbm>>) target_semaphore(%dma_start3A_285 : memref<!tpu.dma_semaphore, #tpu.memory_space<semaphore_mem>>)
      %mul3A_296 = arith.constant 2 : i32
      %mul3A_297 = arith.muli %scan3A_92, %mul3A_296 : i32
      %add3A_298 = arith.constant 1 : i32
      %add3A_299 = arith.addi %mul3A_297, %add3A_298 : i32
      %jit3A_300 = arith.constant 8 : i32
      %div3A_301 = arith.divsi %add3A_299, %jit3A_300 : i32
      %sign3A_302 = arith.constant 0 : i32
      %sign3A_303 = arith.cmpi sgt, %add3A_299, %sign3A_302 : i32
      %sign3A_304 = arith.extui %sign3A_303 : i1 to i32
      %sign3A_305 = arith.constant 0 : i32
      %sign3A_306 = arith.cmpi slt, %add3A_299, %sign3A_305 : i32
      %sign3A_307 = arith.extui %sign3A_306 : i1 to i32
      %sign3A_308 = arith.subi %sign3A_304, %sign3A_307 : i32
      %sign3A_309 = arith.constant 0 : i32
      %sign3A_310 = arith.cmpi sgt, %jit3A_300, %sign3A_309 : i32
      %sign3A_311 = arith.extui %sign3A_310 : i1 to i32
      %sign3A_312 = arith.constant 0 : i32
      %sign3A_313 = arith.cmpi slt, %jit3A_300, %sign3A_312 : i32
      %sign3A_314 = arith.extui %sign3A_313 : i1 to i32
      %sign3A_315 = arith.subi %sign3A_311, %sign3A_314 : i32
      %ne3A_316 = arith.cmpi ne, %sign3A_308, %sign3A_315 : i32
      %rem3A_317 = arith.remsi %add3A_299, %jit3A_300 : i32
      %ne3A_318 = arith.constant 0 : i32
      %ne3A_319 = arith.cmpi ne, %rem3A_317, %ne3A_318 : i32
      %and3A_320 = arith.andi %ne3A_316, %ne3A_319 : i1
      %sub3A_321 = arith.constant 1 : i32
      %sub3A_322 = arith.subi %div3A_301, %sub3A_321 : i32
      %select_n3A_323 = arith.select %and3A_320, %sub3A_322, %div3A_301 : i32
      %jit3A_324 = arith.constant 8 : i32
      %eq3A_325 = arith.constant 0 : i32
      %eq3A_326 = arith.cmpi eq, %jit3A_324, %eq3A_325 : i32
      %jit3A_327 = arith.constant 1 : i32
      %select_n3A_328 = arith.select %eq3A_326, %jit3A_327, %jit3A_324 : i32
      %rem3A_329 = arith.remsi %add3A_299, %select_n3A_328 : i32
      %ne3A_330 = arith.constant 0 : i32
      %ne3A_331 = arith.cmpi ne, %rem3A_329, %ne3A_330 : i32
      %lt3A_332 = arith.constant 0 : i32
      %lt3A_333 = arith.cmpi slt, %rem3A_329, %lt3A_332 : i32
      %lt3A_334 = arith.constant 0 : i32
      %lt3A_335 = arith.cmpi slt, %select_n3A_328, %lt3A_334 : i32
      %ne3A_336 = arith.xori %lt3A_333, %lt3A_335 : i1
      %and3A_337 = arith.andi %ne3A_336, %ne3A_331 : i1
      %add3A_338 = arith.addi %rem3A_329, %select_n3A_328 : i32
      %select_n3A_339 = arith.select %and3A_337, %add3A_338, %rem3A_329 : i32
      %dma_wait3A_340 = arith.constant 1 : i32
      %dma_wait3A_341 = arith.constant 1 : i32
      %dma_wait3A_342 = arith.constant 0 : i32
      %dma_wait3A_343 = arith.constant 0 : i32
      %dma_wait3A_344 = tpu.memref_slice %arg7[%dma_wait3A_340, %dma_wait3A_342, %dma_wait3A_343] : memref<2x128x128xf32, #tpu.memory_space<vmem>> -> memref<1x128x128xf32, #tpu.memory_space<vmem>>
      %dma_wait3A_345 = tpu.memref_squeeze %dma_wait3A_344 : memref<1x128x128xf32, #tpu.memory_space<vmem>> -> memref<128x128xf32, #tpu.memory_space<vmem>>
      %dma_wait3A_346 = arith.constant 0 : i32
      %dma_wait3A_347 = tpu.memref_slice %arg6[%select_n3A_323, %select_n3A_339, %dma_wait3A_346] : memref<25x8x128xi32, #tpu.memory_space<vmem>> -> memref<1x1x128xi32, #tpu.memory_space<vmem>>
      %dma_wait3A_348 = tpu.memref_squeeze %dma_wait3A_347 : memref<1x1x128xi32, #tpu.memory_space<vmem>> -> memref<128xi32, #tpu.memory_space<vmem>>
      %dma_wait3A_349 = arith.constant 0 : i32
      %dma_wait3A_350 = arith.constant 0 : i32
      %dma_wait3A_351 = tpu.memref_slice %arg3[%dma_wait3A_349, %dma_wait3A_350] : memref<500000x128xf32, #tpu.memory_space<hbm>> -> memref<500000x128xf32, #tpu.memory_space<hbm>>
      %dma_wait3A_352 = tpu.memref_slice %arg9[%dma_wait3A_341] : memref<2x!tpu.dma_semaphore, #tpu.memory_space<semaphore_mem>> -> memref<1x!tpu.dma_semaphore, #tpu.memory_space<semaphore_mem>>
      %dma_wait3A_353 = tpu.memref_squeeze %dma_wait3A_352 : memref<1x!tpu.dma_semaphore, #tpu.memory_space<semaphore_mem>> -> memref<!tpu.dma_semaphore, #tpu.memory_space<semaphore_mem>>
      tpu.wait_indirect_dma semaphore(%dma_wait3A_353 : memref<!tpu.dma_semaphore, #tpu.memory_space<semaphore_mem>>) src(%dma_wait3A_351 : memref<500000x128xf32, #tpu.memory_space<hbm>>) dst(%dma_wait3A_345 : memref<128x128xf32, #tpu.memory_space<vmem>>)
      %gt3A_354 = arith.constant 0 : i32
      %gt3A_355 = arith.cmpi sgt, %scan3A_92, %gt3A_354 : i32
      %convert_element_type3A_356 = arith.extui %gt3A_355 : i1 to i32
      %cond3A_357 = arith.constant 0 : i32
      %cond3A_358 = arith.cmpi ne, %convert_element_type3A_356, %cond3A_357 : i32
      scf.if %cond3A_358 {
        %dma_wait3A_514 = arith.constant 1 : i32
        %dma_wait3A_515 = arith.constant 1 : i32
        %dma_wait3A_516 = arith.constant 0 : i32
        %dma_wait3A_517 = arith.constant 0 : i32
        %dma_wait3A_518 = arith.constant 0 : i32
        %dma_wait3A_519 = tpu.memref_slice %arg8[%dma_wait3A_514, %dma_wait3A_516, %dma_wait3A_517, %dma_wait3A_518] : memref<2x8x8x130xf32, #tpu.memory_space<vmem>> -> memref<1x8x8x128xf32, #tpu.memory_space<vmem>>
        %dma_wait3A_520 = tpu.memref_squeeze %dma_wait3A_519 : memref<1x8x8x128xf32, #tpu.memory_space<vmem>> -> memref<8x8x128xf32, #tpu.memory_space<vmem>>
        %dma_wait3A_521 = arith.constant 0 : i32
        %dma_wait3A_522 = arith.constant 0 : i32
        %dma_wait3A_523 = arith.constant 0 : i32
        %dma_wait3A_524 = tpu.memref_slice %arg4[%add3A_299, %dma_wait3A_521, %add3A, %dma_wait3A_522, %dma_wait3A_523] : memref<200x8x32x8x128xf32, #tpu.memory_space<hbm>> -> memref<1x8x1x8x128xf32, #tpu.memory_space<hbm>>
        %dma_wait3A_525 = tpu.memref_squeeze %dma_wait3A_524 : memref<1x8x1x8x128xf32, #tpu.memory_space<hbm>> -> memref<8x8x128xf32, #tpu.memory_space<hbm>>
        %dma_wait3A_526 = tpu.memref_slice %arg10[%dma_wait3A_515] : memref<2x!tpu.dma_semaphore, #tpu.memory_space<semaphore_mem>> -> memref<1x!tpu.dma_semaphore, #tpu.memory_space<semaphore_mem>>
        %dma_wait3A_527 = tpu.memref_squeeze %dma_wait3A_526 : memref<1x!tpu.dma_semaphore, #tpu.memory_space<semaphore_mem>> -> memref<!tpu.dma_semaphore, #tpu.memory_space<semaphore_mem>>
        %dma_wait3A_528 = arith.constant 0 : i32
        %dma_wait3A_529 = arith.constant 0 : i32
        %dma_wait3A_530 = arith.constant 0 : i32
        %dma_wait3A_531 = tpu.memref_slice %arg4[%add3A_299, %dma_wait3A_528, %add3A, %dma_wait3A_529, %dma_wait3A_530] : memref<200x8x32x8x128xf32, #tpu.memory_space<hbm>> -> memref<1x8x1x8x128xf32, #tpu.memory_space<hbm>>
        %dma_wait3A_532 = tpu.memref_squeeze %dma_wait3A_531 : memref<1x8x1x8x128xf32, #tpu.memory_space<hbm>> -> memref<8x8x128xf32, #tpu.memory_space<hbm>>
        %dma_wait3A_533 = arith.constant 0 : i32
        %dma_wait3A_534 = arith.constant 0 : i32
        %dma_wait3A_535 = arith.constant 0 : i32
        %dma_wait3A_536 = tpu.memref_slice %arg8[%dma_wait3A_514, %dma_wait3A_533, %dma_wait3A_534, %dma_wait3A_535] : memref<2x8x8x130xf32, #tpu.memory_space<vmem>> -> memref<1x8x8x128xf32, #tpu.memory_space<vmem>>
        %dma_wait3A_537 = tpu.memref_squeeze %dma_wait3A_536 : memref<1x8x8x128xf32, #tpu.memory_space<vmem>> -> memref<8x8x128xf32, #tpu.memory_space<vmem>>
        tpu.wait_dma2 semaphore(%dma_wait3A_527 : memref<!tpu.dma_semaphore, #tpu.memory_space<semaphore_mem>>) src(%dma_wait3A_537 : memref<8x8x128xf32, #tpu.memory_space<vmem>>) dst(%dma_wait3A_532 : memref<8x8x128xf32, #tpu.memory_space<hbm>>)
      } else {
      }
      %jit3A_359 = arith.constant 8 : i32
      %div3A_360 = arith.divsi %add3A_299, %jit3A_359 : i32
      %sign3A_361 = arith.constant 0 : i32
      %sign3A_362 = arith.cmpi sgt, %add3A_299, %sign3A_361 : i32
      %sign3A_363 = arith.extui %sign3A_362 : i1 to i32
      %sign3A_364 = arith.constant 0 : i32
      %sign3A_365 = arith.cmpi slt, %add3A_299, %sign3A_364 : i32
      %sign3A_366 = arith.extui %sign3A_365 : i1 to i32
      %sign3A_367 = arith.subi %sign3A_363, %sign3A_366 : i32
      %sign3A_368 = arith.constant 0 : i32
      %sign3A_369 = arith.cmpi sgt, %jit3A_359, %sign3A_368 : i32
      %sign3A_370 = arith.extui %sign3A_369 : i1 to i32
      %sign3A_371 = arith.constant 0 : i32
      %sign3A_372 = arith.cmpi slt, %jit3A_359, %sign3A_371 : i32
      %sign3A_373 = arith.extui %sign3A_372 : i1 to i32
      %sign3A_374 = arith.subi %sign3A_370, %sign3A_373 : i32
      %ne3A_375 = arith.cmpi ne, %sign3A_367, %sign3A_374 : i32
      %rem3A_376 = arith.remsi %add3A_299, %jit3A_359 : i32
      %ne3A_377 = arith.constant 0 : i32
      %ne3A_378 = arith.cmpi ne, %rem3A_376, %ne3A_377 : i32
      %and3A_379 = arith.andi %ne3A_375, %ne3A_378 : i1
      %sub3A_380 = arith.constant 1 : i32
      %sub3A_381 = arith.subi %div3A_360, %sub3A_380 : i32
      %select_n3A_382 = arith.select %and3A_379, %sub3A_381, %div3A_360 : i32
      %jit3A_383 = arith.constant 8 : i32
      %eq3A_384 = arith.constant 0 : i32
      %eq3A_385 = arith.cmpi eq, %jit3A_383, %eq3A_384 : i32
      %jit3A_386 = arith.constant 1 : i32
      %select_n3A_387 = arith.select %eq3A_385, %jit3A_386, %jit3A_383 : i32
      %rem3A_388 = arith.remsi %add3A_299, %select_n3A_387 : i32
      %ne3A_389 = arith.constant 0 : i32
      %ne3A_390 = arith.cmpi ne, %rem3A_388, %ne3A_389 : i32
      %lt3A_391 = arith.constant 0 : i32
      %lt3A_392 = arith.cmpi slt, %rem3A_388, %lt3A_391 : i32
      %lt3A_393 = arith.constant 0 : i32
      %lt3A_394 = arith.cmpi slt, %select_n3A_387, %lt3A_393 : i32
      %ne3A_395 = arith.xori %lt3A_392, %lt3A_394 : i1
      %and3A_396 = arith.andi %ne3A_395, %ne3A_390 : i1
      %add3A_397 = arith.addi %rem3A_388, %select_n3A_387 : i32
      %select_n3A_398 = arith.select %and3A_396, %add3A_397, %rem3A_388 : i32
      %get3A_399 = arith.index_cast %select_n3A_382 : i32 to index
      %get3A_400 = arith.index_cast %select_n3A_398 : i32 to index
      %get3A_401 = arith.constant 0 : index
      %get3A_402 = tpu.vector_load %arg5[%get3A_399, %get3A_400, %get3A_401] {strides = array<i32>} : memref<25x8x128xi32, #tpu.memory_space<vmem>>, vector<16xi32>,
      %and3A_403 = arith.constant 1 : i32
      %and3A_404 = vector.broadcast %and3A_403 : i32 to vector<16xi32>
      %and3A_405 = arith.andi %get3A_402, %and3A_404 : vector<16xi32>
      %shift_left3A_406 = arith.constant 6 : i32
      %shift_left3A_407 = vector.broadcast %shift_left3A_406 : i32 to vector<16xi32>
      %shift_left3A_408 = arith.shli %and3A_405, %shift_left3A_407 : vector<16xi32>
      %get3A_409 = arith.index_cast %select_n3A_382 : i32 to index
      %get3A_410 = arith.index_cast %select_n3A_398 : i32 to index
      %get3A_411 = arith.constant 16 : index
      %get3A_412 = tpu.vector_load %arg5[%get3A_409, %get3A_410, %get3A_411] {strides = array<i32>} : memref<25x8x128xi32, #tpu.memory_space<vmem>>, vector<16xi32>,
      %and3A_413 = arith.constant 1 : i32
      %and3A_414 = vector.broadcast %and3A_413 : i32 to vector<16xi32>
      %and3A_415 = arith.andi %get3A_412, %and3A_414 : vector<16xi32>
      %shift_left3A_416 = arith.constant 6 : i32
      %shift_left3A_417 = vector.broadcast %shift_left3A_416 : i32 to vector<16xi32>
      %shift_left3A_418 = arith.shli %and3A_415, %shift_left3A_417 : vector<16xi32>
      %get3A_419 = arith.index_cast %select_n3A_382 : i32 to index
      %get3A_420 = arith.index_cast %select_n3A_398 : i32 to index
      %get3A_421 = arith.constant 32 : index
      %get3A_422 = tpu.vector_load %arg5[%get3A_419, %get3A_420, %get3A_421] {strides = array<i32>} : memref<25x8x128xi32, #tpu.memory_space<vmem>>, vector<16xi32>,
      %and3A_423 = arith.constant 1 : i32
      %and3A_424 = vector.broadcast %and3A_423 : i32 to vector<16xi32>
      %and3A_425 = arith.andi %get3A_422, %and3A_424 : vector<16xi32>
      %shift_left3A_426 = arith.constant 6 : i32
      %shift_left3A_427 = vector.broadcast %shift_left3A_426 : i32 to vector<16xi32>
      %shift_left3A_428 = arith.shli %and3A_425, %shift_left3A_427 : vector<16xi32>
      %get3A_429 = arith.index_cast %select_n3A_382 : i32 to index
      %get3A_430 = arith.index_cast %select_n3A_398 : i32 to index
      %get3A_431 = arith.constant 48 : index
      %get3A_432 = tpu.vector_load %arg5[%get3A_429, %get3A_430, %get3A_431] {strides = array<i32>} : memref<25x8x128xi32, #tpu.memory_space<vmem>>, vector<16xi32>,
      %and3A_433 = arith.constant 1 : i32
      %and3A_434 = vector.broadcast %and3A_433 : i32 to vector<16xi32>
      %and3A_435 = arith.andi %get3A_432, %and3A_434 : vector<16xi32>
      %shift_left3A_436 = arith.constant 6 : i32
      %shift_left3A_437 = vector.broadcast %shift_left3A_436 : i32 to vector<16xi32>
      %shift_left3A_438 = arith.shli %and3A_435, %shift_left3A_437 : vector<16xi32>
      %get3A_439 = arith.index_cast %select_n3A_382 : i32 to index
      %get3A_440 = arith.index_cast %select_n3A_398 : i32 to index
      %get3A_441 = arith.constant 64 : index
      %get3A_442 = tpu.vector_load %arg5[%get3A_439, %get3A_440, %get3A_441] {strides = array<i32>} : memref<25x8x128xi32, #tpu.memory_space<vmem>>, vector<16xi32>,
      %and3A_443 = arith.constant 1 : i32
      %and3A_444 = vector.broadcast %and3A_443 : i32 to vector<16xi32>
      %and3A_445 = arith.andi %get3A_442, %and3A_444 : vector<16xi32>
      %shift_left3A_446 = arith.constant 6 : i32
      %shift_left3A_447 = vector.broadcast %shift_left3A_446 : i32 to vector<16xi32>
      %shift_left3A_448 = arith.shli %and3A_445, %shift_left3A_447 : vector<16xi32>
      %get3A_449 = arith.index_cast %select_n3A_382 : i32 to index
      %get3A_450 = arith.index_cast %select_n3A_398 : i32 to index
      %get3A_451 = arith.constant 80 : index
      %get3A_452 = tpu.vector_load %arg5[%get3A_449, %get3A_450, %get3A_451] {strides = array<i32>} : memref<25x8x128xi32, #tpu.memory_space<vmem>>, vector<16xi32>,
      %and3A_453 = arith.constant 1 : i32
      %and3A_454 = vector.broadcast %and3A_453 : i32 to vector<16xi32>
      %and3A_455 = arith.andi %get3A_452, %and3A_454 : vector<16xi32>
      %shift_left3A_456 = arith.constant 6 : i32
      %shift_left3A_457 = vector.broadcast %shift_left3A_456 : i32 to vector<16xi32>
      %shift_left3A_458 = arith.shli %and3A_455, %shift_left3A_457 : vector<16xi32>
      %get3A_459 = arith.index_cast %select_n3A_382 : i32 to index
      %get3A_460 = arith.index_cast %select_n3A_398 : i32 to index
      %get3A_461 = arith.constant 96 : index
      %get3A_462 = tpu.vector_load %arg5[%get3A_459, %get3A_460, %get3A_461] {strides = array<i32>} : memref<25x8x128xi32, #tpu.memory_space<vmem>>, vector<16xi32>,
      %and3A_463 = arith.constant 1 : i32
      %and3A_464 = vector.broadcast %and3A_463 : i32 to vector<16xi32>
      %and3A_465 = arith.andi %get3A_462, %and3A_464 : vector<16xi32>
      %shift_left3A_466 = arith.constant 6 : i32
      %shift_left3A_467 = vector.broadcast %shift_left3A_466 : i32 to vector<16xi32>
      %shift_left3A_468 = arith.shli %and3A_465, %shift_left3A_467 : vector<16xi32>
      %get3A_469 = arith.index_cast %select_n3A_382 : i32 to index
      %get3A_470 = arith.index_cast %select_n3A_398 : i32 to index
      %get3A_471 = arith.constant 112 : index
      %get3A_472 = tpu.vector_load %arg5[%get3A_469, %get3A_470, %get3A_471] {strides = array<i32>} : memref<25x8x128xi32, #tpu.memory_space<vmem>>, vector<16xi32>,
      %and3A_473 = arith.constant 1 : i32
      %and3A_474 = vector.broadcast %and3A_473 : i32 to vector<16xi32>
      %and3A_475 = arith.andi %get3A_472, %and3A_474 : vector<16xi32>
      %shift_left3A_476 = arith.constant 6 : i32
      %shift_left3A_477 = vector.broadcast %shift_left3A_476 : i32 to vector<16xi32>
      %shift_left3A_478 = arith.shli %and3A_475, %shift_left3A_477 : vector<16xi32>
      %scan3A_479 = arith.constant 0 : i32
      %scan3A_480 = arith.constant 0 : i32
      %scan3A_481 = arith.constant 8 : i32
      %scan3A_482 = arith.addi %scan3A_480, %scan3A_481 : i32
      %scan3A_483 = arith.constant 1 : i32
      scf.for %scan3A_514 = %scan3A_480 to %scan3A_482 step %scan3A_483  : i32 {
        %mul3A_515 = arith.constant 8 : i32
        %mul3A_516 = arith.muli %scan3A_514, %mul3A_515 : i32
        %add3A_517 = arith.constant 0 : i32
        %add3A_518 = arith.addi %mul3A_516, %add3A_517 : i32
        %add3A_519 = vector.broadcast %add3A_518 : i32 to vector<16xi32>
        %add3A_520 = arith.addi %add3A_519, %iota3A : vector<16xi32>
        %and3A_521 = arith.constant 63 : i32
        %and3A_522 = vector.broadcast %and3A_521 : i32 to vector<16xi32>
        %and3A_523 = arith.andi %add3A_520, %and3A_522 : vector<16xi32>
        %shift_right_arithmetic3A = arith.constant 3 : i32
        %shift_right_arithmetic3A_524 = vector.broadcast %shift_right_arithmetic3A : i32 to vector<16xi32>
        %shift_right_arithmetic3A_525 = arith.shrsi %and3A_523, %shift_right_arithmetic3A_524 : vector<16xi32>
        %and3A_526 = arith.constant 7 : i32
        %and3A_527 = vector.broadcast %and3A_526 : i32 to vector<16xi32>
        %and3A_528 = arith.andi %and3A_523, %and3A_527 : vector<16xi32>
        %add3A_529 = arith.constant 0 : i32
        %add3A_530 = vector.broadcast %add3A_529 : i32 to vector<16xi32>
        %add3A_531 = arith.addi %add3A_530, %iota3A : vector<16xi32>
        %add3A_532 = arith.addi %shift_left3A_408, %and3A_523 : vector<16xi32>
        %gather3A = arith.constant 1 : i32
        %gather3A_533 = arith.constant 0 : i32
        %gather3A_534 = arith.constant 0 : i32
        %gather3A_535 = tpu.memref_slice %arg7[%gather3A, %gather3A_533, %gather3A_534] : memref<2x128x128xf32, #tpu.memory_space<vmem>> -> memref<1x128x128xf32, #tpu.memory_space<vmem>>
        %gather3A_536 = tpu.memref_squeeze %gather3A_535 : memref<1x128x128xf32, #tpu.memory_space<vmem>> -> memref<128x128xf32, #tpu.memory_space<vmem>>
        %gather3A_537 = tpu.vector_load_idx %gather3A_536[%add3A_531, %add3A_532] : memref<128x128xf32, #tpu.memory_space<vmem>>[vector<16xi32>, vector<16xi32>], vector<16xf32>,
        %scatter3A = arith.constant 1 : i32
        %scatter3A_538 = arith.constant 0 : i32
        %scatter3A_539 = arith.constant 0 : i32
        %scatter3A_540 = arith.constant 0 : i32
        %scatter3A_541 = tpu.memref_slice %arg8[%scatter3A, %scatter3A_538, %scatter3A_539, %scatter3A_540] : memref<2x8x8x130xf32, #tpu.memory_space<vmem>> -> memref<1x8x8x130xf32, #tpu.memory_space<vmem>>
        %scatter3A_542 = tpu.memref_squeeze %scatter3A_541 : memref<1x8x8x130xf32, #tpu.memory_space<vmem>> -> memref<8x8x130xf32, #tpu.memory_space<vmem>>
        tpu.vector_store_idx %scatter3A_542[%shift_right_arithmetic3A_525, %and3A_528, %add3A_531], %gather3A_537 : memref<8x8x130xf32, #tpu.memory_space<vmem>>[vector<16xi32>, vector<16xi32>, vector<16xi32>], vector<16xf32>,
        %add3A_543 = arith.constant 16 : i32
        %add3A_544 = vector.broadcast %add3A_543 : i32 to vector<16xi32>
        %add3A_545 = arith.addi %add3A_544, %iota3A : vector<16xi32>
        %add3A_546 = arith.addi %shift_left3A_418, %and3A_523 : vector<16xi32>
        %gather3A_547 = arith.constant 1 : i32
        %gather3A_548 = arith.constant 0 : i32
        %gather3A_549 = arith.constant 0 : i32
        %gather3A_550 = tpu.memref_slice %arg7[%gather3A_547, %gather3A_548, %gather3A_549] : memref<2x128x128xf32, #tpu.memory_space<vmem>> -> memref<1x128x128xf32, #tpu.memory_space<vmem>>
        %gather3A_551 = tpu.memref_squeeze %gather3A_550 : memref<1x128x128xf32, #tpu.memory_space<vmem>> -> memref<128x128xf32, #tpu.memory_space<vmem>>
        %gather3A_552 = tpu.vector_load_idx %gather3A_551[%add3A_545, %add3A_546] : memref<128x128xf32, #tpu.memory_space<vmem>>[vector<16xi32>, vector<16xi32>], vector<16xf32>,
        %scatter3A_553 = arith.constant 1 : i32
        %scatter3A_554 = arith.constant 0 : i32
        %scatter3A_555 = arith.constant 0 : i32
        %scatter3A_556 = arith.constant 0 : i32
        %scatter3A_557 = tpu.memref_slice %arg8[%scatter3A_553, %scatter3A_554, %scatter3A_555, %scatter3A_556] : memref<2x8x8x130xf32, #tpu.memory_space<vmem>> -> memref<1x8x8x130xf32, #tpu.memory_space<vmem>>
        %scatter3A_558 = tpu.memref_squeeze %scatter3A_557 : memref<1x8x8x130xf32, #tpu.memory_space<vmem>> -> memref<8x8x130xf32, #tpu.memory_space<vmem>>
        tpu.vector_store_idx %scatter3A_558[%shift_right_arithmetic3A_525, %and3A_528, %add3A_545], %gather3A_552 : memref<8x8x130xf32, #tpu.memory_space<vmem>>[vector<16xi32>, vector<16xi32>, vector<16xi32>], vector<16xf32>,
        %add3A_559 = arith.constant 32 : i32
        %add3A_560 = vector.broadcast %add3A_559 : i32 to vector<16xi32>
        %add3A_561 = arith.addi %add3A_560, %iota3A : vector<16xi32>
        %add3A_562 = arith.addi %shift_left3A_428, %and3A_523 : vector<16xi32>
        %gather3A_563 = arith.constant 1 : i32
        %gather3A_564 = arith.constant 0 : i32
        %gather3A_565 = arith.constant 0 : i32
        %gather3A_566 = tpu.memref_slice %arg7[%gather3A_563, %gather3A_564, %gather3A_565] : memref<2x128x128xf32, #tpu.memory_space<vmem>> -> memref<1x128x128xf32, #tpu.memory_space<vmem>>
        %gather3A_567 = tpu.memref_squeeze %gather3A_566 : memref<1x128x128xf32, #tpu.memory_space<vmem>> -> memref<128x128xf32, #tpu.memory_space<vmem>>
        %gather3A_568 = tpu.vector_load_idx %gather3A_567[%add3A_561, %add3A_562] : memref<128x128xf32, #tpu.memory_space<vmem>>[vector<16xi32>, vector<16xi32>], vector<16xf32>,
        %scatter3A_569 = arith.constant 1 : i32
        %scatter3A_570 = arith.constant 0 : i32
        %scatter3A_571 = arith.constant 0 : i32
        %scatter3A_572 = arith.constant 0 : i32
        %scatter3A_573 = tpu.memref_slice %arg8[%scatter3A_569, %scatter3A_570, %scatter3A_571, %scatter3A_572] : memref<2x8x8x130xf32, #tpu.memory_space<vmem>> -> memref<1x8x8x130xf32, #tpu.memory_space<vmem>>
        %scatter3A_574 = tpu.memref_squeeze %scatter3A_573 : memref<1x8x8x130xf32, #tpu.memory_space<vmem>> -> memref<8x8x130xf32, #tpu.memory_space<vmem>>
        tpu.vector_store_idx %scatter3A_574[%shift_right_arithmetic3A_525, %and3A_528, %add3A_561], %gather3A_568 : memref<8x8x130xf32, #tpu.memory_space<vmem>>[vector<16xi32>, vector<16xi32>, vector<16xi32>], vector<16xf32>,
        %add3A_575 = arith.constant 48 : i32
        %add3A_576 = vector.broadcast %add3A_575 : i32 to vector<16xi32>
        %add3A_577 = arith.addi %add3A_576, %iota3A : vector<16xi32>
        %add3A_578 = arith.addi %shift_left3A_438, %and3A_523 : vector<16xi32>
        %gather3A_579 = arith.constant 1 : i32
        %gather3A_580 = arith.constant 0 : i32
        %gather3A_581 = arith.constant 0 : i32
        %gather3A_582 = tpu.memref_slice %arg7[%gather3A_579, %gather3A_580, %gather3A_581] : memref<2x128x128xf32, #tpu.memory_space<vmem>> -> memref<1x128x128xf32, #tpu.memory_space<vmem>>
        %gather3A_583 = tpu.memref_squeeze %gather3A_582 : memref<1x128x128xf32, #tpu.memory_space<vmem>> -> memref<128x128xf32, #tpu.memory_space<vmem>>
        %gather3A_584 = tpu.vector_load_idx %gather3A_583[%add3A_577, %add3A_578] : memref<128x128xf32, #tpu.memory_space<vmem>>[vector<16xi32>, vector<16xi32>], vector<16xf32>,
        %scatter3A_585 = arith.constant 1 : i32
        %scatter3A_586 = arith.constant 0 : i32
        %scatter3A_587 = arith.constant 0 : i32
        %scatter3A_588 = arith.constant 0 : i32
        %scatter3A_589 = tpu.memref_slice %arg8[%scatter3A_585, %scatter3A_586, %scatter3A_587, %scatter3A_588] : memref<2x8x8x130xf32, #tpu.memory_space<vmem>> -> memref<1x8x8x130xf32, #tpu.memory_space<vmem>>
        %scatter3A_590 = tpu.memref_squeeze %scatter3A_589 : memref<1x8x8x130xf32, #tpu.memory_space<vmem>> -> memref<8x8x130xf32, #tpu.memory_space<vmem>>
        tpu.vector_store_idx %scatter3A_590[%shift_right_arithmetic3A_525, %and3A_528, %add3A_577], %gather3A_584 : memref<8x8x130xf32, #tpu.memory_space<vmem>>[vector<16xi32>, vector<16xi32>, vector<16xi32>], vector<16xf32>,
        %add3A_591 = arith.constant 64 : i32
        %add3A_592 = vector.broadcast %add3A_591 : i32 to vector<16xi32>
        %add3A_593 = arith.addi %add3A_592, %iota3A : vector<16xi32>
        %add3A_594 = arith.addi %shift_left3A_448, %and3A_523 : vector<16xi32>
        %gather3A_595 = arith.constant 1 : i32
        %gather3A_596 = arith.constant 0 : i32
        %gather3A_597 = arith.constant 0 : i32
        %gather3A_598 = tpu.memref_slice %arg7[%gather3A_595, %gather3A_596, %gather3A_597] : memref<2x128x128xf32, #tpu.memory_space<vmem>> -> memref<1x128x128xf32, #tpu.memory_space<vmem>>
        %gather3A_599 = tpu.memref_squeeze %gather3A_598 : memref<1x128x128xf32, #tpu.memory_space<vmem>> -> memref<128x128xf32, #tpu.memory_space<vmem>>
        %gather3A_600 = tpu.vector_load_idx %gather3A_599[%add3A_593, %add3A_594] : memref<128x128xf32, #tpu.memory_space<vmem>>[vector<16xi32>, vector<16xi32>], vector<16xf32>,
        %scatter3A_601 = arith.constant 1 : i32
        %scatter3A_602 = arith.constant 0 : i32
        %scatter3A_603 = arith.constant 0 : i32
        %scatter3A_604 = arith.constant 0 : i32
        %scatter3A_605 = tpu.memref_slice %arg8[%scatter3A_601, %scatter3A_602, %scatter3A_603, %scatter3A_604] : memref<2x8x8x130xf32, #tpu.memory_space<vmem>> -> memref<1x8x8x130xf32, #tpu.memory_space<vmem>>
        %scatter3A_606 = tpu.memref_squeeze %scatter3A_605 : memref<1x8x8x130xf32, #tpu.memory_space<vmem>> -> memref<8x8x130xf32, #tpu.memory_space<vmem>>
        tpu.vector_store_idx %scatter3A_606[%shift_right_arithmetic3A_525, %and3A_528, %add3A_593], %gather3A_600 : memref<8x8x130xf32, #tpu.memory_space<vmem>>[vector<16xi32>, vector<16xi32>, vector<16xi32>], vector<16xf32>,
        %add3A_607 = arith.constant 80 : i32
        %add3A_608 = vector.broadcast %add3A_607 : i32 to vector<16xi32>
        %add3A_609 = arith.addi %add3A_608, %iota3A : vector<16xi32>
        %add3A_610 = arith.addi %shift_left3A_458, %and3A_523 : vector<16xi32>
        %gather3A_611 = arith.constant 1 : i32
        %gather3A_612 = arith.constant 0 : i32
        %gather3A_613 = arith.constant 0 : i32
        %gather3A_614 = tpu.memref_slice %arg7[%gather3A_611, %gather3A_612, %gather3A_613] : memref<2x128x128xf32, #tpu.memory_space<vmem>> -> memref<1x128x128xf32, #tpu.memory_space<vmem>>
        %gather3A_615 = tpu.memref_squeeze %gather3A_614 : memref<1x128x128xf32, #tpu.memory_space<vmem>> -> memref<128x128xf32, #tpu.memory_space<vmem>>
        %gather3A_616 = tpu.vector_load_idx %gather3A_615[%add3A_609, %add3A_610] : memref<128x128xf32, #tpu.memory_space<vmem>>[vector<16xi32>, vector<16xi32>], vector<16xf32>,
        %scatter3A_617 = arith.constant 1 : i32
        %scatter3A_618 = arith.constant 0 : i32
        %scatter3A_619 = arith.constant 0 : i32
        %scatter3A_620 = arith.constant 0 : i32
        %scatter3A_621 = tpu.memref_slice %arg8[%scatter3A_617, %scatter3A_618, %scatter3A_619, %scatter3A_620] : memref<2x8x8x130xf32, #tpu.memory_space<vmem>> -> memref<1x8x8x130xf32, #tpu.memory_space<vmem>>
        %scatter3A_622 = tpu.memref_squeeze %scatter3A_621 : memref<1x8x8x130xf32, #tpu.memory_space<vmem>> -> memref<8x8x130xf32, #tpu.memory_space<vmem>>
        tpu.vector_store_idx %scatter3A_622[%shift_right_arithmetic3A_525, %and3A_528, %add3A_609], %gather3A_616 : memref<8x8x130xf32, #tpu.memory_space<vmem>>[vector<16xi32>, vector<16xi32>, vector<16xi32>], vector<16xf32>,
        %add3A_623 = arith.constant 96 : i32
        %add3A_624 = vector.broadcast %add3A_623 : i32 to vector<16xi32>
        %add3A_625 = arith.addi %add3A_624, %iota3A : vector<16xi32>
        %add3A_626 = arith.addi %shift_left3A_468, %and3A_523 : vector<16xi32>
        %gather3A_627 = arith.constant 1 : i32
        %gather3A_628 = arith.constant 0 : i32
        %gather3A_629 = arith.constant 0 : i32
        %gather3A_630 = tpu.memref_slice %arg7[%gather3A_627, %gather3A_628, %gather3A_629] : memref<2x128x128xf32, #tpu.memory_space<vmem>> -> memref<1x128x128xf32, #tpu.memory_space<vmem>>
        %gather3A_631 = tpu.memref_squeeze %gather3A_630 : memref<1x128x128xf32, #tpu.memory_space<vmem>> -> memref<128x128xf32, #tpu.memory_space<vmem>>
        %gather3A_632 = tpu.vector_load_idx %gather3A_631[%add3A_625, %add3A_626] : memref<128x128xf32, #tpu.memory_space<vmem>>[vector<16xi32>, vector<16xi32>], vector<16xf32>,
        %scatter3A_633 = arith.constant 1 : i32
        %scatter3A_634 = arith.constant 0 : i32
        %scatter3A_635 = arith.constant 0 : i32
        %scatter3A_636 = arith.constant 0 : i32
        %scatter3A_637 = tpu.memref_slice %arg8[%scatter3A_633, %scatter3A_634, %scatter3A_635, %scatter3A_636] : memref<2x8x8x130xf32, #tpu.memory_space<vmem>> -> memref<1x8x8x130xf32, #tpu.memory_space<vmem>>
        %scatter3A_638 = tpu.memref_squeeze %scatter3A_637 : memref<1x8x8x130xf32, #tpu.memory_space<vmem>> -> memref<8x8x130xf32, #tpu.memory_space<vmem>>
        tpu.vector_store_idx %scatter3A_638[%shift_right_arithmetic3A_525, %and3A_528, %add3A_625], %gather3A_632 : memref<8x8x130xf32, #tpu.memory_space<vmem>>[vector<16xi32>, vector<16xi32>, vector<16xi32>], vector<16xf32>,
        %add3A_639 = arith.constant 112 : i32
        %add3A_640 = vector.broadcast %add3A_639 : i32 to vector<16xi32>
        %add3A_641 = arith.addi %add3A_640, %iota3A : vector<16xi32>
        %add3A_642 = arith.addi %shift_left3A_478, %and3A_523 : vector<16xi32>
        %gather3A_643 = arith.constant 1 : i32
        %gather3A_644 = arith.constant 0 : i32
        %gather3A_645 = arith.constant 0 : i32
        %gather3A_646 = tpu.memref_slice %arg7[%gather3A_643, %gather3A_644, %gather3A_645] : memref<2x128x128xf32, #tpu.memory_space<vmem>> -> memref<1x128x128xf32, #tpu.memory_space<vmem>>
        %gather3A_647 = tpu.memref_squeeze %gather3A_646 : memref<1x128x128xf32, #tpu.memory_space<vmem>> -> memref<128x128xf32, #tpu.memory_space<vmem>>
        %gather3A_648 = tpu.vector_load_idx %gather3A_647[%add3A_641, %add3A_642] : memref<128x128xf32, #tpu.memory_space<vmem>>[vector<16xi32>, vector<16xi32>], vector<16xf32>,
        %scatter3A_649 = arith.constant 1 : i32
        %scatter3A_650 = arith.constant 0 : i32
        %scatter3A_651 = arith.constant 0 : i32
        %scatter3A_652 = arith.constant 0 : i32
        %scatter3A_653 = tpu.memref_slice %arg8[%scatter3A_649, %scatter3A_650, %scatter3A_651, %scatter3A_652] : memref<2x8x8x130xf32, #tpu.memory_space<vmem>> -> memref<1x8x8x130xf32, #tpu.memory_space<vmem>>
        %scatter3A_654 = tpu.memref_squeeze %scatter3A_653 : memref<1x8x8x130xf32, #tpu.memory_space<vmem>> -> memref<8x8x130xf32, #tpu.memory_space<vmem>>
        tpu.vector_store_idx %scatter3A_654[%shift_right_arithmetic3A_525, %and3A_528, %add3A_641], %gather3A_648 : memref<8x8x130xf32, #tpu.memory_space<vmem>>[vector<16xi32>, vector<16xi32>, vector<16xi32>], vector<16xf32>,
        %mul3A_655 = arith.constant 8 : i32
        %mul3A_656 = arith.muli %scan3A_514, %mul3A_655 : i32
        %add3A_657 = arith.constant 1 : i32
        %add3A_658 = arith.addi %mul3A_656, %add3A_657 : i32
        %add3A_659 = vector.broadcast %add3A_658 : i32 to vector<16xi32>
        %add3A_660 = arith.addi %add3A_659, %iota3A : vector<16xi32>
        %and3A_661 = arith.constant 63 : i32
        %and3A_662 = vector.broadcast %and3A_661 : i32 to vector<16xi32>
        %and3A_663 = arith.andi %add3A_660, %and3A_662 : vector<16xi32>
        %shift_right_arithmetic3A_664 = arith.constant 3 : i32
        %shift_right_arithmetic3A_665 = vector.broadcast %shift_right_arithmetic3A_664 : i32 to vector<16xi32>
        %shift_right_arithmetic3A_666 = arith.shrsi %and3A_663, %shift_right_arithmetic3A_665 : vector<16xi32>
        %and3A_667 = arith.constant 7 : i32
        %and3A_668 = vector.broadcast %and3A_667 : i32 to vector<16xi32>
        %and3A_669 = arith.andi %and3A_663, %and3A_668 : vector<16xi32>
        %add3A_670 = arith.constant 0 : i32
        %add3A_671 = vector.broadcast %add3A_670 : i32 to vector<16xi32>
        %add3A_672 = arith.addi %add3A_671, %iota3A : vector<16xi32>
        %add3A_673 = arith.addi %shift_left3A_408, %and3A_663 : vector<16xi32>
        %gather3A_674 = arith.constant 1 : i32
        %gather3A_675 = arith.constant 0 : i32
        %gather3A_676 = arith.constant 0 : i32
        %gather3A_677 = tpu.memref_slice %arg7[%gather3A_674, %gather3A_675, %gather3A_676] : memref<2x128x128xf32, #tpu.memory_space<vmem>> -> memref<1x128x128xf32, #tpu.memory_space<vmem>>
        %gather3A_678 = tpu.memref_squeeze %gather3A_677 : memref<1x128x128xf32, #tpu.memory_space<vmem>> -> memref<128x128xf32, #tpu.memory_space<vmem>>
        %gather3A_679 = tpu.vector_load_idx %gather3A_678[%add3A_672, %add3A_673] : memref<128x128xf32, #tpu.memory_space<vmem>>[vector<16xi32>, vector<16xi32>], vector<16xf32>,
        %scatter3A_680 = arith.constant 1 : i32
        %scatter3A_681 = arith.constant 0 : i32
        %scatter3A_682 = arith.constant 0 : i32
        %scatter3A_683 = arith.constant 0 : i32
        %scatter3A_684 = tpu.memref_slice %arg8[%scatter3A_680, %scatter3A_681, %scatter3A_682, %scatter3A_683] : memref<2x8x8x130xf32, #tpu.memory_space<vmem>> -> memref<1x8x8x130xf32, #tpu.memory_space<vmem>>
        %scatter3A_685 = tpu.memref_squeeze %scatter3A_684 : memref<1x8x8x130xf32, #tpu.memory_space<vmem>> -> memref<8x8x130xf32, #tpu.memory_space<vmem>>
        tpu.vector_store_idx %scatter3A_685[%shift_right_arithmetic3A_666, %and3A_669, %add3A_672], %gather3A_679 : memref<8x8x130xf32, #tpu.memory_space<vmem>>[vector<16xi32>, vector<16xi32>, vector<16xi32>], vector<16xf32>,
        %add3A_686 = arith.constant 16 : i32
        %add3A_687 = vector.broadcast %add3A_686 : i32 to vector<16xi32>
        %add3A_688 = arith.addi %add3A_687, %iota3A : vector<16xi32>
        %add3A_689 = arith.addi %shift_left3A_418, %and3A_663 : vector<16xi32>
        %gather3A_690 = arith.constant 1 : i32
        %gather3A_691 = arith.constant 0 : i32
        %gather3A_692 = arith.constant 0 : i32
        %gather3A_693 = tpu.memref_slice %arg7[%gather3A_690, %gather3A_691, %gather3A_692] : memref<2x128x128xf32, #tpu.memory_space<vmem>> -> memref<1x128x128xf32, #tpu.memory_space<vmem>>
        %gather3A_694 = tpu.memref_squeeze %gather3A_693 : memref<1x128x128xf32, #tpu.memory_space<vmem>> -> memref<128x128xf32, #tpu.memory_space<vmem>>
        %gather3A_695 = tpu.vector_load_idx %gather3A_694[%add3A_688, %add3A_689] : memref<128x128xf32, #tpu.memory_space<vmem>>[vector<16xi32>, vector<16xi32>], vector<16xf32>,
        %scatter3A_696 = arith.constant 1 : i32
        %scatter3A_697 = arith.constant 0 : i32
        %scatter3A_698 = arith.constant 0 : i32
        %scatter3A_699 = arith.constant 0 : i32
        %scatter3A_700 = tpu.memref_slice %arg8[%scatter3A_696, %scatter3A_697, %scatter3A_698, %scatter3A_699] : memref<2x8x8x130xf32, #tpu.memory_space<vmem>> -> memref<1x8x8x130xf32, #tpu.memory_space<vmem>>
        %scatter3A_701 = tpu.memref_squeeze %scatter3A_700 : memref<1x8x8x130xf32, #tpu.memory_space<vmem>> -> memref<8x8x130xf32, #tpu.memory_space<vmem>>
        tpu.vector_store_idx %scatter3A_701[%shift_right_arithmetic3A_666, %and3A_669, %add3A_688], %gather3A_695 : memref<8x8x130xf32, #tpu.memory_space<vmem>>[vector<16xi32>, vector<16xi32>, vector<16xi32>], vector<16xf32>,
        %add3A_702 = arith.constant 32 : i32
        %add3A_703 = vector.broadcast %add3A_702 : i32 to vector<16xi32>
        %add3A_704 = arith.addi %add3A_703, %iota3A : vector<16xi32>
        %add3A_705 = arith.addi %shift_left3A_428, %and3A_663 : vector<16xi32>
        %gather3A_706 = arith.constant 1 : i32
        %gather3A_707 = arith.constant 0 : i32
        %gather3A_708 = arith.constant 0 : i32
        %gather3A_709 = tpu.memref_slice %arg7[%gather3A_706, %gather3A_707, %gather3A_708] : memref<2x128x128xf32, #tpu.memory_space<vmem>> -> memref<1x128x128xf32, #tpu.memory_space<vmem>>
        %gather3A_710 = tpu.memref_squeeze %gather3A_709 : memref<1x128x128xf32, #tpu.memory_space<vmem>> -> memref<128x128xf32, #tpu.memory_space<vmem>>
        %gather3A_711 = tpu.vector_load_idx %gather3A_710[%add3A_704, %add3A_705] : memref<128x128xf32, #tpu.memory_space<vmem>>[vector<16xi32>, vector<16xi32>], vector<16xf32>,
        %scatter3A_712 = arith.constant 1 : i32
        %scatter3A_713 = arith.constant 0 : i32
        %scatter3A_714 = arith.constant 0 : i32
        %scatter3A_715 = arith.constant 0 : i32
        %scatter3A_716 = tpu.memref_slice %arg8[%scatter3A_712, %scatter3A_713, %scatter3A_714, %scatter3A_715] : memref<2x8x8x130xf32, #tpu.memory_space<vmem>> -> memref<1x8x8x130xf32, #tpu.memory_space<vmem>>
        %scatter3A_717 = tpu.memref_squeeze %scatter3A_716 : memref<1x8x8x130xf32, #tpu.memory_space<vmem>> -> memref<8x8x130xf32, #tpu.memory_space<vmem>>
        tpu.vector_store_idx %scatter3A_717[%shift_right_arithmetic3A_666, %and3A_669, %add3A_704], %gather3A_711 : memref<8x8x130xf32, #tpu.memory_space<vmem>>[vector<16xi32>, vector<16xi32>, vector<16xi32>], vector<16xf32>,
        %add3A_718 = arith.constant 48 : i32
        %add3A_719 = vector.broadcast %add3A_718 : i32 to vector<16xi32>
        %add3A_720 = arith.addi %add3A_719, %iota3A : vector<16xi32>
        %add3A_721 = arith.addi %shift_left3A_438, %and3A_663 : vector<16xi32>
        %gather3A_722 = arith.constant 1 : i32
        %gather3A_723 = arith.constant 0 : i32
        %gather3A_724 = arith.constant 0 : i32
        %gather3A_725 = tpu.memref_slice %arg7[%gather3A_722, %gather3A_723, %gather3A_724] : memref<2x128x128xf32, #tpu.memory_space<vmem>> -> memref<1x128x128xf32, #tpu.memory_space<vmem>>
        %gather3A_726 = tpu.memref_squeeze %gather3A_725 : memref<1x128x128xf32, #tpu.memory_space<vmem>> -> memref<128x128xf32, #tpu.memory_space<vmem>>
        %gather3A_727 = tpu.vector_load_idx %gather3A_726[%add3A_720, %add3A_721] : memref<128x128xf32, #tpu.memory_space<vmem>>[vector<16xi32>, vector<16xi32>], vector<16xf32>,
        %scatter3A_728 = arith.constant 1 : i32
        %scatter3A_729 = arith.constant 0 : i32
        %scatter3A_730 = arith.constant 0 : i32
        %scatter3A_731 = arith.constant 0 : i32
        %scatter3A_732 = tpu.memref_slice %arg8[%scatter3A_728, %scatter3A_729, %scatter3A_730, %scatter3A_731] : memref<2x8x8x130xf32, #tpu.memory_space<vmem>> -> memref<1x8x8x130xf32, #tpu.memory_space<vmem>>
        %scatter3A_733 = tpu.memref_squeeze %scatter3A_732 : memref<1x8x8x130xf32, #tpu.memory_space<vmem>> -> memref<8x8x130xf32, #tpu.memory_space<vmem>>
        tpu.vector_store_idx %scatter3A_733[%shift_right_arithmetic3A_666, %and3A_669, %add3A_720], %gather3A_727 : memref<8x8x130xf32, #tpu.memory_space<vmem>>[vector<16xi32>, vector<16xi32>, vector<16xi32>], vector<16xf32>,
        %add3A_734 = arith.constant 64 : i32
        %add3A_735 = vector.broadcast %add3A_734 : i32 to vector<16xi32>
        %add3A_736 = arith.addi %add3A_735, %iota3A : vector<16xi32>
        %add3A_737 = arith.addi %shift_left3A_448, %and3A_663 : vector<16xi32>
        %gather3A_738 = arith.constant 1 : i32
        %gather3A_739 = arith.constant 0 : i32
        %gather3A_740 = arith.constant 0 : i32
        %gather3A_741 = tpu.memref_slice %arg7[%gather3A_738, %gather3A_739, %gather3A_740] : memref<2x128x128xf32, #tpu.memory_space<vmem>> -> memref<1x128x128xf32, #tpu.memory_space<vmem>>
        %gather3A_742 = tpu.memref_squeeze %gather3A_741 : memref<1x128x128xf32, #tpu.memory_space<vmem>> -> memref<128x128xf32, #tpu.memory_space<vmem>>
        %gather3A_743 = tpu.vector_load_idx %gather3A_742[%add3A_736, %add3A_737] : memref<128x128xf32, #tpu.memory_space<vmem>>[vector<16xi32>, vector<16xi32>], vector<16xf32>,
        %scatter3A_744 = arith.constant 1 : i32
        %scatter3A_745 = arith.constant 0 : i32
        %scatter3A_746 = arith.constant 0 : i32
        %scatter3A_747 = arith.constant 0 : i32
        %scatter3A_748 = tpu.memref_slice %arg8[%scatter3A_744, %scatter3A_745, %scatter3A_746, %scatter3A_747] : memref<2x8x8x130xf32, #tpu.memory_space<vmem>> -> memref<1x8x8x130xf32, #tpu.memory_space<vmem>>
        %scatter3A_749 = tpu.memref_squeeze %scatter3A_748 : memref<1x8x8x130xf32, #tpu.memory_space<vmem>> -> memref<8x8x130xf32, #tpu.memory_space<vmem>>
        tpu.vector_store_idx %scatter3A_749[%shift_right_arithmetic3A_666, %and3A_669, %add3A_736], %gather3A_743 : memref<8x8x130xf32, #tpu.memory_space<vmem>>[vector<16xi32>, vector<16xi32>, vector<16xi32>], vector<16xf32>,
        %add3A_750 = arith.constant 80 : i32
        %add3A_751 = vector.broadcast %add3A_750 : i32 to vector<16xi32>
        %add3A_752 = arith.addi %add3A_751, %iota3A : vector<16xi32>
        %add3A_753 = arith.addi %shift_left3A_458, %and3A_663 : vector<16xi32>
        %gather3A_754 = arith.constant 1 : i32
        %gather3A_755 = arith.constant 0 : i32
        %gather3A_756 = arith.constant 0 : i32
        %gather3A_757 = tpu.memref_slice %arg7[%gather3A_754, %gather3A_755, %gather3A_756] : memref<2x128x128xf32, #tpu.memory_space<vmem>> -> memref<1x128x128xf32, #tpu.memory_space<vmem>>
        %gather3A_758 = tpu.memref_squeeze %gather3A_757 : memref<1x128x128xf32, #tpu.memory_space<vmem>> -> memref<128x128xf32, #tpu.memory_space<vmem>>
        %gather3A_759 = tpu.vector_load_idx %gather3A_758[%add3A_752, %add3A_753] : memref<128x128xf32, #tpu.memory_space<vmem>>[vector<16xi32>, vector<16xi32>], vector<16xf32>,
        %scatter3A_760 = arith.constant 1 : i32
        %scatter3A_761 = arith.constant 0 : i32
        %scatter3A_762 = arith.constant 0 : i32
        %scatter3A_763 = arith.constant 0 : i32
        %scatter3A_764 = tpu.memref_slice %arg8[%scatter3A_760, %scatter3A_761, %scatter3A_762, %scatter3A_763] : memref<2x8x8x130xf32, #tpu.memory_space<vmem>> -> memref<1x8x8x130xf32, #tpu.memory_space<vmem>>
        %scatter3A_765 = tpu.memref_squeeze %scatter3A_764 : memref<1x8x8x130xf32, #tpu.memory_space<vmem>> -> memref<8x8x130xf32, #tpu.memory_space<vmem>>
        tpu.vector_store_idx %scatter3A_765[%shift_right_arithmetic3A_666, %and3A_669, %add3A_752], %gather3A_759 : memref<8x8x130xf32, #tpu.memory_space<vmem>>[vector<16xi32>, vector<16xi32>, vector<16xi32>], vector<16xf32>,
        %add3A_766 = arith.constant 96 : i32
        %add3A_767 = vector.broadcast %add3A_766 : i32 to vector<16xi32>
        %add3A_768 = arith.addi %add3A_767, %iota3A : vector<16xi32>
        %add3A_769 = arith.addi %shift_left3A_468, %and3A_663 : vector<16xi32>
        %gather3A_770 = arith.constant 1 : i32
        %gather3A_771 = arith.constant 0 : i32
        %gather3A_772 = arith.constant 0 : i32
        %gather3A_773 = tpu.memref_slice %arg7[%gather3A_770, %gather3A_771, %gather3A_772] : memref<2x128x128xf32, #tpu.memory_space<vmem>> -> memref<1x128x128xf32, #tpu.memory_space<vmem>>
        %gather3A_774 = tpu.memref_squeeze %gather3A_773 : memref<1x128x128xf32, #tpu.memory_space<vmem>> -> memref<128x128xf32, #tpu.memory_space<vmem>>
        %gather3A_775 = tpu.vector_load_idx %gather3A_774[%add3A_768, %add3A_769] : memref<128x128xf32, #tpu.memory_space<vmem>>[vector<16xi32>, vector<16xi32>], vector<16xf32>,
        %scatter3A_776 = arith.constant 1 : i32
        %scatter3A_777 = arith.constant 0 : i32
        %scatter3A_778 = arith.constant 0 : i32
        %scatter3A_779 = arith.constant 0 : i32
        %scatter3A_780 = tpu.memref_slice %arg8[%scatter3A_776, %scatter3A_777, %scatter3A_778, %scatter3A_779] : memref<2x8x8x130xf32, #tpu.memory_space<vmem>> -> memref<1x8x8x130xf32, #tpu.memory_space<vmem>>
        %scatter3A_781 = tpu.memref_squeeze %scatter3A_780 : memref<1x8x8x130xf32, #tpu.memory_space<vmem>> -> memref<8x8x130xf32, #tpu.memory_space<vmem>>
        tpu.vector_store_idx %scatter3A_781[%shift_right_arithmetic3A_666, %and3A_669, %add3A_768], %gather3A_775 : memref<8x8x130xf32, #tpu.memory_space<vmem>>[vector<16xi32>, vector<16xi32>, vector<16xi32>], vector<16xf32>,
        %add3A_782 = arith.constant 112 : i32
        %add3A_783 = vector.broadcast %add3A_782 : i32 to vector<16xi32>
        %add3A_784 = arith.addi %add3A_783, %iota3A : vector<16xi32>
        %add3A_785 = arith.addi %shift_left3A_478, %and3A_663 : vector<16xi32>
        %gather3A_786 = arith.constant 1 : i32
        %gather3A_787 = arith.constant 0 : i32
        %gather3A_788 = arith.constant 0 : i32
        %gather3A_789 = tpu.memref_slice %arg7[%gather3A_786, %gather3A_787, %gather3A_788] : memref<2x128x128xf32, #tpu.memory_space<vmem>> -> memref<1x128x128xf32, #tpu.memory_space<vmem>>
        %gather3A_790 = tpu.memref_squeeze %gather3A_789 : memref<1x128x128xf32, #tpu.memory_space<vmem>> -> memref<128x128xf32, #tpu.memory_space<vmem>>
        %gather3A_791 = tpu.vector_load_idx %gather3A_790[%add3A_784, %add3A_785] : memref<128x128xf32, #tpu.memory_space<vmem>>[vector<16xi32>, vector<16xi32>], vector<16xf32>,
        %scatter3A_792 = arith.constant 1 : i32
        %scatter3A_793 = arith.constant 0 : i32
        %scatter3A_794 = arith.constant 0 : i32
        %scatter3A_795 = arith.constant 0 : i32
        %scatter3A_796 = tpu.memref_slice %arg8[%scatter3A_792, %scatter3A_793, %scatter3A_794, %scatter3A_795] : memref<2x8x8x130xf32, #tpu.memory_space<vmem>> -> memref<1x8x8x130xf32, #tpu.memory_space<vmem>>
        %scatter3A_797 = tpu.memref_squeeze %scatter3A_796 : memref<1x8x8x130xf32, #tpu.memory_space<vmem>> -> memref<8x8x130xf32, #tpu.memory_space<vmem>>
        tpu.vector_store_idx %scatter3A_797[%shift_right_arithmetic3A_666, %and3A_669, %add3A_784], %gather3A_791 : memref<8x8x130xf32, #tpu.memory_space<vmem>>[vector<16xi32>, vector<16xi32>, vector<16xi32>], vector<16xf32>,
        %mul3A_798 = arith.constant 8 : i32
        %mul3A_799 = arith.muli %scan3A_514, %mul3A_798 : i32
        %add3A_800 = arith.constant 2 : i32
        %add3A_801 = arith.addi %mul3A_799, %add3A_800 : i32
        %add3A_802 = vector.broadcast %add3A_801 : i32 to vector<16xi32>
        %add3A_803 = arith.addi %add3A_802, %iota3A : vector<16xi32>
        %and3A_804 = arith.constant 63 : i32
        %and3A_805 = vector.broadcast %and3A_804 : i32 to vector<16xi32>
        %and3A_806 = arith.andi %add3A_803, %and3A_805 : vector<16xi32>
        %shift_right_arithmetic3A_807 = arith.constant 3 : i32
        %shift_right_arithmetic3A_808 = vector.broadcast %shift_right_arithmetic3A_807 : i32 to vector<16xi32>
        %shift_right_arithmetic3A_809 = arith.shrsi %and3A_806, %shift_right_arithmetic3A_808 : vector<16xi32>
        %and3A_810 = arith.constant 7 : i32
        %and3A_811 = vector.broadcast %and3A_810 : i32 to vector<16xi32>
        %and3A_812 = arith.andi %and3A_806, %and3A_811 : vector<16xi32>
        %add3A_813 = arith.constant 0 : i32
        %add3A_814 = vector.broadcast %add3A_813 : i32 to vector<16xi32>
        %add3A_815 = arith.addi %add3A_814, %iota3A : vector<16xi32>
        %add3A_816 = arith.addi %shift_left3A_408, %and3A_806 : vector<16xi32>
        %gather3A_817 = arith.constant 1 : i32
        %gather3A_818 = arith.constant 0 : i32
        %gather3A_819 = arith.constant 0 : i32
        %gather3A_820 = tpu.memref_slice %arg7[%gather3A_817, %gather3A_818, %gather3A_819] : memref<2x128x128xf32, #tpu.memory_space<vmem>> -> memref<1x128x128xf32, #tpu.memory_space<vmem>>
        %gather3A_821 = tpu.memref_squeeze %gather3A_820 : memref<1x128x128xf32, #tpu.memory_space<vmem>> -> memref<128x128xf32, #tpu.memory_space<vmem>>
        %gather3A_822 = tpu.vector_load_idx %gather3A_821[%add3A_815, %add3A_816] : memref<128x128xf32, #tpu.memory_space<vmem>>[vector<16xi32>, vector<16xi32>], vector<16xf32>,
        %scatter3A_823 = arith.constant 1 : i32
        %scatter3A_824 = arith.constant 0 : i32
        %scatter3A_825 = arith.constant 0 : i32
        %scatter3A_826 = arith.constant 0 : i32
        %scatter3A_827 = tpu.memref_slice %arg8[%scatter3A_823, %scatter3A_824, %scatter3A_825, %scatter3A_826] : memref<2x8x8x130xf32, #tpu.memory_space<vmem>> -> memref<1x8x8x130xf32, #tpu.memory_space<vmem>>
        %scatter3A_828 = tpu.memref_squeeze %scatter3A_827 : memref<1x8x8x130xf32, #tpu.memory_space<vmem>> -> memref<8x8x130xf32, #tpu.memory_space<vmem>>
        tpu.vector_store_idx %scatter3A_828[%shift_right_arithmetic3A_809, %and3A_812, %add3A_815], %gather3A_822 : memref<8x8x130xf32, #tpu.memory_space<vmem>>[vector<16xi32>, vector<16xi32>, vector<16xi32>], vector<16xf32>,
        %add3A_829 = arith.constant 16 : i32
        %add3A_830 = vector.broadcast %add3A_829 : i32 to vector<16xi32>
        %add3A_831 = arith.addi %add3A_830, %iota3A : vector<16xi32>
        %add3A_832 = arith.addi %shift_left3A_418, %and3A_806 : vector<16xi32>
        %gather3A_833 = arith.constant 1 : i32
        %gather3A_834 = arith.constant 0 : i32
        %gather3A_835 = arith.constant 0 : i32
        %gather3A_836 = tpu.memref_slice %arg7[%gather3A_833, %gather3A_834, %gather3A_835] : memref<2x128x128xf32, #tpu.memory_space<vmem>> -> memref<1x128x128xf32, #tpu.memory_space<vmem>>
        %gather3A_837 = tpu.memref_squeeze %gather3A_836 : memref<1x128x128xf32, #tpu.memory_space<vmem>> -> memref<128x128xf32, #tpu.memory_space<vmem>>
        %gather3A_838 = tpu.vector_load_idx %gather3A_837[%add3A_831, %add3A_832] : memref<128x128xf32, #tpu.memory_space<vmem>>[vector<16xi32>, vector<16xi32>], vector<16xf32>,
        %scatter3A_839 = arith.constant 1 : i32
        %scatter3A_840 = arith.constant 0 : i32
        %scatter3A_841 = arith.constant 0 : i32
        %scatter3A_842 = arith.constant 0 : i32
        %scatter3A_843 = tpu.memref_slice %arg8[%scatter3A_839, %scatter3A_840, %scatter3A_841, %scatter3A_842] : memref<2x8x8x130xf32, #tpu.memory_space<vmem>> -> memref<1x8x8x130xf32, #tpu.memory_space<vmem>>
        %scatter3A_844 = tpu.memref_squeeze %scatter3A_843 : memref<1x8x8x130xf32, #tpu.memory_space<vmem>> -> memref<8x8x130xf32, #tpu.memory_space<vmem>>
        tpu.vector_store_idx %scatter3A_844[%shift_right_arithmetic3A_809, %and3A_812, %add3A_831], %gather3A_838 : memref<8x8x130xf32, #tpu.memory_space<vmem>>[vector<16xi32>, vector<16xi32>, vector<16xi32>], vector<16xf32>,
        %add3A_845 = arith.constant 32 : i32
        %add3A_846 = vector.broadcast %add3A_845 : i32 to vector<16xi32>
        %add3A_847 = arith.addi %add3A_846, %iota3A : vector<16xi32>
        %add3A_848 = arith.addi %shift_left3A_428, %and3A_806 : vector<16xi32>
        %gather3A_849 = arith.constant 1 : i32
        %gather3A_850 = arith.constant 0 : i32
        %gather3A_851 = arith.constant 0 : i32
        %gather3A_852 = tpu.memref_slice %arg7[%gather3A_849, %gather3A_850, %gather3A_851] : memref<2x128x128xf32, #tpu.memory_space<vmem>> -> memref<1x128x128xf32, #tpu.memory_space<vmem>>
        %gather3A_853 = tpu.memref_squeeze %gather3A_852 : memref<1x128x128xf32, #tpu.memory_space<vmem>> -> memref<128x128xf32, #tpu.memory_space<vmem>>
        %gather3A_854 = tpu.vector_load_idx %gather3A_853[%add3A_847, %add3A_848] : memref<128x128xf32, #tpu.memory_space<vmem>>[vector<16xi32>, vector<16xi32>], vector<16xf32>,
        %scatter3A_855 = arith.constant 1 : i32
        %scatter3A_856 = arith.constant 0 : i32
        %scatter3A_857 = arith.constant 0 : i32
        %scatter3A_858 = arith.constant 0 : i32
        %scatter3A_859 = tpu.memref_slice %arg8[%scatter3A_855, %scatter3A_856, %scatter3A_857, %scatter3A_858] : memref<2x8x8x130xf32, #tpu.memory_space<vmem>> -> memref<1x8x8x130xf32, #tpu.memory_space<vmem>>
        %scatter3A_860 = tpu.memref_squeeze %scatter3A_859 : memref<1x8x8x130xf32, #tpu.memory_space<vmem>> -> memref<8x8x130xf32, #tpu.memory_space<vmem>>
        tpu.vector_store_idx %scatter3A_860[%shift_right_arithmetic3A_809, %and3A_812, %add3A_847], %gather3A_854 : memref<8x8x130xf32, #tpu.memory_space<vmem>>[vector<16xi32>, vector<16xi32>, vector<16xi32>], vector<16xf32>,
        %add3A_861 = arith.constant 48 : i32
        %add3A_862 = vector.broadcast %add3A_861 : i32 to vector<16xi32>
        %add3A_863 = arith.addi %add3A_862, %iota3A : vector<16xi32>
        %add3A_864 = arith.addi %shift_left3A_438, %and3A_806 : vector<16xi32>
        %gather3A_865 = arith.constant 1 : i32
        %gather3A_866 = arith.constant 0 : i32
        %gather3A_867 = arith.constant 0 : i32
        %gather3A_868 = tpu.memref_slice %arg7[%gather3A_865, %gather3A_866, %gather3A_867] : memref<2x128x128xf32, #tpu.memory_space<vmem>> -> memref<1x128x128xf32, #tpu.memory_space<vmem>>
        %gather3A_869 = tpu.memref_squeeze %gather3A_868 : memref<1x128x128xf32, #tpu.memory_space<vmem>> -> memref<128x128xf32, #tpu.memory_space<vmem>>
        %gather3A_870 = tpu.vector_load_idx %gather3A_869[%add3A_863, %add3A_864] : memref<128x128xf32, #tpu.memory_space<vmem>>[vector<16xi32>, vector<16xi32>], vector<16xf32>,
        %scatter3A_871 = arith.constant 1 : i32
        %scatter3A_872 = arith.constant 0 : i32
        %scatter3A_873 = arith.constant 0 : i32
        %scatter3A_874 = arith.constant 0 : i32
        %scatter3A_875 = tpu.memref_slice %arg8[%scatter3A_871, %scatter3A_872, %scatter3A_873, %scatter3A_874] : memref<2x8x8x130xf32, #tpu.memory_space<vmem>> -> memref<1x8x8x130xf32, #tpu.memory_space<vmem>>
        %scatter3A_876 = tpu.memref_squeeze %scatter3A_875 : memref<1x8x8x130xf32, #tpu.memory_space<vmem>> -> memref<8x8x130xf32, #tpu.memory_space<vmem>>
        tpu.vector_store_idx %scatter3A_876[%shift_right_arithmetic3A_809, %and3A_812, %add3A_863], %gather3A_870 : memref<8x8x130xf32, #tpu.memory_space<vmem>>[vector<16xi32>, vector<16xi32>, vector<16xi32>], vector<16xf32>,
        %add3A_877 = arith.constant 64 : i32
        %add3A_878 = vector.broadcast %add3A_877 : i32 to vector<16xi32>
        %add3A_879 = arith.addi %add3A_878, %iota3A : vector<16xi32>
        %add3A_880 = arith.addi %shift_left3A_448, %and3A_806 : vector<16xi32>
        %gather3A_881 = arith.constant 1 : i32
        %gather3A_882 = arith.constant 0 : i32
        %gather3A_883 = arith.constant 0 : i32
        %gather3A_884 = tpu.memref_slice %arg7[%gather3A_881, %gather3A_882, %gather3A_883] : memref<2x128x128xf32, #tpu.memory_space<vmem>> -> memref<1x128x128xf32, #tpu.memory_space<vmem>>
        %gather3A_885 = tpu.memref_squeeze %gather3A_884 : memref<1x128x128xf32, #tpu.memory_space<vmem>> -> memref<128x128xf32, #tpu.memory_space<vmem>>
        %gather3A_886 = tpu.vector_load_idx %gather3A_885[%add3A_879, %add3A_880] : memref<128x128xf32, #tpu.memory_space<vmem>>[vector<16xi32>, vector<16xi32>], vector<16xf32>,
        %scatter3A_887 = arith.constant 1 : i32
        %scatter3A_888 = arith.constant 0 : i32
        %scatter3A_889 = arith.constant 0 : i32
        %scatter3A_890 = arith.constant 0 : i32
        %scatter3A_891 = tpu.memref_slice %arg8[%scatter3A_887, %scatter3A_888, %scatter3A_889, %scatter3A_890] : memref<2x8x8x130xf32, #tpu.memory_space<vmem>> -> memref<1x8x8x130xf32, #tpu.memory_space<vmem>>
        %scatter3A_892 = tpu.memref_squeeze %scatter3A_891 : memref<1x8x8x130xf32, #tpu.memory_space<vmem>> -> memref<8x8x130xf32, #tpu.memory_space<vmem>>
        tpu.vector_store_idx %scatter3A_892[%shift_right_arithmetic3A_809, %and3A_812, %add3A_879], %gather3A_886 : memref<8x8x130xf32, #tpu.memory_space<vmem>>[vector<16xi32>, vector<16xi32>, vector<16xi32>], vector<16xf32>,
        %add3A_893 = arith.constant 80 : i32
        %add3A_894 = vector.broadcast %add3A_893 : i32 to vector<16xi32>
        %add3A_895 = arith.addi %add3A_894, %iota3A : vector<16xi32>
        %add3A_896 = arith.addi %shift_left3A_458, %and3A_806 : vector<16xi32>
        %gather3A_897 = arith.constant 1 : i32
        %gather3A_898 = arith.constant 0 : i32
        %gather3A_899 = arith.constant 0 : i32
        %gather3A_900 = tpu.memref_slice %arg7[%gather3A_897, %gather3A_898, %gather3A_899] : memref<2x128x128xf32, #tpu.memory_space<vmem>> -> memref<1x128x128xf32, #tpu.memory_space<vmem>>
        %gather3A_901 = tpu.memref_squeeze %gather3A_900 : memref<1x128x128xf32, #tpu.memory_space<vmem>> -> memref<128x128xf32, #tpu.memory_space<vmem>>
        %gather3A_902 = tpu.vector_load_idx %gather3A_901[%add3A_895, %add3A_896] : memref<128x128xf32, #tpu.memory_space<vmem>>[vector<16xi32>, vector<16xi32>], vector<16xf32>,
        %scatter3A_903 = arith.constant 1 : i32
        %scatter3A_904 = arith.constant 0 : i32
        %scatter3A_905 = arith.constant 0 : i32
        %scatter3A_906 = arith.constant 0 : i32
        %scatter3A_907 = tpu.memref_slice %arg8[%scatter3A_903, %scatter3A_904, %scatter3A_905, %scatter3A_906] : memref<2x8x8x130xf32, #tpu.memory_space<vmem>> -> memref<1x8x8x130xf32, #tpu.memory_space<vmem>>
        %scatter3A_908 = tpu.memref_squeeze %scatter3A_907 : memref<1x8x8x130xf32, #tpu.memory_space<vmem>> -> memref<8x8x130xf32, #tpu.memory_space<vmem>>
        tpu.vector_store_idx %scatter3A_908[%shift_right_arithmetic3A_809, %and3A_812, %add3A_895], %gather3A_902 : memref<8x8x130xf32, #tpu.memory_space<vmem>>[vector<16xi32>, vector<16xi32>, vector<16xi32>], vector<16xf32>,
        %add3A_909 = arith.constant 96 : i32
        %add3A_910 = vector.broadcast %add3A_909 : i32 to vector<16xi32>
        %add3A_911 = arith.addi %add3A_910, %iota3A : vector<16xi32>
        %add3A_912 = arith.addi %shift_left3A_468, %and3A_806 : vector<16xi32>
        %gather3A_913 = arith.constant 1 : i32
        %gather3A_914 = arith.constant 0 : i32
        %gather3A_915 = arith.constant 0 : i32
        %gather3A_916 = tpu.memref_slice %arg7[%gather3A_913, %gather3A_914, %gather3A_915] : memref<2x128x128xf32, #tpu.memory_space<vmem>> -> memref<1x128x128xf32, #tpu.memory_space<vmem>>
        %gather3A_917 = tpu.memref_squeeze %gather3A_916 : memref<1x128x128xf32, #tpu.memory_space<vmem>> -> memref<128x128xf32, #tpu.memory_space<vmem>>
        %gather3A_918 = tpu.vector_load_idx %gather3A_917[%add3A_911, %add3A_912] : memref<128x128xf32, #tpu.memory_space<vmem>>[vector<16xi32>, vector<16xi32>], vector<16xf32>,
        %scatter3A_919 = arith.constant 1 : i32
        %scatter3A_920 = arith.constant 0 : i32
        %scatter3A_921 = arith.constant 0 : i32
        %scatter3A_922 = arith.constant 0 : i32
        %scatter3A_923 = tpu.memref_slice %arg8[%scatter3A_919, %scatter3A_920, %scatter3A_921, %scatter3A_922] : memref<2x8x8x130xf32, #tpu.memory_space<vmem>> -> memref<1x8x8x130xf32, #tpu.memory_space<vmem>>
        %scatter3A_924 = tpu.memref_squeeze %scatter3A_923 : memref<1x8x8x130xf32, #tpu.memory_space<vmem>> -> memref<8x8x130xf32, #tpu.memory_space<vmem>>
        tpu.vector_store_idx %scatter3A_924[%shift_right_arithmetic3A_809, %and3A_812, %add3A_911], %gather3A_918 : memref<8x8x130xf32, #tpu.memory_space<vmem>>[vector<16xi32>, vector<16xi32>, vector<16xi32>], vector<16xf32>,
        %add3A_925 = arith.constant 112 : i32
        %add3A_926 = vector.broadcast %add3A_925 : i32 to vector<16xi32>
        %add3A_927 = arith.addi %add3A_926, %iota3A : vector<16xi32>
        %add3A_928 = arith.addi %shift_left3A_478, %and3A_806 : vector<16xi32>
        %gather3A_929 = arith.constant 1 : i32
        %gather3A_930 = arith.constant 0 : i32
        %gather3A_931 = arith.constant 0 : i32
        %gather3A_932 = tpu.memref_slice %arg7[%gather3A_929, %gather3A_930, %gather3A_931] : memref<2x128x128xf32, #tpu.memory_space<vmem>> -> memref<1x128x128xf32, #tpu.memory_space<vmem>>
        %gather3A_933 = tpu.memref_squeeze %gather3A_932 : memref<1x128x128xf32, #tpu.memory_space<vmem>> -> memref<128x128xf32, #tpu.memory_space<vmem>>
        %gather3A_934 = tpu.vector_load_idx %gather3A_933[%add3A_927, %add3A_928] : memref<128x128xf32, #tpu.memory_space<vmem>>[vector<16xi32>, vector<16xi32>], vector<16xf32>,
        %scatter3A_935 = arith.constant 1 : i32
        %scatter3A_936 = arith.constant 0 : i32
        %scatter3A_937 = arith.constant 0 : i32
        %scatter3A_938 = arith.constant 0 : i32
        %scatter3A_939 = tpu.memref_slice %arg8[%scatter3A_935, %scatter3A_936, %scatter3A_937, %scatter3A_938] : memref<2x8x8x130xf32, #tpu.memory_space<vmem>> -> memref<1x8x8x130xf32, #tpu.memory_space<vmem>>
        %scatter3A_940 = tpu.memref_squeeze %scatter3A_939 : memref<1x8x8x130xf32, #tpu.memory_space<vmem>> -> memref<8x8x130xf32, #tpu.memory_space<vmem>>
        tpu.vector_store_idx %scatter3A_940[%shift_right_arithmetic3A_809, %and3A_812, %add3A_927], %gather3A_934 : memref<8x8x130xf32, #tpu.memory_space<vmem>>[vector<16xi32>, vector<16xi32>, vector<16xi32>], vector<16xf32>,
        %mul3A_941 = arith.constant 8 : i32
        %mul3A_942 = arith.muli %scan3A_514, %mul3A_941 : i32
        %add3A_943 = arith.constant 3 : i32
        %add3A_944 = arith.addi %mul3A_942, %add3A_943 : i32
        %add3A_945 = vector.broadcast %add3A_944 : i32 to vector<16xi32>
        %add3A_946 = arith.addi %add3A_945, %iota3A : vector<16xi32>
        %and3A_947 = arith.constant 63 : i32
        %and3A_948 = vector.broadcast %and3A_947 : i32 to vector<16xi32>
        %and3A_949 = arith.andi %add3A_946, %and3A_948 : vector<16xi32>
        %shift_right_arithmetic3A_950 = arith.constant 3 : i32
        %shift_right_arithmetic3A_951 = vector.broadcast %shift_right_arithmetic3A_950 : i32 to vector<16xi32>
        %shift_right_arithmetic3A_952 = arith.shrsi %and3A_949, %shift_right_arithmetic3A_951 : vector<16xi32>
        %and3A_953 = arith.constant 7 : i32
        %and3A_954 = vector.broadcast %and3A_953 : i32 to vector<16xi32>
        %and3A_955 = arith.andi %and3A_949, %and3A_954 : vector<16xi32>
        %add3A_956 = arith.constant 0 : i32
        %add3A_957 = vector.broadcast %add3A_956 : i32 to vector<16xi32>
        %add3A_958 = arith.addi %add3A_957, %iota3A : vector<16xi32>
        %add3A_959 = arith.addi %shift_left3A_408, %and3A_949 : vector<16xi32>
        %gather3A_960 = arith.constant 1 : i32
        %gather3A_961 = arith.constant 0 : i32
        %gather3A_962 = arith.constant 0 : i32
        %gather3A_963 = tpu.memref_slice %arg7[%gather3A_960, %gather3A_961, %gather3A_962] : memref<2x128x128xf32, #tpu.memory_space<vmem>> -> memref<1x128x128xf32, #tpu.memory_space<vmem>>
        %gather3A_964 = tpu.memref_squeeze %gather3A_963 : memref<1x128x128xf32, #tpu.memory_space<vmem>> -> memref<128x128xf32, #tpu.memory_space<vmem>>
        %gather3A_965 = tpu.vector_load_idx %gather3A_964[%add3A_958, %add3A_959] : memref<128x128xf32, #tpu.memory_space<vmem>>[vector<16xi32>, vector<16xi32>], vector<16xf32>,
        %scatter3A_966 = arith.constant 1 : i32
        %scatter3A_967 = arith.constant 0 : i32
        %scatter3A_968 = arith.constant 0 : i32
        %scatter3A_969 = arith.constant 0 : i32
        %scatter3A_970 = tpu.memref_slice %arg8[%scatter3A_966, %scatter3A_967, %scatter3A_968, %scatter3A_969] : memref<2x8x8x130xf32, #tpu.memory_space<vmem>> -> memref<1x8x8x130xf32, #tpu.memory_space<vmem>>
        %scatter3A_971 = tpu.memref_squeeze %scatter3A_970 : memref<1x8x8x130xf32, #tpu.memory_space<vmem>> -> memref<8x8x130xf32, #tpu.memory_space<vmem>>
        tpu.vector_store_idx %scatter3A_971[%shift_right_arithmetic3A_952, %and3A_955, %add3A_958], %gather3A_965 : memref<8x8x130xf32, #tpu.memory_space<vmem>>[vector<16xi32>, vector<16xi32>, vector<16xi32>], vector<16xf32>,
        %add3A_972 = arith.constant 16 : i32
        %add3A_973 = vector.broadcast %add3A_972 : i32 to vector<16xi32>
        %add3A_974 = arith.addi %add3A_973, %iota3A : vector<16xi32>
        %add3A_975 = arith.addi %shift_left3A_418, %and3A_949 : vector<16xi32>
        %gather3A_976 = arith.constant 1 : i32
        %gather3A_977 = arith.constant 0 : i32
        %gather3A_978 = arith.constant 0 : i32
        %gather3A_979 = tpu.memref_slice %arg7[%gather3A_976, %gather3A_977, %gather3A_978] : memref<2x128x128xf32, #tpu.memory_space<vmem>> -> memref<1x128x128xf32, #tpu.memory_space<vmem>>
        %gather3A_980 = tpu.memref_squeeze %gather3A_979 : memref<1x128x128xf32, #tpu.memory_space<vmem>> -> memref<128x128xf32, #tpu.memory_space<vmem>>
        %gather3A_981 = tpu.vector_load_idx %gather3A_980[%add3A_974, %add3A_975] : memref<128x128xf32, #tpu.memory_space<vmem>>[vector<16xi32>, vector<16xi32>], vector<16xf32>,
        %scatter3A_982 = arith.constant 1 : i32
        %scatter3A_983 = arith.constant 0 : i32
        %scatter3A_984 = arith.constant 0 : i32
        %scatter3A_985 = arith.constant 0 : i32
        %scatter3A_986 = tpu.memref_slice %arg8[%scatter3A_982, %scatter3A_983, %scatter3A_984, %scatter3A_985] : memref<2x8x8x130xf32, #tpu.memory_space<vmem>> -> memref<1x8x8x130xf32, #tpu.memory_space<vmem>>
        %scatter3A_987 = tpu.memref_squeeze %scatter3A_986 : memref<1x8x8x130xf32, #tpu.memory_space<vmem>> -> memref<8x8x130xf32, #tpu.memory_space<vmem>>
        tpu.vector_store_idx %scatter3A_987[%shift_right_arithmetic3A_952, %and3A_955, %add3A_974], %gather3A_981 : memref<8x8x130xf32, #tpu.memory_space<vmem>>[vector<16xi32>, vector<16xi32>, vector<16xi32>], vector<16xf32>,
        %add3A_988 = arith.constant 32 : i32
        %add3A_989 = vector.broadcast %add3A_988 : i32 to vector<16xi32>
        %add3A_990 = arith.addi %add3A_989, %iota3A : vector<16xi32>
        %add3A_991 = arith.addi %shift_left3A_428, %and3A_949 : vector<16xi32>
        %gather3A_992 = arith.constant 1 : i32
        %gather3A_993 = arith.constant 0 : i32
        %gather3A_994 = arith.constant 0 : i32
        %gather3A_995 = tpu.memref_slice %arg7[%gather3A_992, %gather3A_993, %gather3A_994] : memref<2x128x128xf32, #tpu.memory_space<vmem>> -> memref<1x128x128xf32, #tpu.memory_space<vmem>>
        %gather3A_996 = tpu.memref_squeeze %gather3A_995 : memref<1x128x128xf32, #tpu.memory_space<vmem>> -> memref<128x128xf32, #tpu.memory_space<vmem>>
        %gather3A_997 = tpu.vector_load_idx %gather3A_996[%add3A_990, %add3A_991] : memref<128x128xf32, #tpu.memory_space<vmem>>[vector<16xi32>, vector<16xi32>], vector<16xf32>,
        %scatter3A_998 = arith.constant 1 : i32
        %scatter3A_999 = arith.constant 0 : i32
        %scatter3A_1000 = arith.constant 0 : i32
        %scatter3A_1001 = arith.constant 0 : i32
        %scatter3A_1002 = tpu.memref_slice %arg8[%scatter3A_998, %scatter3A_999, %scatter3A_1000, %scatter3A_1001] : memref<2x8x8x130xf32, #tpu.memory_space<vmem>> -> memref<1x8x8x130xf32, #tpu.memory_space<vmem>>
        %scatter3A_1003 = tpu.memref_squeeze %scatter3A_1002 : memref<1x8x8x130xf32, #tpu.memory_space<vmem>> -> memref<8x8x130xf32, #tpu.memory_space<vmem>>
        tpu.vector_store_idx %scatter3A_1003[%shift_right_arithmetic3A_952, %and3A_955, %add3A_990], %gather3A_997 : memref<8x8x130xf32, #tpu.memory_space<vmem>>[vector<16xi32>, vector<16xi32>, vector<16xi32>], vector<16xf32>,
        %add3A_1004 = arith.constant 48 : i32
        %add3A_1005 = vector.broadcast %add3A_1004 : i32 to vector<16xi32>
        %add3A_1006 = arith.addi %add3A_1005, %iota3A : vector<16xi32>
        %add3A_1007 = arith.addi %shift_left3A_438, %and3A_949 : vector<16xi32>
        %gather3A_1008 = arith.constant 1 : i32
        %gather3A_1009 = arith.constant 0 : i32
        %gather3A_1010 = arith.constant 0 : i32
        %gather3A_1011 = tpu.memref_slice %arg7[%gather3A_1008, %gather3A_1009, %gather3A_1010] : memref<2x128x128xf32, #tpu.memory_space<vmem>> -> memref<1x128x128xf32, #tpu.memory_space<vmem>>
        %gather3A_1012 = tpu.memref_squeeze %gather3A_1011 : memref<1x128x128xf32, #tpu.memory_space<vmem>> -> memref<128x128xf32, #tpu.memory_space<vmem>>
        %gather3A_1013 = tpu.vector_load_idx %gather3A_1012[%add3A_1006, %add3A_1007] : memref<128x128xf32, #tpu.memory_space<vmem>>[vector<16xi32>, vector<16xi32>], vector<16xf32>,
        %scatter3A_1014 = arith.constant 1 : i32
        %scatter3A_1015 = arith.constant 0 : i32
        %scatter3A_1016 = arith.constant 0 : i32
        %scatter3A_1017 = arith.constant 0 : i32
        %scatter3A_1018 = tpu.memref_slice %arg8[%scatter3A_1014, %scatter3A_1015, %scatter3A_1016, %scatter3A_1017] : memref<2x8x8x130xf32, #tpu.memory_space<vmem>> -> memref<1x8x8x130xf32, #tpu.memory_space<vmem>>
        %scatter3A_1019 = tpu.memref_squeeze %scatter3A_1018 : memref<1x8x8x130xf32, #tpu.memory_space<vmem>> -> memref<8x8x130xf32, #tpu.memory_space<vmem>>
        tpu.vector_store_idx %scatter3A_1019[%shift_right_arithmetic3A_952, %and3A_955, %add3A_1006], %gather3A_1013 : memref<8x8x130xf32, #tpu.memory_space<vmem>>[vector<16xi32>, vector<16xi32>, vector<16xi32>], vector<16xf32>,
        %add3A_1020 = arith.constant 64 : i32
        %add3A_1021 = vector.broadcast %add3A_1020 : i32 to vector<16xi32>
        %add3A_1022 = arith.addi %add3A_1021, %iota3A : vector<16xi32>
        %add3A_1023 = arith.addi %shift_left3A_448, %and3A_949 : vector<16xi32>
        %gather3A_1024 = arith.constant 1 : i32
        %gather3A_1025 = arith.constant 0 : i32
        %gather3A_1026 = arith.constant 0 : i32
        %gather3A_1027 = tpu.memref_slice %arg7[%gather3A_1024, %gather3A_1025, %gather3A_1026] : memref<2x128x128xf32, #tpu.memory_space<vmem>> -> memref<1x128x128xf32, #tpu.memory_space<vmem>>
        %gather3A_1028 = tpu.memref_squeeze %gather3A_1027 : memref<1x128x128xf32, #tpu.memory_space<vmem>> -> memref<128x128xf32, #tpu.memory_space<vmem>>
        %gather3A_1029 = tpu.vector_load_idx %gather3A_1028[%add3A_1022, %add3A_1023] : memref<128x128xf32, #tpu.memory_space<vmem>>[vector<16xi32>, vector<16xi32>], vector<16xf32>,
        %scatter3A_1030 = arith.constant 1 : i32
        %scatter3A_1031 = arith.constant 0 : i32
        %scatter3A_1032 = arith.constant 0 : i32
        %scatter3A_1033 = arith.constant 0 : i32
        %scatter3A_1034 = tpu.memref_slice %arg8[%scatter3A_1030, %scatter3A_1031, %scatter3A_1032, %scatter3A_1033] : memref<2x8x8x130xf32, #tpu.memory_space<vmem>> -> memref<1x8x8x130xf32, #tpu.memory_space<vmem>>
        %scatter3A_1035 = tpu.memref_squeeze %scatter3A_1034 : memref<1x8x8x130xf32, #tpu.memory_space<vmem>> -> memref<8x8x130xf32, #tpu.memory_space<vmem>>
        tpu.vector_store_idx %scatter3A_1035[%shift_right_arithmetic3A_952, %and3A_955, %add3A_1022], %gather3A_1029 : memref<8x8x130xf32, #tpu.memory_space<vmem>>[vector<16xi32>, vector<16xi32>, vector<16xi32>], vector<16xf32>,
        %add3A_1036 = arith.constant 80 : i32
        %add3A_1037 = vector.broadcast %add3A_1036 : i32 to vector<16xi32>
        %add3A_1038 = arith.addi %add3A_1037, %iota3A : vector<16xi32>
        %add3A_1039 = arith.addi %shift_left3A_458, %and3A_949 : vector<16xi32>
        %gather3A_1040 = arith.constant 1 : i32
        %gather3A_1041 = arith.constant 0 : i32
        %gather3A_1042 = arith.constant 0 : i32
        %gather3A_1043 = tpu.memref_slice %arg7[%gather3A_1040, %gather3A_1041, %gather3A_1042] : memref<2x128x128xf32, #tpu.memory_space<vmem>> -> memref<1x128x128xf32, #tpu.memory_space<vmem>>
        %gather3A_1044 = tpu.memref_squeeze %gather3A_1043 : memref<1x128x128xf32, #tpu.memory_space<vmem>> -> memref<128x128xf32, #tpu.memory_space<vmem>>
        %gather3A_1045 = tpu.vector_load_idx %gather3A_1044[%add3A_1038, %add3A_1039] : memref<128x128xf32, #tpu.memory_space<vmem>>[vector<16xi32>, vector<16xi32>], vector<16xf32>,
        %scatter3A_1046 = arith.constant 1 : i32
        %scatter3A_1047 = arith.constant 0 : i32
        %scatter3A_1048 = arith.constant 0 : i32
        %scatter3A_1049 = arith.constant 0 : i32
        %scatter3A_1050 = tpu.memref_slice %arg8[%scatter3A_1046, %scatter3A_1047, %scatter3A_1048, %scatter3A_1049] : memref<2x8x8x130xf32, #tpu.memory_space<vmem>> -> memref<1x8x8x130xf32, #tpu.memory_space<vmem>>
        %scatter3A_1051 = tpu.memref_squeeze %scatter3A_1050 : memref<1x8x8x130xf32, #tpu.memory_space<vmem>> -> memref<8x8x130xf32, #tpu.memory_space<vmem>>
        tpu.vector_store_idx %scatter3A_1051[%shift_right_arithmetic3A_952, %and3A_955, %add3A_1038], %gather3A_1045 : memref<8x8x130xf32, #tpu.memory_space<vmem>>[vector<16xi32>, vector<16xi32>, vector<16xi32>], vector<16xf32>,
        %add3A_1052 = arith.constant 96 : i32
        %add3A_1053 = vector.broadcast %add3A_1052 : i32 to vector<16xi32>
        %add3A_1054 = arith.addi %add3A_1053, %iota3A : vector<16xi32>
        %add3A_1055 = arith.addi %shift_left3A_468, %and3A_949 : vector<16xi32>
        %gather3A_1056 = arith.constant 1 : i32
        %gather3A_1057 = arith.constant 0 : i32
        %gather3A_1058 = arith.constant 0 : i32
        %gather3A_1059 = tpu.memref_slice %arg7[%gather3A_1056, %gather3A_1057, %gather3A_1058] : memref<2x128x128xf32, #tpu.memory_space<vmem>> -> memref<1x128x128xf32, #tpu.memory_space<vmem>>
        %gather3A_1060 = tpu.memref_squeeze %gather3A_1059 : memref<1x128x128xf32, #tpu.memory_space<vmem>> -> memref<128x128xf32, #tpu.memory_space<vmem>>
        %gather3A_1061 = tpu.vector_load_idx %gather3A_1060[%add3A_1054, %add3A_1055] : memref<128x128xf32, #tpu.memory_space<vmem>>[vector<16xi32>, vector<16xi32>], vector<16xf32>,
        %scatter3A_1062 = arith.constant 1 : i32
        %scatter3A_1063 = arith.constant 0 : i32
        %scatter3A_1064 = arith.constant 0 : i32
        %scatter3A_1065 = arith.constant 0 : i32
        %scatter3A_1066 = tpu.memref_slice %arg8[%scatter3A_1062, %scatter3A_1063, %scatter3A_1064, %scatter3A_1065] : memref<2x8x8x130xf32, #tpu.memory_space<vmem>> -> memref<1x8x8x130xf32, #tpu.memory_space<vmem>>
        %scatter3A_1067 = tpu.memref_squeeze %scatter3A_1066 : memref<1x8x8x130xf32, #tpu.memory_space<vmem>> -> memref<8x8x130xf32, #tpu.memory_space<vmem>>
        tpu.vector_store_idx %scatter3A_1067[%shift_right_arithmetic3A_952, %and3A_955, %add3A_1054], %gather3A_1061 : memref<8x8x130xf32, #tpu.memory_space<vmem>>[vector<16xi32>, vector<16xi32>, vector<16xi32>], vector<16xf32>,
        %add3A_1068 = arith.constant 112 : i32
        %add3A_1069 = vector.broadcast %add3A_1068 : i32 to vector<16xi32>
        %add3A_1070 = arith.addi %add3A_1069, %iota3A : vector<16xi32>
        %add3A_1071 = arith.addi %shift_left3A_478, %and3A_949 : vector<16xi32>
        %gather3A_1072 = arith.constant 1 : i32
        %gather3A_1073 = arith.constant 0 : i32
        %gather3A_1074 = arith.constant 0 : i32
        %gather3A_1075 = tpu.memref_slice %arg7[%gather3A_1072, %gather3A_1073, %gather3A_1074] : memref<2x128x128xf32, #tpu.memory_space<vmem>> -> memref<1x128x128xf32, #tpu.memory_space<vmem>>
        %gather3A_1076 = tpu.memref_squeeze %gather3A_1075 : memref<1x128x128xf32, #tpu.memory_space<vmem>> -> memref<128x128xf32, #tpu.memory_space<vmem>>
        %gather3A_1077 = tpu.vector_load_idx %gather3A_1076[%add3A_1070, %add3A_1071] : memref<128x128xf32, #tpu.memory_space<vmem>>[vector<16xi32>, vector<16xi32>], vector<16xf32>,
        %scatter3A_1078 = arith.constant 1 : i32
        %scatter3A_1079 = arith.constant 0 : i32
        %scatter3A_1080 = arith.constant 0 : i32
        %scatter3A_1081 = arith.constant 0 : i32
        %scatter3A_1082 = tpu.memref_slice %arg8[%scatter3A_1078, %scatter3A_1079, %scatter3A_1080, %scatter3A_1081] : memref<2x8x8x130xf32, #tpu.memory_space<vmem>> -> memref<1x8x8x130xf32, #tpu.memory_space<vmem>>
        %scatter3A_1083 = tpu.memref_squeeze %scatter3A_1082 : memref<1x8x8x130xf32, #tpu.memory_space<vmem>> -> memref<8x8x130xf32, #tpu.memory_space<vmem>>
        tpu.vector_store_idx %scatter3A_1083[%shift_right_arithmetic3A_952, %and3A_955, %add3A_1070], %gather3A_1077 : memref<8x8x130xf32, #tpu.memory_space<vmem>>[vector<16xi32>, vector<16xi32>, vector<16xi32>], vector<16xf32>,
        %mul3A_1084 = arith.constant 8 : i32
        %mul3A_1085 = arith.muli %scan3A_514, %mul3A_1084 : i32
        %add3A_1086 = arith.constant 4 : i32
        %add3A_1087 = arith.addi %mul3A_1085, %add3A_1086 : i32
        %add3A_1088 = vector.broadcast %add3A_1087 : i32 to vector<16xi32>
        %add3A_1089 = arith.addi %add3A_1088, %iota3A : vector<16xi32>
        %and3A_1090 = arith.constant 63 : i32
        %and3A_1091 = vector.broadcast %and3A_1090 : i32 to vector<16xi32>
        %and3A_1092 = arith.andi %add3A_1089, %and3A_1091 : vector<16xi32>
        %shift_right_arithmetic3A_1093 = arith.constant 3 : i32
        %shift_right_arithmetic3A_1094 = vector.broadcast %shift_right_arithmetic3A_1093 : i32 to vector<16xi32>
        %shift_right_arithmetic3A_1095 = arith.shrsi %and3A_1092, %shift_right_arithmetic3A_1094 : vector<16xi32>
        %and3A_1096 = arith.constant 7 : i32
        %and3A_1097 = vector.broadcast %and3A_1096 : i32 to vector<16xi32>
        %and3A_1098 = arith.andi %and3A_1092, %and3A_1097 : vector<16xi32>
        %add3A_1099 = arith.constant 0 : i32
        %add3A_1100 = vector.broadcast %add3A_1099 : i32 to vector<16xi32>
        %add3A_1101 = arith.addi %add3A_1100, %iota3A : vector<16xi32>
        %add3A_1102 = arith.addi %shift_left3A_408, %and3A_1092 : vector<16xi32>
        %gather3A_1103 = arith.constant 1 : i32
        %gather3A_1104 = arith.constant 0 : i32
        %gather3A_1105 = arith.constant 0 : i32
        %gather3A_1106 = tpu.memref_slice %arg7[%gather3A_1103, %gather3A_1104, %gather3A_1105] : memref<2x128x128xf32, #tpu.memory_space<vmem>> -> memref<1x128x128xf32, #tpu.memory_space<vmem>>
        %gather3A_1107 = tpu.memref_squeeze %gather3A_1106 : memref<1x128x128xf32, #tpu.memory_space<vmem>> -> memref<128x128xf32, #tpu.memory_space<vmem>>
        %gather3A_1108 = tpu.vector_load_idx %gather3A_1107[%add3A_1101, %add3A_1102] : memref<128x128xf32, #tpu.memory_space<vmem>>[vector<16xi32>, vector<16xi32>], vector<16xf32>,
        %scatter3A_1109 = arith.constant 1 : i32
        %scatter3A_1110 = arith.constant 0 : i32
        %scatter3A_1111 = arith.constant 0 : i32
        %scatter3A_1112 = arith.constant 0 : i32
        %scatter3A_1113 = tpu.memref_slice %arg8[%scatter3A_1109, %scatter3A_1110, %scatter3A_1111, %scatter3A_1112] : memref<2x8x8x130xf32, #tpu.memory_space<vmem>> -> memref<1x8x8x130xf32, #tpu.memory_space<vmem>>
        %scatter3A_1114 = tpu.memref_squeeze %scatter3A_1113 : memref<1x8x8x130xf32, #tpu.memory_space<vmem>> -> memref<8x8x130xf32, #tpu.memory_space<vmem>>
        tpu.vector_store_idx %scatter3A_1114[%shift_right_arithmetic3A_1095, %and3A_1098, %add3A_1101], %gather3A_1108 : memref<8x8x130xf32, #tpu.memory_space<vmem>>[vector<16xi32>, vector<16xi32>, vector<16xi32>], vector<16xf32>,
        %add3A_1115 = arith.constant 16 : i32
        %add3A_1116 = vector.broadcast %add3A_1115 : i32 to vector<16xi32>
        %add3A_1117 = arith.addi %add3A_1116, %iota3A : vector<16xi32>
        %add3A_1118 = arith.addi %shift_left3A_418, %and3A_1092 : vector<16xi32>
        %gather3A_1119 = arith.constant 1 : i32
        %gather3A_1120 = arith.constant 0 : i32
        %gather3A_1121 = arith.constant 0 : i32
        %gather3A_1122 = tpu.memref_slice %arg7[%gather3A_1119, %gather3A_1120, %gather3A_1121] : memref<2x128x128xf32, #tpu.memory_space<vmem>> -> memref<1x128x128xf32, #tpu.memory_space<vmem>>
        %gather3A_1123 = tpu.memref_squeeze %gather3A_1122 : memref<1x128x128xf32, #tpu.memory_space<vmem>> -> memref<128x128xf32, #tpu.memory_space<vmem>>
        %gather3A_1124 = tpu.vector_load_idx %gather3A_1123[%add3A_1117, %add3A_1118] : memref<128x128xf32, #tpu.memory_space<vmem>>[vector<16xi32>, vector<16xi32>], vector<16xf32>,
        %scatter3A_1125 = arith.constant 1 : i32
        %scatter3A_1126 = arith.constant 0 : i32
        %scatter3A_1127 = arith.constant 0 : i32
        %scatter3A_1128 = arith.constant 0 : i32
        %scatter3A_1129 = tpu.memref_slice %arg8[%scatter3A_1125, %scatter3A_1126, %scatter3A_1127, %scatter3A_1128] : memref<2x8x8x130xf32, #tpu.memory_space<vmem>> -> memref<1x8x8x130xf32, #tpu.memory_space<vmem>>
        %scatter3A_1130 = tpu.memref_squeeze %scatter3A_1129 : memref<1x8x8x130xf32, #tpu.memory_space<vmem>> -> memref<8x8x130xf32, #tpu.memory_space<vmem>>
        tpu.vector_store_idx %scatter3A_1130[%shift_right_arithmetic3A_1095, %and3A_1098, %add3A_1117], %gather3A_1124 : memref<8x8x130xf32, #tpu.memory_space<vmem>>[vector<16xi32>, vector<16xi32>, vector<16xi32>], vector<16xf32>,
        %add3A_1131 = arith.constant 32 : i32
        %add3A_1132 = vector.broadcast %add3A_1131 : i32 to vector<16xi32>
        %add3A_1133 = arith.addi %add3A_1132, %iota3A : vector<16xi32>
        %add3A_1134 = arith.addi %shift_left3A_428, %and3A_1092 : vector<16xi32>
        %gather3A_1135 = arith.constant 1 : i32
        %gather3A_1136 = arith.constant 0 : i32
        %gather3A_1137 = arith.constant 0 : i32
        %gather3A_1138 = tpu.memref_slice %arg7[%gather3A_1135, %gather3A_1136, %gather3A_1137] : memref<2x128x128xf32, #tpu.memory_space<vmem>> -> memref<1x128x128xf32, #tpu.memory_space<vmem>>
        %gather3A_1139 = tpu.memref_squeeze %gather3A_1138 : memref<1x128x128xf32, #tpu.memory_space<vmem>> -> memref<128x128xf32, #tpu.memory_space<vmem>>
        %gather3A_1140 = tpu.vector_load_idx %gather3A_1139[%add3A_1133, %add3A_1134] : memref<128x128xf32, #tpu.memory_space<vmem>>[vector<16xi32>, vector<16xi32>], vector<16xf32>,
        %scatter3A_1141 = arith.constant 1 : i32
        %scatter3A_1142 = arith.constant 0 : i32
        %scatter3A_1143 = arith.constant 0 : i32
        %scatter3A_1144 = arith.constant 0 : i32
        %scatter3A_1145 = tpu.memref_slice %arg8[%scatter3A_1141, %scatter3A_1142, %scatter3A_1143, %scatter3A_1144] : memref<2x8x8x130xf32, #tpu.memory_space<vmem>> -> memref<1x8x8x130xf32, #tpu.memory_space<vmem>>
        %scatter3A_1146 = tpu.memref_squeeze %scatter3A_1145 : memref<1x8x8x130xf32, #tpu.memory_space<vmem>> -> memref<8x8x130xf32, #tpu.memory_space<vmem>>
        tpu.vector_store_idx %scatter3A_1146[%shift_right_arithmetic3A_1095, %and3A_1098, %add3A_1133], %gather3A_1140 : memref<8x8x130xf32, #tpu.memory_space<vmem>>[vector<16xi32>, vector<16xi32>, vector<16xi32>], vector<16xf32>,
        %add3A_1147 = arith.constant 48 : i32
        %add3A_1148 = vector.broadcast %add3A_1147 : i32 to vector<16xi32>
        %add3A_1149 = arith.addi %add3A_1148, %iota3A : vector<16xi32>
        %add3A_1150 = arith.addi %shift_left3A_438, %and3A_1092 : vector<16xi32>
        %gather3A_1151 = arith.constant 1 : i32
        %gather3A_1152 = arith.constant 0 : i32
        %gather3A_1153 = arith.constant 0 : i32
        %gather3A_1154 = tpu.memref_slice %arg7[%gather3A_1151, %gather3A_1152, %gather3A_1153] : memref<2x128x128xf32, #tpu.memory_space<vmem>> -> memref<1x128x128xf32, #tpu.memory_space<vmem>>
        %gather3A_1155 = tpu.memref_squeeze %gather3A_1154 : memref<1x128x128xf32, #tpu.memory_space<vmem>> -> memref<128x128xf32, #tpu.memory_space<vmem>>
        %gather3A_1156 = tpu.vector_load_idx %gather3A_1155[%add3A_1149, %add3A_1150] : memref<128x128xf32, #tpu.memory_space<vmem>>[vector<16xi32>, vector<16xi32>], vector<16xf32>,
        %scatter3A_1157 = arith.constant 1 : i32
        %scatter3A_1158 = arith.constant 0 : i32
        %scatter3A_1159 = arith.constant 0 : i32
        %scatter3A_1160 = arith.constant 0 : i32
        %scatter3A_1161 = tpu.memref_slice %arg8[%scatter3A_1157, %scatter3A_1158, %scatter3A_1159, %scatter3A_1160] : memref<2x8x8x130xf32, #tpu.memory_space<vmem>> -> memref<1x8x8x130xf32, #tpu.memory_space<vmem>>
        %scatter3A_1162 = tpu.memref_squeeze %scatter3A_1161 : memref<1x8x8x130xf32, #tpu.memory_space<vmem>> -> memref<8x8x130xf32, #tpu.memory_space<vmem>>
        tpu.vector_store_idx %scatter3A_1162[%shift_right_arithmetic3A_1095, %and3A_1098, %add3A_1149], %gather3A_1156 : memref<8x8x130xf32, #tpu.memory_space<vmem>>[vector<16xi32>, vector<16xi32>, vector<16xi32>], vector<16xf32>,
        %add3A_1163 = arith.constant 64 : i32
        %add3A_1164 = vector.broadcast %add3A_1163 : i32 to vector<16xi32>
        %add3A_1165 = arith.addi %add3A_1164, %iota3A : vector<16xi32>
        %add3A_1166 = arith.addi %shift_left3A_448, %and3A_1092 : vector<16xi32>
        %gather3A_1167 = arith.constant 1 : i32
        %gather3A_1168 = arith.constant 0 : i32
        %gather3A_1169 = arith.constant 0 : i32
        %gather3A_1170 = tpu.memref_slice %arg7[%gather3A_1167, %gather3A_1168, %gather3A_1169] : memref<2x128x128xf32, #tpu.memory_space<vmem>> -> memref<1x128x128xf32, #tpu.memory_space<vmem>>
        %gather3A_1171 = tpu.memref_squeeze %gather3A_1170 : memref<1x128x128xf32, #tpu.memory_space<vmem>> -> memref<128x128xf32, #tpu.memory_space<vmem>>
        %gather3A_1172 = tpu.vector_load_idx %gather3A_1171[%add3A_1165, %add3A_1166] : memref<128x128xf32, #tpu.memory_space<vmem>>[vector<16xi32>, vector<16xi32>], vector<16xf32>,
        %scatter3A_1173 = arith.constant 1 : i32
        %scatter3A_1174 = arith.constant 0 : i32
        %scatter3A_1175 = arith.constant 0 : i32
        %scatter3A_1176 = arith.constant 0 : i32
        %scatter3A_1177 = tpu.memref_slice %arg8[%scatter3A_1173, %scatter3A_1174, %scatter3A_1175, %scatter3A_1176] : memref<2x8x8x130xf32, #tpu.memory_space<vmem>> -> memref<1x8x8x130xf32, #tpu.memory_space<vmem>>
        %scatter3A_1178 = tpu.memref_squeeze %scatter3A_1177 : memref<1x8x8x130xf32, #tpu.memory_space<vmem>> -> memref<8x8x130xf32, #tpu.memory_space<vmem>>
        tpu.vector_store_idx %scatter3A_1178[%shift_right_arithmetic3A_1095, %and3A_1098, %add3A_1165], %gather3A_1172 : memref<8x8x130xf32, #tpu.memory_space<vmem>>[vector<16xi32>, vector<16xi32>, vector<16xi32>], vector<16xf32>,
        %add3A_1179 = arith.constant 80 : i32
        %add3A_1180 = vector.broadcast %add3A_1179 : i32 to vector<16xi32>
        %add3A_1181 = arith.addi %add3A_1180, %iota3A : vector<16xi32>
        %add3A_1182 = arith.addi %shift_left3A_458, %and3A_1092 : vector<16xi32>
        %gather3A_1183 = arith.constant 1 : i32
        %gather3A_1184 = arith.constant 0 : i32
        %gather3A_1185 = arith.constant 0 : i32
        %gather3A_1186 = tpu.memref_slice %arg7[%gather3A_1183, %gather3A_1184, %gather3A_1185] : memref<2x128x128xf32, #tpu.memory_space<vmem>> -> memref<1x128x128xf32, #tpu.memory_space<vmem>>
        %gather3A_1187 = tpu.memref_squeeze %gather3A_1186 : memref<1x128x128xf32, #tpu.memory_space<vmem>> -> memref<128x128xf32, #tpu.memory_space<vmem>>
        %gather3A_1188 = tpu.vector_load_idx %gather3A_1187[%add3A_1181, %add3A_1182] : memref<128x128xf32, #tpu.memory_space<vmem>>[vector<16xi32>, vector<16xi32>], vector<16xf32>,
        %scatter3A_1189 = arith.constant 1 : i32
        %scatter3A_1190 = arith.constant 0 : i32
        %scatter3A_1191 = arith.constant 0 : i32
        %scatter3A_1192 = arith.constant 0 : i32
        %scatter3A_1193 = tpu.memref_slice %arg8[%scatter3A_1189, %scatter3A_1190, %scatter3A_1191, %scatter3A_1192] : memref<2x8x8x130xf32, #tpu.memory_space<vmem>> -> memref<1x8x8x130xf32, #tpu.memory_space<vmem>>
        %scatter3A_1194 = tpu.memref_squeeze %scatter3A_1193 : memref<1x8x8x130xf32, #tpu.memory_space<vmem>> -> memref<8x8x130xf32, #tpu.memory_space<vmem>>
        tpu.vector_store_idx %scatter3A_1194[%shift_right_arithmetic3A_1095, %and3A_1098, %add3A_1181], %gather3A_1188 : memref<8x8x130xf32, #tpu.memory_space<vmem>>[vector<16xi32>, vector<16xi32>, vector<16xi32>], vector<16xf32>,
        %add3A_1195 = arith.constant 96 : i32
        %add3A_1196 = vector.broadcast %add3A_1195 : i32 to vector<16xi32>
        %add3A_1197 = arith.addi %add3A_1196, %iota3A : vector<16xi32>
        %add3A_1198 = arith.addi %shift_left3A_468, %and3A_1092 : vector<16xi32>
        %gather3A_1199 = arith.constant 1 : i32
        %gather3A_1200 = arith.constant 0 : i32
        %gather3A_1201 = arith.constant 0 : i32
        %gather3A_1202 = tpu.memref_slice %arg7[%gather3A_1199, %gather3A_1200, %gather3A_1201] : memref<2x128x128xf32, #tpu.memory_space<vmem>> -> memref<1x128x128xf32, #tpu.memory_space<vmem>>
        %gather3A_1203 = tpu.memref_squeeze %gather3A_1202 : memref<1x128x128xf32, #tpu.memory_space<vmem>> -> memref<128x128xf32, #tpu.memory_space<vmem>>
        %gather3A_1204 = tpu.vector_load_idx %gather3A_1203[%add3A_1197, %add3A_1198] : memref<128x128xf32, #tpu.memory_space<vmem>>[vector<16xi32>, vector<16xi32>], vector<16xf32>,
        %scatter3A_1205 = arith.constant 1 : i32
        %scatter3A_1206 = arith.constant 0 : i32
        %scatter3A_1207 = arith.constant 0 : i32
        %scatter3A_1208 = arith.constant 0 : i32
        %scatter3A_1209 = tpu.memref_slice %arg8[%scatter3A_1205, %scatter3A_1206, %scatter3A_1207, %scatter3A_1208] : memref<2x8x8x130xf32, #tpu.memory_space<vmem>> -> memref<1x8x8x130xf32, #tpu.memory_space<vmem>>
        %scatter3A_1210 = tpu.memref_squeeze %scatter3A_1209 : memref<1x8x8x130xf32, #tpu.memory_space<vmem>> -> memref<8x8x130xf32, #tpu.memory_space<vmem>>
        tpu.vector_store_idx %scatter3A_1210[%shift_right_arithmetic3A_1095, %and3A_1098, %add3A_1197], %gather3A_1204 : memref<8x8x130xf32, #tpu.memory_space<vmem>>[vector<16xi32>, vector<16xi32>, vector<16xi32>], vector<16xf32>,
        %add3A_1211 = arith.constant 112 : i32
        %add3A_1212 = vector.broadcast %add3A_1211 : i32 to vector<16xi32>
        %add3A_1213 = arith.addi %add3A_1212, %iota3A : vector<16xi32>
        %add3A_1214 = arith.addi %shift_left3A_478, %and3A_1092 : vector<16xi32>
        %gather3A_1215 = arith.constant 1 : i32
        %gather3A_1216 = arith.constant 0 : i32
        %gather3A_1217 = arith.constant 0 : i32
        %gather3A_1218 = tpu.memref_slice %arg7[%gather3A_1215, %gather3A_1216, %gather3A_1217] : memref<2x128x128xf32, #tpu.memory_space<vmem>> -> memref<1x128x128xf32, #tpu.memory_space<vmem>>
        %gather3A_1219 = tpu.memref_squeeze %gather3A_1218 : memref<1x128x128xf32, #tpu.memory_space<vmem>> -> memref<128x128xf32, #tpu.memory_space<vmem>>
        %gather3A_1220 = tpu.vector_load_idx %gather3A_1219[%add3A_1213, %add3A_1214] : memref<128x128xf32, #tpu.memory_space<vmem>>[vector<16xi32>, vector<16xi32>], vector<16xf32>,
        %scatter3A_1221 = arith.constant 1 : i32
        %scatter3A_1222 = arith.constant 0 : i32
        %scatter3A_1223 = arith.constant 0 : i32
        %scatter3A_1224 = arith.constant 0 : i32
        %scatter3A_1225 = tpu.memref_slice %arg8[%scatter3A_1221, %scatter3A_1222, %scatter3A_1223, %scatter3A_1224] : memref<2x8x8x130xf32, #tpu.memory_space<vmem>> -> memref<1x8x8x130xf32, #tpu.memory_space<vmem>>
        %scatter3A_1226 = tpu.memref_squeeze %scatter3A_1225 : memref<1x8x8x130xf32, #tpu.memory_space<vmem>> -> memref<8x8x130xf32, #tpu.memory_space<vmem>>
        tpu.vector_store_idx %scatter3A_1226[%shift_right_arithmetic3A_1095, %and3A_1098, %add3A_1213], %gather3A_1220 : memref<8x8x130xf32, #tpu.memory_space<vmem>>[vector<16xi32>, vector<16xi32>, vector<16xi32>], vector<16xf32>,
        %mul3A_1227 = arith.constant 8 : i32
        %mul3A_1228 = arith.muli %scan3A_514, %mul3A_1227 : i32
        %add3A_1229 = arith.constant 5 : i32
        %add3A_1230 = arith.addi %mul3A_1228, %add3A_1229 : i32
        %add3A_1231 = vector.broadcast %add3A_1230 : i32 to vector<16xi32>
        %add3A_1232 = arith.addi %add3A_1231, %iota3A : vector<16xi32>
        %and3A_1233 = arith.constant 63 : i32
        %and3A_1234 = vector.broadcast %and3A_1233 : i32 to vector<16xi32>
        %and3A_1235 = arith.andi %add3A_1232, %and3A_1234 : vector<16xi32>
        %shift_right_arithmetic3A_1236 = arith.constant 3 : i32
        %shift_right_arithmetic3A_1237 = vector.broadcast %shift_right_arithmetic3A_1236 : i32 to vector<16xi32>
        %shift_right_arithmetic3A_1238 = arith.shrsi %and3A_1235, %shift_right_arithmetic3A_1237 : vector<16xi32>
        %and3A_1239 = arith.constant 7 : i32
        %and3A_1240 = vector.broadcast %and3A_1239 : i32 to vector<16xi32>
        %and3A_1241 = arith.andi %and3A_1235, %and3A_1240 : vector<16xi32>
        %add3A_1242 = arith.constant 0 : i32
        %add3A_1243 = vector.broadcast %add3A_1242 : i32 to vector<16xi32>
        %add3A_1244 = arith.addi %add3A_1243, %iota3A : vector<16xi32>
        %add3A_1245 = arith.addi %shift_left3A_408, %and3A_1235 : vector<16xi32>
        %gather3A_1246 = arith.constant 1 : i32
        %gather3A_1247 = arith.constant 0 : i32
        %gather3A_1248 = arith.constant 0 : i32
        %gather3A_1249 = tpu.memref_slice %arg7[%gather3A_1246, %gather3A_1247, %gather3A_1248] : memref<2x128x128xf32, #tpu.memory_space<vmem>> -> memref<1x128x128xf32, #tpu.memory_space<vmem>>
        %gather3A_1250 = tpu.memref_squeeze %gather3A_1249 : memref<1x128x128xf32, #tpu.memory_space<vmem>> -> memref<128x128xf32, #tpu.memory_space<vmem>>
        %gather3A_1251 = tpu.vector_load_idx %gather3A_1250[%add3A_1244, %add3A_1245] : memref<128x128xf32, #tpu.memory_space<vmem>>[vector<16xi32>, vector<16xi32>], vector<16xf32>,
        %scatter3A_1252 = arith.constant 1 : i32
        %scatter3A_1253 = arith.constant 0 : i32
        %scatter3A_1254 = arith.constant 0 : i32
        %scatter3A_1255 = arith.constant 0 : i32
        %scatter3A_1256 = tpu.memref_slice %arg8[%scatter3A_1252, %scatter3A_1253, %scatter3A_1254, %scatter3A_1255] : memref<2x8x8x130xf32, #tpu.memory_space<vmem>> -> memref<1x8x8x130xf32, #tpu.memory_space<vmem>>
        %scatter3A_1257 = tpu.memref_squeeze %scatter3A_1256 : memref<1x8x8x130xf32, #tpu.memory_space<vmem>> -> memref<8x8x130xf32, #tpu.memory_space<vmem>>
        tpu.vector_store_idx %scatter3A_1257[%shift_right_arithmetic3A_1238, %and3A_1241, %add3A_1244], %gather3A_1251 : memref<8x8x130xf32, #tpu.memory_space<vmem>>[vector<16xi32>, vector<16xi32>, vector<16xi32>], vector<16xf32>,
        %add3A_1258 = arith.constant 16 : i32
        %add3A_1259 = vector.broadcast %add3A_1258 : i32 to vector<16xi32>
        %add3A_1260 = arith.addi %add3A_1259, %iota3A : vector<16xi32>
        %add3A_1261 = arith.addi %shift_left3A_418, %and3A_1235 : vector<16xi32>
        %gather3A_1262 = arith.constant 1 : i32
        %gather3A_1263 = arith.constant 0 : i32
        %gather3A_1264 = arith.constant 0 : i32
        %gather3A_1265 = tpu.memref_slice %arg7[%gather3A_1262, %gather3A_1263, %gather3A_1264] : memref<2x128x128xf32, #tpu.memory_space<vmem>> -> memref<1x128x128xf32, #tpu.memory_space<vmem>>
        %gather3A_1266 = tpu.memref_squeeze %gather3A_1265 : memref<1x128x128xf32, #tpu.memory_space<vmem>> -> memref<128x128xf32, #tpu.memory_space<vmem>>
        %gather3A_1267 = tpu.vector_load_idx %gather3A_1266[%add3A_1260, %add3A_1261] : memref<128x128xf32, #tpu.memory_space<vmem>>[vector<16xi32>, vector<16xi32>], vector<16xf32>,
        %scatter3A_1268 = arith.constant 1 : i32
        %scatter3A_1269 = arith.constant 0 : i32
        %scatter3A_1270 = arith.constant 0 : i32
        %scatter3A_1271 = arith.constant 0 : i32
        %scatter3A_1272 = tpu.memref_slice %arg8[%scatter3A_1268, %scatter3A_1269, %scatter3A_1270, %scatter3A_1271] : memref<2x8x8x130xf32, #tpu.memory_space<vmem>> -> memref<1x8x8x130xf32, #tpu.memory_space<vmem>>
        %scatter3A_1273 = tpu.memref_squeeze %scatter3A_1272 : memref<1x8x8x130xf32, #tpu.memory_space<vmem>> -> memref<8x8x130xf32, #tpu.memory_space<vmem>>
        tpu.vector_store_idx %scatter3A_1273[%shift_right_arithmetic3A_1238, %and3A_1241, %add3A_1260], %gather3A_1267 : memref<8x8x130xf32, #tpu.memory_space<vmem>>[vector<16xi32>, vector<16xi32>, vector<16xi32>], vector<16xf32>,
        %add3A_1274 = arith.constant 32 : i32
        %add3A_1275 = vector.broadcast %add3A_1274 : i32 to vector<16xi32>
        %add3A_1276 = arith.addi %add3A_1275, %iota3A : vector<16xi32>
        %add3A_1277 = arith.addi %shift_left3A_428, %and3A_1235 : vector<16xi32>
        %gather3A_1278 = arith.constant 1 : i32
        %gather3A_1279 = arith.constant 0 : i32
        %gather3A_1280 = arith.constant 0 : i32
        %gather3A_1281 = tpu.memref_slice %arg7[%gather3A_1278, %gather3A_1279, %gather3A_1280] : memref<2x128x128xf32, #tpu.memory_space<vmem>> -> memref<1x128x128xf32, #tpu.memory_space<vmem>>
        %gather3A_1282 = tpu.memref_squeeze %gather3A_1281 : memref<1x128x128xf32, #tpu.memory_space<vmem>> -> memref<128x128xf32, #tpu.memory_space<vmem>>
        %gather3A_1283 = tpu.vector_load_idx %gather3A_1282[%add3A_1276, %add3A_1277] : memref<128x128xf32, #tpu.memory_space<vmem>>[vector<16xi32>, vector<16xi32>], vector<16xf32>,
        %scatter3A_1284 = arith.constant 1 : i32
        %scatter3A_1285 = arith.constant 0 : i32
        %scatter3A_1286 = arith.constant 0 : i32
        %scatter3A_1287 = arith.constant 0 : i32
        %scatter3A_1288 = tpu.memref_slice %arg8[%scatter3A_1284, %scatter3A_1285, %scatter3A_1286, %scatter3A_1287] : memref<2x8x8x130xf32, #tpu.memory_space<vmem>> -> memref<1x8x8x130xf32, #tpu.memory_space<vmem>>
        %scatter3A_1289 = tpu.memref_squeeze %scatter3A_1288 : memref<1x8x8x130xf32, #tpu.memory_space<vmem>> -> memref<8x8x130xf32, #tpu.memory_space<vmem>>
        tpu.vector_store_idx %scatter3A_1289[%shift_right_arithmetic3A_1238, %and3A_1241, %add3A_1276], %gather3A_1283 : memref<8x8x130xf32, #tpu.memory_space<vmem>>[vector<16xi32>, vector<16xi32>, vector<16xi32>], vector<16xf32>,
        %add3A_1290 = arith.constant 48 : i32
        %add3A_1291 = vector.broadcast %add3A_1290 : i32 to vector<16xi32>
        %add3A_1292 = arith.addi %add3A_1291, %iota3A : vector<16xi32>
        %add3A_1293 = arith.addi %shift_left3A_438, %and3A_1235 : vector<16xi32>
        %gather3A_1294 = arith.constant 1 : i32
        %gather3A_1295 = arith.constant 0 : i32
        %gather3A_1296 = arith.constant 0 : i32
        %gather3A_1297 = tpu.memref_slice %arg7[%gather3A_1294, %gather3A_1295, %gather3A_1296] : memref<2x128x128xf32, #tpu.memory_space<vmem>> -> memref<1x128x128xf32, #tpu.memory_space<vmem>>
        %gather3A_1298 = tpu.memref_squeeze %gather3A_1297 : memref<1x128x128xf32, #tpu.memory_space<vmem>> -> memref<128x128xf32, #tpu.memory_space<vmem>>
        %gather3A_1299 = tpu.vector_load_idx %gather3A_1298[%add3A_1292, %add3A_1293] : memref<128x128xf32, #tpu.memory_space<vmem>>[vector<16xi32>, vector<16xi32>], vector<16xf32>,
        %scatter3A_1300 = arith.constant 1 : i32
        %scatter3A_1301 = arith.constant 0 : i32
        %scatter3A_1302 = arith.constant 0 : i32
        %scatter3A_1303 = arith.constant 0 : i32
        %scatter3A_1304 = tpu.memref_slice %arg8[%scatter3A_1300, %scatter3A_1301, %scatter3A_1302, %scatter3A_1303] : memref<2x8x8x130xf32, #tpu.memory_space<vmem>> -> memref<1x8x8x130xf32, #tpu.memory_space<vmem>>
        %scatter3A_1305 = tpu.memref_squeeze %scatter3A_1304 : memref<1x8x8x130xf32, #tpu.memory_space<vmem>> -> memref<8x8x130xf32, #tpu.memory_space<vmem>>
        tpu.vector_store_idx %scatter3A_1305[%shift_right_arithmetic3A_1238, %and3A_1241, %add3A_1292], %gather3A_1299 : memref<8x8x130xf32, #tpu.memory_space<vmem>>[vector<16xi32>, vector<16xi32>, vector<16xi32>], vector<16xf32>,
        %add3A_1306 = arith.constant 64 : i32
        %add3A_1307 = vector.broadcast %add3A_1306 : i32 to vector<16xi32>
        %add3A_1308 = arith.addi %add3A_1307, %iota3A : vector<16xi32>
        %add3A_1309 = arith.addi %shift_left3A_448, %and3A_1235 : vector<16xi32>
        %gather3A_1310 = arith.constant 1 : i32
        %gather3A_1311 = arith.constant 0 : i32
        %gather3A_1312 = arith.constant 0 : i32
        %gather3A_1313 = tpu.memref_slice %arg7[%gather3A_1310, %gather3A_1311, %gather3A_1312] : memref<2x128x128xf32, #tpu.memory_space<vmem>> -> memref<1x128x128xf32, #tpu.memory_space<vmem>>
        %gather3A_1314 = tpu.memref_squeeze %gather3A_1313 : memref<1x128x128xf32, #tpu.memory_space<vmem>> -> memref<128x128xf32, #tpu.memory_space<vmem>>
        %gather3A_1315 = tpu.vector_load_idx %gather3A_1314[%add3A_1308, %add3A_1309] : memref<128x128xf32, #tpu.memory_space<vmem>>[vector<16xi32>, vector<16xi32>], vector<16xf32>,
        %scatter3A_1316 = arith.constant 1 : i32
        %scatter3A_1317 = arith.constant 0 : i32
        %scatter3A_1318 = arith.constant 0 : i32
        %scatter3A_1319 = arith.constant 0 : i32
        %scatter3A_1320 = tpu.memref_slice %arg8[%scatter3A_1316, %scatter3A_1317, %scatter3A_1318, %scatter3A_1319] : memref<2x8x8x130xf32, #tpu.memory_space<vmem>> -> memref<1x8x8x130xf32, #tpu.memory_space<vmem>>
        %scatter3A_1321 = tpu.memref_squeeze %scatter3A_1320 : memref<1x8x8x130xf32, #tpu.memory_space<vmem>> -> memref<8x8x130xf32, #tpu.memory_space<vmem>>
        tpu.vector_store_idx %scatter3A_1321[%shift_right_arithmetic3A_1238, %and3A_1241, %add3A_1308], %gather3A_1315 : memref<8x8x130xf32, #tpu.memory_space<vmem>>[vector<16xi32>, vector<16xi32>, vector<16xi32>], vector<16xf32>,
        %add3A_1322 = arith.constant 80 : i32
        %add3A_1323 = vector.broadcast %add3A_1322 : i32 to vector<16xi32>
        %add3A_1324 = arith.addi %add3A_1323, %iota3A : vector<16xi32>
        %add3A_1325 = arith.addi %shift_left3A_458, %and3A_1235 : vector<16xi32>
        %gather3A_1326 = arith.constant 1 : i32
        %gather3A_1327 = arith.constant 0 : i32
        %gather3A_1328 = arith.constant 0 : i32
        %gather3A_1329 = tpu.memref_slice %arg7[%gather3A_1326, %gather3A_1327, %gather3A_1328] : memref<2x128x128xf32, #tpu.memory_space<vmem>> -> memref<1x128x128xf32, #tpu.memory_space<vmem>>
        %gather3A_1330 = tpu.memref_squeeze %gather3A_1329 : memref<1x128x128xf32, #tpu.memory_space<vmem>> -> memref<128x128xf32, #tpu.memory_space<vmem>>
        %gather3A_1331 = tpu.vector_load_idx %gather3A_1330[%add3A_1324, %add3A_1325] : memref<128x128xf32, #tpu.memory_space<vmem>>[vector<16xi32>, vector<16xi32>], vector<16xf32>,
        %scatter3A_1332 = arith.constant 1 : i32
        %scatter3A_1333 = arith.constant 0 : i32
        %scatter3A_1334 = arith.constant 0 : i32
        %scatter3A_1335 = arith.constant 0 : i32
        %scatter3A_1336 = tpu.memref_slice %arg8[%scatter3A_1332, %scatter3A_1333, %scatter3A_1334, %scatter3A_1335] : memref<2x8x8x130xf32, #tpu.memory_space<vmem>> -> memref<1x8x8x130xf32, #tpu.memory_space<vmem>>
        %scatter3A_1337 = tpu.memref_squeeze %scatter3A_1336 : memref<1x8x8x130xf32, #tpu.memory_space<vmem>> -> memref<8x8x130xf32, #tpu.memory_space<vmem>>
        tpu.vector_store_idx %scatter3A_1337[%shift_right_arithmetic3A_1238, %and3A_1241, %add3A_1324], %gather3A_1331 : memref<8x8x130xf32, #tpu.memory_space<vmem>>[vector<16xi32>, vector<16xi32>, vector<16xi32>], vector<16xf32>,
        %add3A_1338 = arith.constant 96 : i32
        %add3A_1339 = vector.broadcast %add3A_1338 : i32 to vector<16xi32>
        %add3A_1340 = arith.addi %add3A_1339, %iota3A : vector<16xi32>
        %add3A_1341 = arith.addi %shift_left3A_468, %and3A_1235 : vector<16xi32>
        %gather3A_1342 = arith.constant 1 : i32
        %gather3A_1343 = arith.constant 0 : i32
        %gather3A_1344 = arith.constant 0 : i32
        %gather3A_1345 = tpu.memref_slice %arg7[%gather3A_1342, %gather3A_1343, %gather3A_1344] : memref<2x128x128xf32, #tpu.memory_space<vmem>> -> memref<1x128x128xf32, #tpu.memory_space<vmem>>
        %gather3A_1346 = tpu.memref_squeeze %gather3A_1345 : memref<1x128x128xf32, #tpu.memory_space<vmem>> -> memref<128x128xf32, #tpu.memory_space<vmem>>
        %gather3A_1347 = tpu.vector_load_idx %gather3A_1346[%add3A_1340, %add3A_1341] : memref<128x128xf32, #tpu.memory_space<vmem>>[vector<16xi32>, vector<16xi32>], vector<16xf32>,
        %scatter3A_1348 = arith.constant 1 : i32
        %scatter3A_1349 = arith.constant 0 : i32
        %scatter3A_1350 = arith.constant 0 : i32
        %scatter3A_1351 = arith.constant 0 : i32
        %scatter3A_1352 = tpu.memref_slice %arg8[%scatter3A_1348, %scatter3A_1349, %scatter3A_1350, %scatter3A_1351] : memref<2x8x8x130xf32, #tpu.memory_space<vmem>> -> memref<1x8x8x130xf32, #tpu.memory_space<vmem>>
        %scatter3A_1353 = tpu.memref_squeeze %scatter3A_1352 : memref<1x8x8x130xf32, #tpu.memory_space<vmem>> -> memref<8x8x130xf32, #tpu.memory_space<vmem>>
        tpu.vector_store_idx %scatter3A_1353[%shift_right_arithmetic3A_1238, %and3A_1241, %add3A_1340], %gather3A_1347 : memref<8x8x130xf32, #tpu.memory_space<vmem>>[vector<16xi32>, vector<16xi32>, vector<16xi32>], vector<16xf32>,
        %add3A_1354 = arith.constant 112 : i32
        %add3A_1355 = vector.broadcast %add3A_1354 : i32 to vector<16xi32>
        %add3A_1356 = arith.addi %add3A_1355, %iota3A : vector<16xi32>
        %add3A_1357 = arith.addi %shift_left3A_478, %and3A_1235 : vector<16xi32>
        %gather3A_1358 = arith.constant 1 : i32
        %gather3A_1359 = arith.constant 0 : i32
        %gather3A_1360 = arith.constant 0 : i32
        %gather3A_1361 = tpu.memref_slice %arg7[%gather3A_1358, %gather3A_1359, %gather3A_1360] : memref<2x128x128xf32, #tpu.memory_space<vmem>> -> memref<1x128x128xf32, #tpu.memory_space<vmem>>
        %gather3A_1362 = tpu.memref_squeeze %gather3A_1361 : memref<1x128x128xf32, #tpu.memory_space<vmem>> -> memref<128x128xf32, #tpu.memory_space<vmem>>
        %gather3A_1363 = tpu.vector_load_idx %gather3A_1362[%add3A_1356, %add3A_1357] : memref<128x128xf32, #tpu.memory_space<vmem>>[vector<16xi32>, vector<16xi32>], vector<16xf32>,
        %scatter3A_1364 = arith.constant 1 : i32
        %scatter3A_1365 = arith.constant 0 : i32
        %scatter3A_1366 = arith.constant 0 : i32
        %scatter3A_1367 = arith.constant 0 : i32
        %scatter3A_1368 = tpu.memref_slice %arg8[%scatter3A_1364, %scatter3A_1365, %scatter3A_1366, %scatter3A_1367] : memref<2x8x8x130xf32, #tpu.memory_space<vmem>> -> memref<1x8x8x130xf32, #tpu.memory_space<vmem>>
        %scatter3A_1369 = tpu.memref_squeeze %scatter3A_1368 : memref<1x8x8x130xf32, #tpu.memory_space<vmem>> -> memref<8x8x130xf32, #tpu.memory_space<vmem>>
        tpu.vector_store_idx %scatter3A_1369[%shift_right_arithmetic3A_1238, %and3A_1241, %add3A_1356], %gather3A_1363 : memref<8x8x130xf32, #tpu.memory_space<vmem>>[vector<16xi32>, vector<16xi32>, vector<16xi32>], vector<16xf32>,
        %mul3A_1370 = arith.constant 8 : i32
        %mul3A_1371 = arith.muli %scan3A_514, %mul3A_1370 : i32
        %add3A_1372 = arith.constant 6 : i32
        %add3A_1373 = arith.addi %mul3A_1371, %add3A_1372 : i32
        %add3A_1374 = vector.broadcast %add3A_1373 : i32 to vector<16xi32>
        %add3A_1375 = arith.addi %add3A_1374, %iota3A : vector<16xi32>
        %and3A_1376 = arith.constant 63 : i32
        %and3A_1377 = vector.broadcast %and3A_1376 : i32 to vector<16xi32>
        %and3A_1378 = arith.andi %add3A_1375, %and3A_1377 : vector<16xi32>
        %shift_right_arithmetic3A_1379 = arith.constant 3 : i32
        %shift_right_arithmetic3A_1380 = vector.broadcast %shift_right_arithmetic3A_1379 : i32 to vector<16xi32>
        %shift_right_arithmetic3A_1381 = arith.shrsi %and3A_1378, %shift_right_arithmetic3A_1380 : vector<16xi32>
        %and3A_1382 = arith.constant 7 : i32
        %and3A_1383 = vector.broadcast %and3A_1382 : i32 to vector<16xi32>
        %and3A_1384 = arith.andi %and3A_1378, %and3A_1383 : vector<16xi32>
        %add3A_1385 = arith.constant 0 : i32
        %add3A_1386 = vector.broadcast %add3A_1385 : i32 to vector<16xi32>
        %add3A_1387 = arith.addi %add3A_1386, %iota3A : vector<16xi32>
        %add3A_1388 = arith.addi %shift_left3A_408, %and3A_1378 : vector<16xi32>
        %gather3A_1389 = arith.constant 1 : i32
        %gather3A_1390 = arith.constant 0 : i32
        %gather3A_1391 = arith.constant 0 : i32
        %gather3A_1392 = tpu.memref_slice %arg7[%gather3A_1389, %gather3A_1390, %gather3A_1391] : memref<2x128x128xf32, #tpu.memory_space<vmem>> -> memref<1x128x128xf32, #tpu.memory_space<vmem>>
        %gather3A_1393 = tpu.memref_squeeze %gather3A_1392 : memref<1x128x128xf32, #tpu.memory_space<vmem>> -> memref<128x128xf32, #tpu.memory_space<vmem>>
        %gather3A_1394 = tpu.vector_load_idx %gather3A_1393[%add3A_1387, %add3A_1388] : memref<128x128xf32, #tpu.memory_space<vmem>>[vector<16xi32>, vector<16xi32>], vector<16xf32>,
        %scatter3A_1395 = arith.constant 1 : i32
        %scatter3A_1396 = arith.constant 0 : i32
        %scatter3A_1397 = arith.constant 0 : i32
        %scatter3A_1398 = arith.constant 0 : i32
        %scatter3A_1399 = tpu.memref_slice %arg8[%scatter3A_1395, %scatter3A_1396, %scatter3A_1397, %scatter3A_1398] : memref<2x8x8x130xf32, #tpu.memory_space<vmem>> -> memref<1x8x8x130xf32, #tpu.memory_space<vmem>>
        %scatter3A_1400 = tpu.memref_squeeze %scatter3A_1399 : memref<1x8x8x130xf32, #tpu.memory_space<vmem>> -> memref<8x8x130xf32, #tpu.memory_space<vmem>>
        tpu.vector_store_idx %scatter3A_1400[%shift_right_arithmetic3A_1381, %and3A_1384, %add3A_1387], %gather3A_1394 : memref<8x8x130xf32, #tpu.memory_space<vmem>>[vector<16xi32>, vector<16xi32>, vector<16xi32>], vector<16xf32>,
        %add3A_1401 = arith.constant 16 : i32
        %add3A_1402 = vector.broadcast %add3A_1401 : i32 to vector<16xi32>
        %add3A_1403 = arith.addi %add3A_1402, %iota3A : vector<16xi32>
        %add3A_1404 = arith.addi %shift_left3A_418, %and3A_1378 : vector<16xi32>
        %gather3A_1405 = arith.constant 1 : i32
        %gather3A_1406 = arith.constant 0 : i32
        %gather3A_1407 = arith.constant 0 : i32
        %gather3A_1408 = tpu.memref_slice %arg7[%gather3A_1405, %gather3A_1406, %gather3A_1407] : memref<2x128x128xf32, #tpu.memory_space<vmem>> -> memref<1x128x128xf32, #tpu.memory_space<vmem>>
        %gather3A_1409 = tpu.memref_squeeze %gather3A_1408 : memref<1x128x128xf32, #tpu.memory_space<vmem>> -> memref<128x128xf32, #tpu.memory_space<vmem>>
        %gather3A_1410 = tpu.vector_load_idx %gather3A_1409[%add3A_1403, %add3A_1404] : memref<128x128xf32, #tpu.memory_space<vmem>>[vector<16xi32>, vector<16xi32>], vector<16xf32>,
        %scatter3A_1411 = arith.constant 1 : i32
        %scatter3A_1412 = arith.constant 0 : i32
        %scatter3A_1413 = arith.constant 0 : i32
        %scatter3A_1414 = arith.constant 0 : i32
        %scatter3A_1415 = tpu.memref_slice %arg8[%scatter3A_1411, %scatter3A_1412, %scatter3A_1413, %scatter3A_1414] : memref<2x8x8x130xf32, #tpu.memory_space<vmem>> -> memref<1x8x8x130xf32, #tpu.memory_space<vmem>>
        %scatter3A_1416 = tpu.memref_squeeze %scatter3A_1415 : memref<1x8x8x130xf32, #tpu.memory_space<vmem>> -> memref<8x8x130xf32, #tpu.memory_space<vmem>>
        tpu.vector_store_idx %scatter3A_1416[%shift_right_arithmetic3A_1381, %and3A_1384, %add3A_1403], %gather3A_1410 : memref<8x8x130xf32, #tpu.memory_space<vmem>>[vector<16xi32>, vector<16xi32>, vector<16xi32>], vector<16xf32>,
        %add3A_1417 = arith.constant 32 : i32
        %add3A_1418 = vector.broadcast %add3A_1417 : i32 to vector<16xi32>
        %add3A_1419 = arith.addi %add3A_1418, %iota3A : vector<16xi32>
        %add3A_1420 = arith.addi %shift_left3A_428, %and3A_1378 : vector<16xi32>
        %gather3A_1421 = arith.constant 1 : i32
        %gather3A_1422 = arith.constant 0 : i32
        %gather3A_1423 = arith.constant 0 : i32
        %gather3A_1424 = tpu.memref_slice %arg7[%gather3A_1421, %gather3A_1422, %gather3A_1423] : memref<2x128x128xf32, #tpu.memory_space<vmem>> -> memref<1x128x128xf32, #tpu.memory_space<vmem>>
        %gather3A_1425 = tpu.memref_squeeze %gather3A_1424 : memref<1x128x128xf32, #tpu.memory_space<vmem>> -> memref<128x128xf32, #tpu.memory_space<vmem>>
        %gather3A_1426 = tpu.vector_load_idx %gather3A_1425[%add3A_1419, %add3A_1420] : memref<128x128xf32, #tpu.memory_space<vmem>>[vector<16xi32>, vector<16xi32>], vector<16xf32>,
        %scatter3A_1427 = arith.constant 1 : i32
        %scatter3A_1428 = arith.constant 0 : i32
        %scatter3A_1429 = arith.constant 0 : i32
        %scatter3A_1430 = arith.constant 0 : i32
        %scatter3A_1431 = tpu.memref_slice %arg8[%scatter3A_1427, %scatter3A_1428, %scatter3A_1429, %scatter3A_1430] : memref<2x8x8x130xf32, #tpu.memory_space<vmem>> -> memref<1x8x8x130xf32, #tpu.memory_space<vmem>>
        %scatter3A_1432 = tpu.memref_squeeze %scatter3A_1431 : memref<1x8x8x130xf32, #tpu.memory_space<vmem>> -> memref<8x8x130xf32, #tpu.memory_space<vmem>>
        tpu.vector_store_idx %scatter3A_1432[%shift_right_arithmetic3A_1381, %and3A_1384, %add3A_1419], %gather3A_1426 : memref<8x8x130xf32, #tpu.memory_space<vmem>>[vector<16xi32>, vector<16xi32>, vector<16xi32>], vector<16xf32>,
        %add3A_1433 = arith.constant 48 : i32
        %add3A_1434 = vector.broadcast %add3A_1433 : i32 to vector<16xi32>
        %add3A_1435 = arith.addi %add3A_1434, %iota3A : vector<16xi32>
        %add3A_1436 = arith.addi %shift_left3A_438, %and3A_1378 : vector<16xi32>
        %gather3A_1437 = arith.constant 1 : i32
        %gather3A_1438 = arith.constant 0 : i32
        %gather3A_1439 = arith.constant 0 : i32
        %gather3A_1440 = tpu.memref_slice %arg7[%gather3A_1437, %gather3A_1438, %gather3A_1439] : memref<2x128x128xf32, #tpu.memory_space<vmem>> -> memref<1x128x128xf32, #tpu.memory_space<vmem>>
        %gather3A_1441 = tpu.memref_squeeze %gather3A_1440 : memref<1x128x128xf32, #tpu.memory_space<vmem>> -> memref<128x128xf32, #tpu.memory_space<vmem>>
        %gather3A_1442 = tpu.vector_load_idx %gather3A_1441[%add3A_1435, %add3A_1436] : memref<128x128xf32, #tpu.memory_space<vmem>>[vector<16xi32>, vector<16xi32>], vector<16xf32>,
        %scatter3A_1443 = arith.constant 1 : i32
        %scatter3A_1444 = arith.constant 0 : i32
        %scatter3A_1445 = arith.constant 0 : i32
        %scatter3A_1446 = arith.constant 0 : i32
        %scatter3A_1447 = tpu.memref_slice %arg8[%scatter3A_1443, %scatter3A_1444, %scatter3A_1445, %scatter3A_1446] : memref<2x8x8x130xf32, #tpu.memory_space<vmem>> -> memref<1x8x8x130xf32, #tpu.memory_space<vmem>>
        %scatter3A_1448 = tpu.memref_squeeze %scatter3A_1447 : memref<1x8x8x130xf32, #tpu.memory_space<vmem>> -> memref<8x8x130xf32, #tpu.memory_space<vmem>>
        tpu.vector_store_idx %scatter3A_1448[%shift_right_arithmetic3A_1381, %and3A_1384, %add3A_1435], %gather3A_1442 : memref<8x8x130xf32, #tpu.memory_space<vmem>>[vector<16xi32>, vector<16xi32>, vector<16xi32>], vector<16xf32>,
        %add3A_1449 = arith.constant 64 : i32
        %add3A_1450 = vector.broadcast %add3A_1449 : i32 to vector<16xi32>
        %add3A_1451 = arith.addi %add3A_1450, %iota3A : vector<16xi32>
        %add3A_1452 = arith.addi %shift_left3A_448, %and3A_1378 : vector<16xi32>
        %gather3A_1453 = arith.constant 1 : i32
        %gather3A_1454 = arith.constant 0 : i32
        %gather3A_1455 = arith.constant 0 : i32
        %gather3A_1456 = tpu.memref_slice %arg7[%gather3A_1453, %gather3A_1454, %gather3A_1455] : memref<2x128x128xf32, #tpu.memory_space<vmem>> -> memref<1x128x128xf32, #tpu.memory_space<vmem>>
        %gather3A_1457 = tpu.memref_squeeze %gather3A_1456 : memref<1x128x128xf32, #tpu.memory_space<vmem>> -> memref<128x128xf32, #tpu.memory_space<vmem>>
        %gather3A_1458 = tpu.vector_load_idx %gather3A_1457[%add3A_1451, %add3A_1452] : memref<128x128xf32, #tpu.memory_space<vmem>>[vector<16xi32>, vector<16xi32>], vector<16xf32>,
        %scatter3A_1459 = arith.constant 1 : i32
        %scatter3A_1460 = arith.constant 0 : i32
        %scatter3A_1461 = arith.constant 0 : i32
        %scatter3A_1462 = arith.constant 0 : i32
        %scatter3A_1463 = tpu.memref_slice %arg8[%scatter3A_1459, %scatter3A_1460, %scatter3A_1461, %scatter3A_1462] : memref<2x8x8x130xf32, #tpu.memory_space<vmem>> -> memref<1x8x8x130xf32, #tpu.memory_space<vmem>>
        %scatter3A_1464 = tpu.memref_squeeze %scatter3A_1463 : memref<1x8x8x130xf32, #tpu.memory_space<vmem>> -> memref<8x8x130xf32, #tpu.memory_space<vmem>>
        tpu.vector_store_idx %scatter3A_1464[%shift_right_arithmetic3A_1381, %and3A_1384, %add3A_1451], %gather3A_1458 : memref<8x8x130xf32, #tpu.memory_space<vmem>>[vector<16xi32>, vector<16xi32>, vector<16xi32>], vector<16xf32>,
        %add3A_1465 = arith.constant 80 : i32
        %add3A_1466 = vector.broadcast %add3A_1465 : i32 to vector<16xi32>
        %add3A_1467 = arith.addi %add3A_1466, %iota3A : vector<16xi32>
        %add3A_1468 = arith.addi %shift_left3A_458, %and3A_1378 : vector<16xi32>
        %gather3A_1469 = arith.constant 1 : i32
        %gather3A_1470 = arith.constant 0 : i32
        %gather3A_1471 = arith.constant 0 : i32
        %gather3A_1472 = tpu.memref_slice %arg7[%gather3A_1469, %gather3A_1470, %gather3A_1471] : memref<2x128x128xf32, #tpu.memory_space<vmem>> -> memref<1x128x128xf32, #tpu.memory_space<vmem>>
        %gather3A_1473 = tpu.memref_squeeze %gather3A_1472 : memref<1x128x128xf32, #tpu.memory_space<vmem>> -> memref<128x128xf32, #tpu.memory_space<vmem>>
        %gather3A_1474 = tpu.vector_load_idx %gather3A_1473[%add3A_1467, %add3A_1468] : memref<128x128xf32, #tpu.memory_space<vmem>>[vector<16xi32>, vector<16xi32>], vector<16xf32>,
        %scatter3A_1475 = arith.constant 1 : i32
        %scatter3A_1476 = arith.constant 0 : i32
        %scatter3A_1477 = arith.constant 0 : i32
        %scatter3A_1478 = arith.constant 0 : i32
        %scatter3A_1479 = tpu.memref_slice %arg8[%scatter3A_1475, %scatter3A_1476, %scatter3A_1477, %scatter3A_1478] : memref<2x8x8x130xf32, #tpu.memory_space<vmem>> -> memref<1x8x8x130xf32, #tpu.memory_space<vmem>>
        %scatter3A_1480 = tpu.memref_squeeze %scatter3A_1479 : memref<1x8x8x130xf32, #tpu.memory_space<vmem>> -> memref<8x8x130xf32, #tpu.memory_space<vmem>>
        tpu.vector_store_idx %scatter3A_1480[%shift_right_arithmetic3A_1381, %and3A_1384, %add3A_1467], %gather3A_1474 : memref<8x8x130xf32, #tpu.memory_space<vmem>>[vector<16xi32>, vector<16xi32>, vector<16xi32>], vector<16xf32>,
        %add3A_1481 = arith.constant 96 : i32
        %add3A_1482 = vector.broadcast %add3A_1481 : i32 to vector<16xi32>
        %add3A_1483 = arith.addi %add3A_1482, %iota3A : vector<16xi32>
        %add3A_1484 = arith.addi %shift_left3A_468, %and3A_1378 : vector<16xi32>
        %gather3A_1485 = arith.constant 1 : i32
        %gather3A_1486 = arith.constant 0 : i32
        %gather3A_1487 = arith.constant 0 : i32
        %gather3A_1488 = tpu.memref_slice %arg7[%gather3A_1485, %gather3A_1486, %gather3A_1487] : memref<2x128x128xf32, #tpu.memory_space<vmem>> -> memref<1x128x128xf32, #tpu.memory_space<vmem>>
        %gather3A_1489 = tpu.memref_squeeze %gather3A_1488 : memref<1x128x128xf32, #tpu.memory_space<vmem>> -> memref<128x128xf32, #tpu.memory_space<vmem>>
        %gather3A_1490 = tpu.vector_load_idx %gather3A_1489[%add3A_1483, %add3A_1484] : memref<128x128xf32, #tpu.memory_space<vmem>>[vector<16xi32>, vector<16xi32>], vector<16xf32>,
        %scatter3A_1491 = arith.constant 1 : i32
        %scatter3A_1492 = arith.constant 0 : i32
        %scatter3A_1493 = arith.constant 0 : i32
        %scatter3A_1494 = arith.constant 0 : i32
        %scatter3A_1495 = tpu.memref_slice %arg8[%scatter3A_1491, %scatter3A_1492, %scatter3A_1493, %scatter3A_1494] : memref<2x8x8x130xf32, #tpu.memory_space<vmem>> -> memref<1x8x8x130xf32, #tpu.memory_space<vmem>>
        %scatter3A_1496 = tpu.memref_squeeze %scatter3A_1495 : memref<1x8x8x130xf32, #tpu.memory_space<vmem>> -> memref<8x8x130xf32, #tpu.memory_space<vmem>>
        tpu.vector_store_idx %scatter3A_1496[%shift_right_arithmetic3A_1381, %and3A_1384, %add3A_1483], %gather3A_1490 : memref<8x8x130xf32, #tpu.memory_space<vmem>>[vector<16xi32>, vector<16xi32>, vector<16xi32>], vector<16xf32>,
        %add3A_1497 = arith.constant 112 : i32
        %add3A_1498 = vector.broadcast %add3A_1497 : i32 to vector<16xi32>
        %add3A_1499 = arith.addi %add3A_1498, %iota3A : vector<16xi32>
        %add3A_1500 = arith.addi %shift_left3A_478, %and3A_1378 : vector<16xi32>
        %gather3A_1501 = arith.constant 1 : i32
        %gather3A_1502 = arith.constant 0 : i32
        %gather3A_1503 = arith.constant 0 : i32
        %gather3A_1504 = tpu.memref_slice %arg7[%gather3A_1501, %gather3A_1502, %gather3A_1503] : memref<2x128x128xf32, #tpu.memory_space<vmem>> -> memref<1x128x128xf32, #tpu.memory_space<vmem>>
        %gather3A_1505 = tpu.memref_squeeze %gather3A_1504 : memref<1x128x128xf32, #tpu.memory_space<vmem>> -> memref<128x128xf32, #tpu.memory_space<vmem>>
        %gather3A_1506 = tpu.vector_load_idx %gather3A_1505[%add3A_1499, %add3A_1500] : memref<128x128xf32, #tpu.memory_space<vmem>>[vector<16xi32>, vector<16xi32>], vector<16xf32>,
        %scatter3A_1507 = arith.constant 1 : i32
        %scatter3A_1508 = arith.constant 0 : i32
        %scatter3A_1509 = arith.constant 0 : i32
        %scatter3A_1510 = arith.constant 0 : i32
        %scatter3A_1511 = tpu.memref_slice %arg8[%scatter3A_1507, %scatter3A_1508, %scatter3A_1509, %scatter3A_1510] : memref<2x8x8x130xf32, #tpu.memory_space<vmem>> -> memref<1x8x8x130xf32, #tpu.memory_space<vmem>>
        %scatter3A_1512 = tpu.memref_squeeze %scatter3A_1511 : memref<1x8x8x130xf32, #tpu.memory_space<vmem>> -> memref<8x8x130xf32, #tpu.memory_space<vmem>>
        tpu.vector_store_idx %scatter3A_1512[%shift_right_arithmetic3A_1381, %and3A_1384, %add3A_1499], %gather3A_1506 : memref<8x8x130xf32, #tpu.memory_space<vmem>>[vector<16xi32>, vector<16xi32>, vector<16xi32>], vector<16xf32>,
        %mul3A_1513 = arith.constant 8 : i32
        %mul3A_1514 = arith.muli %scan3A_514, %mul3A_1513 : i32
        %add3A_1515 = arith.constant 7 : i32
        %add3A_1516 = arith.addi %mul3A_1514, %add3A_1515 : i32
        %add3A_1517 = vector.broadcast %add3A_1516 : i32 to vector<16xi32>
        %add3A_1518 = arith.addi %add3A_1517, %iota3A : vector<16xi32>
        %and3A_1519 = arith.constant 63 : i32
        %and3A_1520 = vector.broadcast %and3A_1519 : i32 to vector<16xi32>
        %and3A_1521 = arith.andi %add3A_1518, %and3A_1520 : vector<16xi32>
        %shift_right_arithmetic3A_1522 = arith.constant 3 : i32
        %shift_right_arithmetic3A_1523 = vector.broadcast %shift_right_arithmetic3A_1522 : i32 to vector<16xi32>
        %shift_right_arithmetic3A_1524 = arith.shrsi %and3A_1521, %shift_right_arithmetic3A_1523 : vector<16xi32>
        %and3A_1525 = arith.constant 7 : i32
        %and3A_1526 = vector.broadcast %and3A_1525 : i32 to vector<16xi32>
        %and3A_1527 = arith.andi %and3A_1521, %and3A_1526 : vector<16xi32>
        %add3A_1528 = arith.constant 0 : i32
        %add3A_1529 = vector.broadcast %add3A_1528 : i32 to vector<16xi32>
        %add3A_1530 = arith.addi %add3A_1529, %iota3A : vector<16xi32>
        %add3A_1531 = arith.addi %shift_left3A_408, %and3A_1521 : vector<16xi32>
        %gather3A_1532 = arith.constant 1 : i32
        %gather3A_1533 = arith.constant 0 : i32
        %gather3A_1534 = arith.constant 0 : i32
        %gather3A_1535 = tpu.memref_slice %arg7[%gather3A_1532, %gather3A_1533, %gather3A_1534] : memref<2x128x128xf32, #tpu.memory_space<vmem>> -> memref<1x128x128xf32, #tpu.memory_space<vmem>>
        %gather3A_1536 = tpu.memref_squeeze %gather3A_1535 : memref<1x128x128xf32, #tpu.memory_space<vmem>> -> memref<128x128xf32, #tpu.memory_space<vmem>>
        %gather3A_1537 = tpu.vector_load_idx %gather3A_1536[%add3A_1530, %add3A_1531] : memref<128x128xf32, #tpu.memory_space<vmem>>[vector<16xi32>, vector<16xi32>], vector<16xf32>,
        %scatter3A_1538 = arith.constant 1 : i32
        %scatter3A_1539 = arith.constant 0 : i32
        %scatter3A_1540 = arith.constant 0 : i32
        %scatter3A_1541 = arith.constant 0 : i32
        %scatter3A_1542 = tpu.memref_slice %arg8[%scatter3A_1538, %scatter3A_1539, %scatter3A_1540, %scatter3A_1541] : memref<2x8x8x130xf32, #tpu.memory_space<vmem>> -> memref<1x8x8x130xf32, #tpu.memory_space<vmem>>
        %scatter3A_1543 = tpu.memref_squeeze %scatter3A_1542 : memref<1x8x8x130xf32, #tpu.memory_space<vmem>> -> memref<8x8x130xf32, #tpu.memory_space<vmem>>
        tpu.vector_store_idx %scatter3A_1543[%shift_right_arithmetic3A_1524, %and3A_1527, %add3A_1530], %gather3A_1537 : memref<8x8x130xf32, #tpu.memory_space<vmem>>[vector<16xi32>, vector<16xi32>, vector<16xi32>], vector<16xf32>,
        %add3A_1544 = arith.constant 16 : i32
        %add3A_1545 = vector.broadcast %add3A_1544 : i32 to vector<16xi32>
        %add3A_1546 = arith.addi %add3A_1545, %iota3A : vector<16xi32>
        %add3A_1547 = arith.addi %shift_left3A_418, %and3A_1521 : vector<16xi32>
        %gather3A_1548 = arith.constant 1 : i32
        %gather3A_1549 = arith.constant 0 : i32
        %gather3A_1550 = arith.constant 0 : i32
        %gather3A_1551 = tpu.memref_slice %arg7[%gather3A_1548, %gather3A_1549, %gather3A_1550] : memref<2x128x128xf32, #tpu.memory_space<vmem>> -> memref<1x128x128xf32, #tpu.memory_space<vmem>>
        %gather3A_1552 = tpu.memref_squeeze %gather3A_1551 : memref<1x128x128xf32, #tpu.memory_space<vmem>> -> memref<128x128xf32, #tpu.memory_space<vmem>>
        %gather3A_1553 = tpu.vector_load_idx %gather3A_1552[%add3A_1546, %add3A_1547] : memref<128x128xf32, #tpu.memory_space<vmem>>[vector<16xi32>, vector<16xi32>], vector<16xf32>,
        %scatter3A_1554 = arith.constant 1 : i32
        %scatter3A_1555 = arith.constant 0 : i32
        %scatter3A_1556 = arith.constant 0 : i32
        %scatter3A_1557 = arith.constant 0 : i32
        %scatter3A_1558 = tpu.memref_slice %arg8[%scatter3A_1554, %scatter3A_1555, %scatter3A_1556, %scatter3A_1557] : memref<2x8x8x130xf32, #tpu.memory_space<vmem>> -> memref<1x8x8x130xf32, #tpu.memory_space<vmem>>
        %scatter3A_1559 = tpu.memref_squeeze %scatter3A_1558 : memref<1x8x8x130xf32, #tpu.memory_space<vmem>> -> memref<8x8x130xf32, #tpu.memory_space<vmem>>
        tpu.vector_store_idx %scatter3A_1559[%shift_right_arithmetic3A_1524, %and3A_1527, %add3A_1546], %gather3A_1553 : memref<8x8x130xf32, #tpu.memory_space<vmem>>[vector<16xi32>, vector<16xi32>, vector<16xi32>], vector<16xf32>,
        %add3A_1560 = arith.constant 32 : i32
        %add3A_1561 = vector.broadcast %add3A_1560 : i32 to vector<16xi32>
        %add3A_1562 = arith.addi %add3A_1561, %iota3A : vector<16xi32>
        %add3A_1563 = arith.addi %shift_left3A_428, %and3A_1521 : vector<16xi32>
        %gather3A_1564 = arith.constant 1 : i32
        %gather3A_1565 = arith.constant 0 : i32
        %gather3A_1566 = arith.constant 0 : i32
        %gather3A_1567 = tpu.memref_slice %arg7[%gather3A_1564, %gather3A_1565, %gather3A_1566] : memref<2x128x128xf32, #tpu.memory_space<vmem>> -> memref<1x128x128xf32, #tpu.memory_space<vmem>>
        %gather3A_1568 = tpu.memref_squeeze %gather3A_1567 : memref<1x128x128xf32, #tpu.memory_space<vmem>> -> memref<128x128xf32, #tpu.memory_space<vmem>>
        %gather3A_1569 = tpu.vector_load_idx %gather3A_1568[%add3A_1562, %add3A_1563] : memref<128x128xf32, #tpu.memory_space<vmem>>[vector<16xi32>, vector<16xi32>], vector<16xf32>,
        %scatter3A_1570 = arith.constant 1 : i32
        %scatter3A_1571 = arith.constant 0 : i32
        %scatter3A_1572 = arith.constant 0 : i32
        %scatter3A_1573 = arith.constant 0 : i32
        %scatter3A_1574 = tpu.memref_slice %arg8[%scatter3A_1570, %scatter3A_1571, %scatter3A_1572, %scatter3A_1573] : memref<2x8x8x130xf32, #tpu.memory_space<vmem>> -> memref<1x8x8x130xf32, #tpu.memory_space<vmem>>
        %scatter3A_1575 = tpu.memref_squeeze %scatter3A_1574 : memref<1x8x8x130xf32, #tpu.memory_space<vmem>> -> memref<8x8x130xf32, #tpu.memory_space<vmem>>
        tpu.vector_store_idx %scatter3A_1575[%shift_right_arithmetic3A_1524, %and3A_1527, %add3A_1562], %gather3A_1569 : memref<8x8x130xf32, #tpu.memory_space<vmem>>[vector<16xi32>, vector<16xi32>, vector<16xi32>], vector<16xf32>,
        %add3A_1576 = arith.constant 48 : i32
        %add3A_1577 = vector.broadcast %add3A_1576 : i32 to vector<16xi32>
        %add3A_1578 = arith.addi %add3A_1577, %iota3A : vector<16xi32>
        %add3A_1579 = arith.addi %shift_left3A_438, %and3A_1521 : vector<16xi32>
        %gather3A_1580 = arith.constant 1 : i32
        %gather3A_1581 = arith.constant 0 : i32
        %gather3A_1582 = arith.constant 0 : i32
        %gather3A_1583 = tpu.memref_slice %arg7[%gather3A_1580, %gather3A_1581, %gather3A_1582] : memref<2x128x128xf32, #tpu.memory_space<vmem>> -> memref<1x128x128xf32, #tpu.memory_space<vmem>>
        %gather3A_1584 = tpu.memref_squeeze %gather3A_1583 : memref<1x128x128xf32, #tpu.memory_space<vmem>> -> memref<128x128xf32, #tpu.memory_space<vmem>>
        %gather3A_1585 = tpu.vector_load_idx %gather3A_1584[%add3A_1578, %add3A_1579] : memref<128x128xf32, #tpu.memory_space<vmem>>[vector<16xi32>, vector<16xi32>], vector<16xf32>,
        %scatter3A_1586 = arith.constant 1 : i32
        %scatter3A_1587 = arith.constant 0 : i32
        %scatter3A_1588 = arith.constant 0 : i32
        %scatter3A_1589 = arith.constant 0 : i32
        %scatter3A_1590 = tpu.memref_slice %arg8[%scatter3A_1586, %scatter3A_1587, %scatter3A_1588, %scatter3A_1589] : memref<2x8x8x130xf32, #tpu.memory_space<vmem>> -> memref<1x8x8x130xf32, #tpu.memory_space<vmem>>
        %scatter3A_1591 = tpu.memref_squeeze %scatter3A_1590 : memref<1x8x8x130xf32, #tpu.memory_space<vmem>> -> memref<8x8x130xf32, #tpu.memory_space<vmem>>
        tpu.vector_store_idx %scatter3A_1591[%shift_right_arithmetic3A_1524, %and3A_1527, %add3A_1578], %gather3A_1585 : memref<8x8x130xf32, #tpu.memory_space<vmem>>[vector<16xi32>, vector<16xi32>, vector<16xi32>], vector<16xf32>,
        %add3A_1592 = arith.constant 64 : i32
        %add3A_1593 = vector.broadcast %add3A_1592 : i32 to vector<16xi32>
        %add3A_1594 = arith.addi %add3A_1593, %iota3A : vector<16xi32>
        %add3A_1595 = arith.addi %shift_left3A_448, %and3A_1521 : vector<16xi32>
        %gather3A_1596 = arith.constant 1 : i32
        %gather3A_1597 = arith.constant 0 : i32
        %gather3A_1598 = arith.constant 0 : i32
        %gather3A_1599 = tpu.memref_slice %arg7[%gather3A_1596, %gather3A_1597, %gather3A_1598] : memref<2x128x128xf32, #tpu.memory_space<vmem>> -> memref<1x128x128xf32, #tpu.memory_space<vmem>>
        %gather3A_1600 = tpu.memref_squeeze %gather3A_1599 : memref<1x128x128xf32, #tpu.memory_space<vmem>> -> memref<128x128xf32, #tpu.memory_space<vmem>>
        %gather3A_1601 = tpu.vector_load_idx %gather3A_1600[%add3A_1594, %add3A_1595] : memref<128x128xf32, #tpu.memory_space<vmem>>[vector<16xi32>, vector<16xi32>], vector<16xf32>,
        %scatter3A_1602 = arith.constant 1 : i32
        %scatter3A_1603 = arith.constant 0 : i32
        %scatter3A_1604 = arith.constant 0 : i32
        %scatter3A_1605 = arith.constant 0 : i32
        %scatter3A_1606 = tpu.memref_slice %arg8[%scatter3A_1602, %scatter3A_1603, %scatter3A_1604, %scatter3A_1605] : memref<2x8x8x130xf32, #tpu.memory_space<vmem>> -> memref<1x8x8x130xf32, #tpu.memory_space<vmem>>
        %scatter3A_1607 = tpu.memref_squeeze %scatter3A_1606 : memref<1x8x8x130xf32, #tpu.memory_space<vmem>> -> memref<8x8x130xf32, #tpu.memory_space<vmem>>
        tpu.vector_store_idx %scatter3A_1607[%shift_right_arithmetic3A_1524, %and3A_1527, %add3A_1594], %gather3A_1601 : memref<8x8x130xf32, #tpu.memory_space<vmem>>[vector<16xi32>, vector<16xi32>, vector<16xi32>], vector<16xf32>,
        %add3A_1608 = arith.constant 80 : i32
        %add3A_1609 = vector.broadcast %add3A_1608 : i32 to vector<16xi32>
        %add3A_1610 = arith.addi %add3A_1609, %iota3A : vector<16xi32>
        %add3A_1611 = arith.addi %shift_left3A_458, %and3A_1521 : vector<16xi32>
        %gather3A_1612 = arith.constant 1 : i32
        %gather3A_1613 = arith.constant 0 : i32
        %gather3A_1614 = arith.constant 0 : i32
        %gather3A_1615 = tpu.memref_slice %arg7[%gather3A_1612, %gather3A_1613, %gather3A_1614] : memref<2x128x128xf32, #tpu.memory_space<vmem>> -> memref<1x128x128xf32, #tpu.memory_space<vmem>>
        %gather3A_1616 = tpu.memref_squeeze %gather3A_1615 : memref<1x128x128xf32, #tpu.memory_space<vmem>> -> memref<128x128xf32, #tpu.memory_space<vmem>>
        %gather3A_1617 = tpu.vector_load_idx %gather3A_1616[%add3A_1610, %add3A_1611] : memref<128x128xf32, #tpu.memory_space<vmem>>[vector<16xi32>, vector<16xi32>], vector<16xf32>,
        %scatter3A_1618 = arith.constant 1 : i32
        %scatter3A_1619 = arith.constant 0 : i32
        %scatter3A_1620 = arith.constant 0 : i32
        %scatter3A_1621 = arith.constant 0 : i32
        %scatter3A_1622 = tpu.memref_slice %arg8[%scatter3A_1618, %scatter3A_1619, %scatter3A_1620, %scatter3A_1621] : memref<2x8x8x130xf32, #tpu.memory_space<vmem>> -> memref<1x8x8x130xf32, #tpu.memory_space<vmem>>
        %scatter3A_1623 = tpu.memref_squeeze %scatter3A_1622 : memref<1x8x8x130xf32, #tpu.memory_space<vmem>> -> memref<8x8x130xf32, #tpu.memory_space<vmem>>
        tpu.vector_store_idx %scatter3A_1623[%shift_right_arithmetic3A_1524, %and3A_1527, %add3A_1610], %gather3A_1617 : memref<8x8x130xf32, #tpu.memory_space<vmem>>[vector<16xi32>, vector<16xi32>, vector<16xi32>], vector<16xf32>,
        %add3A_1624 = arith.constant 96 : i32
        %add3A_1625 = vector.broadcast %add3A_1624 : i32 to vector<16xi32>
        %add3A_1626 = arith.addi %add3A_1625, %iota3A : vector<16xi32>
        %add3A_1627 = arith.addi %shift_left3A_468, %and3A_1521 : vector<16xi32>
        %gather3A_1628 = arith.constant 1 : i32
        %gather3A_1629 = arith.constant 0 : i32
        %gather3A_1630 = arith.constant 0 : i32
        %gather3A_1631 = tpu.memref_slice %arg7[%gather3A_1628, %gather3A_1629, %gather3A_1630] : memref<2x128x128xf32, #tpu.memory_space<vmem>> -> memref<1x128x128xf32, #tpu.memory_space<vmem>>
        %gather3A_1632 = tpu.memref_squeeze %gather3A_1631 : memref<1x128x128xf32, #tpu.memory_space<vmem>> -> memref<128x128xf32, #tpu.memory_space<vmem>>
        %gather3A_1633 = tpu.vector_load_idx %gather3A_1632[%add3A_1626, %add3A_1627] : memref<128x128xf32, #tpu.memory_space<vmem>>[vector<16xi32>, vector<16xi32>], vector<16xf32>,
        %scatter3A_1634 = arith.constant 1 : i32
        %scatter3A_1635 = arith.constant 0 : i32
        %scatter3A_1636 = arith.constant 0 : i32
        %scatter3A_1637 = arith.constant 0 : i32
        %scatter3A_1638 = tpu.memref_slice %arg8[%scatter3A_1634, %scatter3A_1635, %scatter3A_1636, %scatter3A_1637] : memref<2x8x8x130xf32, #tpu.memory_space<vmem>> -> memref<1x8x8x130xf32, #tpu.memory_space<vmem>>
        %scatter3A_1639 = tpu.memref_squeeze %scatter3A_1638 : memref<1x8x8x130xf32, #tpu.memory_space<vmem>> -> memref<8x8x130xf32, #tpu.memory_space<vmem>>
        tpu.vector_store_idx %scatter3A_1639[%shift_right_arithmetic3A_1524, %and3A_1527, %add3A_1626], %gather3A_1633 : memref<8x8x130xf32, #tpu.memory_space<vmem>>[vector<16xi32>, vector<16xi32>, vector<16xi32>], vector<16xf32>,
        %add3A_1640 = arith.constant 112 : i32
        %add3A_1641 = vector.broadcast %add3A_1640 : i32 to vector<16xi32>
        %add3A_1642 = arith.addi %add3A_1641, %iota3A : vector<16xi32>
        %add3A_1643 = arith.addi %shift_left3A_478, %and3A_1521 : vector<16xi32>
        %gather3A_1644 = arith.constant 1 : i32
        %gather3A_1645 = arith.constant 0 : i32
        %gather3A_1646 = arith.constant 0 : i32
        %gather3A_1647 = tpu.memref_slice %arg7[%gather3A_1644, %gather3A_1645, %gather3A_1646] : memref<2x128x128xf32, #tpu.memory_space<vmem>> -> memref<1x128x128xf32, #tpu.memory_space<vmem>>
        %gather3A_1648 = tpu.memref_squeeze %gather3A_1647 : memref<1x128x128xf32, #tpu.memory_space<vmem>> -> memref<128x128xf32, #tpu.memory_space<vmem>>
        %gather3A_1649 = tpu.vector_load_idx %gather3A_1648[%add3A_1642, %add3A_1643] : memref<128x128xf32, #tpu.memory_space<vmem>>[vector<16xi32>, vector<16xi32>], vector<16xf32>,
        %scatter3A_1650 = arith.constant 1 : i32
        %scatter3A_1651 = arith.constant 0 : i32
        %scatter3A_1652 = arith.constant 0 : i32
        %scatter3A_1653 = arith.constant 0 : i32
        %scatter3A_1654 = tpu.memref_slice %arg8[%scatter3A_1650, %scatter3A_1651, %scatter3A_1652, %scatter3A_1653] : memref<2x8x8x130xf32, #tpu.memory_space<vmem>> -> memref<1x8x8x130xf32, #tpu.memory_space<vmem>>
        %scatter3A_1655 = tpu.memref_squeeze %scatter3A_1654 : memref<1x8x8x130xf32, #tpu.memory_space<vmem>> -> memref<8x8x130xf32, #tpu.memory_space<vmem>>
        tpu.vector_store_idx %scatter3A_1655[%shift_right_arithmetic3A_1524, %and3A_1527, %add3A_1642], %gather3A_1649 : memref<8x8x130xf32, #tpu.memory_space<vmem>>[vector<16xi32>, vector<16xi32>, vector<16xi32>], vector<16xf32>,
      }
      %scan3A_484 = arith.constant 8 : i32
      %lt3A_485 = arith.constant 99 : i32
      %lt3A_486 = arith.cmpi slt, %scan3A_92, %lt3A_485 : i32
      %convert_element_type3A_487 = arith.extui %lt3A_486 : i1 to i32
      %cond3A_488 = arith.constant 0 : i32
      %cond3A_489 = arith.cmpi ne, %convert_element_type3A_487, %cond3A_488 : i32
      scf.if %cond3A_489 {
        %add3A_514 = arith.constant 2 : i32
        %add3A_515 = arith.addi %add3A_299, %add3A_514 : i32
        %jit3A_516 = arith.constant 8 : i32
        %div3A_517 = arith.divsi %add3A_515, %jit3A_516 : i32
        %sign3A_518 = arith.constant 0 : i32
        %sign3A_519 = arith.cmpi sgt, %add3A_515, %sign3A_518 : i32
        %sign3A_520 = arith.extui %sign3A_519 : i1 to i32
        %sign3A_521 = arith.constant 0 : i32
        %sign3A_522 = arith.cmpi slt, %add3A_515, %sign3A_521 : i32
        %sign3A_523 = arith.extui %sign3A_522 : i1 to i32
        %sign3A_524 = arith.subi %sign3A_520, %sign3A_523 : i32
        %sign3A_525 = arith.constant 0 : i32
        %sign3A_526 = arith.cmpi sgt, %jit3A_516, %sign3A_525 : i32
        %sign3A_527 = arith.extui %sign3A_526 : i1 to i32
        %sign3A_528 = arith.constant 0 : i32
        %sign3A_529 = arith.cmpi slt, %jit3A_516, %sign3A_528 : i32
        %sign3A_530 = arith.extui %sign3A_529 : i1 to i32
        %sign3A_531 = arith.subi %sign3A_527, %sign3A_530 : i32
        %ne3A_532 = arith.cmpi ne, %sign3A_524, %sign3A_531 : i32
        %rem3A_533 = arith.remsi %add3A_515, %jit3A_516 : i32
        %ne3A_534 = arith.constant 0 : i32
        %ne3A_535 = arith.cmpi ne, %rem3A_533, %ne3A_534 : i32
        %and3A_536 = arith.andi %ne3A_532, %ne3A_535 : i1
        %sub3A_537 = arith.constant 1 : i32
        %sub3A_538 = arith.subi %div3A_517, %sub3A_537 : i32
        %select_n3A_539 = arith.select %and3A_536, %sub3A_538, %div3A_517 : i32
        %jit3A_540 = arith.constant 8 : i32
        %eq3A_541 = arith.constant 0 : i32
        %eq3A_542 = arith.cmpi eq, %jit3A_540, %eq3A_541 : i32
        %jit3A_543 = arith.constant 1 : i32
        %select_n3A_544 = arith.select %eq3A_542, %jit3A_543, %jit3A_540 : i32
        %rem3A_545 = arith.remsi %add3A_515, %select_n3A_544 : i32
        %ne3A_546 = arith.constant 0 : i32
        %ne3A_547 = arith.cmpi ne, %rem3A_545, %ne3A_546 : i32
        %lt3A_548 = arith.constant 0 : i32
        %lt3A_549 = arith.cmpi slt, %rem3A_545, %lt3A_548 : i32
        %lt3A_550 = arith.constant 0 : i32
        %lt3A_551 = arith.cmpi slt, %select_n3A_544, %lt3A_550 : i32
        %ne3A_552 = arith.xori %lt3A_549, %lt3A_551 : i1
        %and3A_553 = arith.andi %ne3A_552, %ne3A_547 : i1
        %add3A_554 = arith.addi %rem3A_545, %select_n3A_544 : i32
        %select_n3A_555 = arith.select %and3A_553, %add3A_554, %rem3A_545 : i32
        %dma_start3A_556 = arith.constant 1 : i32
        %dma_start3A_557 = arith.constant 1 : i32
        %dma_start3A_558 = arith.constant 0 : i32
        %dma_start3A_559 = arith.constant 0 : i32
        %dma_start3A_560 = tpu.memref_slice %arg7[%dma_start3A_556, %dma_start3A_558, %dma_start3A_559] : memref<2x128x128xf32, #tpu.memory_space<vmem>> -> memref<1x128x128xf32, #tpu.memory_space<vmem>>
        %dma_start3A_561 = tpu.memref_squeeze %dma_start3A_560 : memref<1x128x128xf32, #tpu.memory_space<vmem>> -> memref<128x128xf32, #tpu.memory_space<vmem>>
        %dma_start3A_562 = arith.constant 0 : i32
        %dma_start3A_563 = tpu.memref_slice %arg6[%select_n3A_539, %select_n3A_555, %dma_start3A_562] : memref<25x8x128xi32, #tpu.memory_space<vmem>> -> memref<1x1x128xi32, #tpu.memory_space<vmem>>
        %dma_start3A_564 = tpu.memref_squeeze %dma_start3A_563 : memref<1x1x128xi32, #tpu.memory_space<vmem>> -> memref<128xi32, #tpu.memory_space<vmem>>
        %dma_start3A_565 = arith.constant 0 : i32
        %dma_start3A_566 = arith.constant 0 : i32
        %dma_start3A_567 = tpu.memref_slice %arg3[%dma_start3A_565, %dma_start3A_566] : memref<500000x128xf32, #tpu.memory_space<hbm>> -> memref<500000x128xf32, #tpu.memory_space<hbm>>
        %dma_start3A_568 = tpu.memref_slice %arg9[%dma_start3A_557] : memref<2x!tpu.dma_semaphore, #tpu.memory_space<semaphore_mem>> -> memref<1x!tpu.dma_semaphore, #tpu.memory_space<semaphore_mem>>
        %dma_start3A_569 = tpu.memref_squeeze %dma_start3A_568 : memref<1x!tpu.dma_semaphore, #tpu.memory_space<semaphore_mem>> -> memref<!tpu.dma_semaphore, #tpu.memory_space<semaphore_mem>>
        tpu.enqueue_indirect_dma source(%dma_start3A_567 : memref<500000x128xf32, #tpu.memory_space<hbm>>) target(%dma_start3A_561 : memref<128x128xf32, #tpu.memory_space<vmem>>) offsets(%dma_start3A_564 : memref<128xi32, #tpu.memory_space<vmem>>) semaphore(%dma_start3A_569 : memref<!tpu.dma_semaphore, #tpu.memory_space<semaphore_mem>>)
      } else {
      }
      %dma_start3A_490 = arith.constant 1 : i32
      %dma_start3A_491 = arith.constant 1 : i32
      %dma_start3A_492 = arith.constant 0 : i32
      %dma_start3A_493 = arith.constant 0 : i32
      %dma_start3A_494 = arith.constant 0 : i32
      %dma_start3A_495 = tpu.memref_slice %arg8[%dma_start3A_490, %dma_start3A_492, %dma_start3A_493, %dma_start3A_494] : memref<2x8x8x130xf32, #tpu.memory_space<vmem>> -> memref<1x8x8x128xf32, #tpu.memory_space<vmem>>
      %dma_start3A_496 = tpu.memref_squeeze %dma_start3A_495 : memref<1x8x8x128xf32, #tpu.memory_space<vmem>> -> memref<8x8x128xf32, #tpu.memory_space<vmem>>
      %dma_start3A_497 = arith.constant 0 : i32
      %dma_start3A_498 = arith.constant 0 : i32
      %dma_start3A_499 = arith.constant 0 : i32
      %dma_start3A_500 = tpu.memref_slice %arg4[%add3A_299, %dma_start3A_497, %add3A, %dma_start3A_498, %dma_start3A_499] : memref<200x8x32x8x128xf32, #tpu.memory_space<hbm>> -> memref<1x8x1x8x128xf32, #tpu.memory_space<hbm>>
      %dma_start3A_501 = tpu.memref_squeeze %dma_start3A_500 : memref<1x8x1x8x128xf32, #tpu.memory_space<hbm>> -> memref<8x8x128xf32, #tpu.memory_space<hbm>>
      %dma_start3A_502 = tpu.memref_slice %arg10[%dma_start3A_491] : memref<2x!tpu.dma_semaphore, #tpu.memory_space<semaphore_mem>> -> memref<1x!tpu.dma_semaphore, #tpu.memory_space<semaphore_mem>>
      %dma_start3A_503 = tpu.memref_squeeze %dma_start3A_502 : memref<1x!tpu.dma_semaphore, #tpu.memory_space<semaphore_mem>> -> memref<!tpu.dma_semaphore, #tpu.memory_space<semaphore_mem>>
      %dma_start3A_504 = arith.constant 0 : i32
      %dma_start3A_505 = arith.constant 0 : i32
      %dma_start3A_506 = arith.constant 0 : i32
      %dma_start3A_507 = tpu.memref_slice %arg4[%add3A_299, %dma_start3A_504, %add3A, %dma_start3A_505, %dma_start3A_506] : memref<200x8x32x8x128xf32, #tpu.memory_space<hbm>> -> memref<1x8x1x8x128xf32, #tpu.memory_space<hbm>>
      %dma_start3A_508 = tpu.memref_squeeze %dma_start3A_507 : memref<1x8x1x8x128xf32, #tpu.memory_space<hbm>> -> memref<8x8x128xf32, #tpu.memory_space<hbm>>
      %dma_start3A_509 = arith.constant 0 : i32
      %dma_start3A_510 = arith.constant 0 : i32
      %dma_start3A_511 = arith.constant 0 : i32
      %dma_start3A_512 = tpu.memref_slice %arg8[%dma_start3A_490, %dma_start3A_509, %dma_start3A_510, %dma_start3A_511] : memref<2x8x8x130xf32, #tpu.memory_space<vmem>> -> memref<1x8x8x128xf32, #tpu.memory_space<vmem>>
      %dma_start3A_513 = tpu.memref_squeeze %dma_start3A_512 : memref<1x8x8x128xf32, #tpu.memory_space<vmem>> -> memref<8x8x128xf32, #tpu.memory_space<vmem>>
      tpu.enqueue_dma source(%dma_start3A_513 : memref<8x8x128xf32, #tpu.memory_space<vmem>>) target(%dma_start3A_508 : memref<8x8x128xf32, #tpu.memory_space<hbm>>) target_semaphore(%dma_start3A_503 : memref<!tpu.dma_semaphore, #tpu.memory_space<semaphore_mem>>)
    }
    %scan3A_42 = arith.constant 100 : i32
    %dma_wait3A = arith.constant 0 : i32
    %dma_wait3A_43 = arith.constant 0 : i32
    %dma_wait3A_44 = arith.constant 0 : i32
    %dma_wait3A_45 = arith.constant 0 : i32
    %dma_wait3A_46 = arith.constant 0 : i32
    %dma_wait3A_47 = arith.constant 0 : i32
    %dma_wait3A_48 = tpu.memref_slice %arg8[%dma_wait3A, %dma_wait3A_45, %dma_wait3A_46, %dma_wait3A_47] : memref<2x8x8x130xf32, #tpu.memory_space<vmem>> -> memref<1x8x8x128xf32, #tpu.memory_space<vmem>>
    %dma_wait3A_49 = tpu.memref_squeeze %dma_wait3A_48 : memref<1x8x8x128xf32, #tpu.memory_space<vmem>> -> memref<8x8x128xf32, #tpu.memory_space<vmem>>
    %dma_wait3A_50 = arith.constant 0 : i32
    %dma_wait3A_51 = arith.constant 0 : i32
    %dma_wait3A_52 = arith.constant 0 : i32
    %dma_wait3A_53 = tpu.memref_slice %arg4[%dma_wait3A_43, %dma_wait3A_50, %add3A, %dma_wait3A_51, %dma_wait3A_52] : memref<200x8x32x8x128xf32, #tpu.memory_space<hbm>> -> memref<1x8x1x8x128xf32, #tpu.memory_space<hbm>>
    %dma_wait3A_54 = tpu.memref_squeeze %dma_wait3A_53 : memref<1x8x1x8x128xf32, #tpu.memory_space<hbm>> -> memref<8x8x128xf32, #tpu.memory_space<hbm>>
    %dma_wait3A_55 = tpu.memref_slice %arg10[%dma_wait3A_44] : memref<2x!tpu.dma_semaphore, #tpu.memory_space<semaphore_mem>> -> memref<1x!tpu.dma_semaphore, #tpu.memory_space<semaphore_mem>>
    %dma_wait3A_56 = tpu.memref_squeeze %dma_wait3A_55 : memref<1x!tpu.dma_semaphore, #tpu.memory_space<semaphore_mem>> -> memref<!tpu.dma_semaphore, #tpu.memory_space<semaphore_mem>>
    %dma_wait3A_57 = arith.constant 0 : i32
    %dma_wait3A_58 = arith.constant 0 : i32
    %dma_wait3A_59 = arith.constant 0 : i32
    %dma_wait3A_60 = tpu.memref_slice %arg4[%dma_wait3A_43, %dma_wait3A_57, %add3A, %dma_wait3A_58, %dma_wait3A_59] : memref<200x8x32x8x128xf32, #tpu.memory_space<hbm>> -> memref<1x8x1x8x128xf32, #tpu.memory_space<hbm>>
    %dma_wait3A_61 = tpu.memref_squeeze %dma_wait3A_60 : memref<1x8x1x8x128xf32, #tpu.memory_space<hbm>> -> memref<8x8x128xf32, #tpu.memory_space<hbm>>
    %dma_wait3A_62 = arith.constant 0 : i32
    %dma_wait3A_63 = arith.constant 0 : i32
    %dma_wait3A_64 = arith.constant 0 : i32
    %dma_wait3A_65 = tpu.memref_slice %arg8[%dma_wait3A, %dma_wait3A_62, %dma_wait3A_63, %dma_wait3A_64] : memref<2x8x8x130xf32, #tpu.memory_space<vmem>> -> memref<1x8x8x128xf32, #tpu.memory_space<vmem>>
    %dma_wait3A_66 = tpu.memref_squeeze %dma_wait3A_65 : memref<1x8x8x128xf32, #tpu.memory_space<vmem>> -> memref<8x8x128xf32, #tpu.memory_space<vmem>>
    tpu.wait_dma2 semaphore(%dma_wait3A_56 : memref<!tpu.dma_semaphore, #tpu.memory_space<semaphore_mem>>) src(%dma_wait3A_66 : memref<8x8x128xf32, #tpu.memory_space<vmem>>) dst(%dma_wait3A_61 : memref<8x8x128xf32, #tpu.memory_space<hbm>>)
    %dma_wait3A_67 = arith.constant 1 : i32
    %dma_wait3A_68 = arith.constant 0 : i32
    %dma_wait3A_69 = arith.constant 1 : i32
    %dma_wait3A_70 = arith.constant 0 : i32
    %dma_wait3A_71 = arith.constant 0 : i32
    %dma_wait3A_72 = arith.constant 0 : i32
    %dma_wait3A_73 = tpu.memref_slice %arg8[%dma_wait3A_67, %dma_wait3A_70, %dma_wait3A_71, %dma_wait3A_72] : memref<2x8x8x130xf32, #tpu.memory_space<vmem>> -> memref<1x8x8x128xf32, #tpu.memory_space<vmem>>
    %dma_wait3A_74 = tpu.memref_squeeze %dma_wait3A_73 : memref<1x8x8x128xf32, #tpu.memory_space<vmem>> -> memref<8x8x128xf32, #tpu.memory_space<vmem>>
    %dma_wait3A_75 = arith.constant 0 : i32
    %dma_wait3A_76 = arith.constant 0 : i32
    %dma_wait3A_77 = arith.constant 0 : i32
    %dma_wait3A_78 = tpu.memref_slice %arg4[%dma_wait3A_68, %dma_wait3A_75, %add3A, %dma_wait3A_76, %dma_wait3A_77] : memref<200x8x32x8x128xf32, #tpu.memory_space<hbm>> -> memref<1x8x1x8x128xf32, #tpu.memory_space<hbm>>
    %dma_wait3A_79 = tpu.memref_squeeze %dma_wait3A_78 : memref<1x8x1x8x128xf32, #tpu.memory_space<hbm>> -> memref<8x8x128xf32, #tpu.memory_space<hbm>>
    %dma_wait3A_80 = tpu.memref_slice %arg10[%dma_wait3A_69] : memref<2x!tpu.dma_semaphore, #tpu.memory_space<semaphore_mem>> -> memref<1x!tpu.dma_semaphore, #tpu.memory_space<semaphore_mem>>
    %dma_wait3A_81 = tpu.memref_squeeze %dma_wait3A_80 : memref<1x!tpu.dma_semaphore, #tpu.memory_space<semaphore_mem>> -> memref<!tpu.dma_semaphore, #tpu.memory_space<semaphore_mem>>
    %dma_wait3A_82 = arith.constant 0 : i32
    %dma_wait3A_83 = arith.constant 0 : i32
    %dma_wait3A_84 = arith.constant 0 : i32
    %dma_wait3A_85 = tpu.memref_slice %arg4[%dma_wait3A_68, %dma_wait3A_82, %add3A, %dma_wait3A_83, %dma_wait3A_84] : memref<200x8x32x8x128xf32, #tpu.memory_space<hbm>> -> memref<1x8x1x8x128xf32, #tpu.memory_space<hbm>>
    %dma_wait3A_86 = tpu.memref_squeeze %dma_wait3A_85 : memref<1x8x1x8x128xf32, #tpu.memory_space<hbm>> -> memref<8x8x128xf32, #tpu.memory_space<hbm>>
    %dma_wait3A_87 = arith.constant 0 : i32
    %dma_wait3A_88 = arith.constant 0 : i32
    %dma_wait3A_89 = arith.constant 0 : i32
    %dma_wait3A_90 = tpu.memref_slice %arg8[%dma_wait3A_67, %dma_wait3A_87, %dma_wait3A_88, %dma_wait3A_89] : memref<2x8x8x130xf32, #tpu.memory_space<vmem>> -> memref<1x8x8x128xf32, #tpu.memory_space<vmem>>
    %dma_wait3A_91 = tpu.memref_squeeze %dma_wait3A_90 : memref<1x8x8x128xf32, #tpu.memory_space<vmem>> -> memref<8x8x128xf32, #tpu.memory_space<vmem>>
    tpu.wait_dma2 semaphore(%dma_wait3A_81 : memref<!tpu.dma_semaphore, #tpu.memory_space<semaphore_mem>>) src(%dma_wait3A_91 : memref<8x8x128xf32, #tpu.memory_space<vmem>>) dst(%dma_wait3A_86 : memref<8x8x128xf32, #tpu.memory_space<hbm>>)
    return
  }
}

</mosaic_0001>

<sc_bundles>
// kernel: _embed.3.cloned.1.call-start
scs
__scs_entry_jumppad:
0x0: {  	(pc) =	sbr.rel $0x88, $3  }
0x1: {  	(tag) =	ssettag $0x0;
	lr =	simm.s32 $0x1  }
0x2: {  	[smem:$0x3F9F] =	sst lr;
	_ =	strace $0xD0000000  }
0x3: {  	_ = 	snop  }
0x4: {  	_ = 	snop  }
0x5: {  	_ = 	snop  }
0x6: {  	_ = 	snop  }
0x7: {  	_ = 	snop  }
__scs_overlays_trampoline_lowered:
0x8: {  	[smem:$0x3FAE] =	sst s0  }
0x9: {  	[smem:$0x3FAF] =	sst s1  }
0xa: {  	[smem:$0x3FB0] =	sst s2  }
0xb: {  	[smem:$0x3FB1] =	sst s3  }
0xc: {  	[smem:$0x3FB2] =	sst s4  }
0xd: {  	[smem:$0x3FB3] =	sst s5  }
0xe: {  	[smem:$0x3FB4] =	sst s6  }
0xf: {  	[smem:$0x3FB5] =	sst s7  }
0x10: {  	[smem:$0x3FB6] =	sst s8  }
0x11: {  	[smem:$0x3FB7] =	sst s9;
	s0 =	simm.s32 @!p0 $0x0  }
0x12: {  	s1 =	sld [smem:$0x3F9D];
	s0 =	simm.s32 @p0 $0x1  }
0x13: {  	[smem:$0x3FB8] =	sst s0;
	s0 =	simm.s32 @!p1 $0x0  }
0x14: {  	s2 =	sld [smem:$0x3F9C];
	s0 =	simm.s32 @p1 $0x1  }
0x15: {  	[smem:$0x3FB9] =	sst s0;
	s0 =	simm.s32 @!p2 $0x0  }
0x16: {  	s3 =	sld [smem:$0x3FDB];
	s0 =	simm.s32 @p2 $0x1  }
0x17: {  	s4 =	simm.s32 $0x1BF5;
	[smem:$0x3FBB] =	sst s0  }
0x18: {  	s0 =	sld [smem:$0x3F9E];
	_ =	swait.ge [sflag:s4], $0x0  }
0x19: {  	s7 =	sld [smem:$0x3F9F]  }
0x1a: {  	s8 =	sadd.s32 $0xFFFFE003, lr  }
0x1b: {  	s9 =	sadd.s32 $0xFFFFFEF7, lr;
	s5 =	simm.s32 $0xFFFFFFFF;
	p2 =	slt.u32 s8, $0xFFFFF086  }
0x1c: {  	p1 =	slt.u32 s9, $0xF7A;
	s5 =	simm.s32 @!p2 $0x0  }
0x1d: {  	s5 =	simm.s32 @p1 $0x1;
	p0 =	seq.s32 s7, s2  }
0x1e: {  	s7 =	smul.u32 @!p0 $0xF7A, s2;
	p2 =	seq.s32 @!p0 s5, $0x0  }
0x1f: {  	s9 =	smul.u32 $0xF7A, s1;
	s8 =	simm.s32 @!p0 $0x1BF5;
	p2 =	por !p2, p0  }
0x20: {  	[sflag:s8] =	ssyncset.s32 @!p0 $0xFFFFF086;
	s6 =	sadd.s32 @!p0 s3, s7;
	s7 =	simm.s32 @!p0 $0x108  }
0x21: {  	s3 =	sadd.s32 s3, s9;
	s6 =	sadd.s32 @!p0 $0x88, s6;
	s7 =	simm.s32 @p2 $0x1082  }
0x22: {  	[simem:s7], [sflag:s8] =	dma.local @!p0 [hbm:s6], $0xF7A  }
0x23: {  	s9 =	sor.u32 $0xD0000000, s2;
	s6 =	simm.s32 $0x108;
	_ =	swait.ge @!p0 [sflag:s8], $0x0  }
0x24: {  	s3 =	sadd.s32 $0x88, s3;
	s6 =	simm.s32 @!p1 $0x1082;
	[sflag:s4] =	ssyncset.s32 $0xFFFFF086  }
0x25: {  	[simem:s6], [sflag:s4] =	dma.local [hbm:s3], $0xF7A  }
0x26: {  	[smem:$0x3F9F] =	sst s1;
	(tag) =	ssettag s2;
	_ =	strace s9  }
0x27: {  	s1 =	sld [smem:$0x3FAF]  }
0x28: {  	s2 =	sld [smem:$0x3FB0]  }
0x29: {  	s4 =	sld [smem:$0x3FB2]  }
0x2a: {  	p0 =	seq.s32 s5, $0x0;
	s5 =	sld [smem:$0x3FB3]  }
0x2b: {  	s6 =	sld [smem:$0x3FB4]  }
0x2c: {  	s7 =	sld [smem:$0x3FB5]  }
0x2d: {  	s3 =	simm.s32 $0x108;
	s8 =	sld [smem:$0x3FB6]  }
0x2e: {  	s3 =	simm.s32 @!p0 $0x1082;
	s9 =	sld [smem:$0x3FB7]  }
0x2f: {  	lr =	sadd.s32 s0, s3;
	s0 =	sld [smem:$0x3FAE]  }
0x30: {  	s3 =	sld [smem:$0x3FB1]  }
0x31: {  	[smem:$0x3FBA] =	sst s10  }
0x32: {  	s10 =	sld [smem:$0x3FB8];
	_ =	sdelay $0x3  }
0x33: {  	p0 =	seq.s32 s10, $0x1;
	s10 =	sld [smem:$0x3FBA];
	_ =	sdelay $0x3  }
0x34: {  	[smem:$0x3FBA] =	sst s10  }
0x35: {  	s10 =	sld [smem:$0x3FB9];
	_ =	sdelay $0x3  }
0x36: {  	p1 =	seq.s32 s10, $0x1;
	s10 =	sld [smem:$0x3FBA];
	_ =	sdelay $0x3  }
0x37: {  	[smem:$0x3FBA] =	sst s10  }
0x38: {  	s10 =	sld [smem:$0x3FBB]  }
0x39: {  	_ = 	snop;
	(pc) =	sbr.ind lr, $3  }
0x3a: {  	_ = 	snop  }
0x3b: {  	_ = 	snop  }
0x3c: {  	p2 =	seq.s32 s10, $0x1;
	s10 =	sld [smem:$0x3FBA]  }
0x3d: {  	_ =	shalt  }
0x3e: {  	_ =	shalt  }
0x3f: {  	_ =	shalt  }
0x40: {  	_ =	shalt  }
0x41: {  	_ =	shalt  }
0x42: {  	_ =	shalt  }
0x43: {  	_ =	shalt  }
0x44: {  	_ =	shalt  }
0x45: {  	_ =	shalt  }
0x46: {  	_ =	shalt  }
0x47: {  	_ =	shalt  }
0x48: {  	_ =	shalt  }
0x49: {  	_ =	shalt  }
0x4a: {  	_ =	shalt  }
0x4b: {  	_ =	shalt  }
0x4c: {  	_ =	shalt  }
0x4d: {  	_ =	shalt  }
0x4e: {  	_ =	shalt  }
0x4f: {  	_ =	shalt  }
0x50: {  	_ =	shalt  }
0x51: {  	_ =	shalt  }
0x52: {  	_ =	shalt  }
0x53: {  	_ =	shalt  }
0x54: {  	_ =	shalt  }
0x55: {  	_ =	shalt  }
0x56: {  	_ =	shalt  }
0x57: {  	_ =	shalt  }
0x58: {  	_ =	shalt  }
0x59: {  	_ =	shalt  }
0x5a: {  	_ =	shalt  }
0x5b: {  	_ =	shalt  }
0x5c: {  	_ =	shalt  }
0x5d: {  	_ =	shalt  }
0x5e: {  	_ =	shalt  }
0x5f: {  	_ =	shalt  }
0x60: {  	_ =	shalt  }
0x61: {  	_ =	shalt  }
0x62: {  	_ =	shalt  }
0x63: {  	_ =	shalt  }
0x64: {  	_ =	shalt  }
0x65: {  	_ =	shalt  }
0x66: {  	_ =	shalt  }
0x67: {  	_ =	shalt  }
0x68: {  	_ =	shalt  }
0x69: {  	_ =	shalt  }
0x6a: {  	_ =	shalt  }
0x6b: {  	_ =	shalt  }
0x6c: {  	_ =	shalt  }
0x6d: {  	_ =	shalt  }
0x6e: {  	_ =	shalt  }
0x6f: {  	_ =	shalt  }
0x70: {  	_ =	shalt  }
0x71: {  	_ =	shalt  }
0x72: {  	_ =	shalt  }
0x73: {  	_ =	shalt  }
0x74: {  	_ =	shalt  }
0x75: {  	_ =	shalt  }
0x76: {  	_ =	shalt  }
0x77: {  	_ =	shalt  }
0x78: {  	_ =	shalt  }
0x79: {  	_ =	shalt  }
0x7a: {  	_ =	shalt  }
0x7b: {  	_ =	shalt  }
0x7c: {  	_ =	shalt  }
0x7d: {  	_ =	shalt  }
0x7e: {  	_ =	shalt  }
0x7f: {  	_ =	shalt  }
0x80: {  	_ =	shalt  }
0x81: {  	_ =	shalt  }
0x82: {  	_ =	shalt  }
0x83: {  	_ =	shalt  }
0x84: {  	_ =	shalt  }
0x85: {  	_ =	shalt  }
0x86: {  	_ =	shalt  }
0x87: {  	_ =	shalt  }
.Lfunc_end0:
.L_simem_size_0:
called_computation_lowered:
.L_overlay_start_0:
0x88: {  	s2 =	sld [smem:$0x3FD9]  }
0x89: {  	s3 =	sld [smem:$0x3FFE];
	_ =	sdelay $0x1  }
0x8a: {  	s1 =	srdreg.scid  }
0x8b: {  	s0 =	sand.u32 $0x1, s1  }
0x8c: {  	s18 =	sshll.u32 s0, $0xA;
	s2 =	sadd.s32 s3, s2  }
0x8d: {  	s2 =	sadd.s32 s2, s18  }
0x8e: {  	[smem:$0x3FC6] =	sst s2  }
0x8f: {  	_ = 	snop  }
0x90: {  	s2 =	sld [smem:$0x3FC9]  }
0x91: {  	s19 =	sld [smem:$0x3FC8]  }
0x92: {  	s4 =	sld [smem:$0x3FD0];
	(tm) =	ssettm $0x1  }
0x93: {  	s5 =	sld [smem:$0x3FFB];
	_ =	sdelay $0x3  }
0x94: {  	_ =	strace s5  }
0x95: {  	s5 =	sld [smem:$0x3FFC];
	_ =	sdelay $0x3  }
0x96: {  	_ =	strace s5  }
0x97: {  	s5 =	sld [smem:$0x3FFD];
	_ =	sdelay $0x3  }
0x98: {  	_ =	strace s5  }
0x99: {  	_ =	strace $0x8FFFFFFF  }
0x9a: {  	s20 =	sld [smem:$0x3FDB];
	_ =	sdelay $0x1  }
0x9b: {  	s6 =	simm.s32 $_scs_section_size  }
0x9c: {  	s7 =	simm.s32 $_size__tile_overlayer_lowered;
	s8 =	simm.s32 $_tile_overlayer_lowered  }
0x9d: {  	s23 =	simm.s32 $0x1BFF;
	s22 =	sshll.u32 s8, $0x1;
	s5 =	sadd.s32 s6, s20  }
0x9e: {  	s9 =	simm.s32 $0x0;
	s21 =	sshll.u32 s7, $0x1;
	s7 =	sadd.s32 s22, s5  }
0x9f: {  	[timem:s9], [sflag:s23] =	dma.local [hbm:s7], s21  }
0xa0: {  	_ =	swait.ge [sflag:s23], s21  }
0xa1: {  	s6 =	ssub.s32 $0x0, s21;
	[sflag:s23] =	ssyncset.done $0x0  }
0xa2: {  	[sflag:s23] =	ssyncadd.s32 s6;
	_ =	sdelay $0x1  }
0xa3: {  	s24 =	simm.s32 $0x1B8B  }
0xa4: {  	_ =	swait.ge [sflag:s24], $0x1  }
0xa5: {  	[sflag:s24] =	ssyncset.done $0x0  }
0xa6: {  	s25 =	simm.s32 $0x1B8E;
	[sflag:s24] =	ssyncadd.s32 $0xFFFFFFFF  }
0xa7: {  	s26 =	simm.s32 $execute0_lowered;
	[smem:$0x3FD2] =	sst s25  }
0xa8: {  	s6 =	sshll.u32 s26, $0x1;
	_ =	strace $0x80000046;
	[dreg:$0x1] =	wrdreg $0xFFFFFFFF  }
0xa9: {  	s28 =	simm.s32 $_size_execute0_lowered;
	s5 =	sadd.s32 s5, s6;
	[dreg:$0x0] =	wrdreg $0x0  }
0xaa: {  	s6 =	sshll.u32 s28, $0x1;
	[dreg:$0x2] =	wrdreg s5  }
0xab: {  	[dreg:$0x3] =	wrdreg s6  }
0xac: {  	[dreg:$0x4] =	wrdreg $0xC0  }
0xad: {  	_ =	task [dreg:s9], $0x5FFFF  }
0xae: {  	[dreg:$0x1] =	wrdreg $0xFFFFFFFF  }
0xaf: {  	[dreg:$0x0] =	wrdreg $0x60  }
0xb0: {  	[dreg:$0x2] =	wrdreg s2  }
0xb1: {  	[dreg:$0x3] =	wrdreg s19  }
0xb2: {  	[dreg:$0x4] =	wrdreg s4  }
0xb3: {  	[dreg:$0x5] =	wrdreg $0x9  }
0xb4: {  	_ =	task.clear_ibuf [dreg:s9], $0x6FFFF;
	_ =	strace $0x90000046  }
0xb5: {  	s29 =	simm.s32 $0x9;
	_ =	strace $0x80000048  }
0xb6: {  	_ =	swait.ge [sflag:s29], $0x1  }
0xb7: {  	[sflag:s29] =	ssyncadd.s32 $0xFFFFFFFF  }
0xb8: {  	_ =	strace $0x90000048  }
0xb9: {  	_ =	sfence  }
0xba: {  	s30 =	sld [smem:$0x0];
	_ =	sdelay $0x2  }
0xbb: {  	s31 =	sshll.u32 s1, $0xD;
	s1 =	sshrl.u32 s1, $0x2  }
0xbc: {  	s3 =	sand.u32 $0x4000, s31;
	s1 =	sadd.s32 s1, s30  }
0xbd: {  	s0 =	sor.u32 s3, s0;
	s1 =	sshll.u32 s1, $0x11  }
0xbe: {  	s0 =	sor.u32 s1, s0  }
0xbf: {  	s0 =	sadd.s32 $0x8F2B, s0  }
0xc0: {  	[sflag:s0] =	ssyncadd.remote.s32 $0x1  }
0xc1: {  	_ =	sfence.sel $0xFFFF  }
0xc2: {  	[dreg:$0x0] =	wrdreg $0xFFFFFFFF;
	(pc) =	sbr.abs _section_cstart, $3  }
0xc3: {  	[dreg:$0x1] =	wrdreg $0xFFFFFFFF  }
0xc4: {  	_ =	task.clear_ibuf [dreg:s9], $0x2FFFF;
	_ =	strace $0x9FFFFFFF  }
0xc5: {  	(tm) =	ssettm $0x7FFFFFFF  }
tec
execute0_lowered:
.L_overlay_start_1:
0x0: {  	(tag) =	ssettag $0x1  }
0x1: {  	v0 =	vlaneseq.u32;
	v9 =	vimm.s32 $0x38F;
	vm14 =	vcmask $0x300  }
0x2: {  	v10 =	vimm.s32 $0x39F;
	vm13 =	vcmask $0x704;
	vm12 =	vcmask $0xB08  }
0x3: {  	vm11 =	vcmask $0xF0C;
	vm10 =	vcmask $0x1310;
	vm9 =	vcmask $0x1714  }
0x4: {  	vm8 =	vcmask $0x1B18;
	vm7 =	vcmask $0x1F1C;
	vm6 =	vcmask $0x2320  }
0x5: {  	vm5 =	vcmask $0x2724;
	vm4 =	vcmask $0x2B28;
	vm3 =	vcmask $0x2F2C  }
0x6: {  	vm2 =	vcmask $0x3330;
	vm1 =	vcmask $0x3734;
	vm0 =	vcmask $0x3B38  }
0x7: {  	v11 =	vimm.s32 $0x3AF;
	v12 =	vimm.s32 $0x3BF;
	v13 =	vimm.s32 $0x3CF  }
0x8: {  	v14 =	vimm.s32 $0x3DF;
	v15 =	vimm.s32 $0x3EF;
	v16 =	vimm.s32 $0x3FF  }
0x9: {  	v1 =	vmul.u32 $0x80, v0;
	v9 =	vsel vm14, $0x0, v9;
	v10 =	vsel vm14, $0x10, v10  }
0xa: {  	v11 =	vsel vm14, $0x20, v11;
	v12 =	vsel vm14, $0x30, v12;
	v13 =	vsel vm14, $0x40, v13  }
0xb: {  	v14 =	vsel vm14, $0x50, v14;
	v15 =	vsel vm14, $0x60, v15;
	v16 =	vsel vm14, $0x70, v16  }
0xc: {  	v17 =	vor.u32 $0x10, v0;
	v18 =	vor.u32 $0x20, v0;
	v19 =	vor.u32 $0x30, v0  }
0xd: {  	v20 =	vor.u32 $0x40, v0;
	v21 =	vor.u32 $0x50, v0;
	v22 =	vor.u32 $0x60, v0  }
0xe: {  	v23 =	vor.u32 $0x70, v0;
	v9 =	vsel vm13, $0x81, v9;
	v10 =	vsel vm13, $0x91, v10  }
0xf: {  	v11 =	vsel vm13, $0xA1, v11;
	v12 =	vsel vm13, $0xB1, v12;
	v13 =	vsel vm13, $0xC1, v13  }
0x10: {  	v14 =	vsel vm13, $0xD1, v14;
	v15 =	vsel vm13, $0xE1, v15;
	v16 =	vsel vm13, $0xF1, v16  }
0x11: {  	v2 =	vor.u32 $0x800, v1;
	v3 =	vor.u32 $0x1000, v1;
	v4 =	vor.u32 $0x1800, v1  }
0x12: {  	v5 =	vor.u32 $0x2000, v1;
	v6 =	vor.u32 $0x2800, v1;
	v7 =	vor.u32 $0x3000, v1  }
0x13: {  	v8 =	vor.u32 $0x3800, v1;
	v9 =	vsel vm12, $0x102, v9;
	v10 =	vsel vm12, $0x112, v10  }
0x14: {  	v11 =	vsel vm12, $0x122, v11;
	v12 =	vsel vm12, $0x132, v12;
	v13 =	vsel vm12, $0x142, v13  }
0x15: {  	v14 =	vsel vm12, $0x152, v14;
	v15 =	vsel vm12, $0x162, v15;
	v16 =	vsel vm12, $0x172, v16  }
0x16: {  	v9 =	vsel vm11, $0x183, v9;
	v10 =	vsel vm11, $0x193, v10;
	v11 =	vsel vm11, $0x1A3, v11  }
0x17: {  	v12 =	vsel vm11, $0x1B3, v12;
	v13 =	vsel vm11, $0x1C3, v13;
	v14 =	vsel vm11, $0x1D3, v14  }
0x18: {  	v15 =	vsel vm11, $0x1E3, v15;
	v16 =	vsel vm11, $0x1F3, v16;
	v9 =	vsel vm10, $0x204, v9  }
0x19: {  	v10 =	vsel vm10, $0x214, v10;
	v11 =	vsel vm10, $0x224, v11;
	v12 =	vsel vm10, $0x234, v12  }
0x1a: {  	v13 =	vsel vm10, $0x244, v13;
	v14 =	vsel vm10, $0x254, v14;
	v15 =	vsel vm10, $0x264, v15  }
0x1b: {  	v16 =	vsel vm10, $0x274, v16;
	v9 =	vsel vm9, $0x285, v9;
	v10 =	vsel vm9, $0x295, v10  }
0x1c: {  	v11 =	vsel vm9, $0x2A5, v11;
	v12 =	vsel vm9, $0x2B5, v12;
	v13 =	vsel vm9, $0x2C5, v13  }
0x1d: {  	v14 =	vsel vm9, $0x2D5, v14;
	v15 =	vsel vm9, $0x2E5, v15;
	v16 =	vsel vm9, $0x2F5, v16  }
0x1e: {  	v9 =	vsel vm8, $0x306, v9;
	v10 =	vsel vm8, $0x316, v10;
	v11 =	vsel vm8, $0x326, v11  }
0x1f: {  	v12 =	vsel vm8, $0x336, v12;
	v13 =	vsel vm8, $0x346, v13;
	v14 =	vsel vm8, $0x356, v14  }
0x20: {  	v15 =	vsel vm8, $0x366, v15;
	v16 =	vsel vm8, $0x376, v16;
	v9 =	vsel vm7, $0x387, v9  }
0x21: {  	v10 =	vsel vm7, $0x397, v10;
	v11 =	vsel vm7, $0x3A7, v11;
	v12 =	vsel vm7, $0x3B7, v12  }
0x22: {  	v13 =	vsel vm7, $0x3C7, v13;
	v14 =	vsel vm7, $0x3D7, v14;
	v15 =	vsel vm7, $0x3E7, v15  }
0x23: {  	v16 =	vsel vm7, $0x3F7, v16;
	v9 =	vsel vm6, $0x8, v9;
	v10 =	vsel vm6, $0x18, v10  }
0x24: {  	v11 =	vsel vm6, $0x28, v11;
	v12 =	vsel vm6, $0x38, v12;
	v13 =	vsel vm6, $0x48, v13  }
0x25: {  	v14 =	vsel vm6, $0x58, v14;
	v15 =	vsel vm6, $0x68, v15;
	v16 =	vsel vm6, $0x78, v16  }
0x26: {  	v9 =	vsel vm5, $0x89, v9;
	v10 =	vsel vm5, $0x99, v10;
	v11 =	vsel vm5, $0xA9, v11  }
0x27: {  	s1 =	rddreg [dreg:$0x0];
	v12 =	vsel vm5, $0xB9, v12;
	v13 =	vsel vm5, $0xC9, v13;
	v14 =	vsel vm5, $0xD9, v14  }
0x28: {  	s0 =	rddreg [dreg:$0x1];
	s2 =	srdreg.scid;
	v15 =	vsel vm5, $0xE9, v15;
	v16 =	vsel vm5, $0xF9, v16;
	v9 =	vsel vm4, $0x10A, v9  }
0x29: {  	s3 =	rddreg [dreg:$0x2];
	s4 =	stileid.u32;
	v10 =	vsel vm4, $0x11A, v10;
	v11 =	vsel vm4, $0x12A, v11;
	v12 =	vsel vm4, $0x13A, v12  }
0x2a: {  	s13 =	simm.s32 $0xC800;
	s15 =	simm.s32 $0x10800;
	s16 =	simm.s32 $0x1;
	v13 =	vsel vm4, $0x14A, v13;
	v14 =	vsel vm4, $0x15A, v14;
	v15 =	vsel vm4, $0x16A, v15  }
0x2b: {  	s17 =	simm.s32 $0x14800;
	s18 =	simm.s32 $0x15000;
	s19 =	simm.s32 $0x15800;
	v16 =	vsel vm4, $0x17A, v16;
	v9 =	vsel vm3, $0x18B, v9;
	v10 =	vsel vm3, $0x19B, v10  }
0x2c: {  	s20 =	simm.s32 $0x16000;
	s21 =	simm.s32 $0x16800;
	s22 =	simm.s32 $0x17000;
	v11 =	vsel vm3, $0x1AB, v11;
	v12 =	vsel vm3, $0x1BB, v12;
	v13 =	vsel vm3, $0x1CB, v13  }
0x2d: {  	s23 =	simm.s32 $0x17800;
	s24 =	simm.s32 $0x18000;
	s28 =	simm.s32 $0x19000;
	v14 =	vsel vm3, $0x1DB, v14;
	v15 =	vsel vm3, $0x1EB, v15;
	v16 =	vsel vm3, $0x1FB, v16  }
0x2e: {  	s29 =	simm.s32 $0x19800;
	s30 =	simm.s32 $0x1A000;
	s31 =	simm.s32 $0x1A800;
	v9 =	vsel vm2, $0x20C, v9;
	v10 =	vsel vm2, $0x21C, v10;
	v11 =	vsel vm2, $0x22C, v11  }
0x2f: {  	s8 =	simm.s32 $0x1C000;
	s9 =	simm.s32 $0x0;
	s2 =	sand.u32 $0x1, s2;
	v12 =	vsel vm2, $0x23C, v12;
	v13 =	vsel vm2, $0x24C, v13;
	v14 =	vsel vm2, $0x25C, v14  }
0x30: {  	s5 =	sshll.u32 s4, $0xB;
	s4 =	simm.s32 $0x0;
	s6 =	sshll.u32 s2, $0xA;
	v15 =	vsel vm2, $0x26C, v15;
	v16 =	vsel vm2, $0x27C, v16;
	v9 =	vsel vm1, $0x28D, v9  }
0x31: {  	s2 =	ssub.s32 $0x2, s2;
	[smem:$0x7FF] =	sst s4;
	s5 =	sor.u32 s6, s5;
	v10 =	vsel vm1, $0x29D, v10;
	v11 =	vsel vm1, $0x2AD, v11;
	v12 =	vsel vm1, $0x2BD, v12  }
0x32: {  	s25 =	sshrl.u32 s2, $0x1;
	_ =	strace $0x80000047;
	s7 =	sshrl.u32 s5, $0x3;
	v13 =	vsel vm1, $0x2CD, v13;
	v14 =	vsel vm1, $0x2DD, v14;
	v15 =	vsel vm1, $0x2ED, v15  }
0x33: {  	s2 =	ssub.s32 s2, s25;
	s25 =	simm.s32 $0x2;
	s1 =	sadd.s32 s1, s7;
	v16 =	vsel vm1, $0x2FD, v16;
	v9 =	vsel vm0, $0x30E, v9;
	v10 =	vsel vm0, $0x31E, v10  }
0x34: {  	s26 =	smax.u32 s2, $0x1;
	s2 =	simm.s32 $0x1B000;
	[dreg:$0x4] =	wrdreg s1;
	v11 =	vsel vm0, $0x32E, v11;
	v12 =	vsel vm0, $0x33E, v12;
	v13 =	vsel vm0, $0x34E, v13  }
0x35: {  	[dreg:$0x5] =	wrdreg s26;
	s26 =	simm.s32 $0x18800;
	s1 =	simm.s32 $0x1B800;
	v14 =	vsel vm0, $0x35E, v14;
	v15 =	vsel vm0, $0x36E, v15;
	v16 =	vsel vm0, $0x37E, v16  }
.LBB2_1:
0x36: {  	[dreg:$0x6] =	wrdreg s9  }
0x37: {  	s6 =	rddreg [dreg:$0x4]  }
0x38: {  	s7 =	simm.s32 $0x400;
	s12 =	simm.s32 $0x8000;
	s14 =	simm.s32 $0x5  }
0x39: {  	[tilespmem:s4], [sflag:$0x5] =	stream.strided.gather [hbm4b:s6+s7], $0x6400, s12, s7, $0x38;
	[tilespmem:$0x1C800] =	vst v63  }
0x3a: {  	_ =	swait.ge [sflag:s14], $0x6400  }
0x3b: {  	[sflag:s14] =	ssyncset.done $0x0  }
0x3c: {  	s6 =	simm.s32 $0x0;
	[sflag:s14] =	ssyncadd.s32 $0xFFFF9C00  }
0x3d: {  	v24 =	vld [tilespmem:s6+$0x3F0]  }
0x3e: {  	v25 =	vld [tilespmem:s6+$0x0]  }
0x3f: {  	v26 =	vld [tilespmem:s6+$0x10]  }
0x40: {  	v27 =	vld [tilespmem:s6+$0x20]  }
0x41: {  	v28 =	vld [tilespmem:s6+$0x30]  }
0x42: {  	v29 =	vld [tilespmem:s6+$0x40];
	v24 =	vshra.s32 v24, $0x1  }
0x43: {  	v30 =	vld [tilespmem:s6+$0x50];
	v25 =	vshra.s32 v25, $0x1;
	[tilespmem:s6+$0x67F0] =	vst v24  }
0x44: {  	[tilespmem:s6+$0x6400] =	vst v25;
	v24 =	vshra.s32 v26, $0x1;
	v25 =	vld [tilespmem:s6+$0x60]  }
0x45: {  	v26 =	vld [tilespmem:s6+$0x70];
	[tilespmem:s6+$0x6410] =	vst v24;
	v24 =	vshra.s32 v27, $0x1  }
0x46: {  	v27 =	vld [tilespmem:s6+$0x80];
	[tilespmem:s6+$0x6420] =	vst v24;
	v24 =	vshra.s32 v28, $0x1  }
0x47: {  	v28 =	vld [tilespmem:s6+$0x90];
	[tilespmem:s6+$0x6430] =	vst v24;
	v24 =	vshra.s32 v29, $0x1  }
0x48: {  	v29 =	vld [tilespmem:s6+$0xA0];
	[tilespmem:s6+$0x6440] =	vst v24;
	v24 =	vshra.s32 v30, $0x1  }
0x49: {  	[tilespmem:s6+$0x6450] =	vst v24;
	v24 =	vshra.s32 v25, $0x1;
	v25 =	vld [tilespmem:s6+$0xB0]  }
0x4a: {  	[tilespmem:s6+$0x6460] =	vst v24;
	v24 =	vshra.s32 v26, $0x1;
	v26 =	vld [tilespmem:s6+$0xC0]  }
0x4b: {  	[tilespmem:s6+$0x6470] =	vst v24;
	v24 =	vshra.s32 v27, $0x1;
	v27 =	vld [tilespmem:s6+$0xD0]  }
0x4c: {  	[tilespmem:s6+$0x6480] =	vst v24;
	v24 =	vshra.s32 v28, $0x1;
	v28 =	vld [tilespmem:s6+$0xE0]  }
0x4d: {  	[tilespmem:s6+$0x6490] =	vst v24;
	v24 =	vshra.s32 v29, $0x1;
	v29 =	vld [tilespmem:s6+$0xF0]  }
0x4e: {  	[tilespmem:s6+$0x64A0] =	vst v24;
	v24 =	vshra.s32 v25, $0x1;
	v25 =	vld [tilespmem:s6+$0x100]  }
0x4f: {  	[tilespmem:s6+$0x64B0] =	vst v24;
	v24 =	vshra.s32 v26, $0x1;
	v26 =	vld [tilespmem:s6+$0x110]  }
0x50: {  	[tilespmem:s6+$0x64C0] =	vst v24;
	v24 =	vshra.s32 v27, $0x1;
	v27 =	vld [tilespmem:s6+$0x120]  }
0x51: {  	[tilespmem:s6+$0x64D0] =	vst v24;
	v24 =	vshra.s32 v28, $0x1;
	v28 =	vld [tilespmem:s6+$0x130]  }
0x52: {  	[tilespmem:s6+$0x64E0] =	vst v24;
	v24 =	vshra.s32 v29, $0x1;
	v29 =	vld [tilespmem:s6+$0x140]  }
0x53: {  	[tilespmem:s6+$0x64F0] =	vst v24;
	v24 =	vshra.s32 v25, $0x1;
	v25 =	vld [tilespmem:s6+$0x150]  }
0x54: {  	[tilespmem:s6+$0x6500] =	vst v24;
	v24 =	vshra.s32 v26, $0x1;
	v26 =	vld [tilespmem:s6+$0x160]  }
0x55: {  	[tilespmem:s6+$0x6510] =	vst v24;
	v24 =	vshra.s32 v27, $0x1;
	v27 =	vld [tilespmem:s6+$0x170]  }
0x56: {  	[tilespmem:s6+$0x6520] =	vst v24;
	v24 =	vshra.s32 v28, $0x1;
	v28 =	vld [tilespmem:s6+$0x180]  }
0x57: {  	[tilespmem:s6+$0x6530] =	vst v24;
	v24 =	vshra.s32 v29, $0x1;
	v29 =	vld [tilespmem:s6+$0x190]  }
0x58: {  	[tilespmem:s6+$0x6540] =	vst v24;
	v24 =	vshra.s32 v25, $0x1;
	v25 =	vld [tilespmem:s6+$0x1A0]  }
0x59: {  	[tilespmem:s6+$0x6550] =	vst v24;
	v24 =	vshra.s32 v26, $0x1;
	v26 =	vld [tilespmem:s6+$0x1B0]  }
0x5a: {  	[tilespmem:s6+$0x6560] =	vst v24;
	v24 =	vshra.s32 v27, $0x1;
	v27 =	vld [tilespmem:s6+$0x1C0]  }
0x5b: {  	[tilespmem:s6+$0x6570] =	vst v24;
	v24 =	vshra.s32 v28, $0x1;
	v28 =	vld [tilespmem:s6+$0x1D0]  }
0x5c: {  	[tilespmem:s6+$0x6580] =	vst v24;
	v24 =	vshra.s32 v29, $0x1;
	v29 =	vld [tilespmem:s6+$0x1E0]  }
0x5d: {  	[tilespmem:s6+$0x6590] =	vst v24;
	v24 =	vshra.s32 v25, $0x1;
	v25 =	vld [tilespmem:s6+$0x1F0]  }
0x5e: {  	[tilespmem:s6+$0x65A0] =	vst v24;
	v24 =	vshra.s32 v26, $0x1;
	v26 =	vld [tilespmem:s6+$0x200]  }
0x5f: {  	[tilespmem:s6+$0x65B0] =	vst v24;
	v24 =	vshra.s32 v27, $0x1;
	v27 =	vld [tilespmem:s6+$0x210]  }
0x60: {  	[tilespmem:s6+$0x65C0] =	vst v24;
	v24 =	vshra.s32 v28, $0x1;
	v28 =	vld [tilespmem:s6+$0x220]  }
0x61: {  	[tilespmem:s6+$0x65D0] =	vst v24;
	v24 =	vshra.s32 v29, $0x1;
	v29 =	vld [tilespmem:s6+$0x230]  }
0x62: {  	[tilespmem:s6+$0x65E0] =	vst v24;
	v24 =	vshra.s32 v25, $0x1;
	v25 =	vld [tilespmem:s6+$0x240]  }
0x63: {  	[tilespmem:s6+$0x65F0] =	vst v24;
	v24 =	vshra.s32 v26, $0x1;
	v26 =	vld [tilespmem:s6+$0x250]  }
0x64: {  	[tilespmem:s6+$0x6600] =	vst v24;
	v24 =	vshra.s32 v27, $0x1;
	v27 =	vld [tilespmem:s6+$0x260]  }
0x65: {  	[tilespmem:s6+$0x6610] =	vst v24;
	v24 =	vshra.s32 v28, $0x1;
	v28 =	vld [tilespmem:s6+$0x270]  }
0x66: {  	[tilespmem:s6+$0x6620] =	vst v24;
	v24 =	vshra.s32 v29, $0x1;
	v29 =	vld [tilespmem:s6+$0x280]  }
0x67: {  	[tilespmem:s6+$0x6630] =	vst v24;
	v24 =	vshra.s32 v25, $0x1;
	v25 =	vld [tilespmem:s6+$0x290]  }
0x68: {  	[tilespmem:s6+$0x6640] =	vst v24;
	v24 =	vshra.s32 v26, $0x1;
	v26 =	vld [tilespmem:s6+$0x2A0]  }
0x69: {  	[tilespmem:s6+$0x6650] =	vst v24;
	v24 =	vshra.s32 v27, $0x1;
	v27 =	vld [tilespmem:s6+$0x2B0]  }
0x6a: {  	[tilespmem:s6+$0x6660] =	vst v24;
	v24 =	vshra.s32 v28, $0x1;
	v28 =	vld [tilespmem:s6+$0x2C0]  }
0x6b: {  	[tilespmem:s6+$0x6670] =	vst v24;
	v24 =	vshra.s32 v29, $0x1;
	v29 =	vld [tilespmem:s6+$0x2D0]  }
0x6c: {  	[tilespmem:s6+$0x6680] =	vst v24;
	v24 =	vshra.s32 v25, $0x1;
	v25 =	vld [tilespmem:s6+$0x2E0]  }
0x6d: {  	[tilespmem:s6+$0x6690] =	vst v24;
	v24 =	vshra.s32 v26, $0x1;
	v26 =	vld [tilespmem:s6+$0x2F0]  }
0x6e: {  	[tilespmem:s6+$0x66A0] =	vst v24;
	v24 =	vshra.s32 v27, $0x1;
	v27 =	vld [tilespmem:s6+$0x300]  }
0x6f: {  	[tilespmem:s6+$0x66B0] =	vst v24;
	v24 =	vshra.s32 v28, $0x1;
	v28 =	vld [tilespmem:s6+$0x310]  }
0x70: {  	[tilespmem:s6+$0x66C0] =	vst v24;
	v24 =	vshra.s32 v29, $0x1;
	v29 =	vld [tilespmem:s6+$0x320]  }
0x71: {  	[tilespmem:s6+$0x66D0] =	vst v24;
	v24 =	vshra.s32 v25, $0x1;
	v25 =	vld [tilespmem:s6+$0x330]  }
0x72: {  	[tilespmem:s6+$0x66E0] =	vst v24;
	v24 =	vshra.s32 v26, $0x1;
	v26 =	vld [tilespmem:s6+$0x340]  }
0x73: {  	[tilespmem:s6+$0x66F0] =	vst v24;
	v24 =	vshra.s32 v27, $0x1;
	v27 =	vld [tilespmem:s6+$0x350]  }
0x74: {  	[tilespmem:s6+$0x6700] =	vst v24;
	v24 =	vshra.s32 v28, $0x1;
	v28 =	vld [tilespmem:s6+$0x360]  }
0x75: {  	[tilespmem:s6+$0x6710] =	vst v24;
	v24 =	vshra.s32 v29, $0x1;
	v29 =	vld [tilespmem:s6+$0x370]  }
0x76: {  	v30 =	vld [tilespmem:s6+$0x380];
	[tilespmem:s6+$0x6720] =	vst v24;
	v24 =	vshra.s32 v25, $0x1  }
0x77: {  	v31 =	vld [tilespmem:s6+$0x390];
	[tilespmem:s6+$0x6730] =	vst v24;
	v24 =	vshra.s32 v26, $0x1  }
0x78: {  	[tilespmem:s6+$0x6740] =	vst v24;
	v25 =	vshra.s32 v27, $0x1;
	v24 =	vld [tilespmem:s6+$0x3A0]  }
0x79: {  	[tilespmem:s6+$0x6750] =	vst v25;
	v26 =	vshra.s32 v28, $0x1;
	v25 =	vld [tilespmem:s6+$0x3B0]  }
0x7a: {  	[tilespmem:s6+$0x6760] =	vst v26;
	v27 =	vshra.s32 v29, $0x1;
	v26 =	vld [tilespmem:s6+$0x3C0]  }
0x7b: {  	v28 =	vshra.s32 v30, $0x1;
	[tilespmem:s6+$0x6770] =	vst v27;
	v27 =	vld [tilespmem:s6+$0x3D0]  }
0x7c: {  	s9 =	simm.s32 $0x400;
	s7 =	simm.s32 $0x2000;
	[tilespmem:s6+$0x6780] =	vst v28;
	v29 =	vshra.s32 v31, $0x1;
	v28 =	vld [tilespmem:s6+$0x3E0]  }
.LBB2_2:
0x7d: {  	p0 =	sne.s32 s7, $0x18000;
	v30 =	vld [tilespmem:s9+$0x3F0];
	[tilespmem:s6+$0x6790] =	vst v29;
	v24 =	vshra.s32 v24, $0x1  }
0x7e: {  	v29 =	vld [tilespmem:s9+$0x0];
	[tilespmem:s6+$0x67A0] =	vst v24;
	v24 =	vshra.s32 v25, $0x1  }
0x7f: {  	v25 =	vld [tilespmem:s9+$0x10];
	[tilespmem:s6+$0x67B0] =	vst v24;
	v24 =	vshra.s32 v26, $0x1  }
0x80: {  	v26 =	vld [tilespmem:s9+$0x20];
	[tilespmem:s6+$0x67C0] =	vst v24;
	v24 =	vshra.s32 v27, $0x1  }
0x81: {  	v27 =	vld [tilespmem:s9+$0x30];
	[tilespmem:s6+$0x67D0] =	vst v24;
	v24 =	vshra.s32 v28, $0x1  }
0x82: {  	v28 =	vld [tilespmem:s9+$0x40];
	v30 =	vshra.s32 v30, $0x1;
	[tilespmem:s6+$0x67E0] =	vst v24;
	s6 =	smov.u32 s9  }
0x83: {  	v24 =	vshra.s32 v29, $0x1;
	v29 =	vld [tilespmem:s6+$0x50];
	[tilespmem:s6+$0x67F0] =	vst v30  }
0x84: {  	[tilespmem:s6+$0x6400] =	vst v24;
	v24 =	vshra.s32 v25, $0x1;
	v25 =	vld [tilespmem:s6+$0x60]  }
0x85: {  	[tilespmem:s6+$0x6410] =	vst v24;
	v24 =	vshra.s32 v26, $0x1;
	v26 =	vld [tilespmem:s6+$0x70]  }
0x86: {  	[tilespmem:s6+$0x6420] =	vst v24;
	v24 =	vshra.s32 v27, $0x1;
	v27 =	vld [tilespmem:s6+$0x80]  }
0x87: {  	[tilespmem:s6+$0x6430] =	vst v24;
	v24 =	vshra.s32 v28, $0x1;
	v28 =	vld [tilespmem:s6+$0x90]  }
0x88: {  	[tilespmem:s6+$0x6440] =	vst v24;
	v24 =	vshra.s32 v29, $0x1;
	v29 =	vld [tilespmem:s6+$0xA0]  }
0x89: {  	[tilespmem:s6+$0x6450] =	vst v24;
	v24 =	vshra.s32 v25, $0x1;
	v25 =	vld [tilespmem:s6+$0xB0]  }
0x8a: {  	[tilespmem:s6+$0x6460] =	vst v24;
	v24 =	vshra.s32 v26, $0x1;
	v26 =	vld [tilespmem:s6+$0xC0]  }
0x8b: {  	[tilespmem:s6+$0x6470] =	vst v24;
	v24 =	vshra.s32 v27, $0x1;
	v27 =	vld [tilespmem:s6+$0xD0]  }
0x8c: {  	[tilespmem:s6+$0x6480] =	vst v24;
	v24 =	vshra.s32 v28, $0x1;
	v28 =	vld [tilespmem:s6+$0xE0]  }
0x8d: {  	[tilespmem:s6+$0x6490] =	vst v24;
	v24 =	vshra.s32 v29, $0x1;
	v29 =	vld [tilespmem:s6+$0xF0]  }
0x8e: {  	[tilespmem:s6+$0x64A0] =	vst v24;
	v24 =	vshra.s32 v25, $0x1;
	v25 =	vld [tilespmem:s6+$0x100]  }
0x8f: {  	[tilespmem:s6+$0x64B0] =	vst v24;
	v24 =	vshra.s32 v26, $0x1;
	v26 =	vld [tilespmem:s6+$0x110]  }
0x90: {  	[tilespmem:s6+$0x64C0] =	vst v24;
	v24 =	vshra.s32 v27, $0x1;
	v27 =	vld [tilespmem:s6+$0x120]  }
0x91: {  	[tilespmem:s6+$0x64D0] =	vst v24;
	v24 =	vshra.s32 v28, $0x1;
	v28 =	vld [tilespmem:s6+$0x130]  }
0x92: {  	[tilespmem:s6+$0x64E0] =	vst v24;
	v24 =	vshra.s32 v29, $0x1;
	v29 =	vld [tilespmem:s6+$0x140]  }
0x93: {  	[tilespmem:s6+$0x64F0] =	vst v24;
	v24 =	vshra.s32 v25, $0x1;
	v25 =	vld [tilespmem:s6+$0x150]  }
0x94: {  	[tilespmem:s6+$0x6500] =	vst v24;
	v24 =	vshra.s32 v26, $0x1;
	v26 =	vld [tilespmem:s6+$0x160]  }
0x95: {  	[tilespmem:s6+$0x6510] =	vst v24;
	v24 =	vshra.s32 v27, $0x1;
	v27 =	vld [tilespmem:s6+$0x170]  }
0x96: {  	[tilespmem:s6+$0x6520] =	vst v24;
	v24 =	vshra.s32 v28, $0x1;
	v28 =	vld [tilespmem:s6+$0x180]  }
0x97: {  	[tilespmem:s6+$0x6530] =	vst v24;
	v24 =	vshra.s32 v29, $0x1;
	v29 =	vld [tilespmem:s6+$0x190]  }
0x98: {  	[tilespmem:s6+$0x6540] =	vst v24;
	v24 =	vshra.s32 v25, $0x1;
	v25 =	vld [tilespmem:s6+$0x1A0]  }
0x99: {  	[tilespmem:s6+$0x6550] =	vst v24;
	v24 =	vshra.s32 v26, $0x1;
	v26 =	vld [tilespmem:s6+$0x1B0]  }
0x9a: {  	[tilespmem:s6+$0x6560] =	vst v24;
	v24 =	vshra.s32 v27, $0x1;
	v27 =	vld [tilespmem:s6+$0x1C0]  }
0x9b: {  	[tilespmem:s6+$0x6570] =	vst v24;
	v24 =	vshra.s32 v28, $0x1;
	v28 =	vld [tilespmem:s6+$0x1D0]  }
0x9c: {  	[tilespmem:s6+$0x6580] =	vst v24;
	v24 =	vshra.s32 v29, $0x1;
	v29 =	vld [tilespmem:s6+$0x1E0]  }
0x9d: {  	[tilespmem:s6+$0x6590] =	vst v24;
	v24 =	vshra.s32 v25, $0x1;
	v25 =	vld [tilespmem:s6+$0x1F0]  }
0x9e: {  	[tilespmem:s6+$0x65A0] =	vst v24;
	v24 =	vshra.s32 v26, $0x1;
	v26 =	vld [tilespmem:s6+$0x200]  }
0x9f: {  	[tilespmem:s6+$0x65B0] =	vst v24;
	v24 =	vshra.s32 v27, $0x1;
	v27 =	vld [tilespmem:s6+$0x210]  }
0xa0: {  	[tilespmem:s6+$0x65C0] =	vst v24;
	v24 =	vshra.s32 v28, $0x1;
	v28 =	vld [tilespmem:s6+$0x220]  }
0xa1: {  	[tilespmem:s6+$0x65D0] =	vst v24;
	v24 =	vshra.s32 v29, $0x1;
	v29 =	vld [tilespmem:s6+$0x230]  }
0xa2: {  	[tilespmem:s6+$0x65E0] =	vst v24;
	v24 =	vshra.s32 v25, $0x1;
	v25 =	vld [tilespmem:s6+$0x240]  }
0xa3: {  	[tilespmem:s6+$0x65F0] =	vst v24;
	v24 =	vshra.s32 v26, $0x1;
	v26 =	vld [tilespmem:s6+$0x250]  }
0xa4: {  	[tilespmem:s6+$0x6600] =	vst v24;
	v24 =	vshra.s32 v27, $0x1;
	v27 =	vld [tilespmem:s6+$0x260]  }
0xa5: {  	[tilespmem:s6+$0x6610] =	vst v24;
	v24 =	vshra.s32 v28, $0x1;
	v28 =	vld [tilespmem:s6+$0x270]  }
0xa6: {  	[tilespmem:s6+$0x6620] =	vst v24;
	v24 =	vshra.s32 v29, $0x1;
	v29 =	vld [tilespmem:s6+$0x280]  }
0xa7: {  	[tilespmem:s6+$0x6630] =	vst v24;
	v24 =	vshra.s32 v25, $0x1;
	v25 =	vld [tilespmem:s6+$0x290]  }
0xa8: {  	[tilespmem:s6+$0x6640] =	vst v24;
	v24 =	vshra.s32 v26, $0x1;
	v26 =	vld [tilespmem:s6+$0x2A0]  }
0xa9: {  	[tilespmem:s6+$0x6650] =	vst v24;
	v24 =	vshra.s32 v27, $0x1;
	v27 =	vld [tilespmem:s6+$0x2B0]  }
0xaa: {  	[tilespmem:s6+$0x6660] =	vst v24;
	v24 =	vshra.s32 v28, $0x1;
	v28 =	vld [tilespmem:s6+$0x2C0]  }
0xab: {  	[tilespmem:s6+$0x6670] =	vst v24;
	v24 =	vshra.s32 v29, $0x1;
	v29 =	vld [tilespmem:s6+$0x2D0]  }
0xac: {  	[tilespmem:s6+$0x6680] =	vst v24;
	v24 =	vshra.s32 v25, $0x1;
	v25 =	vld [tilespmem:s6+$0x2E0]  }
0xad: {  	[tilespmem:s6+$0x6690] =	vst v24;
	v24 =	vshra.s32 v26, $0x1;
	v26 =	vld [tilespmem:s6+$0x2F0]  }
0xae: {  	[tilespmem:s6+$0x66A0] =	vst v24;
	v24 =	vshra.s32 v27, $0x1;
	v27 =	vld [tilespmem:s6+$0x300]  }
0xaf: {  	[tilespmem:s6+$0x66B0] =	vst v24;
	v24 =	vshra.s32 v28, $0x1;
	v28 =	vld [tilespmem:s6+$0x310]  }
0xb0: {  	[tilespmem:s6+$0x66C0] =	vst v24;
	v24 =	vshra.s32 v29, $0x1;
	v29 =	vld [tilespmem:s6+$0x320]  }
0xb1: {  	[tilespmem:s6+$0x66D0] =	vst v24;
	v24 =	vshra.s32 v25, $0x1;
	v25 =	vld [tilespmem:s6+$0x330]  }
0xb2: {  	[tilespmem:s6+$0x66E0] =	vst v24;
	v24 =	vshra.s32 v26, $0x1;
	v26 =	vld [tilespmem:s6+$0x340]  }
0xb3: {  	[tilespmem:s6+$0x66F0] =	vst v24;
	v24 =	vshra.s32 v27, $0x1;
	v27 =	vld [tilespmem:s6+$0x350]  }
0xb4: {  	[tilespmem:s6+$0x6700] =	vst v24;
	v24 =	vshra.s32 v28, $0x1;
	v28 =	vld [tilespmem:s6+$0x360]  }
0xb5: {  	[tilespmem:s6+$0x6710] =	vst v24;
	v24 =	vshra.s32 v29, $0x1;
	v29 =	vld [tilespmem:s6+$0x370]  }
0xb6: {  	[tilespmem:s6+$0x6720] =	vst v24;
	v24 =	vshra.s32 v25, $0x1;
	v30 =	vld [tilespmem:s6+$0x380]  }
0xb7: {  	[tilespmem:s6+$0x6730] =	vst v24;
	v24 =	vshra.s32 v26, $0x1;
	v31 =	vld [tilespmem:s6+$0x390]  }
.Ltmp0:
0xb8: {  	[tilespmem:s6+$0x6740] =	vst v24;
	v25 =	vshra.s32 v27, $0x1;
	v24 =	vld [tilespmem:s6+$0x3A0];
	(pc) =	sbr.rel @p0 .LBB2_2-.Ltmp0, $4  }
0xb9: {  	[tilespmem:s6+$0x6750] =	vst v25;
	v26 =	vshra.s32 v28, $0x1;
	v25 =	vld [tilespmem:s6+$0x3B0]  }
0xba: {  	[tilespmem:s6+$0x6760] =	vst v26;
	v27 =	vshra.s32 v29, $0x1;
	v26 =	vld [tilespmem:s6+$0x3C0]  }
0xbb: {  	[tilespmem:s6+$0x6770] =	vst v27;
	v28 =	vshra.s32 v30, $0x1;
	v27 =	vld [tilespmem:s6+$0x3D0]  }
0xbc: {  	s9 =	sshra.s32 s7, $0x2;
	s7 =	sadd.s32 $0x1000, s7;
	[tilespmem:s6+$0x6780] =	vst v28;
	v29 =	vshra.s32 v31, $0x1;
	v28 =	vld [tilespmem:s6+$0x3E0]  }
0xbd: {  	v30 =	vld [tilespmem:s9+$0x3F0];
	[tilespmem:s6+$0x6790] =	vst v29;
	v24 =	vshra.s32 v24, $0x1  }
0xbe: {  	v29 =	vld [tilespmem:s9+$0x0];
	[tilespmem:s6+$0x67A0] =	vst v24;
	v32 =	vshra.s32 v25, $0x1  }
0xbf: {  	v33 =	vld [tilespmem:s9+$0x10];
	[tilespmem:s6+$0x67B0] =	vst v32;
	v34 =	vshra.s32 v26, $0x1  }
0xc0: {  	v35 =	vld [tilespmem:s9+$0x20];
	[tilespmem:s6+$0x67C0] =	vst v34;
	v36 =	vshra.s32 v27, $0x1  }
0xc1: {  	v37 =	vld [tilespmem:s9+$0x30];
	[tilespmem:s6+$0x67D0] =	vst v36;
	v38 =	vshra.s32 v28, $0x1  }
0xc2: {  	v39 =	vld [tilespmem:s9+$0x40];
	[tilespmem:s6+$0x67E0] =	vst v38;
	v40 =	vshra.s32 v30, $0x1  }
0xc3: {  	v41 =	vld [tilespmem:s9+$0x50];
	v29 =	vshra.s32 v29, $0x1;
	[tilespmem:s9+$0x67F0] =	vst v40  }
0xc4: {  	v43 =	vld [tilespmem:s9+$0x60];
	[tilespmem:s9+$0x6400] =	vst v29;
	v42 =	vshra.s32 v33, $0x1  }
0xc5: {  	v45 =	vld [tilespmem:s9+$0x70];
	[tilespmem:s9+$0x6410] =	vst v42;
	v44 =	vshra.s32 v35, $0x1  }
0xc6: {  	v47 =	vld [tilespmem:s9+$0x80];
	[tilespmem:s9+$0x6420] =	vst v44;
	v46 =	vshra.s32 v37, $0x1  }
0xc7: {  	v49 =	vld [tilespmem:s9+$0x90];
	[tilespmem:s9+$0x6430] =	vst v46;
	v48 =	vshra.s32 v39, $0x1  }
0xc8: {  	v51 =	vld [tilespmem:s9+$0xA0];
	[tilespmem:s9+$0x6440] =	vst v48;
	v50 =	vshra.s32 v41, $0x1  }
0xc9: {  	v53 =	vld [tilespmem:s9+$0xB0];
	v52 =	vshra.s32 v43, $0x1;
	[tilespmem:s9+$0x6450] =	vst v50  }
0xca: {  	v55 =	vld [tilespmem:s9+$0xC0];
	v54 =	vshra.s32 v45, $0x1;
	[tilespmem:s9+$0x6460] =	vst v52  }
0xcb: {  	v57 =	vld [tilespmem:s9+$0xD0];
	v56 =	vshra.s32 v47, $0x1;
	[tilespmem:s9+$0x6470] =	vst v54  }
0xcc: {  	v59 =	vld [tilespmem:s9+$0xE0];
	v58 =	vshra.s32 v49, $0x1;
	[tilespmem:s9+$0x6480] =	vst v56  }
0xcd: {  	v61 =	vld [tilespmem:s9+$0xF0];
	v60 =	vshra.s32 v51, $0x1;
	[tilespmem:s9+$0x6490] =	vst v58  }
0xce: {  	v63 =	vld [tilespmem:s9+$0x100];
	v62 =	vshra.s32 v53, $0x1;
	[tilespmem:s9+$0x64A0] =	vst v60  }
0xcf: {  	v33 =	vld [tilespmem:s9+$0x110];
	v32 =	vshra.s32 v55, $0x1;
	[tilespmem:s9+$0x64B0] =	vst v62  }
0xd0: {  	v35 =	vld [tilespmem:s9+$0x120];
	v34 =	vshra.s32 v57, $0x1;
	[tilespmem:s9+$0x64C0] =	vst v32  }
0xd1: {  	v37 =	vld [tilespmem:s9+$0x130];
	v36 =	vshra.s32 v59, $0x1;
	[tilespmem:s9+$0x64D0] =	vst v34  }
0xd2: {  	v39 =	vld [tilespmem:s9+$0x140];
	v38 =	vshra.s32 v61, $0x1;
	[tilespmem:s9+$0x64E0] =	vst v36  }
0xd3: {  	v40 =	vshra.s32 v63, $0x1;
	v41 =	vld [tilespmem:s9+$0x150];
	[tilespmem:s9+$0x64F0] =	vst v38  }
0xd4: {  	v43 =	vld [tilespmem:s9+$0x160];
	[tilespmem:s9+$0x6500] =	vst v40;
	v42 =	vshra.s32 v33, $0x1  }
0xd5: {  	v45 =	vld [tilespmem:s9+$0x170];
	[tilespmem:s9+$0x6510] =	vst v42;
	v44 =	vshra.s32 v35, $0x1  }
0xd6: {  	v47 =	vld [tilespmem:s9+$0x180];
	[tilespmem:s9+$0x6520] =	vst v44;
	v46 =	vshra.s32 v37, $0x1  }
0xd7: {  	v49 =	vld [tilespmem:s9+$0x190];
	[tilespmem:s9+$0x6530] =	vst v46;
	v48 =	vshra.s32 v39, $0x1  }
0xd8: {  	v51 =	vld [tilespmem:s9+$0x1A0];
	[tilespmem:s9+$0x6540] =	vst v48;
	v50 =	vshra.s32 v41, $0x1  }
0xd9: {  	v53 =	vld [tilespmem:s9+$0x1B0];
	v52 =	vshra.s32 v43, $0x1;
	[tilespmem:s9+$0x6550] =	vst v50  }
0xda: {  	v55 =	vld [tilespmem:s9+$0x1C0];
	v54 =	vshra.s32 v45, $0x1;
	[tilespmem:s9+$0x6560] =	vst v52  }
0xdb: {  	v57 =	vld [tilespmem:s9+$0x1D0];
	v56 =	vshra.s32 v47, $0x1;
	[tilespmem:s9+$0x6570] =	vst v54  }
0xdc: {  	v59 =	vld [tilespmem:s9+$0x1E0];
	v58 =	vshra.s32 v49, $0x1;
	[tilespmem:s9+$0x6580] =	vst v56  }
0xdd: {  	v61 =	vld [tilespmem:s9+$0x1F0];
	v60 =	vshra.s32 v51, $0x1;
	[tilespmem:s9+$0x6590] =	vst v58  }
0xde: {  	v63 =	vld [tilespmem:s9+$0x200];
	v62 =	vshra.s32 v53, $0x1;
	[tilespmem:s9+$0x65A0] =	vst v60  }
0xdf: {  	v32 =	vld [tilespmem:s9+$0x210];
	v31 =	vshra.s32 v55, $0x1;
	[tilespmem:s9+$0x65B0] =	vst v62  }
0xe0: {  	v34 =	vld [tilespmem:s9+$0x220];
	v33 =	vshra.s32 v57, $0x1;
	[tilespmem:s9+$0x65C0] =	vst v31  }
0xe1: {  	v36 =	vld [tilespmem:s9+$0x230];
	v35 =	vshra.s32 v59, $0x1;
	[tilespmem:s9+$0x65D0] =	vst v33  }
0xe2: {  	v38 =	vld [tilespmem:s9+$0x240];
	v37 =	vshra.s32 v61, $0x1;
	[tilespmem:s9+$0x65E0] =	vst v35  }
0xe3: {  	v40 =	vld [tilespmem:s9+$0x250];
	v39 =	vshra.s32 v63, $0x1;
	[tilespmem:s9+$0x65F0] =	vst v37  }
0xe4: {  	v42 =	vld [tilespmem:s9+$0x260];
	[tilespmem:s9+$0x6600] =	vst v39;
	v41 =	vshra.s32 v32, $0x1  }
0xe5: {  	v44 =	vld [tilespmem:s9+$0x270];
	v43 =	vshra.s32 v34, $0x1;
	[tilespmem:s9+$0x6610] =	vst v41  }
0xe6: {  	v46 =	vld [tilespmem:s9+$0x280];
	v45 =	vshra.s32 v36, $0x1;
	[tilespmem:s9+$0x6620] =	vst v43  }
0xe7: {  	v48 =	vld [tilespmem:s9+$0x290];
	v47 =	vshra.s32 v38, $0x1;
	[tilespmem:s9+$0x6630] =	vst v45  }
0xe8: {  	v49 =	vshra.s32 v40, $0x1;
	v50 =	vld [tilespmem:s9+$0x2A0];
	[tilespmem:s9+$0x6640] =	vst v47  }
0xe9: {  	v52 =	vld [tilespmem:s9+$0x2B0];
	[tilespmem:s9+$0x6650] =	vst v49;
	v51 =	vshra.s32 v42, $0x1  }
0xea: {  	v54 =	vld [tilespmem:s9+$0x2C0];
	[tilespmem:s9+$0x6660] =	vst v51;
	v53 =	vshra.s32 v44, $0x1  }
0xeb: {  	v56 =	vld [tilespmem:s9+$0x2D0];
	[tilespmem:s9+$0x6670] =	vst v53;
	v55 =	vshra.s32 v46, $0x1  }
0xec: {  	v58 =	vld [tilespmem:s9+$0x2E0];
	[tilespmem:s9+$0x6680] =	vst v55;
	v57 =	vshra.s32 v48, $0x1  }
0xed: {  	v60 =	vld [tilespmem:s9+$0x2F0];
	[tilespmem:s9+$0x6690] =	vst v57;
	v59 =	vshra.s32 v50, $0x1  }
0xee: {  	v62 =	vld [tilespmem:s9+$0x300];
	v61 =	vshra.s32 v52, $0x1;
	[tilespmem:s9+$0x66A0] =	vst v59  }
0xef: {  	v32 =	vld [tilespmem:s9+$0x310];
	v63 =	vshra.s32 v54, $0x1;
	[tilespmem:s9+$0x66B0] =	vst v61  }
0xf0: {  	v34 =	vld [tilespmem:s9+$0x320];
	v33 =	vshra.s32 v56, $0x1;
	[tilespmem:s9+$0x66C0] =	vst v63  }
0xf1: {  	v36 =	vld [tilespmem:s9+$0x330];
	v35 =	vshra.s32 v58, $0x1;
	[tilespmem:s9+$0x66D0] =	vst v33  }
0xf2: {  	v38 =	vld [tilespmem:s9+$0x340];
	v37 =	vshra.s32 v60, $0x1;
	[tilespmem:s9+$0x66E0] =	vst v35  }
0xf3: {  	v40 =	vld [tilespmem:s9+$0x350];
	v39 =	vshra.s32 v62, $0x1;
	[tilespmem:s9+$0x66F0] =	vst v37  }
0xf4: {  	v42 =	vld [tilespmem:s9+$0x360];
	v41 =	vshra.s32 v32, $0x1;
	[tilespmem:s9+$0x6700] =	vst v39  }
0xf5: {  	v44 =	vld [tilespmem:s9+$0x370];
	v43 =	vshra.s32 v34, $0x1;
	[tilespmem:s9+$0x6710] =	vst v41  }
0xf6: {  	v46 =	vld [tilespmem:s9+$0x380];
	v45 =	vshra.s32 v36, $0x1;
	[tilespmem:s9+$0x6720] =	vst v43  }
0xf7: {  	v48 =	vld [tilespmem:s9+$0x390];
	v47 =	vshra.s32 v38, $0x1;
	[tilespmem:s9+$0x6730] =	vst v45  }
0xf8: {  	v49 =	vshra.s32 v40, $0x1;
	v50 =	vld [tilespmem:s9+$0x3A0];
	[tilespmem:s9+$0x6740] =	vst v47  }
0xf9: {  	v52 =	vld [tilespmem:s9+$0x3B0];
	[tilespmem:s9+$0x6750] =	vst v49;
	v51 =	vshra.s32 v42, $0x1  }
0xfa: {  	v54 =	vld [tilespmem:s9+$0x3C0];
	[tilespmem:s9+$0x6760] =	vst v51;
	v53 =	vshra.s32 v44, $0x1  }
0xfb: {  	v56 =	vld [tilespmem:s9+$0x3D0];
	[tilespmem:s9+$0x6770] =	vst v53;
	v55 =	vshra.s32 v46, $0x1  }
0xfc: {  	v58 =	vld [tilespmem:s9+$0x3E0];
	[tilespmem:s9+$0x6780] =	vst v55;
	v57 =	vshra.s32 v48, $0x1  }
0xfd: {  	[tilespmem:s9+$0x6790] =	vst v57;
	v59 =	vshra.s32 v50, $0x1  }
0xfe: {  	v60 =	vshra.s32 v52, $0x1;
	[tilespmem:s9+$0x67A0] =	vst v59  }
0xff: {  	v61 =	vshra.s32 v54, $0x1;
	[tilespmem:s9+$0x67B0] =	vst v60  }
0x100: {  	v62 =	vshra.s32 v56, $0x1;
	[tilespmem:s9+$0x67C0] =	vst v61  }
0x101: {  	v63 =	vshra.s32 v58, $0x1;
	[tilespmem:s9+$0x67D0] =	vst v62  }
0x102: {  	s12 =	simm.s32 $0x80;
	s7 =	simm.s32 $0x6400;
	[tilespmem:s9+$0x67E0] =	vst v63  }
0x103: {  	[tilespmem:s13], [sflag:$0x1] =	stream.indirect.gather [hbm4b:s0+s12], $0x80, s7, s12, $0xb8;
	[tilespmem:$0x1C800] =	vst v63  }
0x104: {  	s14 =	simm.s32 $0x6480;
	s11 =	simm.s32 $0x0  }
0x105: {  	[tilespmem:s15], [sflag:$0x2] =	stream.indirect.gather [hbm4b:s0+s12], $0x80, s14, s12, $0xb8;
	[tilespmem:$0x1C800] =	vst v63  }
.LBB2_4:
0x106: {  	_ =	swait.ge [sflag:s16], $0x4000  }
0x107: {  	p0 =	seq.s32 s11, $0x0;
	[sflag:s16] =	ssyncset.done $0x0  }
0x108: {  	s6 =	simm.s32 @!p0 $0x3;
	[sflag:s16] =	ssyncadd.s32 $0xFFFFC000  }
0x109: {  	_ =	swait.ge @!p0 [sflag:s6], $0x2000  }
0x10a: {  	[sflag:s6] =	ssyncset.done @!p0 $0x0  }
0x10b: {  	s7 =	sshll.u32 s11, $0x8;
	[sflag:s6] =	ssyncadd.s32 @!p0 $0xFFFFE000  }
0x10c: {  	v24 =	vld [tilespmem:s7+$0x0];
	_ =	sdelay $0x4  }
0x10d: {  	s9 =	simm.s32 $0x0;
	v24 =	vshll.u32 v24, $0x6  }
0x10e: {  	v26 =	vadd.s32 s9, v0;
	v25 =	vld [tilespmem:s7+$0x10];
	v24 =	vand.u32 $0x40, v24  }
0x10f: {  	v32 =	vand.u32 $0x3F, v26;
	v24 =	vor.u32 v1, v24  }
0x110: {  	v27 =	vor.u32 v32, v24;
	_ =	sdelay $0x2  }
0x111: {  	v26 =	vshll.u32 v26, $0x8;
	v25 =	vshll.u32 v25, $0x6  }
0x112: {  	v33 =	vand.u32 $0x3800, v26;
	v28 =	vld [tilespmem:s7+$0x20];
	v25 =	vand.u32 $0x40, v25  }
0x113: {  	v25 =	vor.u32 v2, v25;
	v26 =	vld.idx.msk [tilespmem:v27+s13+$0x0], $0xffff;
	v27 =	vor.u32 v9, v33  }
0x114: {  	v29 =	vld [tilespmem:s7+$0x30];
	v31 =	vor.u32 v32, v25  }
0x115: {  	v30 =	vld [tilespmem:s7+$0x40]  }
0x116: {  	v34 =	vld [tilespmem:s7+$0x50]  }
0x117: {  	v35 =	vld [tilespmem:s7+$0x60];
	v28 =	vshll.u32 v28, $0x6  }
0x118: {  	v36 =	vld [tilespmem:s7+$0x70];
	v28 =	vand.u32 $0x40, v28;
	[tilespmem:v27+s17+$0x0] =	vst.idx.msk $0xffff, v26  }
0x119: {  	v26 =	vor.u32 v3, v28;
	v28 =	vor.u32 v10, v33;
	v27 =	vld.idx.msk [tilespmem:v31+s13+$0x0], $0xffff  }
0x11a: {  	v31 =	vor.u32 v32, v26;
	_ =	sdelay $0x2  }
0x11b: {  	v29 =	vshll.u32 v29, $0x6  }
0x11c: {  	v29 =	vand.u32 $0x40, v29;
	[tilespmem:v28+s17+$0x0] =	vst.idx.msk $0xffff, v27  }
0x11d: {  	v27 =	vor.u32 v4, v29;
	v29 =	vor.u32 v11, v33;
	v28 =	vld.idx.msk [tilespmem:v31+s13+$0x0], $0xffff  }
0x11e: {  	v31 =	vor.u32 v32, v27;
	_ =	sdelay $0x2  }
0x11f: {  	v30 =	vshll.u32 v30, $0x6  }
0x120: {  	v30 =	vand.u32 $0x40, v30;
	[tilespmem:v29+s17+$0x0] =	vst.idx.msk $0xffff, v28  }
0x121: {  	v28 =	vor.u32 v5, v30;
	v30 =	vor.u32 v12, v33;
	v29 =	vld.idx.msk [tilespmem:v31+s13+$0x0], $0xffff  }
0x122: {  	v31 =	vor.u32 v32, v28;
	_ =	sdelay $0x2  }
0x123: {  	v34 =	vshll.u32 v34, $0x6  }
0x124: {  	v34 =	vand.u32 $0x40, v34;
	[tilespmem:v30+s17+$0x0] =	vst.idx.msk $0xffff, v29  }
0x125: {  	v29 =	vor.u32 v6, v34;
	v30 =	vld.idx.msk [tilespmem:v31+s13+$0x0], $0xffff;
	v31 =	vor.u32 v13, v33  }
0x126: {  	v34 =	vor.u32 v32, v29;
	_ =	sdelay $0x2  }
0x127: {  	v35 =	vshll.u32 v35, $0x6  }
0x128: {  	v35 =	vand.u32 $0x40, v35;
	[tilespmem:v31+s17+$0x0] =	vst.idx.msk $0xffff, v30  }
0x129: {  	v53 =	vor.u32 v14, v33;
	v30 =	vor.u32 v7, v35;
	v31 =	vld.idx.msk [tilespmem:v34+s13+$0x0], $0xffff  }
0x12a: {  	v35 =	vor.u32 v32, v30;
	_ =	sdelay $0x2  }
0x12b: {  	v36 =	vshll.u32 v36, $0x6  }
0x12c: {  	v36 =	vand.u32 $0x40, v36;
	[tilespmem:v53+s17+$0x0] =	vst.idx.msk $0xffff, v31  }
0x12d: {  	v54 =	vor.u32 v15, v33;
	v31 =	vor.u32 v8, v36;
	v34 =	vld.idx.msk [tilespmem:v35+s13+$0x0], $0xffff  }
0x12e: {  	v32 =	vor.u32 v32, v31;
	_ =	sdelay $0x2  }
0x12f: {  	s10 =	simm.s32 $0x1  }
0x130: {  	v55 =	vadd.s32 s10, v0;
	[tilespmem:v54+s17+$0x0] =	vst.idx.msk $0xffff, v34  }
0x131: {  	v56 =	vand.u32 $0x3F, v55;
	v33 =	vor.u32 v16, v33;
	v32 =	vld.idx.msk [tilespmem:v32+s13+$0x0], $0xffff  }
0x132: {  	v57 =	vor.u32 v56, v24;
	_ =	sdelay $0x1  }
0x133: {  	v37 =	vshll.u32 v55, $0x8;
	v34 =	vshll.u32 v55, $0x7  }
0x134: {  	v37 =	vand.u32 $0x3800, v37;
	v34 =	vand.u32 $0x380, v34  }
0x135: {  	v58 =	vor.u32 v34, v37;
	[tilespmem:v33+s17+$0x0] =	vst.idx.msk $0xffff, v32  }
0x136: {  	v34 =	vor.u32 v0, v58;
	v33 =	vld.idx.msk [tilespmem:v57+s13+$0x0], $0xffff  }
0x137: {  	v59 =	vor.u32 v56, v25;
	_ =	sdelay $0x3  }
0x138: {  	[tilespmem:v34+s17+$0x0] =	vst.idx.msk $0xffff, v33  }
0x139: {  	v60 =	vor.u32 v17, v58;
	v33 =	vld.idx.msk [tilespmem:v59+s13+$0x0], $0xffff  }
0x13a: {  	v61 =	vor.u32 v56, v26;
	_ =	sdelay $0x3  }
0x13b: {  	[tilespmem:v60+s17+$0x0] =	vst.idx.msk $0xffff, v33  }
0x13c: {  	v62 =	vor.u32 v18, v58;
	v33 =	vld.idx.msk [tilespmem:v61+s13+$0x0], $0xffff  }
0x13d: {  	v63 =	vor.u32 v56, v27;
	_ =	sdelay $0x3  }
0x13e: {  	[tilespmem:v62+s17+$0x0] =	vst.idx.msk $0xffff, v33  }
0x13f: {  	v40 =	vor.u32 v19, v58;
	v33 =	vld.idx.msk [tilespmem:v63+s13+$0x0], $0xffff  }
0x140: {  	v41 =	vor.u32 v56, v28;
	_ =	sdelay $0x3  }
0x141: {  	[tilespmem:v40+s17+$0x0] =	vst.idx.msk $0xffff, v33  }
0x142: {  	v42 =	vor.u32 v20, v58;
	v33 =	vld.idx.msk [tilespmem:v41+s13+$0x0], $0xffff  }
0x143: {  	v43 =	vor.u32 v56, v29;
	_ =	sdelay $0x3  }
0x144: {  	[tilespmem:v42+s17+$0x0] =	vst.idx.msk $0xffff, v33  }
0x145: {  	v44 =	vor.u32 v21, v58;
	v33 =	vld.idx.msk [tilespmem:v43+s13+$0x0], $0xffff  }
0x146: {  	v45 =	vor.u32 v56, v30;
	_ =	sdelay $0x3  }
0x147: {  	[tilespmem:v44+s17+$0x0] =	vst.idx.msk $0xffff, v33  }
0x148: {  	v46 =	vor.u32 v22, v58;
	v33 =	vld.idx.msk [tilespmem:v45+s13+$0x0], $0xffff  }
0x149: {  	v35 =	vor.u32 v56, v31;
	_ =	sdelay $0x2  }
0x14a: {  	s12 =	simm.s32 $0x2  }
0x14b: {  	v47 =	vadd.s32 s12, v0;
	[tilespmem:v46+s17+$0x0] =	vst.idx.msk $0xffff, v33  }
0x14c: {  	v48 =	vand.u32 $0x3F, v47;
	v32 =	vor.u32 v23, v58;
	v34 =	vld.idx.msk [tilespmem:v35+s13+$0x0], $0xffff  }
0x14d: {  	v49 =	vor.u32 v48, v24;
	_ =	sdelay $0x1  }
0x14e: {  	v50 =	vshll.u32 v47, $0x8;
	v33 =	vshll.u32 v47, $0x7  }
0x14f: {  	v37 =	vand.u32 $0x3800, v50;
	v33 =	vand.u32 $0x380, v33  }
0x150: {  	v51 =	vor.u32 v33, v37;
	[tilespmem:v32+s17+$0x0] =	vst.idx.msk $0xffff, v34  }
0x151: {  	v53 =	vor.u32 v0, v51;
	v52 =	vld.idx.msk [tilespmem:v49+s13+$0x0], $0xffff  }
0x152: {  	v54 =	vor.u32 v48, v25;
	_ =	sdelay $0x3  }
0x153: {  	[tilespmem:v53+s17+$0x0] =	vst.idx.msk $0xffff, v52  }
0x154: {  	v55 =	vor.u32 v17, v51;
	v33 =	vld.idx.msk [tilespmem:v54+s13+$0x0], $0xffff  }
0x155: {  	v56 =	vor.u32 v48, v26;
	_ =	sdelay $0x3  }
0x156: {  	[tilespmem:v55+s17+$0x0] =	vst.idx.msk $0xffff, v33  }
0x157: {  	v57 =	vor.u32 v18, v51;
	v33 =	vld.idx.msk [tilespmem:v56+s13+$0x0], $0xffff  }
0x158: {  	v58 =	vor.u32 v48, v27;
	_ =	sdelay $0x3  }
0x159: {  	[tilespmem:v57+s17+$0x0] =	vst.idx.msk $0xffff, v33  }
0x15a: {  	v59 =	vor.u32 v19, v51;
	v33 =	vld.idx.msk [tilespmem:v58+s13+$0x0], $0xffff  }
0x15b: {  	v60 =	vor.u32 v48, v28;
	_ =	sdelay $0x3  }
0x15c: {  	[tilespmem:v59+s17+$0x0] =	vst.idx.msk $0xffff, v33  }
0x15d: {  	v61 =	vor.u32 v20, v51;
	v33 =	vld.idx.msk [tilespmem:v60+s13+$0x0], $0xffff  }
0x15e: {  	v62 =	vor.u32 v48, v29;
	_ =	sdelay $0x3  }
0x15f: {  	[tilespmem:v61+s17+$0x0] =	vst.idx.msk $0xffff, v33  }
0x160: {  	v63 =	vor.u32 v21, v51;
	v33 =	vld.idx.msk [tilespmem:v62+s13+$0x0], $0xffff  }
0x161: {  	v40 =	vor.u32 v48, v30;
	_ =	sdelay $0x3  }
0x162: {  	[tilespmem:v63+s17+$0x0] =	vst.idx.msk $0xffff, v33  }
0x163: {  	v41 =	vor.u32 v22, v51;
	v33 =	vld.idx.msk [tilespmem:v40+s13+$0x0], $0xffff  }
0x164: {  	v35 =	vor.u32 v48, v31;
	_ =	sdelay $0x2  }
0x165: {  	s14 =	simm.s32 $0x3  }
0x166: {  	v42 =	vadd.s32 s14, v0;
	[tilespmem:v41+s17+$0x0] =	vst.idx.msk $0xffff, v33  }
0x167: {  	v43 =	vand.u32 $0x3F, v42;
	v32 =	vor.u32 v23, v51;
	v34 =	vld.idx.msk [tilespmem:v35+s13+$0x0], $0xffff  }
0x168: {  	v44 =	vor.u32 v43, v24;
	_ =	sdelay $0x1  }
0x169: {  	v45 =	vshll.u32 v42, $0x8;
	v33 =	vshll.u32 v42, $0x7  }
0x16a: {  	v37 =	vand.u32 $0x3800, v45;
	v33 =	vand.u32 $0x380, v33  }
0x16b: {  	v46 =	vor.u32 v33, v37;
	[tilespmem:v32+s17+$0x0] =	vst.idx.msk $0xffff, v34  }
0x16c: {  	v48 =	vor.u32 v0, v46;
	v47 =	vld.idx.msk [tilespmem:v44+s13+$0x0], $0xffff  }
0x16d: {  	v49 =	vor.u32 v43, v25;
	_ =	sdelay $0x3  }
0x16e: {  	[tilespmem:v48+s17+$0x0] =	vst.idx.msk $0xffff, v47  }
0x16f: {  	v50 =	vor.u32 v17, v46;
	v33 =	vld.idx.msk [tilespmem:v49+s13+$0x0], $0xffff  }
0x170: {  	v51 =	vor.u32 v43, v26;
	_ =	sdelay $0x3  }
0x171: {  	[tilespmem:v50+s17+$0x0] =	vst.idx.msk $0xffff, v33  }
0x172: {  	v52 =	vor.u32 v18, v46;
	v33 =	vld.idx.msk [tilespmem:v51+s13+$0x0], $0xffff  }
0x173: {  	v53 =	vor.u32 v43, v27;
	_ =	sdelay $0x3  }
0x174: {  	[tilespmem:v52+s17+$0x0] =	vst.idx.msk $0xffff, v33  }
0x175: {  	v54 =	vor.u32 v19, v46;
	v33 =	vld.idx.msk [tilespmem:v53+s13+$0x0], $0xffff  }
0x176: {  	v55 =	vor.u32 v43, v28;
	_ =	sdelay $0x3  }
0x177: {  	[tilespmem:v54+s17+$0x0] =	vst.idx.msk $0xffff, v33  }
0x178: {  	v56 =	vor.u32 v20, v46;
	v33 =	vld.idx.msk [tilespmem:v55+s13+$0x0], $0xffff  }
0x179: {  	v57 =	vor.u32 v43, v29;
	_ =	sdelay $0x3  }
0x17a: {  	[tilespmem:v56+s17+$0x0] =	vst.idx.msk $0xffff, v33  }
0x17b: {  	v58 =	vor.u32 v21, v46;
	v33 =	vld.idx.msk [tilespmem:v57+s13+$0x0], $0xffff  }
0x17c: {  	v59 =	vor.u32 v43, v30;
	_ =	sdelay $0x3  }
0x17d: {  	[tilespmem:v58+s17+$0x0] =	vst.idx.msk $0xffff, v33  }
0x17e: {  	v60 =	vor.u32 v22, v46;
	v33 =	vld.idx.msk [tilespmem:v59+s13+$0x0], $0xffff  }
0x17f: {  	v35 =	vor.u32 v43, v31;
	_ =	sdelay $0x2  }
0x180: {  	s9 =	simm.s32 $0x4  }
0x181: {  	v61 =	vadd.s32 s9, v0;
	[tilespmem:v60+s17+$0x0] =	vst.idx.msk $0xffff, v33  }
0x182: {  	v62 =	vand.u32 $0x3F, v61;
	v32 =	vor.u32 v23, v46;
	v34 =	vld.idx.msk [tilespmem:v35+s13+$0x0], $0xffff  }
0x183: {  	v63 =	vor.u32 v62, v24;
	_ =	sdelay $0x1  }
0x184: {  	v40 =	vshll.u32 v61, $0x8;
	v33 =	vshll.u32 v61, $0x7  }
0x185: {  	v37 =	vand.u32 $0x3800, v40;
	v33 =	vand.u32 $0x380, v33  }
0x186: {  	v41 =	vor.u32 v33, v37;
	[tilespmem:v32+s17+$0x0] =	vst.idx.msk $0xffff, v34  }
0x187: {  	v43 =	vor.u32 v0, v41;
	v42 =	vld.idx.msk [tilespmem:v63+s13+$0x0], $0xffff  }
0x188: {  	v44 =	vor.u32 v62, v25;
	_ =	sdelay $0x3  }
0x189: {  	[tilespmem:v43+s17+$0x0] =	vst.idx.msk $0xffff, v42  }
0x18a: {  	v45 =	vor.u32 v17, v41;
	v33 =	vld.idx.msk [tilespmem:v44+s13+$0x0], $0xffff  }
0x18b: {  	v46 =	vor.u32 v62, v26;
	_ =	sdelay $0x3  }
0x18c: {  	[tilespmem:v45+s17+$0x0] =	vst.idx.msk $0xffff, v33  }
0x18d: {  	v47 =	vor.u32 v18, v41;
	v33 =	vld.idx.msk [tilespmem:v46+s13+$0x0], $0xffff  }
0x18e: {  	v48 =	vor.u32 v62, v27;
	_ =	sdelay $0x3  }
0x18f: {  	[tilespmem:v47+s17+$0x0] =	vst.idx.msk $0xffff, v33  }
0x190: {  	v49 =	vor.u32 v19, v41;
	v33 =	vld.idx.msk [tilespmem:v48+s13+$0x0], $0xffff  }
0x191: {  	v50 =	vor.u32 v62, v28;
	_ =	sdelay $0x3  }
0x192: {  	[tilespmem:v49+s17+$0x0] =	vst.idx.msk $0xffff, v33  }
0x193: {  	v51 =	vor.u32 v20, v41;
	v33 =	vld.idx.msk [tilespmem:v50+s13+$0x0], $0xffff  }
0x194: {  	v52 =	vor.u32 v62, v29;
	_ =	sdelay $0x3  }
0x195: {  	[tilespmem:v51+s17+$0x0] =	vst.idx.msk $0xffff, v33  }
0x196: {  	v53 =	vor.u32 v21, v41;
	v33 =	vld.idx.msk [tilespmem:v52+s13+$0x0], $0xffff  }
0x197: {  	v54 =	vor.u32 v62, v30;
	_ =	sdelay $0x3  }
0x198: {  	[tilespmem:v53+s17+$0x0] =	vst.idx.msk $0xffff, v33  }
0x199: {  	v55 =	vor.u32 v22, v41;
	v33 =	vld.idx.msk [tilespmem:v54+s13+$0x0], $0xffff  }
0x19a: {  	v35 =	vor.u32 v62, v31;
	_ =	sdelay $0x2  }
0x19b: {  	s10 =	simm.s32 $0x5  }
0x19c: {  	v56 =	vadd.s32 s10, v0;
	[tilespmem:v55+s17+$0x0] =	vst.idx.msk $0xffff, v33  }
0x19d: {  	v57 =	vand.u32 $0x3F, v56;
	v32 =	vor.u32 v23, v41;
	v34 =	vld.idx.msk [tilespmem:v35+s13+$0x0], $0xffff  }
0x19e: {  	v58 =	vor.u32 v57, v24;
	_ =	sdelay $0x1  }
0x19f: {  	v59 =	vshll.u32 v56, $0x8;
	v33 =	vshll.u32 v56, $0x7  }
0x1a0: {  	v37 =	vand.u32 $0x3800, v59;
	v33 =	vand.u32 $0x380, v33  }
0x1a1: {  	v60 =	vor.u32 v33, v37;
	[tilespmem:v32+s17+$0x0] =	vst.idx.msk $0xffff, v34  }
0x1a2: {  	v62 =	vor.u32 v0, v60;
	v61 =	vld.idx.msk [tilespmem:v58+s13+$0x0], $0xffff  }
0x1a3: {  	v63 =	vor.u32 v57, v25;
	_ =	sdelay $0x3  }
0x1a4: {  	[tilespmem:v62+s17+$0x0] =	vst.idx.msk $0xffff, v61  }
0x1a5: {  	v40 =	vor.u32 v17, v60;
	v33 =	vld.idx.msk [tilespmem:v63+s13+$0x0], $0xffff  }
0x1a6: {  	v41 =	vor.u32 v57, v26;
	_ =	sdelay $0x3  }
0x1a7: {  	[tilespmem:v40+s17+$0x0] =	vst.idx.msk $0xffff, v33  }
0x1a8: {  	v42 =	vor.u32 v18, v60;
	v33 =	vld.idx.msk [tilespmem:v41+s13+$0x0], $0xffff  }
0x1a9: {  	v43 =	vor.u32 v57, v27;
	_ =	sdelay $0x3  }
0x1aa: {  	[tilespmem:v42+s17+$0x0] =	vst.idx.msk $0xffff, v33  }
0x1ab: {  	v44 =	vor.u32 v19, v60;
	v33 =	vld.idx.msk [tilespmem:v43+s13+$0x0], $0xffff  }
0x1ac: {  	v45 =	vor.u32 v57, v28;
	_ =	sdelay $0x3  }
0x1ad: {  	[tilespmem:v44+s17+$0x0] =	vst.idx.msk $0xffff, v33  }
0x1ae: {  	v46 =	vor.u32 v20, v60;
	v33 =	vld.idx.msk [tilespmem:v45+s13+$0x0], $0xffff  }
0x1af: {  	v47 =	vor.u32 v57, v29;
	_ =	sdelay $0x3  }
0x1b0: {  	[tilespmem:v46+s17+$0x0] =	vst.idx.msk $0xffff, v33  }
0x1b1: {  	v48 =	vor.u32 v21, v60;
	v33 =	vld.idx.msk [tilespmem:v47+s13+$0x0], $0xffff  }
0x1b2: {  	v49 =	vor.u32 v57, v30;
	_ =	sdelay $0x3  }
0x1b3: {  	[tilespmem:v48+s17+$0x0] =	vst.idx.msk $0xffff, v33  }
0x1b4: {  	v50 =	vor.u32 v22, v60;
	v33 =	vld.idx.msk [tilespmem:v49+s13+$0x0], $0xffff  }
0x1b5: {  	v35 =	vor.u32 v57, v31;
	_ =	sdelay $0x2  }
0x1b6: {  	s12 =	simm.s32 $0x6  }
0x1b7: {  	v51 =	vadd.s32 s12, v0;
	[tilespmem:v50+s17+$0x0] =	vst.idx.msk $0xffff, v33  }
0x1b8: {  	v52 =	vand.u32 $0x3F, v51;
	v32 =	vor.u32 v23, v60;
	v34 =	vld.idx.msk [tilespmem:v35+s13+$0x0], $0xffff  }
0x1b9: {  	v53 =	vor.u32 v52, v24;
	_ =	sdelay $0x1  }
0x1ba: {  	v54 =	vshll.u32 v51, $0x8;
	v33 =	vshll.u32 v51, $0x7  }
0x1bb: {  	v37 =	vand.u32 $0x3800, v54;
	v33 =	vand.u32 $0x380, v33  }
0x1bc: {  	v55 =	vor.u32 v33, v37;
	[tilespmem:v32+s17+$0x0] =	vst.idx.msk $0xffff, v34  }
0x1bd: {  	v57 =	vor.u32 v0, v55;
	v56 =	vld.idx.msk [tilespmem:v53+s13+$0x0], $0xffff  }
0x1be: {  	v58 =	vor.u32 v52, v25;
	_ =	sdelay $0x3  }
0x1bf: {  	[tilespmem:v57+s17+$0x0] =	vst.idx.msk $0xffff, v56  }
0x1c0: {  	v59 =	vor.u32 v17, v55;
	v33 =	vld.idx.msk [tilespmem:v58+s13+$0x0], $0xffff  }
0x1c1: {  	v60 =	vor.u32 v52, v26;
	_ =	sdelay $0x3  }
0x1c2: {  	[tilespmem:v59+s17+$0x0] =	vst.idx.msk $0xffff, v33  }
0x1c3: {  	v61 =	vor.u32 v18, v55;
	v33 =	vld.idx.msk [tilespmem:v60+s13+$0x0], $0xffff  }
0x1c4: {  	v62 =	vor.u32 v52, v27;
	_ =	sdelay $0x3  }
0x1c5: {  	[tilespmem:v61+s17+$0x0] =	vst.idx.msk $0xffff, v33  }
0x1c6: {  	v63 =	vor.u32 v19, v55;
	v33 =	vld.idx.msk [tilespmem:v62+s13+$0x0], $0xffff  }
0x1c7: {  	v40 =	vor.u32 v52, v28;
	_ =	sdelay $0x3  }
0x1c8: {  	[tilespmem:v63+s17+$0x0] =	vst.idx.msk $0xffff, v33  }
0x1c9: {  	v41 =	vor.u32 v20, v55;
	v33 =	vld.idx.msk [tilespmem:v40+s13+$0x0], $0xffff  }
0x1ca: {  	v42 =	vor.u32 v52, v29;
	_ =	sdelay $0x3  }
0x1cb: {  	[tilespmem:v41+s17+$0x0] =	vst.idx.msk $0xffff, v33  }
0x1cc: {  	v43 =	vor.u32 v21, v55;
	v33 =	vld.idx.msk [tilespmem:v42+s13+$0x0], $0xffff  }
0x1cd: {  	v44 =	vor.u32 v52, v30;
	_ =	sdelay $0x3  }
0x1ce: {  	[tilespmem:v43+s17+$0x0] =	vst.idx.msk $0xffff, v33  }
0x1cf: {  	v45 =	vor.u32 v22, v55;
	v33 =	vld.idx.msk [tilespmem:v44+s13+$0x0], $0xffff  }
0x1d0: {  	v35 =	vor.u32 v52, v31;
	_ =	sdelay $0x2  }
0x1d1: {  	s14 =	simm.s32 $0x7  }
0x1d2: {  	v46 =	vadd.s32 s14, v0;
	[tilespmem:v45+s17+$0x0] =	vst.idx.msk $0xffff, v33  }
0x1d3: {  	v47 =	vand.u32 $0x3F, v46;
	v32 =	vor.u32 v23, v55;
	v34 =	vld.idx.msk [tilespmem:v35+s13+$0x0], $0xffff  }
0x1d4: {  	v48 =	vor.u32 v47, v24;
	_ =	sdelay $0x1  }
0x1d5: {  	v49 =	vshll.u32 v46, $0x8;
	v33 =	vshll.u32 v46, $0x7  }
0x1d6: {  	v37 =	vand.u32 $0x3800, v49;
	v33 =	vand.u32 $0x380, v33  }
0x1d7: {  	[tilespmem:v32+s17+$0x0] =	vst.idx.msk $0xffff, v34;
	v32 =	vor.u32 v33, v37  }
0x1d8: {  	v50 =	vld.idx.msk [tilespmem:v48+s13+$0x0], $0xffff;
	v51 =	vor.u32 v0, v32  }
0x1d9: {  	v52 =	vor.u32 v47, v25;
	_ =	sdelay $0x3  }
0x1da: {  	[tilespmem:v51+s17+$0x0] =	vst.idx.msk $0xffff, v50  }
0x1db: {  	v53 =	vor.u32 v17, v32;
	v33 =	vld.idx.msk [tilespmem:v52+s13+$0x0], $0xffff  }
0x1dc: {  	v54 =	vor.u32 v47, v26;
	_ =	sdelay $0x3  }
0x1dd: {  	[tilespmem:v53+s17+$0x0] =	vst.idx.msk $0xffff, v33  }
0x1de: {  	v55 =	vor.u32 v18, v32;
	v33 =	vld.idx.msk [tilespmem:v54+s13+$0x0], $0xffff  }
0x1df: {  	v56 =	vor.u32 v47, v27;
	_ =	sdelay $0x3  }
0x1e0: {  	[tilespmem:v55+s17+$0x0] =	vst.idx.msk $0xffff, v33  }
0x1e1: {  	v57 =	vor.u32 v19, v32;
	v33 =	vld.idx.msk [tilespmem:v56+s13+$0x0], $0xffff  }
0x1e2: {  	v58 =	vor.u32 v47, v28;
	_ =	sdelay $0x3  }
0x1e3: {  	[tilespmem:v57+s17+$0x0] =	vst.idx.msk $0xffff, v33  }
0x1e4: {  	v59 =	vor.u32 v20, v32;
	v33 =	vld.idx.msk [tilespmem:v58+s13+$0x0], $0xffff  }
0x1e5: {  	v60 =	vor.u32 v47, v29;
	_ =	sdelay $0x3  }
0x1e6: {  	[tilespmem:v59+s17+$0x0] =	vst.idx.msk $0xffff, v33  }
0x1e7: {  	v61 =	vor.u32 v21, v32;
	v33 =	vld.idx.msk [tilespmem:v60+s13+$0x0], $0xffff  }
0x1e8: {  	v62 =	vor.u32 v47, v30;
	_ =	sdelay $0x3  }
0x1e9: {  	[tilespmem:v61+s17+$0x0] =	vst.idx.msk $0xffff, v33  }
0x1ea: {  	v63 =	vor.u32 v22, v32;
	v34 =	vld.idx.msk [tilespmem:v62+s13+$0x0], $0xffff  }
0x1eb: {  	v33 =	vor.u32 v47, v31;
	_ =	sdelay $0x2  }
0x1ec: {  	s6 =	simm.s32 $0xF  }
0x1ed: {  	s9 =	simm.s32 $0x17;
	s10 =	sshll.u32 s11, $0x1;
	s12 =	simm.s32 $0x8;
	[tilespmem:v63+s17+$0x0] =	vst.idx.msk $0xffff, v34  }
.LBB2_5:
0x1ee: {  	p1 =	sne.s32 s9, $0x3F;
	v34 =	vadd.s32 s12, v0;
	v33 =	vld.idx.msk [tilespmem:v33+s13+$0x0], $0xffff  }
0x1ef: {  	v32 =	vor.u32 v23, v32;
	v35 =	vand.u32 $0x3F, v34  }
0x1f0: {  	v36 =	vor.u32 v35, v24;
	_ =	sdelay $0x3  }
0x1f1: {  	v34 =	vshll.u32 v34, $0x8;
	[tilespmem:v32+s17+$0x0] =	vst.idx.msk $0xffff, v33  }
0x1f2: {  	v33 =	vand.u32 $0x3800, v34;
	v32 =	vld.idx.msk [tilespmem:v36+s13+$0x0], $0xffff  }
0x1f3: {  	v34 =	vor.u32 v9, v33  }
0x1f4: {  	v36 =	vor.u32 v35, v25;
	_ =	sdelay $0x3  }
0x1f5: {  	[tilespmem:v34+s17+$0x0] =	vst.idx.msk $0xffff, v32  }
0x1f6: {  	v32 =	vld.idx.msk [tilespmem:v36+s13+$0x0], $0xffff  }
0x1f7: {  	v34 =	vor.u32 v10, v33  }
0x1f8: {  	v36 =	vor.u32 v35, v26;
	_ =	sdelay $0x3  }
0x1f9: {  	[tilespmem:v34+s17+$0x0] =	vst.idx.msk $0xffff, v32  }
0x1fa: {  	v32 =	vld.idx.msk [tilespmem:v36+s13+$0x0], $0xffff  }
0x1fb: {  	v34 =	vor.u32 v11, v33  }
0x1fc: {  	v36 =	vor.u32 v35, v27;
	_ =	sdelay $0x3  }
0x1fd: {  	[tilespmem:v34+s17+$0x0] =	vst.idx.msk $0xffff, v32  }
0x1fe: {  	v32 =	vld.idx.msk [tilespmem:v36+s13+$0x0], $0xffff  }
0x1ff: {  	v34 =	vor.u32 v12, v33  }
0x200: {  	v36 =	vor.u32 v35, v28;
	_ =	sdelay $0x3  }
0x201: {  	[tilespmem:v34+s17+$0x0] =	vst.idx.msk $0xffff, v32  }
0x202: {  	v32 =	vld.idx.msk [tilespmem:v36+s13+$0x0], $0xffff  }
0x203: {  	v34 =	vor.u32 v13, v33  }
0x204: {  	v36 =	vor.u32 v35, v29;
	_ =	sdelay $0x3  }
0x205: {  	[tilespmem:v34+s17+$0x0] =	vst.idx.msk $0xffff, v32  }
0x206: {  	v32 =	vld.idx.msk [tilespmem:v36+s13+$0x0], $0xffff  }
0x207: {  	v34 =	vor.u32 v14, v33  }
0x208: {  	v36 =	vor.u32 v35, v30;
	_ =	sdelay $0x3  }
0x209: {  	[tilespmem:v34+s17+$0x0] =	vst.idx.msk $0xffff, v32  }
0x20a: {  	v32 =	vld.idx.msk [tilespmem:v36+s13+$0x0], $0xffff  }
0x20b: {  	v34 =	vor.u32 v15, v33  }
0x20c: {  	v35 =	vor.u32 v35, v31;
	_ =	sdelay $0x3  }
0x20d: {  	s12 =	sadd.s32 $0xFFFFFFFA, s6;
	[tilespmem:v34+s17+$0x0] =	vst.idx.msk $0xffff, v32  }
0x20e: {  	v34 =	vadd.s32 s12, v0;
	v32 =	vld.idx.msk [tilespmem:v35+s13+$0x0], $0xffff  }
0x20f: {  	v33 =	vor.u32 v16, v33;
	v35 =	vand.u32 $0x3F, v34  }
0x210: {  	v36 =	vor.u32 v35, v24;
	_ =	sdelay $0x2  }
0x211: {  	v37 =	vshll.u32 v34, $0x8;
	v34 =	vshll.u32 v34, $0x7  }
0x212: {  	[tilespmem:v33+s17+$0x0] =	vst.idx.msk $0xffff, v32;
	v32 =	vand.u32 $0x3800, v37;
	v33 =	vand.u32 $0x380, v34  }
0x213: {  	v34 =	vld.idx.msk [tilespmem:v36+s13+$0x0], $0xffff;
	v32 =	vor.u32 v33, v32  }
0x214: {  	v33 =	vor.u32 v0, v32  }
0x215: {  	v36 =	vor.u32 v35, v25;
	_ =	sdelay $0x3  }
0x216: {  	[tilespmem:v33+s17+$0x0] =	vst.idx.msk $0xffff, v34  }
0x217: {  	v33 =	vld.idx.msk [tilespmem:v36+s13+$0x0], $0xffff  }
0x218: {  	v34 =	vor.u32 v17, v32  }
0x219: {  	v36 =	vor.u32 v35, v26;
	_ =	sdelay $0x3  }
0x21a: {  	[tilespmem:v34+s17+$0x0] =	vst.idx.msk $0xffff, v33  }
0x21b: {  	v33 =	vld.idx.msk [tilespmem:v36+s13+$0x0], $0xffff  }
0x21c: {  	v34 =	vor.u32 v18, v32  }
0x21d: {  	v36 =	vor.u32 v35, v27;
	_ =	sdelay $0x3  }
0x21e: {  	[tilespmem:v34+s17+$0x0] =	vst.idx.msk $0xffff, v33  }
0x21f: {  	v33 =	vld.idx.msk [tilespmem:v36+s13+$0x0], $0xffff  }
0x220: {  	v34 =	vor.u32 v19, v32  }
0x221: {  	v36 =	vor.u32 v35, v28;
	_ =	sdelay $0x3  }
0x222: {  	[tilespmem:v34+s17+$0x0] =	vst.idx.msk $0xffff, v33  }
0x223: {  	v33 =	vld.idx.msk [tilespmem:v36+s13+$0x0], $0xffff  }
0x224: {  	v34 =	vor.u32 v20, v32  }
0x225: {  	v36 =	vor.u32 v35, v29;
	_ =	sdelay $0x3  }
0x226: {  	[tilespmem:v34+s17+$0x0] =	vst.idx.msk $0xffff, v33  }
0x227: {  	v33 =	vld.idx.msk [tilespmem:v36+s13+$0x0], $0xffff  }
0x228: {  	v34 =	vor.u32 v21, v32  }
0x229: {  	v36 =	vor.u32 v35, v30;
	_ =	sdelay $0x3  }
0x22a: {  	[tilespmem:v34+s17+$0x0] =	vst.idx.msk $0xffff, v33  }
0x22b: {  	v33 =	vld.idx.msk [tilespmem:v36+s13+$0x0], $0xffff  }
0x22c: {  	v34 =	vor.u32 v22, v32  }
0x22d: {  	v35 =	vor.u32 v35, v31;
	_ =	sdelay $0x3  }
0x22e: {  	s12 =	sadd.s32 $0xFFFFFFFB, s6;
	[tilespmem:v34+s17+$0x0] =	vst.idx.msk $0xffff, v33  }
0x22f: {  	v34 =	vadd.s32 s12, v0;
	v33 =	vld.idx.msk [tilespmem:v35+s13+$0x0], $0xffff  }
0x230: {  	v32 =	vor.u32 v23, v32;
	v35 =	vand.u32 $0x3F, v34  }
0x231: {  	v36 =	vor.u32 v35, v24;
	_ =	sdelay $0x2  }
0x232: {  	v37 =	vshll.u32 v34, $0x8;
	v34 =	vshll.u32 v34, $0x7  }
0x233: {  	[tilespmem:v32+s17+$0x0] =	vst.idx.msk $0xffff, v33;
	v32 =	vand.u32 $0x3800, v37;
	v33 =	vand.u32 $0x380, v34  }
0x234: {  	v34 =	vld.idx.msk [tilespmem:v36+s13+$0x0], $0xffff;
	v32 =	vor.u32 v33, v32  }
0x235: {  	v33 =	vor.u32 v0, v32  }
0x236: {  	v36 =	vor.u32 v35, v25;
	_ =	sdelay $0x3  }
0x237: {  	[tilespmem:v33+s17+$0x0] =	vst.idx.msk $0xffff, v34  }
0x238: {  	v33 =	vld.idx.msk [tilespmem:v36+s13+$0x0], $0xffff  }
0x239: {  	v34 =	vor.u32 v17, v32  }
0x23a: {  	v36 =	vor.u32 v35, v26;
	_ =	sdelay $0x3  }
0x23b: {  	[tilespmem:v34+s17+$0x0] =	vst.idx.msk $0xffff, v33  }
0x23c: {  	v33 =	vld.idx.msk [tilespmem:v36+s13+$0x0], $0xffff  }
0x23d: {  	v34 =	vor.u32 v18, v32  }
0x23e: {  	v36 =	vor.u32 v35, v27;
	_ =	sdelay $0x3  }
0x23f: {  	[tilespmem:v34+s17+$0x0] =	vst.idx.msk $0xffff, v33  }
0x240: {  	v33 =	vld.idx.msk [tilespmem:v36+s13+$0x0], $0xffff  }
0x241: {  	v34 =	vor.u32 v19, v32  }
0x242: {  	v36 =	vor.u32 v35, v28;
	_ =	sdelay $0x3  }
0x243: {  	[tilespmem:v34+s17+$0x0] =	vst.idx.msk $0xffff, v33  }
0x244: {  	v33 =	vld.idx.msk [tilespmem:v36+s13+$0x0], $0xffff  }
0x245: {  	v34 =	vor.u32 v20, v32  }
0x246: {  	v36 =	vor.u32 v35, v29;
	_ =	sdelay $0x3  }
0x247: {  	[tilespmem:v34+s17+$0x0] =	vst.idx.msk $0xffff, v33  }
0x248: {  	v33 =	vld.idx.msk [tilespmem:v36+s13+$0x0], $0xffff  }
0x249: {  	v34 =	vor.u32 v21, v32  }
0x24a: {  	v36 =	vor.u32 v35, v30;
	_ =	sdelay $0x3  }
0x24b: {  	[tilespmem:v34+s17+$0x0] =	vst.idx.msk $0xffff, v33  }
0x24c: {  	v33 =	vld.idx.msk [tilespmem:v36+s13+$0x0], $0xffff  }
0x24d: {  	v34 =	vor.u32 v22, v32  }
0x24e: {  	v35 =	vor.u32 v35, v31;
	_ =	sdelay $0x3  }
0x24f: {  	s12 =	sadd.s32 $0xFFFFFFFC, s6;
	[tilespmem:v34+s17+$0x0] =	vst.idx.msk $0xffff, v33  }
0x250: {  	v34 =	vadd.s32 s12, v0;
	v33 =	vld.idx.msk [tilespmem:v35+s13+$0x0], $0xffff  }
0x251: {  	v32 =	vor.u32 v23, v32;
	v35 =	vand.u32 $0x3F, v34  }
0x252: {  	v36 =	vor.u32 v35, v24;
	_ =	sdelay $0x2  }
0x253: {  	v37 =	vshll.u32 v34, $0x8;
	v34 =	vshll.u32 v34, $0x7  }
0x254: {  	[tilespmem:v32+s17+$0x0] =	vst.idx.msk $0xffff, v33;
	v32 =	vand.u32 $0x3800, v37;
	v33 =	vand.u32 $0x380, v34  }
0x255: {  	v34 =	vld.idx.msk [tilespmem:v36+s13+$0x0], $0xffff;
	v32 =	vor.u32 v33, v32  }
0x256: {  	v33 =	vor.u32 v0, v32  }
0x257: {  	v36 =	vor.u32 v35, v25;
	_ =	sdelay $0x3  }
0x258: {  	[tilespmem:v33+s17+$0x0] =	vst.idx.msk $0xffff, v34  }
0x259: {  	v33 =	vld.idx.msk [tilespmem:v36+s13+$0x0], $0xffff  }
0x25a: {  	v34 =	vor.u32 v17, v32  }
0x25b: {  	v36 =	vor.u32 v35, v26;
	_ =	sdelay $0x3  }
0x25c: {  	[tilespmem:v34+s17+$0x0] =	vst.idx.msk $0xffff, v33  }
0x25d: {  	v33 =	vld.idx.msk [tilespmem:v36+s13+$0x0], $0xffff  }
0x25e: {  	v34 =	vor.u32 v18, v32  }
0x25f: {  	v36 =	vor.u32 v35, v27;
	_ =	sdelay $0x3  }
0x260: {  	[tilespmem:v34+s17+$0x0] =	vst.idx.msk $0xffff, v33  }
0x261: {  	v33 =	vld.idx.msk [tilespmem:v36+s13+$0x0], $0xffff  }
0x262: {  	v34 =	vor.u32 v19, v32  }
0x263: {  	v36 =	vor.u32 v35, v28;
	_ =	sdelay $0x3  }
0x264: {  	[tilespmem:v34+s17+$0x0] =	vst.idx.msk $0xffff, v33  }
0x265: {  	v33 =	vld.idx.msk [tilespmem:v36+s13+$0x0], $0xffff  }
0x266: {  	v34 =	vor.u32 v20, v32  }
0x267: {  	v36 =	vor.u32 v35, v29;
	_ =	sdelay $0x3  }
0x268: {  	[tilespmem:v34+s17+$0x0] =	vst.idx.msk $0xffff, v33  }
0x269: {  	v33 =	vld.idx.msk [tilespmem:v36+s13+$0x0], $0xffff  }
0x26a: {  	v34 =	vor.u32 v21, v32  }
0x26b: {  	v36 =	vor.u32 v35, v30;
	_ =	sdelay $0x3  }
0x26c: {  	[tilespmem:v34+s17+$0x0] =	vst.idx.msk $0xffff, v33  }
0x26d: {  	v33 =	vld.idx.msk [tilespmem:v36+s13+$0x0], $0xffff  }
0x26e: {  	v34 =	vor.u32 v22, v32  }
0x26f: {  	v35 =	vor.u32 v35, v31;
	_ =	sdelay $0x3  }
0x270: {  	s12 =	sadd.s32 $0xFFFFFFFD, s6;
	[tilespmem:v34+s17+$0x0] =	vst.idx.msk $0xffff, v33  }
0x271: {  	v34 =	vadd.s32 s12, v0;
	v33 =	vld.idx.msk [tilespmem:v35+s13+$0x0], $0xffff  }
0x272: {  	v32 =	vor.u32 v23, v32;
	v35 =	vand.u32 $0x3F, v34  }
0x273: {  	v36 =	vor.u32 v35, v24;
	_ =	sdelay $0x2  }
0x274: {  	v37 =	vshll.u32 v34, $0x8;
	v34 =	vshll.u32 v34, $0x7  }
0x275: {  	[tilespmem:v32+s17+$0x0] =	vst.idx.msk $0xffff, v33;
	v32 =	vand.u32 $0x3800, v37;
	v33 =	vand.u32 $0x380, v34  }
0x276: {  	v34 =	vld.idx.msk [tilespmem:v36+s13+$0x0], $0xffff;
	v32 =	vor.u32 v33, v32  }
0x277: {  	v33 =	vor.u32 v0, v32  }
0x278: {  	v36 =	vor.u32 v35, v25;
	_ =	sdelay $0x3  }
0x279: {  	[tilespmem:v33+s17+$0x0] =	vst.idx.msk $0xffff, v34  }
0x27a: {  	v33 =	vld.idx.msk [tilespmem:v36+s13+$0x0], $0xffff  }
0x27b: {  	v34 =	vor.u32 v17, v32  }
0x27c: {  	v36 =	vor.u32 v35, v26;
	_ =	sdelay $0x3  }
0x27d: {  	[tilespmem:v34+s17+$0x0] =	vst.idx.msk $0xffff, v33  }
0x27e: {  	v33 =	vld.idx.msk [tilespmem:v36+s13+$0x0], $0xffff  }
0x27f: {  	v34 =	vor.u32 v18, v32  }
0x280: {  	v36 =	vor.u32 v35, v27;
	_ =	sdelay $0x3  }
0x281: {  	[tilespmem:v34+s17+$0x0] =	vst.idx.msk $0xffff, v33  }
0x282: {  	v33 =	vld.idx.msk [tilespmem:v36+s13+$0x0], $0xffff  }
0x283: {  	v34 =	vor.u32 v19, v32  }
0x284: {  	v36 =	vor.u32 v35, v28;
	_ =	sdelay $0x3  }
0x285: {  	[tilespmem:v34+s17+$0x0] =	vst.idx.msk $0xffff, v33  }
0x286: {  	v33 =	vld.idx.msk [tilespmem:v36+s13+$0x0], $0xffff  }
0x287: {  	v34 =	vor.u32 v20, v32  }
0x288: {  	v36 =	vor.u32 v35, v29;
	_ =	sdelay $0x3  }
0x289: {  	[tilespmem:v34+s17+$0x0] =	vst.idx.msk $0xffff, v33  }
0x28a: {  	v33 =	vld.idx.msk [tilespmem:v36+s13+$0x0], $0xffff  }
0x28b: {  	v34 =	vor.u32 v21, v32  }
0x28c: {  	v36 =	vor.u32 v35, v30;
	_ =	sdelay $0x3  }
0x28d: {  	[tilespmem:v34+s17+$0x0] =	vst.idx.msk $0xffff, v33  }
0x28e: {  	v33 =	vld.idx.msk [tilespmem:v36+s13+$0x0], $0xffff  }
0x28f: {  	v34 =	vor.u32 v22, v32  }
0x290: {  	v35 =	vor.u32 v35, v31;
	_ =	sdelay $0x3  }
0x291: {  	s12 =	sadd.s32 $0xFFFFFFFE, s6;
	[tilespmem:v34+s17+$0x0] =	vst.idx.msk $0xffff, v33  }
0x292: {  	v34 =	vadd.s32 s12, v0;
	v33 =	vld.idx.msk [tilespmem:v35+s13+$0x0], $0xffff  }
0x293: {  	v32 =	vor.u32 v23, v32;
	v35 =	vand.u32 $0x3F, v34  }
0x294: {  	v36 =	vor.u32 v35, v24;
	_ =	sdelay $0x2  }
0x295: {  	v37 =	vshll.u32 v34, $0x8;
	v34 =	vshll.u32 v34, $0x7  }
0x296: {  	[tilespmem:v32+s17+$0x0] =	vst.idx.msk $0xffff, v33;
	v32 =	vand.u32 $0x3800, v37;
	v33 =	vand.u32 $0x380, v34  }
0x297: {  	v34 =	vld.idx.msk [tilespmem:v36+s13+$0x0], $0xffff;
	v32 =	vor.u32 v33, v32  }
0x298: {  	v33 =	vor.u32 v0, v32  }
0x299: {  	v36 =	vor.u32 v35, v25;
	_ =	sdelay $0x3  }
0x29a: {  	[tilespmem:v33+s17+$0x0] =	vst.idx.msk $0xffff, v34  }
0x29b: {  	v33 =	vld.idx.msk [tilespmem:v36+s13+$0x0], $0xffff  }
0x29c: {  	v34 =	vor.u32 v17, v32  }
0x29d: {  	v36 =	vor.u32 v35, v26;
	_ =	sdelay $0x3  }
0x29e: {  	[tilespmem:v34+s17+$0x0] =	vst.idx.msk $0xffff, v33  }
0x29f: {  	v33 =	vld.idx.msk [tilespmem:v36+s13+$0x0], $0xffff  }
0x2a0: {  	v34 =	vor.u32 v18, v32  }
0x2a1: {  	v36 =	vor.u32 v35, v27;
	_ =	sdelay $0x3  }
0x2a2: {  	[tilespmem:v34+s17+$0x0] =	vst.idx.msk $0xffff, v33  }
0x2a3: {  	v33 =	vld.idx.msk [tilespmem:v36+s13+$0x0], $0xffff  }
0x2a4: {  	v34 =	vor.u32 v19, v32  }
0x2a5: {  	v36 =	vor.u32 v35, v28;
	_ =	sdelay $0x3  }
0x2a6: {  	[tilespmem:v34+s17+$0x0] =	vst.idx.msk $0xffff, v33  }
0x2a7: {  	v33 =	vld.idx.msk [tilespmem:v36+s13+$0x0], $0xffff  }
0x2a8: {  	v34 =	vor.u32 v20, v32  }
0x2a9: {  	v36 =	vor.u32 v35, v29;
	_ =	sdelay $0x3  }
0x2aa: {  	[tilespmem:v34+s17+$0x0] =	vst.idx.msk $0xffff, v33  }
0x2ab: {  	v33 =	vld.idx.msk [tilespmem:v36+s13+$0x0], $0xffff  }
0x2ac: {  	v34 =	vor.u32 v21, v32  }
0x2ad: {  	v36 =	vor.u32 v35, v30;
	_ =	sdelay $0x3  }
0x2ae: {  	[tilespmem:v34+s17+$0x0] =	vst.idx.msk $0xffff, v33  }
0x2af: {  	v33 =	vld.idx.msk [tilespmem:v36+s13+$0x0], $0xffff  }
0x2b0: {  	v34 =	vor.u32 v22, v32  }
0x2b1: {  	v35 =	vor.u32 v35, v31;
	_ =	sdelay $0x3  }
0x2b2: {  	s12 =	sadd.s32 $0xFFFFFFFF, s6;
	[tilespmem:v34+s17+$0x0] =	vst.idx.msk $0xffff, v33  }
0x2b3: {  	v34 =	vadd.s32 s12, v0;
	v33 =	vld.idx.msk [tilespmem:v35+s13+$0x0], $0xffff  }
0x2b4: {  	v32 =	vor.u32 v23, v32;
	v35 =	vand.u32 $0x3F, v34  }
0x2b5: {  	v36 =	vor.u32 v35, v24;
	_ =	sdelay $0x2  }
0x2b6: {  	v37 =	vshll.u32 v34, $0x8;
	v34 =	vshll.u32 v34, $0x7  }
0x2b7: {  	[tilespmem:v32+s17+$0x0] =	vst.idx.msk $0xffff, v33;
	v32 =	vand.u32 $0x3800, v37;
	v33 =	vand.u32 $0x380, v34  }
0x2b8: {  	v34 =	vld.idx.msk [tilespmem:v36+s13+$0x0], $0xffff;
	v32 =	vor.u32 v33, v32  }
0x2b9: {  	v33 =	vor.u32 v0, v32  }
0x2ba: {  	v36 =	vor.u32 v35, v25;
	_ =	sdelay $0x3  }
0x2bb: {  	[tilespmem:v33+s17+$0x0] =	vst.idx.msk $0xffff, v34  }
0x2bc: {  	v33 =	vld.idx.msk [tilespmem:v36+s13+$0x0], $0xffff  }
0x2bd: {  	v34 =	vor.u32 v17, v32  }
0x2be: {  	v36 =	vor.u32 v35, v26;
	_ =	sdelay $0x3  }
0x2bf: {  	[tilespmem:v34+s17+$0x0] =	vst.idx.msk $0xffff, v33  }
0x2c0: {  	v33 =	vld.idx.msk [tilespmem:v36+s13+$0x0], $0xffff  }
0x2c1: {  	v34 =	vor.u32 v18, v32  }
0x2c2: {  	v36 =	vor.u32 v35, v27;
	_ =	sdelay $0x3  }
0x2c3: {  	[tilespmem:v34+s17+$0x0] =	vst.idx.msk $0xffff, v33  }
0x2c4: {  	v33 =	vld.idx.msk [tilespmem:v36+s13+$0x0], $0xffff  }
0x2c5: {  	v34 =	vor.u32 v19, v32  }
0x2c6: {  	v36 =	vor.u32 v35, v28;
	_ =	sdelay $0x3  }
0x2c7: {  	[tilespmem:v34+s17+$0x0] =	vst.idx.msk $0xffff, v33  }
0x2c8: {  	v33 =	vld.idx.msk [tilespmem:v36+s13+$0x0], $0xffff  }
0x2c9: {  	v34 =	vor.u32 v20, v32  }
0x2ca: {  	v36 =	vor.u32 v35, v29;
	_ =	sdelay $0x3  }
0x2cb: {  	[tilespmem:v34+s17+$0x0] =	vst.idx.msk $0xffff, v33  }
0x2cc: {  	v33 =	vld.idx.msk [tilespmem:v36+s13+$0x0], $0xffff  }
0x2cd: {  	v34 =	vor.u32 v21, v32  }
0x2ce: {  	v36 =	vor.u32 v35, v30;
	_ =	sdelay $0x3  }
0x2cf: {  	[tilespmem:v34+s17+$0x0] =	vst.idx.msk $0xffff, v33  }
0x2d0: {  	v33 =	vld.idx.msk [tilespmem:v36+s13+$0x0], $0xffff  }
0x2d1: {  	v34 =	vor.u32 v22, v32  }
0x2d2: {  	v35 =	vor.u32 v35, v31;
	_ =	sdelay $0x3  }
0x2d3: {  	[tilespmem:v34+s17+$0x0] =	vst.idx.msk $0xffff, v33  }
0x2d4: {  	v34 =	vadd.s32 s6, v0;
	s6 =	smov.u32 s9;
	v33 =	vld.idx.msk [tilespmem:v35+s13+$0x0], $0xffff  }
0x2d5: {  	v32 =	vor.u32 v23, v32;
	v35 =	vand.u32 $0x3F, v34  }
0x2d6: {  	v36 =	vor.u32 v35, v24;
	_ =	sdelay $0x2  }
0x2d7: {  	v37 =	vshll.u32 v34, $0x8;
	v34 =	vshll.u32 v34, $0x7  }
0x2d8: {  	[tilespmem:v32+s17+$0x0] =	vst.idx.msk $0xffff, v33;
	v32 =	vand.u32 $0x3800, v37;
	v33 =	vand.u32 $0x380, v34  }
0x2d9: {  	v34 =	vld.idx.msk [tilespmem:v36+s13+$0x0], $0xffff;
	v32 =	vor.u32 v33, v32  }
0x2da: {  	v33 =	vor.u32 v0, v32  }
0x2db: {  	v36 =	vor.u32 v35, v25;
	_ =	sdelay $0x3  }
0x2dc: {  	[tilespmem:v33+s17+$0x0] =	vst.idx.msk $0xffff, v34  }
0x2dd: {  	v33 =	vld.idx.msk [tilespmem:v36+s13+$0x0], $0xffff  }
0x2de: {  	v34 =	vor.u32 v17, v32  }
0x2df: {  	v36 =	vor.u32 v35, v26;
	_ =	sdelay $0x3  }
0x2e0: {  	[tilespmem:v34+s17+$0x0] =	vst.idx.msk $0xffff, v33  }
0x2e1: {  	v33 =	vld.idx.msk [tilespmem:v36+s13+$0x0], $0xffff  }
0x2e2: {  	v34 =	vor.u32 v18, v32  }
0x2e3: {  	v36 =	vor.u32 v35, v27;
	_ =	sdelay $0x3  }
0x2e4: {  	[tilespmem:v34+s17+$0x0] =	vst.idx.msk $0xffff, v33  }
0x2e5: {  	v33 =	vld.idx.msk [tilespmem:v36+s13+$0x0], $0xffff  }
0x2e6: {  	v34 =	vor.u32 v19, v32  }
0x2e7: {  	v36 =	vor.u32 v35, v28;
	_ =	sdelay $0x3  }
0x2e8: {  	[tilespmem:v34+s17+$0x0] =	vst.idx.msk $0xffff, v33  }
0x2e9: {  	v33 =	vld.idx.msk [tilespmem:v36+s13+$0x0], $0xffff  }
0x2ea: {  	v34 =	vor.u32 v20, v32  }
0x2eb: {  	v36 =	vor.u32 v35, v29;
	_ =	sdelay $0x3  }
0x2ec: {  	[tilespmem:v34+s17+$0x0] =	vst.idx.msk $0xffff, v33  }
0x2ed: {  	v33 =	vld.idx.msk [tilespmem:v36+s13+$0x0], $0xffff  }
0x2ee: {  	v34 =	vor.u32 v21, v32  }
0x2ef: {  	v36 =	vor.u32 v35, v30;
	_ =	sdelay $0x3  }
0x2f0: {  	[tilespmem:v34+s17+$0x0] =	vst.idx.msk $0xffff, v33  }
0x2f1: {  	v34 =	vld.idx.msk [tilespmem:v36+s13+$0x0], $0xffff  }
0x2f2: {  	v36 =	vor.u32 v22, v32  }
.Ltmp1:
0x2f3: {  	v33 =	vor.u32 v35, v31;
	(pc) =	sbr.rel @p1 .LBB2_5-.Ltmp1, $2  }
0x2f4: {  	_ =	sdelay $0x2  }
0x2f5: {  	s9 =	sadd.s32 $0x8, s9;
	s12 =	sadd.s32 $0xFFFFFFF9, s6;
	[tilespmem:v36+s17+$0x0] =	vst.idx.msk $0xffff, v34  }
0x2f6: {  	_ =	sdelay $0x2  }
0x2f7: {  	v34 =	vadd.s32 s12, v0  }
0x2f8: {  	v33 =	vld.idx.msk [tilespmem:v33+s13+$0x0], $0xffff;
	v32 =	vor.u32 v23, v32;
	v35 =	vand.u32 $0x3F, v34  }
0x2f9: {  	v36 =	vor.u32 v35, v24;
	_ =	sdelay $0x2  }
0x2fa: {  	v34 =	vshll.u32 v34, $0x8  }
0x2fb: {  	v61 =	vand.u32 $0x3800, v34;
	[tilespmem:v32+s17+$0x0] =	vst.idx.msk $0xffff, v33  }
0x2fc: {  	v34 =	vor.u32 v9, v61;
	v33 =	vld.idx.msk [tilespmem:v36+s13+$0x0], $0xffff  }
0x2fd: {  	v62 =	vor.u32 v35, v25;
	_ =	sdelay $0x3  }
0x2fe: {  	[tilespmem:v34+s17+$0x0] =	vst.idx.msk $0xffff, v33  }
0x2ff: {  	v63 =	vor.u32 v10, v61;
	v33 =	vld.idx.msk [tilespmem:v62+s13+$0x0], $0xffff  }
0x300: {  	v40 =	vor.u32 v35, v26;
	_ =	sdelay $0x3  }
0x301: {  	[tilespmem:v63+s17+$0x0] =	vst.idx.msk $0xffff, v33  }
0x302: {  	v41 =	vor.u32 v11, v61;
	v33 =	vld.idx.msk [tilespmem:v40+s13+$0x0], $0xffff  }
0x303: {  	v42 =	vor.u32 v35, v27;
	_ =	sdelay $0x3  }
0x304: {  	[tilespmem:v41+s17+$0x0] =	vst.idx.msk $0xffff, v33  }
0x305: {  	v43 =	vor.u32 v12, v61;
	v33 =	vld.idx.msk [tilespmem:v42+s13+$0x0], $0xffff  }
0x306: {  	v44 =	vor.u32 v35, v28;
	_ =	sdelay $0x3  }
0x307: {  	[tilespmem:v43+s17+$0x0] =	vst.idx.msk $0xffff, v33  }
0x308: {  	v45 =	vor.u32 v13, v61;
	v33 =	vld.idx.msk [tilespmem:v44+s13+$0x0], $0xffff  }
0x309: {  	v46 =	vor.u32 v35, v29;
	_ =	sdelay $0x3  }
0x30a: {  	[tilespmem:v45+s17+$0x0] =	vst.idx.msk $0xffff, v33  }
0x30b: {  	v47 =	vor.u32 v14, v61;
	v33 =	vld.idx.msk [tilespmem:v46+s13+$0x0], $0xffff  }
0x30c: {  	v48 =	vor.u32 v35, v30;
	_ =	sdelay $0x3  }
0x30d: {  	[tilespmem:v47+s17+$0x0] =	vst.idx.msk $0xffff, v33  }
0x30e: {  	v49 =	vor.u32 v15, v61;
	v33 =	vld.idx.msk [tilespmem:v48+s13+$0x0], $0xffff  }
0x30f: {  	v35 =	vor.u32 v35, v31;
	_ =	sdelay $0x2  }
0x310: {  	s9 =	sadd.s32 $0xFFFFFFFA, s6  }
0x311: {  	v50 =	vadd.s32 s9, v0;
	[tilespmem:v49+s17+$0x0] =	vst.idx.msk $0xffff, v33  }
0x312: {  	v51 =	vand.u32 $0x3F, v50;
	v32 =	vor.u32 v16, v61;
	v34 =	vld.idx.msk [tilespmem:v35+s13+$0x0], $0xffff  }
0x313: {  	v52 =	vor.u32 v51, v24;
	_ =	sdelay $0x1  }
0x314: {  	v37 =	vshll.u32 v50, $0x8;
	v33 =	vshll.u32 v50, $0x7  }
0x315: {  	v37 =	vand.u32 $0x3800, v37;
	v33 =	vand.u32 $0x380, v33  }
0x316: {  	v53 =	vor.u32 v33, v37;
	[tilespmem:v32+s17+$0x0] =	vst.idx.msk $0xffff, v34  }
0x317: {  	v55 =	vor.u32 v0, v53;
	v54 =	vld.idx.msk [tilespmem:v52+s13+$0x0], $0xffff  }
0x318: {  	v56 =	vor.u32 v51, v25;
	_ =	sdelay $0x3  }
0x319: {  	[tilespmem:v55+s17+$0x0] =	vst.idx.msk $0xffff, v54  }
0x31a: {  	v57 =	vor.u32 v17, v53;
	v33 =	vld.idx.msk [tilespmem:v56+s13+$0x0], $0xffff  }
0x31b: {  	v58 =	vor.u32 v51, v26;
	_ =	sdelay $0x3  }
0x31c: {  	[tilespmem:v57+s17+$0x0] =	vst.idx.msk $0xffff, v33  }
0x31d: {  	v59 =	vor.u32 v18, v53;
	v33 =	vld.idx.msk [tilespmem:v58+s13+$0x0], $0xffff  }
0x31e: {  	v60 =	vor.u32 v51, v27;
	_ =	sdelay $0x3  }
0x31f: {  	[tilespmem:v59+s17+$0x0] =	vst.idx.msk $0xffff, v33  }
0x320: {  	v61 =	vor.u32 v19, v53;
	v33 =	vld.idx.msk [tilespmem:v60+s13+$0x0], $0xffff  }
0x321: {  	v62 =	vor.u32 v51, v28;
	_ =	sdelay $0x3  }
0x322: {  	[tilespmem:v61+s17+$0x0] =	vst.idx.msk $0xffff, v33  }
0x323: {  	v63 =	vor.u32 v20, v53;
	v33 =	vld.idx.msk [tilespmem:v62+s13+$0x0], $0xffff  }
0x324: {  	v40 =	vor.u32 v51, v29;
	_ =	sdelay $0x3  }
0x325: {  	[tilespmem:v63+s17+$0x0] =	vst.idx.msk $0xffff, v33  }
0x326: {  	v41 =	vor.u32 v21, v53;
	v33 =	vld.idx.msk [tilespmem:v40+s13+$0x0], $0xffff  }
0x327: {  	v42 =	vor.u32 v51, v30;
	_ =	sdelay $0x3  }
0x328: {  	[tilespmem:v41+s17+$0x0] =	vst.idx.msk $0xffff, v33  }
0x329: {  	v43 =	vor.u32 v22, v53;
	v33 =	vld.idx.msk [tilespmem:v42+s13+$0x0], $0xffff  }
0x32a: {  	v35 =	vor.u32 v51, v31;
	_ =	sdelay $0x2  }
0x32b: {  	s14 =	sadd.s32 $0xFFFFFFFB, s6  }
0x32c: {  	v44 =	vadd.s32 s14, v0;
	[tilespmem:v43+s17+$0x0] =	vst.idx.msk $0xffff, v33  }
0x32d: {  	v45 =	vand.u32 $0x3F, v44;
	v32 =	vor.u32 v23, v53;
	v34 =	vld.idx.msk [tilespmem:v35+s13+$0x0], $0xffff  }
0x32e: {  	v46 =	vor.u32 v45, v24;
	_ =	sdelay $0x1  }
0x32f: {  	v47 =	vshll.u32 v44, $0x8;
	v33 =	vshll.u32 v44, $0x7  }
0x330: {  	v37 =	vand.u32 $0x3800, v47;
	v33 =	vand.u32 $0x380, v33  }
0x331: {  	v48 =	vor.u32 v33, v37;
	[tilespmem:v32+s17+$0x0] =	vst.idx.msk $0xffff, v34  }
0x332: {  	v50 =	vor.u32 v0, v48;
	v49 =	vld.idx.msk [tilespmem:v46+s13+$0x0], $0xffff  }
0x333: {  	v51 =	vor.u32 v45, v25;
	_ =	sdelay $0x3  }
0x334: {  	[tilespmem:v50+s17+$0x0] =	vst.idx.msk $0xffff, v49  }
0x335: {  	v52 =	vor.u32 v17, v48;
	v33 =	vld.idx.msk [tilespmem:v51+s13+$0x0], $0xffff  }
0x336: {  	v53 =	vor.u32 v45, v26;
	_ =	sdelay $0x3  }
0x337: {  	[tilespmem:v52+s17+$0x0] =	vst.idx.msk $0xffff, v33  }
0x338: {  	v54 =	vor.u32 v18, v48;
	v33 =	vld.idx.msk [tilespmem:v53+s13+$0x0], $0xffff  }
0x339: {  	v55 =	vor.u32 v45, v27;
	_ =	sdelay $0x3  }
0x33a: {  	[tilespmem:v54+s17+$0x0] =	vst.idx.msk $0xffff, v33  }
0x33b: {  	v56 =	vor.u32 v19, v48;
	v33 =	vld.idx.msk [tilespmem:v55+s13+$0x0], $0xffff  }
0x33c: {  	v57 =	vor.u32 v45, v28;
	_ =	sdelay $0x3  }
0x33d: {  	[tilespmem:v56+s17+$0x0] =	vst.idx.msk $0xffff, v33  }
0x33e: {  	v58 =	vor.u32 v20, v48;
	v33 =	vld.idx.msk [tilespmem:v57+s13+$0x0], $0xffff  }
0x33f: {  	v59 =	vor.u32 v45, v29;
	_ =	sdelay $0x3  }
0x340: {  	[tilespmem:v58+s17+$0x0] =	vst.idx.msk $0xffff, v33  }
0x341: {  	v60 =	vor.u32 v21, v48;
	v33 =	vld.idx.msk [tilespmem:v59+s13+$0x0], $0xffff  }
0x342: {  	v61 =	vor.u32 v45, v30;
	_ =	sdelay $0x3  }
0x343: {  	[tilespmem:v60+s17+$0x0] =	vst.idx.msk $0xffff, v33  }
0x344: {  	v62 =	vor.u32 v22, v48;
	v33 =	vld.idx.msk [tilespmem:v61+s13+$0x0], $0xffff  }
0x345: {  	v35 =	vor.u32 v45, v31;
	_ =	sdelay $0x2  }
0x346: {  	s12 =	sadd.s32 $0xFFFFFFFC, s6  }
0x347: {  	v63 =	vadd.s32 s12, v0;
	[tilespmem:v62+s17+$0x0] =	vst.idx.msk $0xffff, v33  }
0x348: {  	v40 =	vand.u32 $0x3F, v63;
	v32 =	vor.u32 v23, v48;
	v34 =	vld.idx.msk [tilespmem:v35+s13+$0x0], $0xffff  }
0x349: {  	v41 =	vor.u32 v40, v24;
	_ =	sdelay $0x1  }
0x34a: {  	v42 =	vshll.u32 v63, $0x8;
	v33 =	vshll.u32 v63, $0x7  }
0x34b: {  	v37 =	vand.u32 $0x3800, v42;
	v33 =	vand.u32 $0x380, v33  }
0x34c: {  	v43 =	vor.u32 v33, v37;
	[tilespmem:v32+s17+$0x0] =	vst.idx.msk $0xffff, v34  }
0x34d: {  	v45 =	vor.u32 v0, v43;
	v44 =	vld.idx.msk [tilespmem:v41+s13+$0x0], $0xffff  }
0x34e: {  	v46 =	vor.u32 v40, v25;
	_ =	sdelay $0x3  }
0x34f: {  	[tilespmem:v45+s17+$0x0] =	vst.idx.msk $0xffff, v44  }
0x350: {  	v47 =	vor.u32 v17, v43;
	v33 =	vld.idx.msk [tilespmem:v46+s13+$0x0], $0xffff  }
0x351: {  	v48 =	vor.u32 v40, v26;
	_ =	sdelay $0x3  }
0x352: {  	[tilespmem:v47+s17+$0x0] =	vst.idx.msk $0xffff, v33  }
0x353: {  	v49 =	vor.u32 v18, v43;
	v33 =	vld.idx.msk [tilespmem:v48+s13+$0x0], $0xffff  }
0x354: {  	v50 =	vor.u32 v40, v27;
	_ =	sdelay $0x3  }
0x355: {  	[tilespmem:v49+s17+$0x0] =	vst.idx.msk $0xffff, v33  }
0x356: {  	v51 =	vor.u32 v19, v43;
	v33 =	vld.idx.msk [tilespmem:v50+s13+$0x0], $0xffff  }
0x357: {  	v52 =	vor.u32 v40, v28;
	_ =	sdelay $0x3  }
0x358: {  	[tilespmem:v51+s17+$0x0] =	vst.idx.msk $0xffff, v33  }
0x359: {  	v53 =	vor.u32 v20, v43;
	v33 =	vld.idx.msk [tilespmem:v52+s13+$0x0], $0xffff  }
0x35a: {  	v54 =	vor.u32 v40, v29;
	_ =	sdelay $0x3  }
0x35b: {  	[tilespmem:v53+s17+$0x0] =	vst.idx.msk $0xffff, v33  }
0x35c: {  	v55 =	vor.u32 v21, v43;
	v33 =	vld.idx.msk [tilespmem:v54+s13+$0x0], $0xffff  }
0x35d: {  	v56 =	vor.u32 v40, v30;
	_ =	sdelay $0x3  }
0x35e: {  	[tilespmem:v55+s17+$0x0] =	vst.idx.msk $0xffff, v33  }
0x35f: {  	v57 =	vor.u32 v22, v43;
	v33 =	vld.idx.msk [tilespmem:v56+s13+$0x0], $0xffff  }
0x360: {  	v35 =	vor.u32 v40, v31;
	_ =	sdelay $0x2  }
0x361: {  	s14 =	sadd.s32 $0xFFFFFFFD, s6  }
0x362: {  	v58 =	vadd.s32 s14, v0;
	[tilespmem:v57+s17+$0x0] =	vst.idx.msk $0xffff, v33  }
0x363: {  	v59 =	vand.u32 $0x3F, v58;
	v32 =	vor.u32 v23, v43;
	v34 =	vld.idx.msk [tilespmem:v35+s13+$0x0], $0xffff  }
0x364: {  	v60 =	vor.u32 v59, v24;
	_ =	sdelay $0x1  }
0x365: {  	v61 =	vshll.u32 v58, $0x8;
	v33 =	vshll.u32 v58, $0x7  }
0x366: {  	v37 =	vand.u32 $0x3800, v61;
	v33 =	vand.u32 $0x380, v33  }
0x367: {  	v62 =	vor.u32 v33, v37;
	[tilespmem:v32+s17+$0x0] =	vst.idx.msk $0xffff, v34  }
0x368: {  	v40 =	vor.u32 v0, v62;
	v63 =	vld.idx.msk [tilespmem:v60+s13+$0x0], $0xffff  }
0x369: {  	v41 =	vor.u32 v59, v25;
	_ =	sdelay $0x3  }
0x36a: {  	[tilespmem:v40+s17+$0x0] =	vst.idx.msk $0xffff, v63  }
0x36b: {  	v42 =	vor.u32 v17, v62;
	v33 =	vld.idx.msk [tilespmem:v41+s13+$0x0], $0xffff  }
0x36c: {  	v43 =	vor.u32 v59, v26;
	_ =	sdelay $0x3  }
0x36d: {  	[tilespmem:v42+s17+$0x0] =	vst.idx.msk $0xffff, v33  }
0x36e: {  	v44 =	vor.u32 v18, v62;
	v33 =	vld.idx.msk [tilespmem:v43+s13+$0x0], $0xffff  }
0x36f: {  	v45 =	vor.u32 v59, v27;
	_ =	sdelay $0x3  }
0x370: {  	[tilespmem:v44+s17+$0x0] =	vst.idx.msk $0xffff, v33  }
0x371: {  	v46 =	vor.u32 v19, v62;
	v33 =	vld.idx.msk [tilespmem:v45+s13+$0x0], $0xffff  }
0x372: {  	v47 =	vor.u32 v59, v28;
	_ =	sdelay $0x3  }
0x373: {  	[tilespmem:v46+s17+$0x0] =	vst.idx.msk $0xffff, v33  }
0x374: {  	v48 =	vor.u32 v20, v62;
	v33 =	vld.idx.msk [tilespmem:v47+s13+$0x0], $0xffff  }
0x375: {  	v49 =	vor.u32 v59, v29;
	_ =	sdelay $0x3  }
0x376: {  	[tilespmem:v48+s17+$0x0] =	vst.idx.msk $0xffff, v33  }
0x377: {  	v50 =	vor.u32 v21, v62;
	v33 =	vld.idx.msk [tilespmem:v49+s13+$0x0], $0xffff  }
0x378: {  	v51 =	vor.u32 v59, v30;
	_ =	sdelay $0x3  }
0x379: {  	[tilespmem:v50+s17+$0x0] =	vst.idx.msk $0xffff, v33  }
0x37a: {  	v52 =	vor.u32 v22, v62;
	v33 =	vld.idx.msk [tilespmem:v51+s13+$0x0], $0xffff  }
0x37b: {  	v35 =	vor.u32 v59, v31;
	_ =	sdelay $0x2  }
0x37c: {  	s12 =	sadd.s32 $0xFFFFFFFE, s6  }
0x37d: {  	v53 =	vadd.s32 s12, v0;
	[tilespmem:v52+s17+$0x0] =	vst.idx.msk $0xffff, v33  }
0x37e: {  	v54 =	vand.u32 $0x3F, v53;
	v32 =	vor.u32 v23, v62;
	v34 =	vld.idx.msk [tilespmem:v35+s13+$0x0], $0xffff  }
0x37f: {  	v55 =	vor.u32 v54, v24;
	_ =	sdelay $0x1  }
0x380: {  	v56 =	vshll.u32 v53, $0x8;
	v33 =	vshll.u32 v53, $0x7  }
0x381: {  	v37 =	vand.u32 $0x3800, v56;
	v33 =	vand.u32 $0x380, v33  }
0x382: {  	v57 =	vor.u32 v33, v37;
	[tilespmem:v32+s17+$0x0] =	vst.idx.msk $0xffff, v34  }
0x383: {  	v59 =	vor.u32 v0, v57;
	v58 =	vld.idx.msk [tilespmem:v55+s13+$0x0], $0xffff  }
0x384: {  	v60 =	vor.u32 v54, v25;
	_ =	sdelay $0x3  }
0x385: {  	[tilespmem:v59+s17+$0x0] =	vst.idx.msk $0xffff, v58  }
0x386: {  	v61 =	vor.u32 v17, v57;
	v33 =	vld.idx.msk [tilespmem:v60+s13+$0x0], $0xffff  }
0x387: {  	v62 =	vor.u32 v54, v26;
	_ =	sdelay $0x3  }
0x388: {  	[tilespmem:v61+s17+$0x0] =	vst.idx.msk $0xffff, v33  }
0x389: {  	v63 =	vor.u32 v18, v57;
	v33 =	vld.idx.msk [tilespmem:v62+s13+$0x0], $0xffff  }
0x38a: {  	v40 =	vor.u32 v54, v27;
	_ =	sdelay $0x3  }
0x38b: {  	[tilespmem:v63+s17+$0x0] =	vst.idx.msk $0xffff, v33  }
0x38c: {  	v41 =	vor.u32 v19, v57;
	v33 =	vld.idx.msk [tilespmem:v40+s13+$0x0], $0xffff  }
0x38d: {  	v42 =	vor.u32 v54, v28;
	_ =	sdelay $0x3  }
0x38e: {  	[tilespmem:v41+s17+$0x0] =	vst.idx.msk $0xffff, v33  }
0x38f: {  	v43 =	vor.u32 v20, v57;
	v33 =	vld.idx.msk [tilespmem:v42+s13+$0x0], $0xffff  }
0x390: {  	v44 =	vor.u32 v54, v29;
	_ =	sdelay $0x3  }
0x391: {  	[tilespmem:v43+s17+$0x0] =	vst.idx.msk $0xffff, v33  }
0x392: {  	v45 =	vor.u32 v21, v57;
	v33 =	vld.idx.msk [tilespmem:v44+s13+$0x0], $0xffff  }
0x393: {  	v46 =	vor.u32 v54, v30;
	_ =	sdelay $0x3  }
0x394: {  	[tilespmem:v45+s17+$0x0] =	vst.idx.msk $0xffff, v33  }
0x395: {  	v47 =	vor.u32 v22, v57;
	v33 =	vld.idx.msk [tilespmem:v46+s13+$0x0], $0xffff  }
0x396: {  	v35 =	vor.u32 v54, v31;
	_ =	sdelay $0x2  }
0x397: {  	s14 =	sadd.s32 $0xFFFFFFFF, s6  }
0x398: {  	v48 =	vadd.s32 s14, v0;
	[tilespmem:v47+s17+$0x0] =	vst.idx.msk $0xffff, v33  }
0x399: {  	v49 =	vand.u32 $0x3F, v48;
	v32 =	vor.u32 v23, v57;
	v34 =	vld.idx.msk [tilespmem:v35+s13+$0x0], $0xffff  }
0x39a: {  	v50 =	vor.u32 v49, v24;
	_ =	sdelay $0x1  }
0x39b: {  	v51 =	vshll.u32 v48, $0x8;
	v33 =	vshll.u32 v48, $0x7  }
0x39c: {  	v37 =	vand.u32 $0x3800, v51;
	v33 =	vand.u32 $0x380, v33  }
0x39d: {  	v52 =	vor.u32 v33, v37;
	[tilespmem:v32+s17+$0x0] =	vst.idx.msk $0xffff, v34  }
0x39e: {  	v54 =	vor.u32 v0, v52;
	v53 =	vld.idx.msk [tilespmem:v50+s13+$0x0], $0xffff  }
0x39f: {  	v55 =	vor.u32 v49, v25;
	_ =	sdelay $0x3  }
0x3a0: {  	[tilespmem:v54+s17+$0x0] =	vst.idx.msk $0xffff, v53  }
0x3a1: {  	v56 =	vor.u32 v17, v52;
	v33 =	vld.idx.msk [tilespmem:v55+s13+$0x0], $0xffff  }
0x3a2: {  	v57 =	vor.u32 v49, v26;
	_ =	sdelay $0x3  }
0x3a3: {  	[tilespmem:v56+s17+$0x0] =	vst.idx.msk $0xffff, v33  }
0x3a4: {  	v58 =	vor.u32 v18, v52;
	v33 =	vld.idx.msk [tilespmem:v57+s13+$0x0], $0xffff  }
0x3a5: {  	v59 =	vor.u32 v49, v27;
	_ =	sdelay $0x3  }
0x3a6: {  	[tilespmem:v58+s17+$0x0] =	vst.idx.msk $0xffff, v33  }
0x3a7: {  	v60 =	vor.u32 v19, v52;
	v33 =	vld.idx.msk [tilespmem:v59+s13+$0x0], $0xffff  }
0x3a8: {  	v61 =	vor.u32 v49, v28;
	_ =	sdelay $0x3  }
0x3a9: {  	[tilespmem:v60+s17+$0x0] =	vst.idx.msk $0xffff, v33  }
0x3aa: {  	v62 =	vor.u32 v20, v52;
	v33 =	vld.idx.msk [tilespmem:v61+s13+$0x0], $0xffff  }
0x3ab: {  	v63 =	vor.u32 v49, v29;
	_ =	sdelay $0x3  }
0x3ac: {  	[tilespmem:v62+s17+$0x0] =	vst.idx.msk $0xffff, v33  }
0x3ad: {  	v40 =	vor.u32 v21, v52;
	v33 =	vld.idx.msk [tilespmem:v63+s13+$0x0], $0xffff  }
0x3ae: {  	v41 =	vor.u32 v49, v30;
	_ =	sdelay $0x3  }
0x3af: {  	[tilespmem:v40+s17+$0x0] =	vst.idx.msk $0xffff, v33  }
0x3b0: {  	v42 =	vor.u32 v22, v52;
	v33 =	vld.idx.msk [tilespmem:v41+s13+$0x0], $0xffff  }
0x3b1: {  	v35 =	vor.u32 v49, v31;
	_ =	sdelay $0x3  }
0x3b2: {  	v43 =	vadd.s32 s6, v0;
	[tilespmem:v42+s17+$0x0] =	vst.idx.msk $0xffff, v33  }
0x3b3: {  	v44 =	vand.u32 $0x3F, v43;
	v32 =	vor.u32 v23, v52;
	v34 =	vld.idx.msk [tilespmem:v35+s13+$0x0], $0xffff  }
0x3b4: {  	v24 =	vor.u32 v44, v24;
	_ =	sdelay $0x1  }
0x3b5: {  	v45 =	vshll.u32 v43, $0x8;
	v33 =	vshll.u32 v43, $0x7  }
0x3b6: {  	v36 =	vand.u32 $0x3800, v45;
	v33 =	vand.u32 $0x380, v33  }
0x3b7: {  	v46 =	vor.u32 v33, v36;
	[tilespmem:v32+s17+$0x0] =	vst.idx.msk $0xffff, v34  }
0x3b8: {  	v33 =	vor.u32 v0, v46;
	v24 =	vld.idx.msk [tilespmem:v24+s13+$0x0], $0xffff  }
0x3b9: {  	v25 =	vor.u32 v44, v25;
	_ =	sdelay $0x3  }
0x3ba: {  	[tilespmem:v33+s17+$0x0] =	vst.idx.msk $0xffff, v24  }
0x3bb: {  	v24 =	vld.idx.msk [tilespmem:v25+s13+$0x0], $0xffff;
	v25 =	vor.u32 v17, v46  }
0x3bc: {  	v26 =	vor.u32 v44, v26;
	_ =	sdelay $0x3  }
0x3bd: {  	[tilespmem:v25+s17+$0x0] =	vst.idx.msk $0xffff, v24  }
0x3be: {  	v25 =	vor.u32 v18, v46;
	v24 =	vld.idx.msk [tilespmem:v26+s13+$0x0], $0xffff  }
0x3bf: {  	v26 =	vor.u32 v44, v27;
	_ =	sdelay $0x3  }
0x3c0: {  	[tilespmem:v25+s17+$0x0] =	vst.idx.msk $0xffff, v24  }
0x3c1: {  	v25 =	vor.u32 v19, v46;
	v24 =	vld.idx.msk [tilespmem:v26+s13+$0x0], $0xffff  }
0x3c2: {  	v26 =	vor.u32 v44, v28;
	_ =	sdelay $0x3  }
0x3c3: {  	[tilespmem:v25+s17+$0x0] =	vst.idx.msk $0xffff, v24  }
0x3c4: {  	v25 =	vor.u32 v20, v46;
	v24 =	vld.idx.msk [tilespmem:v26+s13+$0x0], $0xffff  }
0x3c5: {  	v26 =	vor.u32 v44, v29;
	_ =	sdelay $0x3  }
0x3c6: {  	[tilespmem:v25+s17+$0x0] =	vst.idx.msk $0xffff, v24  }
0x3c7: {  	v25 =	vor.u32 v21, v46;
	v24 =	vld.idx.msk [tilespmem:v26+s13+$0x0], $0xffff  }
0x3c8: {  	v26 =	vor.u32 v44, v30;
	_ =	sdelay $0x3  }
0x3c9: {  	[tilespmem:v25+s17+$0x0] =	vst.idx.msk $0xffff, v24  }
0x3ca: {  	v25 =	vor.u32 v22, v46;
	v24 =	vld.idx.msk [tilespmem:v26+s13+$0x0], $0xffff  }
0x3cb: {  	v26 =	vor.u32 v44, v31;
	_ =	sdelay $0x3  }
0x3cc: {  	[tilespmem:v25+s17+$0x0] =	vst.idx.msk $0xffff, v24  }
0x3cd: {  	v25 =	vor.u32 v23, v46;
	v24 =	vld.idx.msk [tilespmem:v26+s13+$0x0], $0xffff  }
0x3ce: {  	p1 =	seq.s32 s11, $0x63  }
0x3cf: {  	s6 =	sshll.u32 @!p1 s10, $0x7  }
0x3d0: {  	s9 =	sadd.s32 @!p1 $0x100, s6  }
0x3d1: {  	s9 =	sand.u32 @!p1 $0xFF00, s9  }
0x3d2: {  	s12 =	simm.s32 @!p1 $0x80;
	s14 =	simm.s32 @!p1 $0xC800;
	s9 =	sadd.s32 @!p1 $0x6400, s9;
	[tilespmem:v25+s17+$0x0] =	vst.idx.msk $0xffff, v24  }
0x3d3: {  	[tilespmem:s14], [sflag:$0x1] =	stream.indirect.gather @!p1 [hbm4b:s0+s12], $0x80, s9, s12, $0xb8;
	[tilespmem:$0x1C800] =	vst v63  }
0x3d4: {  	s12 =	sshll.u32 s11, $0x13  }
0x3d5: {  	s9 =	sor.u32 s5, s12  }
0x3d6: {  	s9 =	sshrl.u32 s9, $0x3  }
0x3d7: {  	s9 =	sadd.s32 s3, s9  }
0x3d8: {  	[hbm4b:s9+s4] =	stream.linear.scatter [tilespmem:s17], [sflag:$0x3], $0x400, $0x38;
	[tilespmem:$0x1C800] =	vst v63  }
0x3d9: {  	s14 =	sadd.s32 $0x1000, s9  }
0x3da: {  	[hbm4b:s14+s4] =	stream.linear.scatter [tilespmem:s18], [sflag:$0x3], $0x400, $0x38;
	[tilespmem:$0x1C800] =	vst v63  }
0x3db: {  	s14 =	sadd.s32 $0x2000, s9  }
0x3dc: {  	[hbm4b:s14+s4] =	stream.linear.scatter [tilespmem:s19], [sflag:$0x3], $0x400, $0x38;
	[tilespmem:$0x1C800] =	vst v63  }
0x3dd: {  	s14 =	sadd.s32 $0x3000, s9  }
0x3de: {  	[hbm4b:s14+s4] =	stream.linear.scatter [tilespmem:s20], [sflag:$0x3], $0x400, $0x38;
	[tilespmem:$0x1C800] =	vst v63  }
0x3df: {  	s14 =	sadd.s32 $0x4000, s9  }
0x3e0: {  	[hbm4b:s14+s4] =	stream.linear.scatter [tilespmem:s21], [sflag:$0x3], $0x400, $0x38;
	[tilespmem:$0x1C800] =	vst v63  }
0x3e1: {  	s14 =	sadd.s32 $0x5000, s9  }
0x3e2: {  	[hbm4b:s14+s4] =	stream.linear.scatter [tilespmem:s22], [sflag:$0x3], $0x400, $0x38;
	[tilespmem:$0x1C800] =	vst v63  }
0x3e3: {  	s14 =	sadd.s32 $0x6000, s9  }
0x3e4: {  	[hbm4b:s14+s4] =	stream.linear.scatter [tilespmem:s23], [sflag:$0x3], $0x400, $0x38;
	[tilespmem:$0x1C800] =	vst v63  }
0x3e5: {  	s9 =	sadd.s32 $0x7000, s9  }
0x3e6: {  	[hbm4b:s9+s4] =	stream.linear.scatter [tilespmem:s24], [sflag:$0x3], $0x400, $0x38;
	[tilespmem:$0x1C800] =	vst v63  }
0x3e7: {  	_ =	swait.ge [sflag:s25], $0x4000  }
0x3e8: {  	[sflag:s25] =	ssyncset.done $0x0  }
0x3e9: {  	s10 =	sor.u32 $0x1, s10;
	s9 =	simm.s32 @!p0 $0x4;
	[sflag:s25] =	ssyncadd.s32 $0xFFFFC000  }
0x3ea: {  	s14 =	sshll.u32 s10, $0x7;
	_ =	swait.ge @!p0 [sflag:s9], $0x2000  }
0x3eb: {  	s7 =	sand.u32 $0x7C00, s7;
	s12 =	sand.u32 $0x380, s14;
	[sflag:s9] =	ssyncset.done @!p0 $0x0  }
0x3ec: {  	s7 =	sadd.s32 s12, s7;
	[sflag:s9] =	ssyncadd.s32 @!p0 $0xFFFFE000  }
0x3ed: {  	v24 =	vld [tilespmem:s7+$0x0];
	_ =	sdelay $0x4  }
0x3ee: {  	s12 =	simm.s32 $0x0;
	v24 =	vshll.u32 v24, $0x6  }
0x3ef: {  	v26 =	vadd.s32 s12, v0;
	v25 =	vld [tilespmem:s7+$0x10];
	v24 =	vand.u32 $0x40, v24  }
0x3f0: {  	v47 =	vand.u32 $0x3F, v26;
	v24 =	vor.u32 v1, v24  }
0x3f1: {  	v27 =	vor.u32 v47, v24;
	_ =	sdelay $0x2  }
0x3f2: {  	v26 =	vshll.u32 v26, $0x8;
	v25 =	vshll.u32 v25, $0x6  }
0x3f3: {  	v48 =	vand.u32 $0x3800, v26;
	v28 =	vld [tilespmem:s7+$0x20];
	v25 =	vand.u32 $0x40, v25  }
0x3f4: {  	v25 =	vor.u32 v2, v25;
	v26 =	vld.idx.msk [tilespmem:v27+s15+$0x0], $0xffff;
	v27 =	vor.u32 v9, v48  }
0x3f5: {  	v29 =	vld [tilespmem:s7+$0x30];
	v31 =	vor.u32 v47, v25  }
0x3f6: {  	v30 =	vld [tilespmem:s7+$0x40]  }
0x3f7: {  	v49 =	vld [tilespmem:s7+$0x50]  }
0x3f8: {  	v50 =	vld [tilespmem:s7+$0x60];
	v28 =	vshll.u32 v28, $0x6  }
0x3f9: {  	v51 =	vld [tilespmem:s7+$0x70];
	v28 =	vand.u32 $0x40, v28;
	[tilespmem:v27+s26+$0x0] =	vst.idx.msk $0xffff, v26  }
0x3fa: {  	v26 =	vor.u32 v3, v28;
	v28 =	vor.u32 v10, v48;
	v27 =	vld.idx.msk [tilespmem:v31+s15+$0x0], $0xffff  }
0x3fb: {  	v31 =	vor.u32 v47, v26;
	_ =	sdelay $0x2  }
0x3fc: {  	v29 =	vshll.u32 v29, $0x6  }
0x3fd: {  	v29 =	vand.u32 $0x40, v29;
	[tilespmem:v28+s26+$0x0] =	vst.idx.msk $0xffff, v27  }
0x3fe: {  	v27 =	vor.u32 v4, v29;
	v29 =	vor.u32 v11, v48;
	v28 =	vld.idx.msk [tilespmem:v31+s15+$0x0], $0xffff  }
0x3ff: {  	v31 =	vor.u32 v47, v27;
	_ =	sdelay $0x2  }
0x400: {  	v30 =	vshll.u32 v30, $0x6  }
0x401: {  	v30 =	vand.u32 $0x40, v30;
	[tilespmem:v29+s26+$0x0] =	vst.idx.msk $0xffff, v28  }
0x402: {  	v28 =	vor.u32 v5, v30;
	v30 =	vor.u32 v12, v48;
	v29 =	vld.idx.msk [tilespmem:v31+s15+$0x0], $0xffff  }
0x403: {  	v31 =	vor.u32 v47, v28;
	_ =	sdelay $0x2  }
0x404: {  	v34 =	vshll.u32 v49, $0x6  }
0x405: {  	v34 =	vand.u32 $0x40, v34;
	[tilespmem:v30+s26+$0x0] =	vst.idx.msk $0xffff, v29  }
0x406: {  	v29 =	vor.u32 v6, v34;
	v30 =	vld.idx.msk [tilespmem:v31+s15+$0x0], $0xffff;
	v31 =	vor.u32 v13, v48  }
0x407: {  	v34 =	vor.u32 v47, v29;
	_ =	sdelay $0x2  }
0x408: {  	v35 =	vshll.u32 v50, $0x6  }
0x409: {  	v35 =	vand.u32 $0x40, v35;
	[tilespmem:v31+s26+$0x0] =	vst.idx.msk $0xffff, v30  }
0x40a: {  	v52 =	vor.u32 v14, v48;
	v30 =	vor.u32 v7, v35;
	v31 =	vld.idx.msk [tilespmem:v34+s15+$0x0], $0xffff  }
0x40b: {  	v35 =	vor.u32 v47, v30;
	_ =	sdelay $0x2  }
0x40c: {  	v36 =	vshll.u32 v51, $0x6  }
0x40d: {  	v36 =	vand.u32 $0x40, v36;
	[tilespmem:v52+s26+$0x0] =	vst.idx.msk $0xffff, v31  }
0x40e: {  	v53 =	vor.u32 v15, v48;
	v31 =	vor.u32 v8, v36;
	v34 =	vld.idx.msk [tilespmem:v35+s15+$0x0], $0xffff  }
0x40f: {  	v32 =	vor.u32 v47, v31;
	_ =	sdelay $0x2  }
0x410: {  	s14 =	simm.s32 $0x1  }
0x411: {  	v54 =	vadd.s32 s14, v0;
	[tilespmem:v53+s26+$0x0] =	vst.idx.msk $0xffff, v34  }
0x412: {  	v55 =	vand.u32 $0x3F, v54;
	v33 =	vor.u32 v16, v48;
	v32 =	vld.idx.msk [tilespmem:v32+s15+$0x0], $0xffff  }
0x413: {  	v56 =	vor.u32 v55, v24;
	_ =	sdelay $0x1  }
0x414: {  	v57 =	vshll.u32 v54, $0x8;
	v34 =	vshll.u32 v54, $0x7  }
0x415: {  	v37 =	vand.u32 $0x3800, v57;
	v34 =	vand.u32 $0x380, v34  }
0x416: {  	v58 =	vor.u32 v34, v37;
	[tilespmem:v33+s26+$0x0] =	vst.idx.msk $0xffff, v32  }
0x417: {  	v34 =	vor.u32 v0, v58;
	v33 =	vld.idx.msk [tilespmem:v56+s15+$0x0], $0xffff  }
0x418: {  	v59 =	vor.u32 v55, v25;
	_ =	sdelay $0x3  }
0x419: {  	[tilespmem:v34+s26+$0x0] =	vst.idx.msk $0xffff, v33  }
0x41a: {  	v60 =	vor.u32 v17, v58;
	v33 =	vld.idx.msk [tilespmem:v59+s15+$0x0], $0xffff  }
0x41b: {  	v61 =	vor.u32 v55, v26;
	_ =	sdelay $0x3  }
0x41c: {  	[tilespmem:v60+s26+$0x0] =	vst.idx.msk $0xffff, v33  }
0x41d: {  	v62 =	vor.u32 v18, v58;
	v33 =	vld.idx.msk [tilespmem:v61+s15+$0x0], $0xffff  }
0x41e: {  	v63 =	vor.u32 v55, v27;
	_ =	sdelay $0x3  }
0x41f: {  	[tilespmem:v62+s26+$0x0] =	vst.idx.msk $0xffff, v33  }
0x420: {  	v40 =	vor.u32 v19, v58;
	v33 =	vld.idx.msk [tilespmem:v63+s15+$0x0], $0xffff  }
0x421: {  	v41 =	vor.u32 v55, v28;
	_ =	sdelay $0x3  }
0x422: {  	[tilespmem:v40+s26+$0x0] =	vst.idx.msk $0xffff, v33  }
0x423: {  	v42 =	vor.u32 v20, v58;
	v33 =	vld.idx.msk [tilespmem:v41+s15+$0x0], $0xffff  }
0x424: {  	v43 =	vor.u32 v55, v29;
	_ =	sdelay $0x3  }
0x425: {  	[tilespmem:v42+s26+$0x0] =	vst.idx.msk $0xffff, v33  }
0x426: {  	v44 =	vor.u32 v21, v58;
	v33 =	vld.idx.msk [tilespmem:v43+s15+$0x0], $0xffff  }
0x427: {  	v45 =	vor.u32 v55, v30;
	_ =	sdelay $0x3  }
0x428: {  	[tilespmem:v44+s26+$0x0] =	vst.idx.msk $0xffff, v33  }
0x429: {  	v46 =	vor.u32 v22, v58;
	v33 =	vld.idx.msk [tilespmem:v45+s15+$0x0], $0xffff  }
0x42a: {  	v35 =	vor.u32 v55, v31;
	_ =	sdelay $0x2  }
0x42b: {  	s9 =	simm.s32 $0x2  }
0x42c: {  	v47 =	vadd.s32 s9, v0;
	[tilespmem:v46+s26+$0x0] =	vst.idx.msk $0xffff, v33  }
0x42d: {  	v48 =	vand.u32 $0x3F, v47;
	v32 =	vor.u32 v23, v58;
	v34 =	vld.idx.msk [tilespmem:v35+s15+$0x0], $0xffff  }
0x42e: {  	v49 =	vor.u32 v48, v24;
	_ =	sdelay $0x1  }
0x42f: {  	v50 =	vshll.u32 v47, $0x8;
	v33 =	vshll.u32 v47, $0x7  }
0x430: {  	v37 =	vand.u32 $0x3800, v50;
	v33 =	vand.u32 $0x380, v33  }
0x431: {  	v51 =	vor.u32 v33, v37;
	[tilespmem:v32+s26+$0x0] =	vst.idx.msk $0xffff, v34  }
0x432: {  	v53 =	vor.u32 v0, v51;
	v52 =	vld.idx.msk [tilespmem:v49+s15+$0x0], $0xffff  }
0x433: {  	v54 =	vor.u32 v48, v25;
	_ =	sdelay $0x3  }
0x434: {  	[tilespmem:v53+s26+$0x0] =	vst.idx.msk $0xffff, v52  }
0x435: {  	v55 =	vor.u32 v17, v51;
	v33 =	vld.idx.msk [tilespmem:v54+s15+$0x0], $0xffff  }
0x436: {  	v56 =	vor.u32 v48, v26;
	_ =	sdelay $0x3  }
0x437: {  	[tilespmem:v55+s26+$0x0] =	vst.idx.msk $0xffff, v33  }
0x438: {  	v57 =	vor.u32 v18, v51;
	v33 =	vld.idx.msk [tilespmem:v56+s15+$0x0], $0xffff  }
0x439: {  	v58 =	vor.u32 v48, v27;
	_ =	sdelay $0x3  }
0x43a: {  	[tilespmem:v57+s26+$0x0] =	vst.idx.msk $0xffff, v33  }
0x43b: {  	v59 =	vor.u32 v19, v51;
	v33 =	vld.idx.msk [tilespmem:v58+s15+$0x0], $0xffff  }
0x43c: {  	v60 =	vor.u32 v48, v28;
	_ =	sdelay $0x3  }
0x43d: {  	[tilespmem:v59+s26+$0x0] =	vst.idx.msk $0xffff, v33  }
0x43e: {  	v61 =	vor.u32 v20, v51;
	v33 =	vld.idx.msk [tilespmem:v60+s15+$0x0], $0xffff  }
0x43f: {  	v62 =	vor.u32 v48, v29;
	_ =	sdelay $0x3  }
0x440: {  	[tilespmem:v61+s26+$0x0] =	vst.idx.msk $0xffff, v33  }
0x441: {  	v63 =	vor.u32 v21, v51;
	v33 =	vld.idx.msk [tilespmem:v62+s15+$0x0], $0xffff  }
0x442: {  	v40 =	vor.u32 v48, v30;
	_ =	sdelay $0x3  }
0x443: {  	[tilespmem:v63+s26+$0x0] =	vst.idx.msk $0xffff, v33  }
0x444: {  	v41 =	vor.u32 v22, v51;
	v33 =	vld.idx.msk [tilespmem:v40+s15+$0x0], $0xffff  }
0x445: {  	v35 =	vor.u32 v48, v31;
	_ =	sdelay $0x2  }
0x446: {  	s12 =	simm.s32 $0x3  }
0x447: {  	v42 =	vadd.s32 s12, v0;
	[tilespmem:v41+s26+$0x0] =	vst.idx.msk $0xffff, v33  }
0x448: {  	v43 =	vand.u32 $0x3F, v42;
	v32 =	vor.u32 v23, v51;
	v34 =	vld.idx.msk [tilespmem:v35+s15+$0x0], $0xffff  }
0x449: {  	v44 =	vor.u32 v43, v24;
	_ =	sdelay $0x1  }
0x44a: {  	v45 =	vshll.u32 v42, $0x8;
	v33 =	vshll.u32 v42, $0x7  }
0x44b: {  	v37 =	vand.u32 $0x3800, v45;
	v33 =	vand.u32 $0x380, v33  }
0x44c: {  	v46 =	vor.u32 v33, v37;
	[tilespmem:v32+s26+$0x0] =	vst.idx.msk $0xffff, v34  }
0x44d: {  	v48 =	vor.u32 v0, v46;
	v47 =	vld.idx.msk [tilespmem:v44+s15+$0x0], $0xffff  }
0x44e: {  	v49 =	vor.u32 v43, v25;
	_ =	sdelay $0x3  }
0x44f: {  	[tilespmem:v48+s26+$0x0] =	vst.idx.msk $0xffff, v47  }
0x450: {  	v50 =	vor.u32 v17, v46;
	v33 =	vld.idx.msk [tilespmem:v49+s15+$0x0], $0xffff  }
0x451: {  	v51 =	vor.u32 v43, v26;
	_ =	sdelay $0x3  }
0x452: {  	[tilespmem:v50+s26+$0x0] =	vst.idx.msk $0xffff, v33  }
0x453: {  	v52 =	vor.u32 v18, v46;
	v33 =	vld.idx.msk [tilespmem:v51+s15+$0x0], $0xffff  }
0x454: {  	v53 =	vor.u32 v43, v27;
	_ =	sdelay $0x3  }
0x455: {  	[tilespmem:v52+s26+$0x0] =	vst.idx.msk $0xffff, v33  }
0x456: {  	v54 =	vor.u32 v19, v46;
	v33 =	vld.idx.msk [tilespmem:v53+s15+$0x0], $0xffff  }
0x457: {  	v55 =	vor.u32 v43, v28;
	_ =	sdelay $0x3  }
0x458: {  	[tilespmem:v54+s26+$0x0] =	vst.idx.msk $0xffff, v33  }
0x459: {  	v56 =	vor.u32 v20, v46;
	v33 =	vld.idx.msk [tilespmem:v55+s15+$0x0], $0xffff  }
0x45a: {  	v57 =	vor.u32 v43, v29;
	_ =	sdelay $0x3  }
0x45b: {  	[tilespmem:v56+s26+$0x0] =	vst.idx.msk $0xffff, v33  }
0x45c: {  	v58 =	vor.u32 v21, v46;
	v33 =	vld.idx.msk [tilespmem:v57+s15+$0x0], $0xffff  }
0x45d: {  	v59 =	vor.u32 v43, v30;
	_ =	sdelay $0x3  }
0x45e: {  	[tilespmem:v58+s26+$0x0] =	vst.idx.msk $0xffff, v33  }
0x45f: {  	v60 =	vor.u32 v22, v46;
	v33 =	vld.idx.msk [tilespmem:v59+s15+$0x0], $0xffff  }
0x460: {  	v35 =	vor.u32 v43, v31;
	_ =	sdelay $0x2  }
0x461: {  	s14 =	simm.s32 $0x4  }
0x462: {  	v61 =	vadd.s32 s14, v0;
	[tilespmem:v60+s26+$0x0] =	vst.idx.msk $0xffff, v33  }
0x463: {  	v62 =	vand.u32 $0x3F, v61;
	v32 =	vor.u32 v23, v46;
	v34 =	vld.idx.msk [tilespmem:v35+s15+$0x0], $0xffff  }
0x464: {  	v63 =	vor.u32 v62, v24;
	_ =	sdelay $0x1  }
0x465: {  	v40 =	vshll.u32 v61, $0x8;
	v33 =	vshll.u32 v61, $0x7  }
0x466: {  	v37 =	vand.u32 $0x3800, v40;
	v33 =	vand.u32 $0x380, v33  }
0x467: {  	v41 =	vor.u32 v33, v37;
	[tilespmem:v32+s26+$0x0] =	vst.idx.msk $0xffff, v34  }
0x468: {  	v43 =	vor.u32 v0, v41;
	v42 =	vld.idx.msk [tilespmem:v63+s15+$0x0], $0xffff  }
0x469: {  	v44 =	vor.u32 v62, v25;
	_ =	sdelay $0x3  }
0x46a: {  	[tilespmem:v43+s26+$0x0] =	vst.idx.msk $0xffff, v42  }
0x46b: {  	v45 =	vor.u32 v17, v41;
	v33 =	vld.idx.msk [tilespmem:v44+s15+$0x0], $0xffff  }
0x46c: {  	v46 =	vor.u32 v62, v26;
	_ =	sdelay $0x3  }
0x46d: {  	[tilespmem:v45+s26+$0x0] =	vst.idx.msk $0xffff, v33  }
0x46e: {  	v47 =	vor.u32 v18, v41;
	v33 =	vld.idx.msk [tilespmem:v46+s15+$0x0], $0xffff  }
0x46f: {  	v48 =	vor.u32 v62, v27;
	_ =	sdelay $0x3  }
0x470: {  	[tilespmem:v47+s26+$0x0] =	vst.idx.msk $0xffff, v33  }
0x471: {  	v49 =	vor.u32 v19, v41;
	v33 =	vld.idx.msk [tilespmem:v48+s15+$0x0], $0xffff  }
0x472: {  	v50 =	vor.u32 v62, v28;
	_ =	sdelay $0x3  }
0x473: {  	[tilespmem:v49+s26+$0x0] =	vst.idx.msk $0xffff, v33  }
0x474: {  	v51 =	vor.u32 v20, v41;
	v33 =	vld.idx.msk [tilespmem:v50+s15+$0x0], $0xffff  }
0x475: {  	v52 =	vor.u32 v62, v29;
	_ =	sdelay $0x3  }
0x476: {  	[tilespmem:v51+s26+$0x0] =	vst.idx.msk $0xffff, v33  }
0x477: {  	v53 =	vor.u32 v21, v41;
	v33 =	vld.idx.msk [tilespmem:v52+s15+$0x0], $0xffff  }
0x478: {  	v54 =	vor.u32 v62, v30;
	_ =	sdelay $0x3  }
0x479: {  	[tilespmem:v53+s26+$0x0] =	vst.idx.msk $0xffff, v33  }
0x47a: {  	v55 =	vor.u32 v22, v41;
	v33 =	vld.idx.msk [tilespmem:v54+s15+$0x0], $0xffff  }
0x47b: {  	v35 =	vor.u32 v62, v31;
	_ =	sdelay $0x2  }
0x47c: {  	s9 =	simm.s32 $0x5  }
0x47d: {  	v56 =	vadd.s32 s9, v0;
	[tilespmem:v55+s26+$0x0] =	vst.idx.msk $0xffff, v33  }
0x47e: {  	v57 =	vand.u32 $0x3F, v56;
	v32 =	vor.u32 v23, v41;
	v34 =	vld.idx.msk [tilespmem:v35+s15+$0x0], $0xffff  }
0x47f: {  	v58 =	vor.u32 v57, v24;
	_ =	sdelay $0x1  }
0x480: {  	v59 =	vshll.u32 v56, $0x8;
	v33 =	vshll.u32 v56, $0x7  }
0x481: {  	v37 =	vand.u32 $0x3800, v59;
	v33 =	vand.u32 $0x380, v33  }
0x482: {  	v60 =	vor.u32 v33, v37;
	[tilespmem:v32+s26+$0x0] =	vst.idx.msk $0xffff, v34  }
0x483: {  	v62 =	vor.u32 v0, v60;
	v61 =	vld.idx.msk [tilespmem:v58+s15+$0x0], $0xffff  }
0x484: {  	v63 =	vor.u32 v57, v25;
	_ =	sdelay $0x3  }
0x485: {  	[tilespmem:v62+s26+$0x0] =	vst.idx.msk $0xffff, v61  }
0x486: {  	v40 =	vor.u32 v17, v60;
	v33 =	vld.idx.msk [tilespmem:v63+s15+$0x0], $0xffff  }
0x487: {  	v41 =	vor.u32 v57, v26;
	_ =	sdelay $0x3  }
0x488: {  	[tilespmem:v40+s26+$0x0] =	vst.idx.msk $0xffff, v33  }
0x489: {  	v42 =	vor.u32 v18, v60;
	v33 =	vld.idx.msk [tilespmem:v41+s15+$0x0], $0xffff  }
0x48a: {  	v43 =	vor.u32 v57, v27;
	_ =	sdelay $0x3  }
0x48b: {  	[tilespmem:v42+s26+$0x0] =	vst.idx.msk $0xffff, v33  }
0x48c: {  	v44 =	vor.u32 v19, v60;
	v33 =	vld.idx.msk [tilespmem:v43+s15+$0x0], $0xffff  }
0x48d: {  	v45 =	vor.u32 v57, v28;
	_ =	sdelay $0x3  }
0x48e: {  	[tilespmem:v44+s26+$0x0] =	vst.idx.msk $0xffff, v33  }
0x48f: {  	v46 =	vor.u32 v20, v60;
	v33 =	vld.idx.msk [tilespmem:v45+s15+$0x0], $0xffff  }
0x490: {  	v47 =	vor.u32 v57, v29;
	_ =	sdelay $0x3  }
0x491: {  	[tilespmem:v46+s26+$0x0] =	vst.idx.msk $0xffff, v33  }
0x492: {  	v48 =	vor.u32 v21, v60;
	v33 =	vld.idx.msk [tilespmem:v47+s15+$0x0], $0xffff  }
0x493: {  	v49 =	vor.u32 v57, v30;
	_ =	sdelay $0x3  }
0x494: {  	[tilespmem:v48+s26+$0x0] =	vst.idx.msk $0xffff, v33  }
0x495: {  	v50 =	vor.u32 v22, v60;
	v33 =	vld.idx.msk [tilespmem:v49+s15+$0x0], $0xffff  }
0x496: {  	v35 =	vor.u32 v57, v31;
	_ =	sdelay $0x2  }
0x497: {  	s12 =	simm.s32 $0x6  }
0x498: {  	v51 =	vadd.s32 s12, v0;
	[tilespmem:v50+s26+$0x0] =	vst.idx.msk $0xffff, v33  }
0x499: {  	v52 =	vand.u32 $0x3F, v51;
	v32 =	vor.u32 v23, v60;
	v34 =	vld.idx.msk [tilespmem:v35+s15+$0x0], $0xffff  }
0x49a: {  	v53 =	vor.u32 v52, v24;
	_ =	sdelay $0x1  }
0x49b: {  	v54 =	vshll.u32 v51, $0x8;
	v33 =	vshll.u32 v51, $0x7  }
0x49c: {  	v37 =	vand.u32 $0x3800, v54;
	v33 =	vand.u32 $0x380, v33  }
0x49d: {  	v55 =	vor.u32 v33, v37;
	[tilespmem:v32+s26+$0x0] =	vst.idx.msk $0xffff, v34  }
0x49e: {  	v57 =	vor.u32 v0, v55;
	v56 =	vld.idx.msk [tilespmem:v53+s15+$0x0], $0xffff  }
0x49f: {  	v58 =	vor.u32 v52, v25;
	_ =	sdelay $0x3  }
0x4a0: {  	[tilespmem:v57+s26+$0x0] =	vst.idx.msk $0xffff, v56  }
0x4a1: {  	v59 =	vor.u32 v17, v55;
	v33 =	vld.idx.msk [tilespmem:v58+s15+$0x0], $0xffff  }
0x4a2: {  	v60 =	vor.u32 v52, v26;
	_ =	sdelay $0x3  }
0x4a3: {  	[tilespmem:v59+s26+$0x0] =	vst.idx.msk $0xffff, v33  }
0x4a4: {  	v61 =	vor.u32 v18, v55;
	v33 =	vld.idx.msk [tilespmem:v60+s15+$0x0], $0xffff  }
0x4a5: {  	v62 =	vor.u32 v52, v27;
	_ =	sdelay $0x3  }
0x4a6: {  	[tilespmem:v61+s26+$0x0] =	vst.idx.msk $0xffff, v33  }
0x4a7: {  	v63 =	vor.u32 v19, v55;
	v33 =	vld.idx.msk [tilespmem:v62+s15+$0x0], $0xffff  }
0x4a8: {  	v40 =	vor.u32 v52, v28;
	_ =	sdelay $0x3  }
0x4a9: {  	[tilespmem:v63+s26+$0x0] =	vst.idx.msk $0xffff, v33  }
0x4aa: {  	v41 =	vor.u32 v20, v55;
	v33 =	vld.idx.msk [tilespmem:v40+s15+$0x0], $0xffff  }
0x4ab: {  	v42 =	vor.u32 v52, v29;
	_ =	sdelay $0x3  }
0x4ac: {  	[tilespmem:v41+s26+$0x0] =	vst.idx.msk $0xffff, v33  }
0x4ad: {  	v43 =	vor.u32 v21, v55;
	v33 =	vld.idx.msk [tilespmem:v42+s15+$0x0], $0xffff  }
0x4ae: {  	v44 =	vor.u32 v52, v30;
	_ =	sdelay $0x3  }
0x4af: {  	[tilespmem:v43+s26+$0x0] =	vst.idx.msk $0xffff, v33  }
0x4b0: {  	v45 =	vor.u32 v22, v55;
	v33 =	vld.idx.msk [tilespmem:v44+s15+$0x0], $0xffff  }
0x4b1: {  	v35 =	vor.u32 v52, v31;
	_ =	sdelay $0x2  }
0x4b2: {  	s14 =	simm.s32 $0x7  }
0x4b3: {  	v46 =	vadd.s32 s14, v0;
	[tilespmem:v45+s26+$0x0] =	vst.idx.msk $0xffff, v33  }
0x4b4: {  	v47 =	vand.u32 $0x3F, v46;
	v32 =	vor.u32 v23, v55;
	v34 =	vld.idx.msk [tilespmem:v35+s15+$0x0], $0xffff  }
0x4b5: {  	v48 =	vor.u32 v47, v24;
	_ =	sdelay $0x1  }
0x4b6: {  	v49 =	vshll.u32 v46, $0x8;
	v33 =	vshll.u32 v46, $0x7  }
0x4b7: {  	v37 =	vand.u32 $0x3800, v49;
	v33 =	vand.u32 $0x380, v33  }
0x4b8: {  	[tilespmem:v32+s26+$0x0] =	vst.idx.msk $0xffff, v34;
	v32 =	vor.u32 v33, v37  }
0x4b9: {  	v50 =	vld.idx.msk [tilespmem:v48+s15+$0x0], $0xffff;
	v51 =	vor.u32 v0, v32  }
0x4ba: {  	v52 =	vor.u32 v47, v25;
	_ =	sdelay $0x3  }
0x4bb: {  	[tilespmem:v51+s26+$0x0] =	vst.idx.msk $0xffff, v50  }
0x4bc: {  	v53 =	vor.u32 v17, v32;
	v33 =	vld.idx.msk [tilespmem:v52+s15+$0x0], $0xffff  }
0x4bd: {  	v54 =	vor.u32 v47, v26;
	_ =	sdelay $0x3  }
0x4be: {  	[tilespmem:v53+s26+$0x0] =	vst.idx.msk $0xffff, v33  }
0x4bf: {  	v55 =	vor.u32 v18, v32;
	v33 =	vld.idx.msk [tilespmem:v54+s15+$0x0], $0xffff  }
0x4c0: {  	v56 =	vor.u32 v47, v27;
	_ =	sdelay $0x3  }
0x4c1: {  	[tilespmem:v55+s26+$0x0] =	vst.idx.msk $0xffff, v33  }
0x4c2: {  	v57 =	vor.u32 v19, v32;
	v33 =	vld.idx.msk [tilespmem:v56+s15+$0x0], $0xffff  }
0x4c3: {  	v58 =	vor.u32 v47, v28;
	_ =	sdelay $0x3  }
0x4c4: {  	[tilespmem:v57+s26+$0x0] =	vst.idx.msk $0xffff, v33  }
0x4c5: {  	v59 =	vor.u32 v20, v32;
	v33 =	vld.idx.msk [tilespmem:v58+s15+$0x0], $0xffff  }
0x4c6: {  	v60 =	vor.u32 v47, v29;
	_ =	sdelay $0x3  }
0x4c7: {  	[tilespmem:v59+s26+$0x0] =	vst.idx.msk $0xffff, v33  }
0x4c8: {  	v61 =	vor.u32 v21, v32;
	v33 =	vld.idx.msk [tilespmem:v60+s15+$0x0], $0xffff  }
0x4c9: {  	v62 =	vor.u32 v47, v30;
	_ =	sdelay $0x3  }
0x4ca: {  	[tilespmem:v61+s26+$0x0] =	vst.idx.msk $0xffff, v33  }
0x4cb: {  	v63 =	vor.u32 v22, v32;
	v34 =	vld.idx.msk [tilespmem:v62+s15+$0x0], $0xffff  }
0x4cc: {  	v33 =	vor.u32 v47, v31;
	_ =	sdelay $0x3  }
0x4cd: {  	s7 =	simm.s32 $0xF;
	s9 =	simm.s32 $0x17;
	s12 =	simm.s32 $0x8;
	[tilespmem:v63+s26+$0x0] =	vst.idx.msk $0xffff, v34  }
.LBB2_7:
0x4ce: {  	p0 =	sne.s32 s9, $0x3F;
	v34 =	vadd.s32 s12, v0;
	v33 =	vld.idx.msk [tilespmem:v33+s15+$0x0], $0xffff  }
0x4cf: {  	v32 =	vor.u32 v23, v32;
	v35 =	vand.u32 $0x3F, v34  }
0x4d0: {  	v36 =	vor.u32 v35, v24;
	_ =	sdelay $0x3  }
0x4d1: {  	v34 =	vshll.u32 v34, $0x8;
	[tilespmem:v32+s26+$0x0] =	vst.idx.msk $0xffff, v33  }
0x4d2: {  	v33 =	vand.u32 $0x3800, v34;
	v32 =	vld.idx.msk [tilespmem:v36+s15+$0x0], $0xffff  }
0x4d3: {  	v34 =	vor.u32 v9, v33  }
0x4d4: {  	v36 =	vor.u32 v35, v25;
	_ =	sdelay $0x3  }
0x4d5: {  	[tilespmem:v34+s26+$0x0] =	vst.idx.msk $0xffff, v32  }
0x4d6: {  	v32 =	vld.idx.msk [tilespmem:v36+s15+$0x0], $0xffff  }
0x4d7: {  	v34 =	vor.u32 v10, v33  }
0x4d8: {  	v36 =	vor.u32 v35, v26;
	_ =	sdelay $0x3  }
0x4d9: {  	[tilespmem:v34+s26+$0x0] =	vst.idx.msk $0xffff, v32  }
0x4da: {  	v32 =	vld.idx.msk [tilespmem:v36+s15+$0x0], $0xffff  }
0x4db: {  	v34 =	vor.u32 v11, v33  }
0x4dc: {  	v36 =	vor.u32 v35, v27;
	_ =	sdelay $0x3  }
0x4dd: {  	[tilespmem:v34+s26+$0x0] =	vst.idx.msk $0xffff, v32  }
0x4de: {  	v32 =	vld.idx.msk [tilespmem:v36+s15+$0x0], $0xffff  }
0x4df: {  	v34 =	vor.u32 v12, v33  }
0x4e0: {  	v36 =	vor.u32 v35, v28;
	_ =	sdelay $0x3  }
0x4e1: {  	[tilespmem:v34+s26+$0x0] =	vst.idx.msk $0xffff, v32  }
0x4e2: {  	v32 =	vld.idx.msk [tilespmem:v36+s15+$0x0], $0xffff  }
0x4e3: {  	v34 =	vor.u32 v13, v33  }
0x4e4: {  	v36 =	vor.u32 v35, v29;
	_ =	sdelay $0x3  }
0x4e5: {  	[tilespmem:v34+s26+$0x0] =	vst.idx.msk $0xffff, v32  }
0x4e6: {  	v32 =	vld.idx.msk [tilespmem:v36+s15+$0x0], $0xffff  }
0x4e7: {  	v34 =	vor.u32 v14, v33  }
0x4e8: {  	v36 =	vor.u32 v35, v30;
	_ =	sdelay $0x3  }
0x4e9: {  	[tilespmem:v34+s26+$0x0] =	vst.idx.msk $0xffff, v32  }
0x4ea: {  	v32 =	vld.idx.msk [tilespmem:v36+s15+$0x0], $0xffff  }
0x4eb: {  	v34 =	vor.u32 v15, v33  }
0x4ec: {  	v35 =	vor.u32 v35, v31;
	_ =	sdelay $0x3  }
0x4ed: {  	s12 =	sadd.s32 $0xFFFFFFFA, s7;
	[tilespmem:v34+s26+$0x0] =	vst.idx.msk $0xffff, v32  }
0x4ee: {  	v34 =	vadd.s32 s12, v0;
	v32 =	vld.idx.msk [tilespmem:v35+s15+$0x0], $0xffff  }
0x4ef: {  	v33 =	vor.u32 v16, v33;
	v35 =	vand.u32 $0x3F, v34  }
0x4f0: {  	v36 =	vor.u32 v35, v24;
	_ =	sdelay $0x2  }
0x4f1: {  	v37 =	vshll.u32 v34, $0x8;
	v34 =	vshll.u32 v34, $0x7  }
0x4f2: {  	[tilespmem:v33+s26+$0x0] =	vst.idx.msk $0xffff, v32;
	v32 =	vand.u32 $0x3800, v37;
	v33 =	vand.u32 $0x380, v34  }
0x4f3: {  	v34 =	vld.idx.msk [tilespmem:v36+s15+$0x0], $0xffff;
	v32 =	vor.u32 v33, v32  }
0x4f4: {  	v33 =	vor.u32 v0, v32  }
0x4f5: {  	v36 =	vor.u32 v35, v25;
	_ =	sdelay $0x3  }
0x4f6: {  	[tilespmem:v33+s26+$0x0] =	vst.idx.msk $0xffff, v34  }
0x4f7: {  	v33 =	vld.idx.msk [tilespmem:v36+s15+$0x0], $0xffff  }
0x4f8: {  	v34 =	vor.u32 v17, v32  }
0x4f9: {  	v36 =	vor.u32 v35, v26;
	_ =	sdelay $0x3  }
0x4fa: {  	[tilespmem:v34+s26+$0x0] =	vst.idx.msk $0xffff, v33  }
0x4fb: {  	v33 =	vld.idx.msk [tilespmem:v36+s15+$0x0], $0xffff  }
0x4fc: {  	v34 =	vor.u32 v18, v32  }
0x4fd: {  	v36 =	vor.u32 v35, v27;
	_ =	sdelay $0x3  }
0x4fe: {  	[tilespmem:v34+s26+$0x0] =	vst.idx.msk $0xffff, v33  }
0x4ff: {  	v33 =	vld.idx.msk [tilespmem:v36+s15+$0x0], $0xffff  }
0x500: {  	v34 =	vor.u32 v19, v32  }
0x501: {  	v36 =	vor.u32 v35, v28;
	_ =	sdelay $0x3  }
0x502: {  	[tilespmem:v34+s26+$0x0] =	vst.idx.msk $0xffff, v33  }
0x503: {  	v33 =	vld.idx.msk [tilespmem:v36+s15+$0x0], $0xffff  }
0x504: {  	v34 =	vor.u32 v20, v32  }
0x505: {  	v36 =	vor.u32 v35, v29;
	_ =	sdelay $0x3  }
0x506: {  	[tilespmem:v34+s26+$0x0] =	vst.idx.msk $0xffff, v33  }
0x507: {  	v33 =	vld.idx.msk [tilespmem:v36+s15+$0x0], $0xffff  }
0x508: {  	v34 =	vor.u32 v21, v32  }
0x509: {  	v36 =	vor.u32 v35, v30;
	_ =	sdelay $0x3  }
0x50a: {  	[tilespmem:v34+s26+$0x0] =	vst.idx.msk $0xffff, v33  }
0x50b: {  	v33 =	vld.idx.msk [tilespmem:v36+s15+$0x0], $0xffff  }
0x50c: {  	v34 =	vor.u32 v22, v32  }
0x50d: {  	v35 =	vor.u32 v35, v31;
	_ =	sdelay $0x3  }
0x50e: {  	s12 =	sadd.s32 $0xFFFFFFFB, s7;
	[tilespmem:v34+s26+$0x0] =	vst.idx.msk $0xffff, v33  }
0x50f: {  	v34 =	vadd.s32 s12, v0;
	v33 =	vld.idx.msk [tilespmem:v35+s15+$0x0], $0xffff  }
0x510: {  	v32 =	vor.u32 v23, v32;
	v35 =	vand.u32 $0x3F, v34  }
0x511: {  	v36 =	vor.u32 v35, v24;
	_ =	sdelay $0x2  }
0x512: {  	v37 =	vshll.u32 v34, $0x8;
	v34 =	vshll.u32 v34, $0x7  }
0x513: {  	[tilespmem:v32+s26+$0x0] =	vst.idx.msk $0xffff, v33;
	v32 =	vand.u32 $0x3800, v37;
	v33 =	vand.u32 $0x380, v34  }
0x514: {  	v34 =	vld.idx.msk [tilespmem:v36+s15+$0x0], $0xffff;
	v32 =	vor.u32 v33, v32  }
0x515: {  	v33 =	vor.u32 v0, v32  }
0x516: {  	v36 =	vor.u32 v35, v25;
	_ =	sdelay $0x3  }
0x517: {  	[tilespmem:v33+s26+$0x0] =	vst.idx.msk $0xffff, v34  }
0x518: {  	v33 =	vld.idx.msk [tilespmem:v36+s15+$0x0], $0xffff  }
0x519: {  	v34 =	vor.u32 v17, v32  }
0x51a: {  	v36 =	vor.u32 v35, v26;
	_ =	sdelay $0x3  }
0x51b: {  	[tilespmem:v34+s26+$0x0] =	vst.idx.msk $0xffff, v33  }
0x51c: {  	v33 =	vld.idx.msk [tilespmem:v36+s15+$0x0], $0xffff  }
0x51d: {  	v34 =	vor.u32 v18, v32  }
0x51e: {  	v36 =	vor.u32 v35, v27;
	_ =	sdelay $0x3  }
0x51f: {  	[tilespmem:v34+s26+$0x0] =	vst.idx.msk $0xffff, v33  }
0x520: {  	v33 =	vld.idx.msk [tilespmem:v36+s15+$0x0], $0xffff  }
0x521: {  	v34 =	vor.u32 v19, v32  }
0x522: {  	v36 =	vor.u32 v35, v28;
	_ =	sdelay $0x3  }
0x523: {  	[tilespmem:v34+s26+$0x0] =	vst.idx.msk $0xffff, v33  }
0x524: {  	v33 =	vld.idx.msk [tilespmem:v36+s15+$0x0], $0xffff  }
0x525: {  	v34 =	vor.u32 v20, v32  }
0x526: {  	v36 =	vor.u32 v35, v29;
	_ =	sdelay $0x3  }
0x527: {  	[tilespmem:v34+s26+$0x0] =	vst.idx.msk $0xffff, v33  }
0x528: {  	v33 =	vld.idx.msk [tilespmem:v36+s15+$0x0], $0xffff  }
0x529: {  	v34 =	vor.u32 v21, v32  }
0x52a: {  	v36 =	vor.u32 v35, v30;
	_ =	sdelay $0x3  }
0x52b: {  	[tilespmem:v34+s26+$0x0] =	vst.idx.msk $0xffff, v33  }
0x52c: {  	v33 =	vld.idx.msk [tilespmem:v36+s15+$0x0], $0xffff  }
0x52d: {  	v34 =	vor.u32 v22, v32  }
0x52e: {  	v35 =	vor.u32 v35, v31;
	_ =	sdelay $0x3  }
0x52f: {  	s12 =	sadd.s32 $0xFFFFFFFC, s7;
	[tilespmem:v34+s26+$0x0] =	vst.idx.msk $0xffff, v33  }
0x530: {  	v34 =	vadd.s32 s12, v0;
	v33 =	vld.idx.msk [tilespmem:v35+s15+$0x0], $0xffff  }
0x531: {  	v32 =	vor.u32 v23, v32;
	v35 =	vand.u32 $0x3F, v34  }
0x532: {  	v36 =	vor.u32 v35, v24;
	_ =	sdelay $0x2  }
0x533: {  	v37 =	vshll.u32 v34, $0x8;
	v34 =	vshll.u32 v34, $0x7  }
0x534: {  	[tilespmem:v32+s26+$0x0] =	vst.idx.msk $0xffff, v33;
	v32 =	vand.u32 $0x3800, v37;
	v33 =	vand.u32 $0x380, v34  }
0x535: {  	v34 =	vld.idx.msk [tilespmem:v36+s15+$0x0], $0xffff;
	v32 =	vor.u32 v33, v32  }
0x536: {  	v33 =	vor.u32 v0, v32  }
0x537: {  	v36 =	vor.u32 v35, v25;
	_ =	sdelay $0x3  }
0x538: {  	[tilespmem:v33+s26+$0x0] =	vst.idx.msk $0xffff, v34  }
0x539: {  	v33 =	vld.idx.msk [tilespmem:v36+s15+$0x0], $0xffff  }
0x53a: {  	v34 =	vor.u32 v17, v32  }
0x53b: {  	v36 =	vor.u32 v35, v26;
	_ =	sdelay $0x3  }
0x53c: {  	[tilespmem:v34+s26+$0x0] =	vst.idx.msk $0xffff, v33  }
0x53d: {  	v33 =	vld.idx.msk [tilespmem:v36+s15+$0x0], $0xffff  }
0x53e: {  	v34 =	vor.u32 v18, v32  }
0x53f: {  	v36 =	vor.u32 v35, v27;
	_ =	sdelay $0x3  }
0x540: {  	[tilespmem:v34+s26+$0x0] =	vst.idx.msk $0xffff, v33  }
0x541: {  	v33 =	vld.idx.msk [tilespmem:v36+s15+$0x0], $0xffff  }
0x542: {  	v34 =	vor.u32 v19, v32  }
0x543: {  	v36 =	vor.u32 v35, v28;
	_ =	sdelay $0x3  }
0x544: {  	[tilespmem:v34+s26+$0x0] =	vst.idx.msk $0xffff, v33  }
0x545: {  	v33 =	vld.idx.msk [tilespmem:v36+s15+$0x0], $0xffff  }
0x546: {  	v34 =	vor.u32 v20, v32  }
0x547: {  	v36 =	vor.u32 v35, v29;
	_ =	sdelay $0x3  }
0x548: {  	[tilespmem:v34+s26+$0x0] =	vst.idx.msk $0xffff, v33  }
0x549: {  	v33 =	vld.idx.msk [tilespmem:v36+s15+$0x0], $0xffff  }
0x54a: {  	v34 =	vor.u32 v21, v32  }
0x54b: {  	v36 =	vor.u32 v35, v30;
	_ =	sdelay $0x3  }
0x54c: {  	[tilespmem:v34+s26+$0x0] =	vst.idx.msk $0xffff, v33  }
0x54d: {  	v33 =	vld.idx.msk [tilespmem:v36+s15+$0x0], $0xffff  }
0x54e: {  	v34 =	vor.u32 v22, v32  }
0x54f: {  	v35 =	vor.u32 v35, v31;
	_ =	sdelay $0x3  }
0x550: {  	s12 =	sadd.s32 $0xFFFFFFFD, s7;
	[tilespmem:v34+s26+$0x0] =	vst.idx.msk $0xffff, v33  }
0x551: {  	v34 =	vadd.s32 s12, v0;
	v33 =	vld.idx.msk [tilespmem:v35+s15+$0x0], $0xffff  }
0x552: {  	v32 =	vor.u32 v23, v32;
	v35 =	vand.u32 $0x3F, v34  }
0x553: {  	v36 =	vor.u32 v35, v24;
	_ =	sdelay $0x2  }
0x554: {  	v37 =	vshll.u32 v34, $0x8;
	v34 =	vshll.u32 v34, $0x7  }
0x555: {  	[tilespmem:v32+s26+$0x0] =	vst.idx.msk $0xffff, v33;
	v32 =	vand.u32 $0x3800, v37;
	v33 =	vand.u32 $0x380, v34  }
0x556: {  	v34 =	vld.idx.msk [tilespmem:v36+s15+$0x0], $0xffff;
	v32 =	vor.u32 v33, v32  }
0x557: {  	v33 =	vor.u32 v0, v32  }
0x558: {  	v36 =	vor.u32 v35, v25;
	_ =	sdelay $0x3  }
0x559: {  	[tilespmem:v33+s26+$0x0] =	vst.idx.msk $0xffff, v34  }
0x55a: {  	v33 =	vld.idx.msk [tilespmem:v36+s15+$0x0], $0xffff  }
0x55b: {  	v34 =	vor.u32 v17, v32  }
0x55c: {  	v36 =	vor.u32 v35, v26;
	_ =	sdelay $0x3  }
0x55d: {  	[tilespmem:v34+s26+$0x0] =	vst.idx.msk $0xffff, v33  }
0x55e: {  	v33 =	vld.idx.msk [tilespmem:v36+s15+$0x0], $0xffff  }
0x55f: {  	v34 =	vor.u32 v18, v32  }
0x560: {  	v36 =	vor.u32 v35, v27;
	_ =	sdelay $0x3  }
0x561: {  	[tilespmem:v34+s26+$0x0] =	vst.idx.msk $0xffff, v33  }
0x562: {  	v33 =	vld.idx.msk [tilespmem:v36+s15+$0x0], $0xffff  }
0x563: {  	v34 =	vor.u32 v19, v32  }
0x564: {  	v36 =	vor.u32 v35, v28;
	_ =	sdelay $0x3  }
0x565: {  	[tilespmem:v34+s26+$0x0] =	vst.idx.msk $0xffff, v33  }
0x566: {  	v33 =	vld.idx.msk [tilespmem:v36+s15+$0x0], $0xffff  }
0x567: {  	v34 =	vor.u32 v20, v32  }
0x568: {  	v36 =	vor.u32 v35, v29;
	_ =	sdelay $0x3  }
0x569: {  	[tilespmem:v34+s26+$0x0] =	vst.idx.msk $0xffff, v33  }
0x56a: {  	v33 =	vld.idx.msk [tilespmem:v36+s15+$0x0], $0xffff  }
0x56b: {  	v34 =	vor.u32 v21, v32  }
0x56c: {  	v36 =	vor.u32 v35, v30;
	_ =	sdelay $0x3  }
0x56d: {  	[tilespmem:v34+s26+$0x0] =	vst.idx.msk $0xffff, v33  }
0x56e: {  	v33 =	vld.idx.msk [tilespmem:v36+s15+$0x0], $0xffff  }
0x56f: {  	v34 =	vor.u32 v22, v32  }
0x570: {  	v35 =	vor.u32 v35, v31;
	_ =	sdelay $0x3  }
0x571: {  	s12 =	sadd.s32 $0xFFFFFFFE, s7;
	[tilespmem:v34+s26+$0x0] =	vst.idx.msk $0xffff, v33  }
0x572: {  	v34 =	vadd.s32 s12, v0;
	v33 =	vld.idx.msk [tilespmem:v35+s15+$0x0], $0xffff  }
0x573: {  	v32 =	vor.u32 v23, v32;
	v35 =	vand.u32 $0x3F, v34  }
0x574: {  	v36 =	vor.u32 v35, v24;
	_ =	sdelay $0x2  }
0x575: {  	v37 =	vshll.u32 v34, $0x8;
	v34 =	vshll.u32 v34, $0x7  }
0x576: {  	[tilespmem:v32+s26+$0x0] =	vst.idx.msk $0xffff, v33;
	v32 =	vand.u32 $0x3800, v37;
	v33 =	vand.u32 $0x380, v34  }
0x577: {  	v34 =	vld.idx.msk [tilespmem:v36+s15+$0x0], $0xffff;
	v32 =	vor.u32 v33, v32  }
0x578: {  	v33 =	vor.u32 v0, v32  }
0x579: {  	v36 =	vor.u32 v35, v25;
	_ =	sdelay $0x3  }
0x57a: {  	[tilespmem:v33+s26+$0x0] =	vst.idx.msk $0xffff, v34  }
0x57b: {  	v33 =	vld.idx.msk [tilespmem:v36+s15+$0x0], $0xffff  }
0x57c: {  	v34 =	vor.u32 v17, v32  }
0x57d: {  	v36 =	vor.u32 v35, v26;
	_ =	sdelay $0x3  }
0x57e: {  	[tilespmem:v34+s26+$0x0] =	vst.idx.msk $0xffff, v33  }
0x57f: {  	v33 =	vld.idx.msk [tilespmem:v36+s15+$0x0], $0xffff  }
0x580: {  	v34 =	vor.u32 v18, v32  }
0x581: {  	v36 =	vor.u32 v35, v27;
	_ =	sdelay $0x3  }
0x582: {  	[tilespmem:v34+s26+$0x0] =	vst.idx.msk $0xffff, v33  }
0x583: {  	v33 =	vld.idx.msk [tilespmem:v36+s15+$0x0], $0xffff  }
0x584: {  	v34 =	vor.u32 v19, v32  }
0x585: {  	v36 =	vor.u32 v35, v28;
	_ =	sdelay $0x3  }
0x586: {  	[tilespmem:v34+s26+$0x0] =	vst.idx.msk $0xffff, v33  }
0x587: {  	v33 =	vld.idx.msk [tilespmem:v36+s15+$0x0], $0xffff  }
0x588: {  	v34 =	vor.u32 v20, v32  }
0x589: {  	v36 =	vor.u32 v35, v29;
	_ =	sdelay $0x3  }
0x58a: {  	[tilespmem:v34+s26+$0x0] =	vst.idx.msk $0xffff, v33  }
0x58b: {  	v33 =	vld.idx.msk [tilespmem:v36+s15+$0x0], $0xffff  }
0x58c: {  	v34 =	vor.u32 v21, v32  }
0x58d: {  	v36 =	vor.u32 v35, v30;
	_ =	sdelay $0x3  }
0x58e: {  	[tilespmem:v34+s26+$0x0] =	vst.idx.msk $0xffff, v33  }
0x58f: {  	v33 =	vld.idx.msk [tilespmem:v36+s15+$0x0], $0xffff  }
0x590: {  	v34 =	vor.u32 v22, v32  }
0x591: {  	v35 =	vor.u32 v35, v31;
	_ =	sdelay $0x3  }
0x592: {  	s12 =	sadd.s32 $0xFFFFFFFF, s7;
	[tilespmem:v34+s26+$0x0] =	vst.idx.msk $0xffff, v33  }
0x593: {  	v34 =	vadd.s32 s12, v0;
	v33 =	vld.idx.msk [tilespmem:v35+s15+$0x0], $0xffff  }
0x594: {  	v32 =	vor.u32 v23, v32;
	v35 =	vand.u32 $0x3F, v34  }
0x595: {  	v36 =	vor.u32 v35, v24;
	_ =	sdelay $0x2  }
0x596: {  	v37 =	vshll.u32 v34, $0x8;
	v34 =	vshll.u32 v34, $0x7  }
0x597: {  	[tilespmem:v32+s26+$0x0] =	vst.idx.msk $0xffff, v33;
	v32 =	vand.u32 $0x3800, v37;
	v33 =	vand.u32 $0x380, v34  }
0x598: {  	v34 =	vld.idx.msk [tilespmem:v36+s15+$0x0], $0xffff;
	v32 =	vor.u32 v33, v32  }
0x599: {  	v33 =	vor.u32 v0, v32  }
0x59a: {  	v36 =	vor.u32 v35, v25;
	_ =	sdelay $0x3  }
0x59b: {  	[tilespmem:v33+s26+$0x0] =	vst.idx.msk $0xffff, v34  }
0x59c: {  	v33 =	vld.idx.msk [tilespmem:v36+s15+$0x0], $0xffff  }
0x59d: {  	v34 =	vor.u32 v17, v32  }
0x59e: {  	v36 =	vor.u32 v35, v26;
	_ =	sdelay $0x3  }
0x59f: {  	[tilespmem:v34+s26+$0x0] =	vst.idx.msk $0xffff, v33  }
0x5a0: {  	v33 =	vld.idx.msk [tilespmem:v36+s15+$0x0], $0xffff  }
0x5a1: {  	v34 =	vor.u32 v18, v32  }
0x5a2: {  	v36 =	vor.u32 v35, v27;
	_ =	sdelay $0x3  }
0x5a3: {  	[tilespmem:v34+s26+$0x0] =	vst.idx.msk $0xffff, v33  }
0x5a4: {  	v33 =	vld.idx.msk [tilespmem:v36+s15+$0x0], $0xffff  }
0x5a5: {  	v34 =	vor.u32 v19, v32  }
0x5a6: {  	v36 =	vor.u32 v35, v28;
	_ =	sdelay $0x3  }
0x5a7: {  	[tilespmem:v34+s26+$0x0] =	vst.idx.msk $0xffff, v33  }
0x5a8: {  	v33 =	vld.idx.msk [tilespmem:v36+s15+$0x0], $0xffff  }
0x5a9: {  	v34 =	vor.u32 v20, v32  }
0x5aa: {  	v36 =	vor.u32 v35, v29;
	_ =	sdelay $0x3  }
0x5ab: {  	[tilespmem:v34+s26+$0x0] =	vst.idx.msk $0xffff, v33  }
0x5ac: {  	v33 =	vld.idx.msk [tilespmem:v36+s15+$0x0], $0xffff  }
0x5ad: {  	v34 =	vor.u32 v21, v32  }
0x5ae: {  	v36 =	vor.u32 v35, v30;
	_ =	sdelay $0x3  }
0x5af: {  	[tilespmem:v34+s26+$0x0] =	vst.idx.msk $0xffff, v33  }
0x5b0: {  	v33 =	vld.idx.msk [tilespmem:v36+s15+$0x0], $0xffff  }
0x5b1: {  	v34 =	vor.u32 v22, v32  }
0x5b2: {  	v35 =	vor.u32 v35, v31;
	_ =	sdelay $0x3  }
0x5b3: {  	[tilespmem:v34+s26+$0x0] =	vst.idx.msk $0xffff, v33  }
0x5b4: {  	v34 =	vadd.s32 s7, v0;
	s7 =	smov.u32 s9;
	v33 =	vld.idx.msk [tilespmem:v35+s15+$0x0], $0xffff  }
0x5b5: {  	v32 =	vor.u32 v23, v32;
	v35 =	vand.u32 $0x3F, v34  }
0x5b6: {  	v36 =	vor.u32 v35, v24;
	_ =	sdelay $0x2  }
0x5b7: {  	v37 =	vshll.u32 v34, $0x8;
	v34 =	vshll.u32 v34, $0x7  }
0x5b8: {  	[tilespmem:v32+s26+$0x0] =	vst.idx.msk $0xffff, v33;
	v32 =	vand.u32 $0x3800, v37;
	v33 =	vand.u32 $0x380, v34  }
0x5b9: {  	v34 =	vld.idx.msk [tilespmem:v36+s15+$0x0], $0xffff;
	v32 =	vor.u32 v33, v32  }
0x5ba: {  	v33 =	vor.u32 v0, v32  }
0x5bb: {  	v36 =	vor.u32 v35, v25;
	_ =	sdelay $0x3  }
0x5bc: {  	[tilespmem:v33+s26+$0x0] =	vst.idx.msk $0xffff, v34  }
0x5bd: {  	v33 =	vld.idx.msk [tilespmem:v36+s15+$0x0], $0xffff  }
0x5be: {  	v34 =	vor.u32 v17, v32  }
0x5bf: {  	v36 =	vor.u32 v35, v26;
	_ =	sdelay $0x3  }
0x5c0: {  	[tilespmem:v34+s26+$0x0] =	vst.idx.msk $0xffff, v33  }
0x5c1: {  	v33 =	vld.idx.msk [tilespmem:v36+s15+$0x0], $0xffff  }
0x5c2: {  	v34 =	vor.u32 v18, v32  }
0x5c3: {  	v36 =	vor.u32 v35, v27;
	_ =	sdelay $0x3  }
0x5c4: {  	[tilespmem:v34+s26+$0x0] =	vst.idx.msk $0xffff, v33  }
0x5c5: {  	v33 =	vld.idx.msk [tilespmem:v36+s15+$0x0], $0xffff  }
0x5c6: {  	v34 =	vor.u32 v19, v32  }
0x5c7: {  	v36 =	vor.u32 v35, v28;
	_ =	sdelay $0x3  }
0x5c8: {  	[tilespmem:v34+s26+$0x0] =	vst.idx.msk $0xffff, v33  }
0x5c9: {  	v33 =	vld.idx.msk [tilespmem:v36+s15+$0x0], $0xffff  }
0x5ca: {  	v34 =	vor.u32 v20, v32  }
0x5cb: {  	v36 =	vor.u32 v35, v29;
	_ =	sdelay $0x3  }
0x5cc: {  	[tilespmem:v34+s26+$0x0] =	vst.idx.msk $0xffff, v33  }
0x5cd: {  	v33 =	vld.idx.msk [tilespmem:v36+s15+$0x0], $0xffff  }
0x5ce: {  	v34 =	vor.u32 v21, v32  }
0x5cf: {  	v36 =	vor.u32 v35, v30;
	_ =	sdelay $0x3  }
0x5d0: {  	[tilespmem:v34+s26+$0x0] =	vst.idx.msk $0xffff, v33  }
0x5d1: {  	v34 =	vld.idx.msk [tilespmem:v36+s15+$0x0], $0xffff  }
0x5d2: {  	v36 =	vor.u32 v22, v32  }
.Ltmp2:
0x5d3: {  	v33 =	vor.u32 v35, v31;
	(pc) =	sbr.rel @p0 .LBB2_7-.Ltmp2, $2  }
0x5d4: {  	_ =	sdelay $0x2  }
0x5d5: {  	s9 =	sadd.s32 $0x8, s9;
	s12 =	sadd.s32 $0xFFFFFFF9, s7;
	[tilespmem:v36+s26+$0x0] =	vst.idx.msk $0xffff, v34  }
0x5d6: {  	_ =	sdelay $0x2  }
0x5d7: {  	v34 =	vadd.s32 s12, v0  }
0x5d8: {  	v33 =	vld.idx.msk [tilespmem:v33+s15+$0x0], $0xffff;
	v32 =	vor.u32 v23, v32;
	v35 =	vand.u32 $0x3F, v34  }
0x5d9: {  	v36 =	vor.u32 v35, v24;
	_ =	sdelay $0x2  }
0x5da: {  	v34 =	vshll.u32 v34, $0x8  }
0x5db: {  	v63 =	vand.u32 $0x3800, v34;
	[tilespmem:v32+s26+$0x0] =	vst.idx.msk $0xffff, v33  }
0x5dc: {  	v34 =	vor.u32 v9, v63;
	v33 =	vld.idx.msk [tilespmem:v36+s15+$0x0], $0xffff  }
0x5dd: {  	v40 =	vor.u32 v35, v25;
	_ =	sdelay $0x3  }
0x5de: {  	[tilespmem:v34+s26+$0x0] =	vst.idx.msk $0xffff, v33  }
0x5df: {  	v41 =	vor.u32 v10, v63;
	v33 =	vld.idx.msk [tilespmem:v40+s15+$0x0], $0xffff  }
0x5e0: {  	v42 =	vor.u32 v35, v26;
	_ =	sdelay $0x3  }
0x5e1: {  	[tilespmem:v41+s26+$0x0] =	vst.idx.msk $0xffff, v33  }
0x5e2: {  	v43 =	vor.u32 v11, v63;
	v33 =	vld.idx.msk [tilespmem:v42+s15+$0x0], $0xffff  }
0x5e3: {  	v44 =	vor.u32 v35, v27;
	_ =	sdelay $0x3  }
0x5e4: {  	[tilespmem:v43+s26+$0x0] =	vst.idx.msk $0xffff, v33  }
0x5e5: {  	v45 =	vor.u32 v12, v63;
	v33 =	vld.idx.msk [tilespmem:v44+s15+$0x0], $0xffff  }
0x5e6: {  	v46 =	vor.u32 v35, v28;
	_ =	sdelay $0x3  }
0x5e7: {  	[tilespmem:v45+s26+$0x0] =	vst.idx.msk $0xffff, v33  }
0x5e8: {  	v47 =	vor.u32 v13, v63;
	v33 =	vld.idx.msk [tilespmem:v46+s15+$0x0], $0xffff  }
0x5e9: {  	v48 =	vor.u32 v35, v29;
	_ =	sdelay $0x3  }
0x5ea: {  	[tilespmem:v47+s26+$0x0] =	vst.idx.msk $0xffff, v33  }
0x5eb: {  	v49 =	vor.u32 v14, v63;
	v33 =	vld.idx.msk [tilespmem:v48+s15+$0x0], $0xffff  }
0x5ec: {  	v50 =	vor.u32 v35, v30;
	_ =	sdelay $0x3  }
0x5ed: {  	[tilespmem:v49+s26+$0x0] =	vst.idx.msk $0xffff, v33  }
0x5ee: {  	v51 =	vor.u32 v15, v63;
	v33 =	vld.idx.msk [tilespmem:v50+s15+$0x0], $0xffff  }
0x5ef: {  	v35 =	vor.u32 v35, v31;
	_ =	sdelay $0x2  }
0x5f0: {  	s9 =	sadd.s32 $0xFFFFFFFA, s7  }
0x5f1: {  	v52 =	vadd.s32 s9, v0;
	[tilespmem:v51+s26+$0x0] =	vst.idx.msk $0xffff, v33  }
0x5f2: {  	v53 =	vand.u32 $0x3F, v52;
	v32 =	vor.u32 v16, v63;
	v34 =	vld.idx.msk [tilespmem:v35+s15+$0x0], $0xffff  }
0x5f3: {  	v54 =	vor.u32 v53, v24;
	_ =	sdelay $0x1  }
0x5f4: {  	v37 =	vshll.u32 v52, $0x8;
	v33 =	vshll.u32 v52, $0x7  }
0x5f5: {  	v37 =	vand.u32 $0x3800, v37;
	v33 =	vand.u32 $0x380, v33  }
0x5f6: {  	v55 =	vor.u32 v33, v37;
	[tilespmem:v32+s26+$0x0] =	vst.idx.msk $0xffff, v34  }
0x5f7: {  	v57 =	vor.u32 v0, v55;
	v56 =	vld.idx.msk [tilespmem:v54+s15+$0x0], $0xffff  }
0x5f8: {  	v58 =	vor.u32 v53, v25;
	_ =	sdelay $0x3  }
0x5f9: {  	[tilespmem:v57+s26+$0x0] =	vst.idx.msk $0xffff, v56  }
0x5fa: {  	v59 =	vor.u32 v17, v55;
	v33 =	vld.idx.msk [tilespmem:v58+s15+$0x0], $0xffff  }
0x5fb: {  	v60 =	vor.u32 v53, v26;
	_ =	sdelay $0x3  }
0x5fc: {  	[tilespmem:v59+s26+$0x0] =	vst.idx.msk $0xffff, v33  }
0x5fd: {  	v61 =	vor.u32 v18, v55;
	v33 =	vld.idx.msk [tilespmem:v60+s15+$0x0], $0xffff  }
0x5fe: {  	v62 =	vor.u32 v53, v27;
	_ =	sdelay $0x3  }
0x5ff: {  	[tilespmem:v61+s26+$0x0] =	vst.idx.msk $0xffff, v33  }
0x600: {  	v63 =	vor.u32 v19, v55;
	v33 =	vld.idx.msk [tilespmem:v62+s15+$0x0], $0xffff  }
0x601: {  	v40 =	vor.u32 v53, v28;
	_ =	sdelay $0x3  }
0x602: {  	[tilespmem:v63+s26+$0x0] =	vst.idx.msk $0xffff, v33  }
0x603: {  	v41 =	vor.u32 v20, v55;
	v33 =	vld.idx.msk [tilespmem:v40+s15+$0x0], $0xffff  }
0x604: {  	v42 =	vor.u32 v53, v29;
	_ =	sdelay $0x3  }
0x605: {  	[tilespmem:v41+s26+$0x0] =	vst.idx.msk $0xffff, v33  }
0x606: {  	v43 =	vor.u32 v21, v55;
	v33 =	vld.idx.msk [tilespmem:v42+s15+$0x0], $0xffff  }
0x607: {  	v44 =	vor.u32 v53, v30;
	_ =	sdelay $0x3  }
0x608: {  	[tilespmem:v43+s26+$0x0] =	vst.idx.msk $0xffff, v33  }
0x609: {  	v45 =	vor.u32 v22, v55;
	v33 =	vld.idx.msk [tilespmem:v44+s15+$0x0], $0xffff  }
0x60a: {  	v35 =	vor.u32 v53, v31;
	_ =	sdelay $0x2  }
0x60b: {  	s14 =	sadd.s32 $0xFFFFFFFB, s7  }
0x60c: {  	v46 =	vadd.s32 s14, v0;
	[tilespmem:v45+s26+$0x0] =	vst.idx.msk $0xffff, v33  }
0x60d: {  	v47 =	vand.u32 $0x3F, v46;
	v32 =	vor.u32 v23, v55;
	v34 =	vld.idx.msk [tilespmem:v35+s15+$0x0], $0xffff  }
0x60e: {  	v48 =	vor.u32 v47, v24;
	_ =	sdelay $0x1  }
0x60f: {  	v49 =	vshll.u32 v46, $0x8;
	v33 =	vshll.u32 v46, $0x7  }
0x610: {  	v37 =	vand.u32 $0x3800, v49;
	v33 =	vand.u32 $0x380, v33  }
0x611: {  	v50 =	vor.u32 v33, v37;
	[tilespmem:v32+s26+$0x0] =	vst.idx.msk $0xffff, v34  }
0x612: {  	v52 =	vor.u32 v0, v50;
	v51 =	vld.idx.msk [tilespmem:v48+s15+$0x0], $0xffff  }
0x613: {  	v53 =	vor.u32 v47, v25;
	_ =	sdelay $0x3  }
0x614: {  	[tilespmem:v52+s26+$0x0] =	vst.idx.msk $0xffff, v51  }
0x615: {  	v54 =	vor.u32 v17, v50;
	v33 =	vld.idx.msk [tilespmem:v53+s15+$0x0], $0xffff  }
0x616: {  	v55 =	vor.u32 v47, v26;
	_ =	sdelay $0x3  }
0x617: {  	[tilespmem:v54+s26+$0x0] =	vst.idx.msk $0xffff, v33  }
0x618: {  	v56 =	vor.u32 v18, v50;
	v33 =	vld.idx.msk [tilespmem:v55+s15+$0x0], $0xffff  }
0x619: {  	v57 =	vor.u32 v47, v27;
	_ =	sdelay $0x3  }
0x61a: {  	[tilespmem:v56+s26+$0x0] =	vst.idx.msk $0xffff, v33  }
0x61b: {  	v58 =	vor.u32 v19, v50;
	v33 =	vld.idx.msk [tilespmem:v57+s15+$0x0], $0xffff  }
0x61c: {  	v59 =	vor.u32 v47, v28;
	_ =	sdelay $0x3  }
0x61d: {  	[tilespmem:v58+s26+$0x0] =	vst.idx.msk $0xffff, v33  }
0x61e: {  	v60 =	vor.u32 v20, v50;
	v33 =	vld.idx.msk [tilespmem:v59+s15+$0x0], $0xffff  }
0x61f: {  	v61 =	vor.u32 v47, v29;
	_ =	sdelay $0x3  }
0x620: {  	[tilespmem:v60+s26+$0x0] =	vst.idx.msk $0xffff, v33  }
0x621: {  	v62 =	vor.u32 v21, v50;
	v33 =	vld.idx.msk [tilespmem:v61+s15+$0x0], $0xffff  }
0x622: {  	v63 =	vor.u32 v47, v30;
	_ =	sdelay $0x3  }
0x623: {  	[tilespmem:v62+s26+$0x0] =	vst.idx.msk $0xffff, v33  }
0x624: {  	v40 =	vor.u32 v22, v50;
	v33 =	vld.idx.msk [tilespmem:v63+s15+$0x0], $0xffff  }
0x625: {  	v35 =	vor.u32 v47, v31;
	_ =	sdelay $0x2  }
0x626: {  	s12 =	sadd.s32 $0xFFFFFFFC, s7  }
0x627: {  	v41 =	vadd.s32 s12, v0;
	[tilespmem:v40+s26+$0x0] =	vst.idx.msk $0xffff, v33  }
0x628: {  	v42 =	vand.u32 $0x3F, v41;
	v32 =	vor.u32 v23, v50;
	v34 =	vld.idx.msk [tilespmem:v35+s15+$0x0], $0xffff  }
0x629: {  	v43 =	vor.u32 v42, v24;
	_ =	sdelay $0x1  }
0x62a: {  	v44 =	vshll.u32 v41, $0x8;
	v33 =	vshll.u32 v41, $0x7  }
0x62b: {  	v37 =	vand.u32 $0x3800, v44;
	v33 =	vand.u32 $0x380, v33  }
0x62c: {  	v45 =	vor.u32 v33, v37;
	[tilespmem:v32+s26+$0x0] =	vst.idx.msk $0xffff, v34  }
0x62d: {  	v47 =	vor.u32 v0, v45;
	v46 =	vld.idx.msk [tilespmem:v43+s15+$0x0], $0xffff  }
0x62e: {  	v48 =	vor.u32 v42, v25;
	_ =	sdelay $0x3  }
0x62f: {  	[tilespmem:v47+s26+$0x0] =	vst.idx.msk $0xffff, v46  }
0x630: {  	v49 =	vor.u32 v17, v45;
	v33 =	vld.idx.msk [tilespmem:v48+s15+$0x0], $0xffff  }
0x631: {  	v50 =	vor.u32 v42, v26;
	_ =	sdelay $0x3  }
0x632: {  	[tilespmem:v49+s26+$0x0] =	vst.idx.msk $0xffff, v33  }
0x633: {  	v51 =	vor.u32 v18, v45;
	v33 =	vld.idx.msk [tilespmem:v50+s15+$0x0], $0xffff  }
0x634: {  	v52 =	vor.u32 v42, v27;
	_ =	sdelay $0x3  }
0x635: {  	[tilespmem:v51+s26+$0x0] =	vst.idx.msk $0xffff, v33  }
0x636: {  	v53 =	vor.u32 v19, v45;
	v33 =	vld.idx.msk [tilespmem:v52+s15+$0x0], $0xffff  }
0x637: {  	v54 =	vor.u32 v42, v28;
	_ =	sdelay $0x3  }
0x638: {  	[tilespmem:v53+s26+$0x0] =	vst.idx.msk $0xffff, v33  }
0x639: {  	v55 =	vor.u32 v20, v45;
	v33 =	vld.idx.msk [tilespmem:v54+s15+$0x0], $0xffff  }
0x63a: {  	v56 =	vor.u32 v42, v29;
	_ =	sdelay $0x3  }
0x63b: {  	[tilespmem:v55+s26+$0x0] =	vst.idx.msk $0xffff, v33  }
0x63c: {  	v57 =	vor.u32 v21, v45;
	v33 =	vld.idx.msk [tilespmem:v56+s15+$0x0], $0xffff  }
0x63d: {  	v58 =	vor.u32 v42, v30;
	_ =	sdelay $0x3  }
0x63e: {  	[tilespmem:v57+s26+$0x0] =	vst.idx.msk $0xffff, v33  }
0x63f: {  	v59 =	vor.u32 v22, v45;
	v33 =	vld.idx.msk [tilespmem:v58+s15+$0x0], $0xffff  }
0x640: {  	v35 =	vor.u32 v42, v31;
	_ =	sdelay $0x2  }
0x641: {  	s14 =	sadd.s32 $0xFFFFFFFD, s7  }
0x642: {  	v60 =	vadd.s32 s14, v0;
	[tilespmem:v59+s26+$0x0] =	vst.idx.msk $0xffff, v33  }
0x643: {  	v61 =	vand.u32 $0x3F, v60;
	v32 =	vor.u32 v23, v45;
	v34 =	vld.idx.msk [tilespmem:v35+s15+$0x0], $0xffff  }
0x644: {  	v62 =	vor.u32 v61, v24;
	_ =	sdelay $0x1  }
0x645: {  	v63 =	vshll.u32 v60, $0x8;
	v33 =	vshll.u32 v60, $0x7  }
0x646: {  	v37 =	vand.u32 $0x3800, v63;
	v33 =	vand.u32 $0x380, v33  }
0x647: {  	v40 =	vor.u32 v33, v37;
	[tilespmem:v32+s26+$0x0] =	vst.idx.msk $0xffff, v34  }
0x648: {  	v42 =	vor.u32 v0, v40;
	v41 =	vld.idx.msk [tilespmem:v62+s15+$0x0], $0xffff  }
0x649: {  	v43 =	vor.u32 v61, v25;
	_ =	sdelay $0x3  }
0x64a: {  	[tilespmem:v42+s26+$0x0] =	vst.idx.msk $0xffff, v41  }
0x64b: {  	v44 =	vor.u32 v17, v40;
	v33 =	vld.idx.msk [tilespmem:v43+s15+$0x0], $0xffff  }
0x64c: {  	v45 =	vor.u32 v61, v26;
	_ =	sdelay $0x3  }
0x64d: {  	[tilespmem:v44+s26+$0x0] =	vst.idx.msk $0xffff, v33  }
0x64e: {  	v46 =	vor.u32 v18, v40;
	v33 =	vld.idx.msk [tilespmem:v45+s15+$0x0], $0xffff  }
0x64f: {  	v47 =	vor.u32 v61, v27;
	_ =	sdelay $0x3  }
0x650: {  	[tilespmem:v46+s26+$0x0] =	vst.idx.msk $0xffff, v33  }
0x651: {  	v48 =	vor.u32 v19, v40;
	v33 =	vld.idx.msk [tilespmem:v47+s15+$0x0], $0xffff  }
0x652: {  	v49 =	vor.u32 v61, v28;
	_ =	sdelay $0x3  }
0x653: {  	[tilespmem:v48+s26+$0x0] =	vst.idx.msk $0xffff, v33  }
0x654: {  	v50 =	vor.u32 v20, v40;
	v33 =	vld.idx.msk [tilespmem:v49+s15+$0x0], $0xffff  }
0x655: {  	v51 =	vor.u32 v61, v29;
	_ =	sdelay $0x3  }
0x656: {  	[tilespmem:v50+s26+$0x0] =	vst.idx.msk $0xffff, v33  }
0x657: {  	v52 =	vor.u32 v21, v40;
	v33 =	vld.idx.msk [tilespmem:v51+s15+$0x0], $0xffff  }
0x658: {  	v53 =	vor.u32 v61, v30;
	_ =	sdelay $0x3  }
0x659: {  	[tilespmem:v52+s26+$0x0] =	vst.idx.msk $0xffff, v33  }
0x65a: {  	v54 =	vor.u32 v22, v40;
	v33 =	vld.idx.msk [tilespmem:v53+s15+$0x0], $0xffff  }
0x65b: {  	v35 =	vor.u32 v61, v31;
	_ =	sdelay $0x2  }
0x65c: {  	s12 =	sadd.s32 $0xFFFFFFFE, s7  }
0x65d: {  	v55 =	vadd.s32 s12, v0;
	[tilespmem:v54+s26+$0x0] =	vst.idx.msk $0xffff, v33  }
0x65e: {  	v56 =	vand.u32 $0x3F, v55;
	v32 =	vor.u32 v23, v40;
	v34 =	vld.idx.msk [tilespmem:v35+s15+$0x0], $0xffff  }
0x65f: {  	v57 =	vor.u32 v56, v24;
	_ =	sdelay $0x1  }
0x660: {  	v58 =	vshll.u32 v55, $0x8;
	v33 =	vshll.u32 v55, $0x7  }
0x661: {  	v37 =	vand.u32 $0x3800, v58;
	v33 =	vand.u32 $0x380, v33  }
0x662: {  	v59 =	vor.u32 v33, v37;
	[tilespmem:v32+s26+$0x0] =	vst.idx.msk $0xffff, v34  }
0x663: {  	v61 =	vor.u32 v0, v59;
	v60 =	vld.idx.msk [tilespmem:v57+s15+$0x0], $0xffff  }
0x664: {  	v62 =	vor.u32 v56, v25;
	_ =	sdelay $0x3  }
0x665: {  	[tilespmem:v61+s26+$0x0] =	vst.idx.msk $0xffff, v60  }
0x666: {  	v63 =	vor.u32 v17, v59;
	v33 =	vld.idx.msk [tilespmem:v62+s15+$0x0], $0xffff  }
0x667: {  	v40 =	vor.u32 v56, v26;
	_ =	sdelay $0x3  }
0x668: {  	[tilespmem:v63+s26+$0x0] =	vst.idx.msk $0xffff, v33  }
0x669: {  	v41 =	vor.u32 v18, v59;
	v33 =	vld.idx.msk [tilespmem:v40+s15+$0x0], $0xffff  }
0x66a: {  	v42 =	vor.u32 v56, v27;
	_ =	sdelay $0x3  }
0x66b: {  	[tilespmem:v41+s26+$0x0] =	vst.idx.msk $0xffff, v33  }
0x66c: {  	v43 =	vor.u32 v19, v59;
	v33 =	vld.idx.msk [tilespmem:v42+s15+$0x0], $0xffff  }
0x66d: {  	v44 =	vor.u32 v56, v28;
	_ =	sdelay $0x3  }
0x66e: {  	[tilespmem:v43+s26+$0x0] =	vst.idx.msk $0xffff, v33  }
0x66f: {  	v45 =	vor.u32 v20, v59;
	v33 =	vld.idx.msk [tilespmem:v44+s15+$0x0], $0xffff  }
0x670: {  	v46 =	vor.u32 v56, v29;
	_ =	sdelay $0x3  }
0x671: {  	[tilespmem:v45+s26+$0x0] =	vst.idx.msk $0xffff, v33  }
0x672: {  	v47 =	vor.u32 v21, v59;
	v33 =	vld.idx.msk [tilespmem:v46+s15+$0x0], $0xffff  }
0x673: {  	v48 =	vor.u32 v56, v30;
	_ =	sdelay $0x3  }
0x674: {  	[tilespmem:v47+s26+$0x0] =	vst.idx.msk $0xffff, v33  }
0x675: {  	v49 =	vor.u32 v22, v59;
	v33 =	vld.idx.msk [tilespmem:v48+s15+$0x0], $0xffff  }
0x676: {  	v35 =	vor.u32 v56, v31;
	_ =	sdelay $0x2  }
0x677: {  	s14 =	sadd.s32 $0xFFFFFFFF, s7  }
0x678: {  	v50 =	vadd.s32 s14, v0;
	[tilespmem:v49+s26+$0x0] =	vst.idx.msk $0xffff, v33  }
0x679: {  	v51 =	vand.u32 $0x3F, v50;
	v32 =	vor.u32 v23, v59;
	v34 =	vld.idx.msk [tilespmem:v35+s15+$0x0], $0xffff  }
0x67a: {  	v52 =	vor.u32 v51, v24;
	_ =	sdelay $0x1  }
0x67b: {  	v53 =	vshll.u32 v50, $0x8;
	v33 =	vshll.u32 v50, $0x7  }
0x67c: {  	v37 =	vand.u32 $0x3800, v53;
	v33 =	vand.u32 $0x380, v33  }
0x67d: {  	v54 =	vor.u32 v33, v37;
	[tilespmem:v32+s26+$0x0] =	vst.idx.msk $0xffff, v34  }
0x67e: {  	v56 =	vor.u32 v0, v54;
	v55 =	vld.idx.msk [tilespmem:v52+s15+$0x0], $0xffff  }
0x67f: {  	v57 =	vor.u32 v51, v25;
	_ =	sdelay $0x3  }
0x680: {  	[tilespmem:v56+s26+$0x0] =	vst.idx.msk $0xffff, v55  }
0x681: {  	v58 =	vor.u32 v17, v54;
	v33 =	vld.idx.msk [tilespmem:v57+s15+$0x0], $0xffff  }
0x682: {  	v59 =	vor.u32 v51, v26;
	_ =	sdelay $0x3  }
0x683: {  	[tilespmem:v58+s26+$0x0] =	vst.idx.msk $0xffff, v33  }
0x684: {  	v60 =	vor.u32 v18, v54;
	v33 =	vld.idx.msk [tilespmem:v59+s15+$0x0], $0xffff  }
0x685: {  	v61 =	vor.u32 v51, v27;
	_ =	sdelay $0x3  }
0x686: {  	[tilespmem:v60+s26+$0x0] =	vst.idx.msk $0xffff, v33  }
0x687: {  	v62 =	vor.u32 v19, v54;
	v33 =	vld.idx.msk [tilespmem:v61+s15+$0x0], $0xffff  }
0x688: {  	v63 =	vor.u32 v51, v28;
	_ =	sdelay $0x3  }
0x689: {  	[tilespmem:v62+s26+$0x0] =	vst.idx.msk $0xffff, v33  }
0x68a: {  	v40 =	vor.u32 v20, v54;
	v33 =	vld.idx.msk [tilespmem:v63+s15+$0x0], $0xffff  }
0x68b: {  	v41 =	vor.u32 v51, v29;
	_ =	sdelay $0x3  }
0x68c: {  	[tilespmem:v40+s26+$0x0] =	vst.idx.msk $0xffff, v33  }
0x68d: {  	v42 =	vor.u32 v21, v54;
	v33 =	vld.idx.msk [tilespmem:v41+s15+$0x0], $0xffff  }
0x68e: {  	v43 =	vor.u32 v51, v30;
	_ =	sdelay $0x3  }
0x68f: {  	[tilespmem:v42+s26+$0x0] =	vst.idx.msk $0xffff, v33  }
0x690: {  	v44 =	vor.u32 v22, v54;
	v33 =	vld.idx.msk [tilespmem:v43+s15+$0x0], $0xffff  }
0x691: {  	v35 =	vor.u32 v51, v31;
	_ =	sdelay $0x3  }
0x692: {  	v45 =	vadd.s32 s7, v0;
	[tilespmem:v44+s26+$0x0] =	vst.idx.msk $0xffff, v33  }
0x693: {  	v46 =	vand.u32 $0x3F, v45;
	v32 =	vor.u32 v23, v54;
	v34 =	vld.idx.msk [tilespmem:v35+s15+$0x0], $0xffff  }
0x694: {  	v47 =	vor.u32 v46, v24;
	_ =	sdelay $0x1  }
0x695: {  	v48 =	vshll.u32 v45, $0x8;
	v33 =	vshll.u32 v45, $0x7  }
0x696: {  	v36 =	vand.u32 $0x3800, v48;
	v33 =	vand.u32 $0x380, v33  }
0x697: {  	v49 =	vor.u32 v33, v36;
	[tilespmem:v32+s26+$0x0] =	vst.idx.msk $0xffff, v34  }
0x698: {  	v33 =	vor.u32 v0, v49;
	v24 =	vld.idx.msk [tilespmem:v47+s15+$0x0], $0xffff  }
0x699: {  	v50 =	vor.u32 v46, v25;
	_ =	sdelay $0x3  }
0x69a: {  	[tilespmem:v33+s26+$0x0] =	vst.idx.msk $0xffff, v24  }
0x69b: {  	v51 =	vor.u32 v17, v49;
	v24 =	vld.idx.msk [tilespmem:v50+s15+$0x0], $0xffff  }
0x69c: {  	v52 =	vor.u32 v46, v26;
	_ =	sdelay $0x3  }
0x69d: {  	[tilespmem:v51+s26+$0x0] =	vst.idx.msk $0xffff, v24  }
0x69e: {  	v53 =	vor.u32 v18, v49;
	v24 =	vld.idx.msk [tilespmem:v52+s15+$0x0], $0xffff  }
0x69f: {  	v54 =	vor.u32 v46, v27;
	_ =	sdelay $0x3  }
0x6a0: {  	[tilespmem:v53+s26+$0x0] =	vst.idx.msk $0xffff, v24  }
0x6a1: {  	v55 =	vor.u32 v19, v49;
	v24 =	vld.idx.msk [tilespmem:v54+s15+$0x0], $0xffff  }
0x6a2: {  	v56 =	vor.u32 v46, v28;
	_ =	sdelay $0x3  }
0x6a3: {  	[tilespmem:v55+s26+$0x0] =	vst.idx.msk $0xffff, v24  }
0x6a4: {  	v57 =	vor.u32 v20, v49;
	v24 =	vld.idx.msk [tilespmem:v56+s15+$0x0], $0xffff  }
0x6a5: {  	v58 =	vor.u32 v46, v29;
	_ =	sdelay $0x3  }
0x6a6: {  	[tilespmem:v57+s26+$0x0] =	vst.idx.msk $0xffff, v24  }
0x6a7: {  	v59 =	vor.u32 v21, v49;
	v24 =	vld.idx.msk [tilespmem:v58+s15+$0x0], $0xffff  }
0x6a8: {  	v60 =	vor.u32 v46, v30;
	_ =	sdelay $0x3  }
0x6a9: {  	[tilespmem:v59+s26+$0x0] =	vst.idx.msk $0xffff, v24  }
0x6aa: {  	v61 =	vor.u32 v22, v49;
	v24 =	vld.idx.msk [tilespmem:v60+s15+$0x0], $0xffff  }
0x6ab: {  	v62 =	vor.u32 v46, v31;
	_ =	sdelay $0x3  }
0x6ac: {  	[tilespmem:v61+s26+$0x0] =	vst.idx.msk $0xffff, v24  }
0x6ad: {  	v63 =	vor.u32 v23, v49;
	v24 =	vld.idx.msk [tilespmem:v62+s15+$0x0], $0xffff;
	_ =	sdelay $0x2  }
0x6ae: {  	s6 =	sadd.s32 @!p1 $0x180, s6  }
0x6af: {  	s10 =	sshll.u32 s10, $0x12;
	s6 =	sand.u32 @!p1 $0xFF80, s6  }
0x6b0: {  	s9 =	simm.s32 @!p1 $0x10800;
	s6 =	sadd.s32 @!p1 $0x6400, s6;
	s7 =	simm.s32 @!p1 $0x80;
	[tilespmem:v63+s26+$0x0] =	vst.idx.msk $0xffff, v24  }
0x6b1: {  	[tilespmem:s9], [sflag:$0x2] =	stream.indirect.gather @!p1 [hbm4b:s0+s7], $0x80, s6, s7, $0xb8;
	[tilespmem:$0x1C800] =	vst v63  }
0x6b2: {  	s6 =	sor.u32 s5, s10  }
0x6b3: {  	s6 =	sshrl.u32 s6, $0x3  }
0x6b4: {  	s6 =	sadd.s32 s3, s6  }
0x6b5: {  	[hbm4b:s6+s4] =	stream.linear.scatter [tilespmem:s26], [sflag:$0x4], $0x400, $0x38;
	[tilespmem:$0x1C800] =	vst v63  }
0x6b6: {  	s12 =	sadd.s32 $0x1000, s6  }
0x6b7: {  	[hbm4b:s12+s4] =	stream.linear.scatter [tilespmem:s28], [sflag:$0x4], $0x400, $0x38;
	[tilespmem:$0x1C800] =	vst v63  }
0x6b8: {  	s14 =	sadd.s32 $0x2000, s6  }
0x6b9: {  	[hbm4b:s14+s4] =	stream.linear.scatter [tilespmem:s29], [sflag:$0x4], $0x400, $0x38;
	[tilespmem:$0x1C800] =	vst v63  }
0x6ba: {  	s9 =	sadd.s32 $0x3000, s6  }
0x6bb: {  	[hbm4b:s9+s4] =	stream.linear.scatter [tilespmem:s30], [sflag:$0x4], $0x400, $0x38;
	[tilespmem:$0x1C800] =	vst v63  }
0x6bc: {  	s11 =	sadd.s32 $0x1, s11;
	s10 =	sadd.s32 $0x4000, s6  }
0x6bd: {  	[hbm4b:s10+s4] =	stream.linear.scatter [tilespmem:s31], [sflag:$0x4], $0x400, $0x38;
	[tilespmem:$0x1C800] =	vst v63  }
0x6be: {  	p0 =	sne.s32 s11, $0x64;
	s12 =	sadd.s32 $0x5000, s6  }
0x6bf: {  	[hbm4b:s12+s4] =	stream.linear.scatter [tilespmem:s2], [sflag:$0x4], $0x400, $0x38;
	[tilespmem:$0x1C800] =	vst v63  }
.Ltmp3:
0x6c0: {  	_ = 	snop;
	(pc) =	sbr.rel @p0 .LBB2_4-.Ltmp3, $4  }
0x6c1: {  	s14 =	sadd.s32 $0x6000, s6  }
0x6c2: {  	[hbm4b:s14+s4] =	stream.linear.scatter [tilespmem:s1], [sflag:$0x4], $0x400, $0x38;
	[tilespmem:$0x1C800] =	vst v63  }
0x6c3: {  	s6 =	sadd.s32 $0x7000, s6  }
0x6c4: {  	[hbm4b:s6+s4] =	stream.linear.scatter [tilespmem:s8], [sflag:$0x4], $0x400, $0x38;
	[tilespmem:$0x1C800] =	vst v63  }
0x6c5: {  	s6 =	simm.s32 $0x3  }
0x6c6: {  	_ =	swait.ge [sflag:s6], $0x2000  }
0x6c7: {  	[sflag:s6] =	ssyncset.done $0x0  }
0x6c8: {  	s7 =	simm.s32 $0x4;
	[sflag:s6] =	ssyncadd.s32 $0xFFFFE000  }
0x6c9: {  	_ =	swait.ge [sflag:s7], $0x2000  }
0x6ca: {  	s9 =	rddreg [dreg:$0x6]  }
0x6cb: {  	s14 =	rddreg [dreg:$0x5];
	s9 =	sadd.s32 $0x1, s9  }
0x6cc: {  	p0 =	sne.s32 s9, s14  }
.Ltmp4:
0x6cd: {  	_ = 	snop;
	(pc) =	sbr.rel @p0 .LBB2_1-.Ltmp4, $3  }
0x6ce: {  	_ =	sdelay $0x1  }
0x6cf: {  	[sflag:s7] =	ssyncset.done $0x0  }
0x6d0: {  	[sflag:s7] =	ssyncadd.s32 $0xFFFFE000  }
0x6d1: {  	_ =	sfence.sel $0x180000  }
0x6d2: {  	[bflag:$0x0] =	sbarrier.arrive $0xFFFF  }
0x6d3: {  	_ =	strace $0x90000047  }
0x6d4: {  	s0 =	stileid.u32;
	[bflag:$0x2] =	sbarrier.arrive $0xFFFF  }
0x6d5: {  	p0 =	sne.s32 s0, $0x0;
	s0 =	rddreg [dreg:$0x3]  }
0x6d6: {  	s0 =	sadd.s32 @!p0 $0x100000, s0  }
0x6d7: {  	[sflag:s0] =	ssyncadd.tile.s32 @!p0 $0x1;
	_ =	shalt  }
.Lfunc_end2:
_tile_overlayer_lowered:
.L_overlay_start_2:
0x6d8: {  	(tag) =	ssettag $0x2  }
0x6d9: {  	s0 =	rddreg [dreg:$0x0];
	s2 =	stileid.u32  }
0x6da: {  	s1 =	rddreg [dreg:$0x1];
	p0 =	sne.s32 s2, $0x0  }
0x6db: {  	s3 =	rddreg [dreg:$0x2];
	[bflag:$0x3] =	sbarrier.arrive $0xFFFF;
	s2 =	simm.s32 @!p0 $0x1C05  }
0x6dc: {  	[timem:s3], [sflag:s2] =	dma.local @!p0 [hbm:s0], s1  }
0x6dd: {  	s0 =	simm.s32 @!p0 $0x5  }
0x6de: {  	_ =	swait.ge @!p0 [sflag:s0], s1  }
0x6df: {  	s1 =	ssub.s32 @!p0 $0x0, s1;
	[sflag:s0] =	ssyncset.done @!p0 $0x0  }
0x6e0: {  	[sflag:s0] =	ssyncadd.s32 @!p0 s1  }
0x6e1: {  	[bflag:$0x3] =	sbarrier.arrive $0xFFFF  }
0x6e2: {  	_ =	shalt  }

</sc_bundles>
